<compile_context>
chip_gen: v7x
topology: tpu7x:2x2x1
jax: 0.10.2.dev20260603
libtpu: 0.0.44.dev20260713+nightly
codegen_flags: <defaults>
</compile_context>

<pallas_src>
import jax
import jax.numpy as jnp
from jax import lax
from jax.experimental import pallas as pl
from jax.experimental.pallas import tpu as pltpu
from jax.experimental.pallas import tpu_sc as plsc

_N = 10000
_E = 320000
_DIN = 128
_H = 8
_DH = 8
_HD = _H * _DH
_OUT = 40
_C = 128
_NTW = 80
_NCP = _NTW * 32
_EP = _NCP * _C
_NA = _N + 16
_RPT = 624
_TW1 = 80
_ROW1 = 72
_ROW2 = 48

_mesh = plsc.VectorSubcoreMesh(
    core_axis_name="c", subcore_axis_name="s", num_cores=2, num_subcores=16
)
_sc_params = pltpu.CompilerParams(needs_layout_passes=False,
                                  use_tc_tiling_on_sc=False)



def _tc1_body(x_ref, w1_ref, m1_ref, a1_ref, th_ref, tsd_ref):
    h = jnp.dot(x_ref[...], w1_ref[...], preferred_element_type=jnp.float32)
    th_ref[...] = jnp.dot(h, m1_ref[...], preferred_element_type=jnp.float32)
    tsd_ref[...] = jnp.dot(h, a1_ref[...], preferred_element_type=jnp.float32)


def _tc1(x, w1, m1, a1):
    r = 1000
    return pl.pallas_call(
        _tc1_body,
        grid=(_N // r,),
        in_specs=[
            pl.BlockSpec((r, _DIN), lambda i: (i, 0)),
            pl.BlockSpec((_DIN, _HD), lambda i: (0, 0)),
            pl.BlockSpec((_HD, _TW1), lambda i: (0, 0)),
            pl.BlockSpec((_HD, 16), lambda i: (0, 0)),
        ],
        out_specs=[
            pl.BlockSpec((r, _TW1), lambda i: (i, 0)),
            pl.BlockSpec((r, 16), lambda i: (i, 0)),
        ],
        out_shape=[
            jax.ShapeDtypeStruct((_N, _TW1), jnp.float32),
            jax.ShapeDtypeStruct((_N, 16), jnp.float32),
        ],
    )(x, w1, m1, a1)


def _tc2_body(acc_ref, q_ref, p_ref, b1_ref, w2_ref, bm_ref, cr_ref, bd_ref,
              t2_ref, t2d_ref):
    acc = acc_ref[0] + acc_ref[1]
    num = jnp.dot(acc, q_ref[...], preferred_element_type=jnp.float32)
    den = jnp.dot(acc, p_ref[...], preferred_element_type=jnp.float32)
    out1 = num / (den + 1e-16) + b1_ref[...]
    hh = jnp.where(out1 > 0, out1, jnp.exp(out1) - 1.0)
    h2 = jnp.dot(hh, w2_ref[...], preferred_element_type=jnp.float32)
    t2_ref[...] = jnp.dot(h2, bm_ref[...], preferred_element_type=jnp.float32) + cr_ref[...]
    t2d_ref[...] = jnp.dot(h2, bd_ref[...], preferred_element_type=jnp.float32)


def _tc2(acc1, q1, p1, b1, w2, bm, cr, bd):
    r = 1000
    return pl.pallas_call(
        _tc2_body,
        grid=(_N // r,),
        in_specs=[
            pl.BlockSpec((2, r, _ROW1), lambda i: (0, i, 0)),
            pl.BlockSpec((_ROW1, _HD), lambda i: (0, 0)),
            pl.BlockSpec((_ROW1, _HD), lambda i: (0, 0)),
            pl.BlockSpec((1, _HD), lambda i: (0, 0)),
            pl.BlockSpec((_HD, _OUT), lambda i: (0, 0)),
            pl.BlockSpec((_OUT, _ROW2), lambda i: (0, 0)),
            pl.BlockSpec((1, _ROW2), lambda i: (0, 0)),
            pl.BlockSpec((_OUT, 16), lambda i: (0, 0)),
        ],
        out_specs=[
            pl.BlockSpec((r, _ROW2), lambda i: (i, 0)),
            pl.BlockSpec((r, 16), lambda i: (i, 0)),
        ],
        out_shape=[
            jax.ShapeDtypeStruct((_N, _ROW2), jnp.float32),
            jax.ShapeDtypeStruct((_N, 16), jnp.float32),
        ],
    )(acc1, q1, p1, b1, w2, bm, cr, bd)


def _tc3_body(acc_ref, q2_ref, p2_ref, b2_ref, o_ref):
    acc = acc_ref[0] + acc_ref[1]
    num = jnp.dot(acc, q2_ref[...], preferred_element_type=jnp.float32)
    den = jnp.dot(acc, p2_ref[...], preferred_element_type=jnp.float32)
    out = num / (den + 1e-16) + b2_ref[...]
    m = jnp.max(out, axis=1, keepdims=True)
    z = out - m
    o_ref[...] = z - jnp.log(jnp.sum(jnp.exp(z), axis=1, keepdims=True))


def _tc3(acc2, q2, p2, b2):
    r = 1000
    return pl.pallas_call(
        _tc3_body,
        grid=(_N // r,),
        in_specs=[
            pl.BlockSpec((2, r, _ROW2), lambda i: (0, i, 0)),
            pl.BlockSpec((_ROW2, _OUT), lambda i: (0, 0)),
            pl.BlockSpec((_ROW2, _OUT), lambda i: (0, 0)),
            pl.BlockSpec((1, _OUT), lambda i: (0, 0)),
        ],
        out_specs=pl.BlockSpec((r, _OUT), lambda i: (i, 0)),
        out_shape=jax.ShapeDtypeStruct((_N, _OUT), jnp.float32),
    )(acc2, q2, p2, b2)



def _sc1_body(th_hbm, tsd_hbm, se_hbm, de_hbm, out_hbm,
              sidx, didx, s0, s1, d0, d1, m0, m1, acc_sh,
              semi, semg0, semg1, sems0, sems1):
    c = lax.axis_index("c")
    s = lax.axis_index("s")
    w = 2 * s + c
    ii = lax.iota(jnp.int32, 16)
    zz = jnp.zeros((16,), jnp.float32)
    sbuf = (s0, s1)
    dbuf = (d0, d1)
    mbuf = (m0, m1)
    semg = (semg0, semg1)
    sems = (sems0, sems1)

    cp_si = pltpu.async_copy(se_hbm.at[pl.ds(w * _NTW, _NTW)], sidx, semi)
    cp_di = pltpu.async_copy(de_hbm.at[pl.ds(w * _NTW, _NTW)], didx, semi)

    def zrow(r, carry):
        for k in (0, 16, 32, 48, 56):
            m0[r, pl.ds(k, 16)] = zz
            m1[r, pl.ds(k, 16)] = zz
        return carry

    lax.fori_loop(0, _C, zrow, 0)
    for i in range(5):
        pltpu.sync_copy(m0, acc_sh.at[pl.ds(s * _RPT + i * _C, _C)])

    @pl.when(s == 15)
    def _ztail():
        pltpu.sync_copy(m0, acc_sh.at[pl.ds(_NA - _C, _C)])

    plsc.subcore_barrier()
    cp_si.wait()
    cp_di.wait()

    def issue_gathers(i, p):
        pltpu.async_copy(th_hbm.at[sidx.at[i]], sbuf[p], semg[p])
        pltpu.async_copy(tsd_hbm.at[didx.at[i]], dbuf[p], semg[p])

    def wait_gathers(i, p):
        pltpu.make_async_copy(th_hbm.at[sidx.at[i]], sbuf[p], semg[p]).wait()
        pltpu.make_async_copy(tsd_hbm.at[didx.at[i]], dbuf[p], semg[p]).wait()

    def compute(p):
        sv_, dv_, mv_ = sbuf[p], dbuf[p], mbuf[p]

        def block16(q, inner):
            rows = q * 16 + ii
            for h in range(_H):
                svv = plsc.load_gather(
                    sv_, [rows, jnp.full((16,), _HD + h, jnp.int32)])
                dvv = plsc.load_gather(
                    dv_, [rows, jnp.full((16,), 8 + h, jnp.int32)])
                e = svv + dvv
                e = jnp.maximum(e, 0.2 * e)
                wv = jnp.exp(e)
                plsc.store_scatter(
                    mv_, [rows, jnp.full((16,), _HD + h, jnp.int32)], wv)
                for dd in range(_DH):
                    col = jnp.full((16,), h * _DH + dd, jnp.int32)
                    hvv = plsc.load_gather(sv_, [rows, col])
                    plsc.store_scatter(mv_, [rows, col], hvv * wv)
            return inner

        lax.fori_loop(0, _C // 16, block16, 0)

    issue_gathers(0, 0)

    def outer(t, carry):
        for p in (0, 1):
            i = 2 * t + p
            q = 1 - p
            if p == 0:
                issue_gathers(i + 1, q)
            else:
                @pl.when(t < _NTW // 2 - 1)
                def _ig():
                    issue_gathers(i + 1, q)
            wait_gathers(i, p)

            @pl.when(t >= 1)
            def _ws():
                pltpu.make_async_copy(
                    mbuf[p], acc_sh.at[didx.at[i - 2]], sems[p]).wait()

            compute(p)
            pltpu.async_copy(mbuf[p], acc_sh.at[didx.at[i]], sems[p], add=True)
        return carry

    lax.fori_loop(0, _NTW // 2, outer, 0)
    pltpu.make_async_copy(m0, acc_sh.at[didx.at[_NTW - 2]], sems0).wait()
    pltpu.make_async_copy(m1, acc_sh.at[didx.at[_NTW - 1]], sems1).wait()

    plsc.subcore_barrier()
    pltpu.sync_copy(acc_sh.at[pl.ds(s * _RPT, _RPT)],
                    out_hbm.at[c, pl.ds(s * _RPT, _RPT)])

    @pl.when(s == 15)
    def _tail():
        pltpu.sync_copy(acc_sh.at[pl.ds(16 * _RPT, _N - 16 * _RPT)],
                        out_hbm.at[c, pl.ds(16 * _RPT, _N - 16 * _RPT)])


_sc1 = pl.kernel(
    _sc1_body,
    out_type=jax.ShapeDtypeStruct((2, _N, _ROW1), jnp.float32),
    mesh=_mesh,
    compiler_params=_sc_params,
    scratch_types=[
        pltpu.VMEM((_NTW, _C), jnp.int32),
        pltpu.VMEM((_NTW, _C), jnp.int32),
        pltpu.VMEM((_C, _TW1), jnp.float32),
        pltpu.VMEM((_C, _TW1), jnp.float32),
        pltpu.VMEM((_C, 16), jnp.float32),
        pltpu.VMEM((_C, 16), jnp.float32),
        pltpu.VMEM((_C, _ROW1), jnp.float32),
        pltpu.VMEM((_C, _ROW1), jnp.float32),
        pltpu.VMEM_SHARED((_NA, _ROW1), jnp.float32),
        pltpu.SemaphoreType.DMA,
        pltpu.SemaphoreType.DMA,
        pltpu.SemaphoreType.DMA,
        pltpu.SemaphoreType.DMA,
        pltpu.SemaphoreType.DMA,
    ],
)


def _sc2_body(t2_hbm, t2d_hbm, se_hbm, de_hbm, out_hbm,
              sidx, didx, s0, s1, d0, d1, m0, m1, acc_sh,
              semi, semg0, semg1, sems0, sems1):
    c = lax.axis_index("c")
    s = lax.axis_index("s")
    w = 2 * s + c
    ii = lax.iota(jnp.int32, 16)
    zz = jnp.zeros((16,), jnp.float32)
    sbuf = (s0, s1)
    dbuf = (d0, d1)
    mbuf = (m0, m1)
    semg = (semg0, semg1)
    sems = (sems0, sems1)

    cp_si = pltpu.async_copy(se_hbm.at[pl.ds(w * _NTW, _NTW)], sidx, semi)
    cp_di = pltpu.async_copy(de_hbm.at[pl.ds(w * _NTW, _NTW)], didx, semi)

    def zrow(r, carry):
        for k in range(_ROW2 // 16):
            m0[r, pl.ds(16 * k, 16)] = zz
            m1[r, pl.ds(16 * k, 16)] = zz
        return carry

    lax.fori_loop(0, _C, zrow, 0)
    for i in range(5):
        pltpu.sync_copy(m0, acc_sh.at[pl.ds(s * _RPT + i * _C, _C)])

    @pl.when(s == 15)
    def _ztail():
        pltpu.sync_copy(m0, acc_sh.at[pl.ds(_NA - _C, _C)])

    plsc.subcore_barrier()
    cp_si.wait()
    cp_di.wait()

    def issue_gathers(i, p):
        pltpu.async_copy(t2_hbm.at[sidx.at[i]], sbuf[p], semg[p])
        pltpu.async_copy(t2d_hbm.at[didx.at[i]], dbuf[p], semg[p])

    def wait_gathers(i, p):
        pltpu.make_async_copy(t2_hbm.at[sidx.at[i]], sbuf[p], semg[p]).wait()
        pltpu.make_async_copy(t2d_hbm.at[didx.at[i]], dbuf[p], semg[p]).wait()

    def compute(p):
        sv_, dv_, mv_ = sbuf[p], dbuf[p], mbuf[p]

        def block16(q, inner):
            rows = q * 16 + ii
            sva = plsc.load_gather(sv_, [rows, jnp.full((16,), _OUT, jnp.int32)])
            dva = plsc.load_gather(dv_, [rows, jnp.full((16,), 0, jnp.int32)])
            e = sva + dva
            e = jnp.maximum(e, 0.2 * e)
            wv = jnp.exp(e)
            for col in range(_ROW2):
                cc = jnp.full((16,), col, jnp.int32)
                hv = plsc.load_gather(sv_, [rows, cc])
                plsc.store_scatter(mv_, [rows, cc], hv * wv)
            return inner

        lax.fori_loop(0, _C // 16, block16, 0)

    issue_gathers(0, 0)

    def outer(t, carry):
        for p in (0, 1):
            i = 2 * t + p
            q = 1 - p
            if p == 0:
                issue_gathers(i + 1, q)
            else:
                @pl.when(t < _NTW // 2 - 1)
                def _ig():
                    issue_gathers(i + 1, q)
            wait_gathers(i, p)

            @pl.when(t >= 1)
            def _ws():
                pltpu.make_async_copy(
                    mbuf[p], acc_sh.at[didx.at[i - 2]], sems[p]).wait()

            compute(p)
            pltpu.async_copy(mbuf[p], acc_sh.at[didx.at[i]], sems[p], add=True)
        return carry

    lax.fori_loop(0, _NTW // 2, outer, 0)
    pltpu.make_async_copy(m0, acc_sh.at[didx.at[_NTW - 2]], sems0).wait()
    pltpu.make_async_copy(m1, acc_sh.at[didx.at[_NTW - 1]], sems1).wait()

    plsc.subcore_barrier()
    pltpu.sync_copy(acc_sh.at[pl.ds(s * _RPT, _RPT)],
                    out_hbm.at[c, pl.ds(s * _RPT, _RPT)])

    @pl.when(s == 15)
    def _tail():
        pltpu.sync_copy(acc_sh.at[pl.ds(16 * _RPT, _N - 16 * _RPT)],
                        out_hbm.at[c, pl.ds(16 * _RPT, _N - 16 * _RPT)])


_sc2 = pl.kernel(
    _sc2_body,
    out_type=jax.ShapeDtypeStruct((2, _N, _ROW2), jnp.float32),
    mesh=_mesh,
    compiler_params=_sc_params,
    scratch_types=[
        pltpu.VMEM((_NTW, _C), jnp.int32),
        pltpu.VMEM((_NTW, _C), jnp.int32),
        pltpu.VMEM((_C, _ROW2), jnp.float32),
        pltpu.VMEM((_C, _ROW2), jnp.float32),
        pltpu.VMEM((_C, 16), jnp.float32),
        pltpu.VMEM((_C, 16), jnp.float32),
        pltpu.VMEM((_C, _ROW2), jnp.float32),
        pltpu.VMEM((_C, _ROW2), jnp.float32),
        pltpu.VMEM_SHARED((_NA, _ROW2), jnp.float32),
        pltpu.SemaphoreType.DMA,
        pltpu.SemaphoreType.DMA,
        pltpu.SemaphoreType.DMA,
        pltpu.SemaphoreType.DMA,
        pltpu.SemaphoreType.DMA,
    ],
)



def kernel(x, edge_index, W1, a_src1, a_dst1, b1, W2, a_src2, a_dst2, b2):
    f32 = jnp.float32
    eye8 = jnp.eye(_H, dtype=f32)
    a_s = (a_src1[:, :, None] * eye8[:, None, :]).reshape(_HD, _H)
    a_d = (a_dst1[:, :, None] * eye8[:, None, :]).reshape(_HD, _H)
    a1 = jnp.concatenate([a_s, a_d], axis=1)
    m1 = jnp.concatenate([jnp.eye(_HD, dtype=f32), a_s, a_d], axis=1)

    q1 = jnp.concatenate([jnp.eye(_HD, dtype=f32),
                          jnp.zeros((8, _HD), f32)], axis=0)
    r8 = jnp.repeat(eye8, _DH, axis=1)
    p1 = jnp.concatenate([jnp.zeros((_HD, _HD), f32), r8], axis=0)

    bm = jnp.concatenate([jnp.eye(_OUT, dtype=f32), a_src2.T,
                          jnp.zeros((_OUT, 7), f32)], axis=1)
    cr = jnp.zeros((1, _ROW2), f32).at[0, _OUT + 1].set(1.0)
    bd = jnp.concatenate([a_dst2.T, jnp.zeros((_OUT, 15), f32)], axis=1)

    q2 = jnp.concatenate([jnp.eye(_OUT, dtype=f32),
                          jnp.zeros((8, _OUT), f32)], axis=0)
    p2 = jnp.zeros((_ROW2, _OUT), f32).at[_OUT + 1, :].set(1.0)

    pad = _EP - _E
    se = jnp.concatenate([edge_index[0], jnp.zeros((pad,), jnp.int32)])
    de = jnp.concatenate([edge_index[1], jnp.full((pad,), _N, jnp.int32)])
    se = se.reshape(_NCP, _C)
    de = de.reshape(_NCP, _C)

    th, tsd = _tc1(x, W1, m1, a1)
    acc1 = _sc1(jnp.pad(th, ((0, 16), (0, 0))),
                jnp.pad(tsd, ((0, 16), (0, 0))), se, de)
    t2, t2d = _tc2(acc1, q1, p1, b1.reshape(1, _HD), W2, bm, cr, bd)
    acc2 = _sc2(jnp.pad(t2, ((0, 16), (0, 0))),
                jnp.pad(t2d, ((0, 16), (0, 0))), se, de)
    return _tc3(acc2, q2, p2, b2.reshape(1, _OUT))

# --- scband reference (transcript-rebuilt; emitter-appended) ---
"""Pipeline reference for scband-gat-7687991459902 (READ-ONLY COPY).

The authoritative reference and input builder live on the scoring server;
editing this copy changes nothing except your own understanding.
"""

import jax, jax.numpy as jnp
import numpy as np

N = 10000
E = 320000
D_IN = 128
HEADS1 = 8
D_HID = 8
OUT = 40


def _gat_layer(x, src, dst, W, a_src, a_dst, bias, heads, d, concat):
    n = x.shape[0]
    h = (x @ W).reshape(n, heads, d)
    alpha_s = jnp.sum(h * a_src[None, :, :], axis=-1)
    alpha_d = jnp.sum(h * a_dst[None, :, :], axis=-1)
    e = alpha_s[src] + alpha_d[dst]
    e = jax.nn.leaky_relu(e, negative_slope=0.2)
    e_max = jax.ops.segment_max(e, dst, num_segments=n)
    e_max = jnp.where(jnp.isfinite(e_max), e_max, 0.0)
    e_max = jax.lax.stop_gradient(e_max)
    ex = jnp.exp(e - e_max[dst])
    denom = jax.ops.segment_sum(ex, dst, num_segments=n)
    alpha = ex / (denom[dst] + 1e-16)
    msg = h[src] * alpha[:, :, None]
    out = jax.ops.segment_sum(msg, dst, num_segments=n)
    if concat:
        out = out.reshape(n, heads * d)
    else:
        out = out.mean(axis=1)
    return out + bias


def setup_inputs(seed: int = 0):
    key = jax.random.key(seed)
    ks = jax.random.split(key, 10)
    x = jax.random.normal(ks[0], (N, D_IN), dtype=jnp.float32)
    edge_index = jax.random.randint(ks[1], (2, E), 0, N, dtype=jnp.int32)
    W1 = jax.random.normal(ks[2], (D_IN, HEADS1 * D_HID), dtype=jnp.float32) * 0.1
    a_src1 = jax.random.normal(ks[3], (HEADS1, D_HID), dtype=jnp.float32) * 0.1
    a_dst1 = jax.random.normal(ks[4], (HEADS1, D_HID), dtype=jnp.float32) * 0.1
    b1 = jnp.zeros((HEADS1 * D_HID,), dtype=jnp.float32)
    W2 = jax.random.normal(ks[5], (HEADS1 * D_HID, OUT), dtype=jnp.float32) * 0.1
    a_src2 = jax.random.normal(ks[6], (1, OUT), dtype=jnp.float32) * 0.1
    a_dst2 = jax.random.normal(ks[7], (1, OUT), dtype=jnp.float32) * 0.1
    b2 = jnp.zeros((OUT,), dtype=jnp.float32)
    return {"x": x, "edge_index": edge_index, "W1": W1, "a_src1": a_src1, "a_dst1": a_dst1, "b1": b1, "W2": W2, "a_src2": a_src2, "a_dst2": a_dst2, "b2": b2}


def reference(x, edge_index, W1, a_src1, a_dst1, b1, W2, a_src2, a_dst2, b2):
    src = edge_index[0]
    dst = edge_index[1]
    h = _gat_layer(x, src, dst, W1, a_src1, a_dst1, b1, HEADS1, D_HID, True)
    h = jax.nn.elu(h)
    out = _gat_layer(h, src, dst, W2, a_src2, a_dst2, b2, 1, OUT, False)
    return jax.nn.log_softmax(out, axis=1)

if __name__ == "__main__":
    import jax
    _d = setup_inputs()
    print(jax.jit(kernel)(*tuple(_d.values())))

</pallas_src>

<mosaic_0001>
#map = affine_map<(d0, d1) -> (0, 0)>
#map1 = affine_map<(d0, d1) -> (0, 0, 0)>
module attributes {stable_mosaic.version = 14 : i64} {
  func.func @_sc1_body(%arg0: i32, %arg1: i32, %arg2: memref<10016x80xf32, #tpu.memory_space<hbm>>, %arg3: memref<10016x16xf32, #tpu.memory_space<hbm>>, %arg4: memref<2560x128xi32, #tpu.memory_space<hbm>>, %arg5: memref<2560x128xi32, #tpu.memory_space<hbm>>, %arg6: memref<2x10000x72xf32, #tpu.memory_space<hbm>>, %arg7: memref<80x128xi32, #tpu.memory_space<vmem>>, %arg8: memref<80x128xi32, #tpu.memory_space<vmem>>, %arg9: memref<128x80xf32, #tpu.memory_space<vmem>>, %arg10: memref<128x80xf32, #tpu.memory_space<vmem>>, %arg11: memref<128x16xf32, #tpu.memory_space<vmem>>, %arg12: memref<128x16xf32, #tpu.memory_space<vmem>>, %arg13: memref<128x72xf32, #tpu.memory_space<vmem>>, %arg14: memref<128x72xf32, #tpu.memory_space<vmem>>, %arg15: memref<10016x72xf32, #tpu.memory_space<vmem_shared>>, %arg16: memref<!tpu.dma_semaphore, #tpu.memory_space<semaphore_mem>>, %arg17: memref<!tpu.dma_semaphore, #tpu.memory_space<semaphore_mem>>, %arg18: memref<!tpu.dma_semaphore, #tpu.memory_space<semaphore_mem>>, %arg19: memref<!tpu.dma_semaphore, #tpu.memory_space<semaphore_mem>>, %arg20: memref<!tpu.dma_semaphore, #tpu.memory_space<semaphore_mem>>) attributes {dimension_semantics = [#tpu.dimension_semantics<core_parallel>, #tpu.dimension_semantics<subcore_parallel>], iteration_bounds = array<i64: 2, 16>, scalar_prefetch = 0 : i64, scratch_operands = 14 : i64, tpu.core_type = #tpu.core_type<sc_vector_subcore>, window_params = [{transform_indices = #map}, {transform_indices = #map}, {transform_indices = #map}, {transform_indices = #map}, {transform_indices = #map1}]} {
    %mul3A = arith.constant 2 : i32
    %mul3A_0 = arith.muli %mul3A, %arg1 : i32
    %add3A = arith.addi %mul3A_0, %arg0 : i32
    %iota3A = tpu.iota {dimensions = array<i32: 0>} : vector<16xi32>
    %broadcast_in_dim3A = arith.constant 0.000000e+00 : f32
    %broadcast_in_dim3A_1 = vector.broadcast %broadcast_in_dim3A : f32 to vector<16xf32>
    %mul3A_2 = arith.constant 80 : i32
    %mul3A_3 = arith.muli %add3A, %mul3A_2 : i32
    %dma_start3A = arith.constant 0 : i32
    %dma_start3A_4 = tpu.memref_slice %arg4[%mul3A_3, %dma_start3A] : memref<2560x128xi32, #tpu.memory_space<hbm>> -> memref<80x128xi32, #tpu.memory_space<hbm>>
    %dma_start3A_5 = arith.constant 0 : i32
    %dma_start3A_6 = tpu.memref_slice %arg4[%mul3A_3, %dma_start3A_5] : memref<2560x128xi32, #tpu.memory_space<hbm>> -> memref<80x128xi32, #tpu.memory_space<hbm>>
    tpu.enqueue_dma source(%dma_start3A_6 : memref<80x128xi32, #tpu.memory_space<hbm>>) target(%arg7 : memref<80x128xi32, #tpu.memory_space<vmem>>) target_semaphore(%arg16 : memref<!tpu.dma_semaphore, #tpu.memory_space<semaphore_mem>>)
    %mul3A_7 = arith.constant 80 : i32
    %mul3A_8 = arith.muli %add3A, %mul3A_7 : i32
    %dma_start3A_9 = arith.constant 0 : i32
    %dma_start3A_10 = tpu.memref_slice %arg5[%mul3A_8, %dma_start3A_9] : memref<2560x128xi32, #tpu.memory_space<hbm>> -> memref<80x128xi32, #tpu.memory_space<hbm>>
    %dma_start3A_11 = arith.constant 0 : i32
    %dma_start3A_12 = tpu.memref_slice %arg5[%mul3A_8, %dma_start3A_11] : memref<2560x128xi32, #tpu.memory_space<hbm>> -> memref<80x128xi32, #tpu.memory_space<hbm>>
    tpu.enqueue_dma source(%dma_start3A_12 : memref<80x128xi32, #tpu.memory_space<hbm>>) target(%arg8 : memref<80x128xi32, #tpu.memory_space<vmem>>) target_semaphore(%arg16 : memref<!tpu.dma_semaphore, #tpu.memory_space<semaphore_mem>>)
    %scan3A = arith.constant 0 : i32
    %scan3A_13 = arith.constant 0 : i32
    %scan3A_14 = arith.constant 128 : i32
    %scan3A_15 = arith.addi %scan3A_13, %scan3A_14 : i32
    %scan3A_16 = arith.constant 1 : i32
    scf.for %scan3A_91 = %scan3A_13 to %scan3A_15 step %scan3A_16  : i32 {
      %swap3A = arith.index_cast %scan3A_91 : i32 to index
      %swap3A_92 = arith.constant 0 : index
      %swap3A_93 = tpu.vector_load %arg13[%swap3A, %swap3A_92] {strides = array<i32>} : memref<128x72xf32, #tpu.memory_space<vmem>>, vector<16xf32>,
      tpu.vector_store %arg13[%swap3A, %swap3A_92], %broadcast_in_dim3A_1 {strides = array<i32>} : memref<128x72xf32, #tpu.memory_space<vmem>>, vector<16xf32>,
      %swap3A_94 = arith.index_cast %scan3A_91 : i32 to index
      %swap3A_95 = arith.constant 0 : index
      %swap3A_96 = tpu.vector_load %arg14[%swap3A_94, %swap3A_95] {strides = array<i32>} : memref<128x72xf32, #tpu.memory_space<vmem>>, vector<16xf32>,
      tpu.vector_store %arg14[%swap3A_94, %swap3A_95], %broadcast_in_dim3A_1 {strides = array<i32>} : memref<128x72xf32, #tpu.memory_space<vmem>>, vector<16xf32>,
      %swap3A_97 = arith.index_cast %scan3A_91 : i32 to index
      %swap3A_98 = arith.constant 16 : index
      %swap3A_99 = tpu.vector_load %arg13[%swap3A_97, %swap3A_98] {strides = array<i32>} : memref<128x72xf32, #tpu.memory_space<vmem>>, vector<16xf32>,
      tpu.vector_store %arg13[%swap3A_97, %swap3A_98], %broadcast_in_dim3A_1 {strides = array<i32>} : memref<128x72xf32, #tpu.memory_space<vmem>>, vector<16xf32>,
      %swap3A_100 = arith.index_cast %scan3A_91 : i32 to index
      %swap3A_101 = arith.constant 16 : index
      %swap3A_102 = tpu.vector_load %arg14[%swap3A_100, %swap3A_101] {strides = array<i32>} : memref<128x72xf32, #tpu.memory_space<vmem>>, vector<16xf32>,
      tpu.vector_store %arg14[%swap3A_100, %swap3A_101], %broadcast_in_dim3A_1 {strides = array<i32>} : memref<128x72xf32, #tpu.memory_space<vmem>>, vector<16xf32>,
      %swap3A_103 = arith.index_cast %scan3A_91 : i32 to index
      %swap3A_104 = arith.constant 32 : index
      %swap3A_105 = tpu.vector_load %arg13[%swap3A_103, %swap3A_104] {strides = array<i32>} : memref<128x72xf32, #tpu.memory_space<vmem>>, vector<16xf32>,
      tpu.vector_store %arg13[%swap3A_103, %swap3A_104], %broadcast_in_dim3A_1 {strides = array<i32>} : memref<128x72xf32, #tpu.memory_space<vmem>>, vector<16xf32>,
      %swap3A_106 = arith.index_cast %scan3A_91 : i32 to index
      %swap3A_107 = arith.constant 32 : index
      %swap3A_108 = tpu.vector_load %arg14[%swap3A_106, %swap3A_107] {strides = array<i32>} : memref<128x72xf32, #tpu.memory_space<vmem>>, vector<16xf32>,
      tpu.vector_store %arg14[%swap3A_106, %swap3A_107], %broadcast_in_dim3A_1 {strides = array<i32>} : memref<128x72xf32, #tpu.memory_space<vmem>>, vector<16xf32>,
      %swap3A_109 = arith.index_cast %scan3A_91 : i32 to index
      %swap3A_110 = arith.constant 48 : index
      %swap3A_111 = tpu.vector_load %arg13[%swap3A_109, %swap3A_110] {strides = array<i32>} : memref<128x72xf32, #tpu.memory_space<vmem>>, vector<16xf32>,
      tpu.vector_store %arg13[%swap3A_109, %swap3A_110], %broadcast_in_dim3A_1 {strides = array<i32>} : memref<128x72xf32, #tpu.memory_space<vmem>>, vector<16xf32>,
      %swap3A_112 = arith.index_cast %scan3A_91 : i32 to index
      %swap3A_113 = arith.constant 48 : index
      %swap3A_114 = tpu.vector_load %arg14[%swap3A_112, %swap3A_113] {strides = array<i32>} : memref<128x72xf32, #tpu.memory_space<vmem>>, vector<16xf32>,
      tpu.vector_store %arg14[%swap3A_112, %swap3A_113], %broadcast_in_dim3A_1 {strides = array<i32>} : memref<128x72xf32, #tpu.memory_space<vmem>>, vector<16xf32>,
      %swap3A_115 = arith.index_cast %scan3A_91 : i32 to index
      %swap3A_116 = arith.constant 56 : index
      %swap3A_117 = tpu.vector_load %arg13[%swap3A_115, %swap3A_116] {strides = array<i32>} : memref<128x72xf32, #tpu.memory_space<vmem>>, vector<16xf32>,
      tpu.vector_store %arg13[%swap3A_115, %swap3A_116], %broadcast_in_dim3A_1 {strides = array<i32>} : memref<128x72xf32, #tpu.memory_space<vmem>>, vector<16xf32>,
      %swap3A_118 = arith.index_cast %scan3A_91 : i32 to index
      %swap3A_119 = arith.constant 56 : index
      %swap3A_120 = tpu.vector_load %arg14[%swap3A_118, %swap3A_119] {strides = array<i32>} : memref<128x72xf32, #tpu.memory_space<vmem>>, vector<16xf32>,
      tpu.vector_store %arg14[%swap3A_118, %swap3A_119], %broadcast_in_dim3A_1 {strides = array<i32>} : memref<128x72xf32, #tpu.memory_space<vmem>>, vector<16xf32>,
    }
    %scan3A_17 = arith.constant 128 : i32
    %mul3A_18 = arith.constant 624 : i32
    %mul3A_19 = arith.muli %arg1, %mul3A_18 : i32
    %add3A_20 = arith.constant 0 : i32
    %add3A_21 = arith.addi %mul3A_19, %add3A_20 : i32
    "tpu.region"() ({
      %run_scoped3A = tpu.sem_alloc : memref<!tpu.dma_semaphore, #tpu.memory_space<semaphore_mem>>
      %dma_start3A_91 = arith.constant 0 : i32
      %dma_start3A_92 = tpu.memref_slice %arg15[%add3A_21, %dma_start3A_91] : memref<10016x72xf32, #tpu.memory_space<vmem_shared>> -> memref<128x72xf32, #tpu.memory_space<vmem_shared>>
      %dma_start3A_93 = arith.constant 0 : i32
      %dma_start3A_94 = tpu.memref_slice %arg15[%add3A_21, %dma_start3A_93] : memref<10016x72xf32, #tpu.memory_space<vmem_shared>> -> memref<128x72xf32, #tpu.memory_space<vmem_shared>>
      tpu.enqueue_dma source(%arg13 : memref<128x72xf32, #tpu.memory_space<vmem>>) target(%dma_start3A_94 : memref<128x72xf32, #tpu.memory_space<vmem_shared>>) target_semaphore(%run_scoped3A : memref<!tpu.dma_semaphore, #tpu.memory_space<semaphore_mem>>)
      %dma_wait3A_95 = arith.constant 0 : i32
      %dma_wait3A_96 = tpu.memref_slice %arg15[%add3A_21, %dma_wait3A_95] : memref<10016x72xf32, #tpu.memory_space<vmem_shared>> -> memref<128x72xf32, #tpu.memory_space<vmem_shared>>
      %dma_wait3A_97 = arith.constant 0 : i32
      %dma_wait3A_98 = tpu.memref_slice %arg15[%add3A_21, %dma_wait3A_97] : memref<10016x72xf32, #tpu.memory_space<vmem_shared>> -> memref<128x72xf32, #tpu.memory_space<vmem_shared>>
      tpu.wait_dma2 semaphore(%run_scoped3A : memref<!tpu.dma_semaphore, #tpu.memory_space<semaphore_mem>>) src(%arg13 : memref<128x72xf32, #tpu.memory_space<vmem>>) dst(%dma_wait3A_98 : memref<128x72xf32, #tpu.memory_space<vmem_shared>>)
      tpu.yield
    }) : () -> ()
    %mul3A_22 = arith.constant 624 : i32
    %mul3A_23 = arith.muli %arg1, %mul3A_22 : i32
    %add3A_24 = arith.constant 128 : i32
    %add3A_25 = arith.addi %mul3A_23, %add3A_24 : i32
    "tpu.region"() ({
      %run_scoped3A = tpu.sem_alloc : memref<!tpu.dma_semaphore, #tpu.memory_space<semaphore_mem>>
      %dma_start3A_91 = arith.constant 0 : i32
      %dma_start3A_92 = tpu.memref_slice %arg15[%add3A_25, %dma_start3A_91] : memref<10016x72xf32, #tpu.memory_space<vmem_shared>> -> memref<128x72xf32, #tpu.memory_space<vmem_shared>>
      %dma_start3A_93 = arith.constant 0 : i32
      %dma_start3A_94 = tpu.memref_slice %arg15[%add3A_25, %dma_start3A_93] : memref<10016x72xf32, #tpu.memory_space<vmem_shared>> -> memref<128x72xf32, #tpu.memory_space<vmem_shared>>
      tpu.enqueue_dma source(%arg13 : memref<128x72xf32, #tpu.memory_space<vmem>>) target(%dma_start3A_94 : memref<128x72xf32, #tpu.memory_space<vmem_shared>>) target_semaphore(%run_scoped3A : memref<!tpu.dma_semaphore, #tpu.memory_space<semaphore_mem>>)
      %dma_wait3A_95 = arith.constant 0 : i32
      %dma_wait3A_96 = tpu.memref_slice %arg15[%add3A_25, %dma_wait3A_95] : memref<10016x72xf32, #tpu.memory_space<vmem_shared>> -> memref<128x72xf32, #tpu.memory_space<vmem_shared>>
      %dma_wait3A_97 = arith.constant 0 : i32
      %dma_wait3A_98 = tpu.memref_slice %arg15[%add3A_25, %dma_wait3A_97] : memref<10016x72xf32, #tpu.memory_space<vmem_shared>> -> memref<128x72xf32, #tpu.memory_space<vmem_shared>>
      tpu.wait_dma2 semaphore(%run_scoped3A : memref<!tpu.dma_semaphore, #tpu.memory_space<semaphore_mem>>) src(%arg13 : memref<128x72xf32, #tpu.memory_space<vmem>>) dst(%dma_wait3A_98 : memref<128x72xf32, #tpu.memory_space<vmem_shared>>)
      tpu.yield
    }) : () -> ()
    %mul3A_26 = arith.constant 624 : i32
    %mul3A_27 = arith.muli %arg1, %mul3A_26 : i32
    %add3A_28 = arith.constant 256 : i32
    %add3A_29 = arith.addi %mul3A_27, %add3A_28 : i32
    "tpu.region"() ({
      %run_scoped3A = tpu.sem_alloc : memref<!tpu.dma_semaphore, #tpu.memory_space<semaphore_mem>>
      %dma_start3A_91 = arith.constant 0 : i32
      %dma_start3A_92 = tpu.memref_slice %arg15[%add3A_29, %dma_start3A_91] : memref<10016x72xf32, #tpu.memory_space<vmem_shared>> -> memref<128x72xf32, #tpu.memory_space<vmem_shared>>
      %dma_start3A_93 = arith.constant 0 : i32
      %dma_start3A_94 = tpu.memref_slice %arg15[%add3A_29, %dma_start3A_93] : memref<10016x72xf32, #tpu.memory_space<vmem_shared>> -> memref<128x72xf32, #tpu.memory_space<vmem_shared>>
      tpu.enqueue_dma source(%arg13 : memref<128x72xf32, #tpu.memory_space<vmem>>) target(%dma_start3A_94 : memref<128x72xf32, #tpu.memory_space<vmem_shared>>) target_semaphore(%run_scoped3A : memref<!tpu.dma_semaphore, #tpu.memory_space<semaphore_mem>>)
      %dma_wait3A_95 = arith.constant 0 : i32
      %dma_wait3A_96 = tpu.memref_slice %arg15[%add3A_29, %dma_wait3A_95] : memref<10016x72xf32, #tpu.memory_space<vmem_shared>> -> memref<128x72xf32, #tpu.memory_space<vmem_shared>>
      %dma_wait3A_97 = arith.constant 0 : i32
      %dma_wait3A_98 = tpu.memref_slice %arg15[%add3A_29, %dma_wait3A_97] : memref<10016x72xf32, #tpu.memory_space<vmem_shared>> -> memref<128x72xf32, #tpu.memory_space<vmem_shared>>
      tpu.wait_dma2 semaphore(%run_scoped3A : memref<!tpu.dma_semaphore, #tpu.memory_space<semaphore_mem>>) src(%arg13 : memref<128x72xf32, #tpu.memory_space<vmem>>) dst(%dma_wait3A_98 : memref<128x72xf32, #tpu.memory_space<vmem_shared>>)
      tpu.yield
    }) : () -> ()
    %mul3A_30 = arith.constant 624 : i32
    %mul3A_31 = arith.muli %arg1, %mul3A_30 : i32
    %add3A_32 = arith.constant 384 : i32
    %add3A_33 = arith.addi %mul3A_31, %add3A_32 : i32
    "tpu.region"() ({
      %run_scoped3A = tpu.sem_alloc : memref<!tpu.dma_semaphore, #tpu.memory_space<semaphore_mem>>
      %dma_start3A_91 = arith.constant 0 : i32
      %dma_start3A_92 = tpu.memref_slice %arg15[%add3A_33, %dma_start3A_91] : memref<10016x72xf32, #tpu.memory_space<vmem_shared>> -> memref<128x72xf32, #tpu.memory_space<vmem_shared>>
      %dma_start3A_93 = arith.constant 0 : i32
      %dma_start3A_94 = tpu.memref_slice %arg15[%add3A_33, %dma_start3A_93] : memref<10016x72xf32, #tpu.memory_space<vmem_shared>> -> memref<128x72xf32, #tpu.memory_space<vmem_shared>>
      tpu.enqueue_dma source(%arg13 : memref<128x72xf32, #tpu.memory_space<vmem>>) target(%dma_start3A_94 : memref<128x72xf32, #tpu.memory_space<vmem_shared>>) target_semaphore(%run_scoped3A : memref<!tpu.dma_semaphore, #tpu.memory_space<semaphore_mem>>)
      %dma_wait3A_95 = arith.constant 0 : i32
      %dma_wait3A_96 = tpu.memref_slice %arg15[%add3A_33, %dma_wait3A_95] : memref<10016x72xf32, #tpu.memory_space<vmem_shared>> -> memref<128x72xf32, #tpu.memory_space<vmem_shared>>
      %dma_wait3A_97 = arith.constant 0 : i32
      %dma_wait3A_98 = tpu.memref_slice %arg15[%add3A_33, %dma_wait3A_97] : memref<10016x72xf32, #tpu.memory_space<vmem_shared>> -> memref<128x72xf32, #tpu.memory_space<vmem_shared>>
      tpu.wait_dma2 semaphore(%run_scoped3A : memref<!tpu.dma_semaphore, #tpu.memory_space<semaphore_mem>>) src(%arg13 : memref<128x72xf32, #tpu.memory_space<vmem>>) dst(%dma_wait3A_98 : memref<128x72xf32, #tpu.memory_space<vmem_shared>>)
      tpu.yield
    }) : () -> ()
    %mul3A_34 = arith.constant 624 : i32
    %mul3A_35 = arith.muli %arg1, %mul3A_34 : i32
    %add3A_36 = arith.constant 512 : i32
    %add3A_37 = arith.addi %mul3A_35, %add3A_36 : i32
    "tpu.region"() ({
      %run_scoped3A = tpu.sem_alloc : memref<!tpu.dma_semaphore, #tpu.memory_space<semaphore_mem>>
      %dma_start3A_91 = arith.constant 0 : i32
      %dma_start3A_92 = tpu.memref_slice %arg15[%add3A_37, %dma_start3A_91] : memref<10016x72xf32, #tpu.memory_space<vmem_shared>> -> memref<128x72xf32, #tpu.memory_space<vmem_shared>>
      %dma_start3A_93 = arith.constant 0 : i32
      %dma_start3A_94 = tpu.memref_slice %arg15[%add3A_37, %dma_start3A_93] : memref<10016x72xf32, #tpu.memory_space<vmem_shared>> -> memref<128x72xf32, #tpu.memory_space<vmem_shared>>
      tpu.enqueue_dma source(%arg13 : memref<128x72xf32, #tpu.memory_space<vmem>>) target(%dma_start3A_94 : memref<128x72xf32, #tpu.memory_space<vmem_shared>>) target_semaphore(%run_scoped3A : memref<!tpu.dma_semaphore, #tpu.memory_space<semaphore_mem>>)
      %dma_wait3A_95 = arith.constant 0 : i32
      %dma_wait3A_96 = tpu.memref_slice %arg15[%add3A_37, %dma_wait3A_95] : memref<10016x72xf32, #tpu.memory_space<vmem_shared>> -> memref<128x72xf32, #tpu.memory_space<vmem_shared>>
      %dma_wait3A_97 = arith.constant 0 : i32
      %dma_wait3A_98 = tpu.memref_slice %arg15[%add3A_37, %dma_wait3A_97] : memref<10016x72xf32, #tpu.memory_space<vmem_shared>> -> memref<128x72xf32, #tpu.memory_space<vmem_shared>>
      tpu.wait_dma2 semaphore(%run_scoped3A : memref<!tpu.dma_semaphore, #tpu.memory_space<semaphore_mem>>) src(%arg13 : memref<128x72xf32, #tpu.memory_space<vmem>>) dst(%dma_wait3A_98 : memref<128x72xf32, #tpu.memory_space<vmem_shared>>)
      tpu.yield
    }) : () -> ()
    %eq3A = arith.constant 15 : i32
    %eq3A_38 = arith.cmpi eq, %arg1, %eq3A : i32
    %convert_element_type3A = arith.extui %eq3A_38 : i1 to i32
    %cond3A = arith.constant 0 : i32
    %cond3A_39 = arith.cmpi ne, %convert_element_type3A, %cond3A : i32
    scf.if %cond3A_39 {
      "tpu.region"() ({
        %run_scoped3A = tpu.sem_alloc : memref<!tpu.dma_semaphore, #tpu.memory_space<semaphore_mem>>
        %dma_start3A_91 = arith.constant 9888 : i32
        %dma_start3A_92 = arith.constant 0 : i32
        %dma_start3A_93 = tpu.memref_slice %arg15[%dma_start3A_91, %dma_start3A_92] : memref<10016x72xf32, #tpu.memory_space<vmem_shared>> -> memref<128x72xf32, #tpu.memory_space<vmem_shared>>
        %dma_start3A_94 = arith.constant 9888 : i32
        %dma_start3A_95 = arith.constant 0 : i32
        %dma_start3A_96 = tpu.memref_slice %arg15[%dma_start3A_94, %dma_start3A_95] : memref<10016x72xf32, #tpu.memory_space<vmem_shared>> -> memref<128x72xf32, #tpu.memory_space<vmem_shared>>
        tpu.enqueue_dma source(%arg13 : memref<128x72xf32, #tpu.memory_space<vmem>>) target(%dma_start3A_96 : memref<128x72xf32, #tpu.memory_space<vmem_shared>>) target_semaphore(%run_scoped3A : memref<!tpu.dma_semaphore, #tpu.memory_space<semaphore_mem>>)
        %dma_wait3A_97 = arith.constant 9888 : i32
        %dma_wait3A_98 = arith.constant 0 : i32
        %dma_wait3A_99 = tpu.memref_slice %arg15[%dma_wait3A_97, %dma_wait3A_98] : memref<10016x72xf32, #tpu.memory_space<vmem_shared>> -> memref<128x72xf32, #tpu.memory_space<vmem_shared>>
        %dma_wait3A_100 = arith.constant 9888 : i32
        %dma_wait3A_101 = arith.constant 0 : i32
        %dma_wait3A_102 = tpu.memref_slice %arg15[%dma_wait3A_100, %dma_wait3A_101] : memref<10016x72xf32, #tpu.memory_space<vmem_shared>> -> memref<128x72xf32, #tpu.memory_space<vmem_shared>>
        tpu.wait_dma2 semaphore(%run_scoped3A : memref<!tpu.dma_semaphore, #tpu.memory_space<semaphore_mem>>) src(%arg13 : memref<128x72xf32, #tpu.memory_space<vmem>>) dst(%dma_wait3A_102 : memref<128x72xf32, #tpu.memory_space<vmem_shared>>)
        tpu.yield
      }) : () -> ()
    } else {
    }
    %barrier3A = arith.constant 0 : index
    tpu.barrier barrier_id(%barrier3A)
    %dma_wait3A = arith.constant 0 : i32
    %dma_wait3A_40 = tpu.memref_slice %arg4[%mul3A_3, %dma_wait3A] : memref<2560x128xi32, #tpu.memory_space<hbm>> -> memref<80x128xi32, #tpu.memory_space<hbm>>
    %dma_wait3A_41 = arith.constant 0 : i32
    %dma_wait3A_42 = tpu.memref_slice %arg4[%mul3A_3, %dma_wait3A_41] : memref<2560x128xi32, #tpu.memory_space<hbm>> -> memref<80x128xi32, #tpu.memory_space<hbm>>
    tpu.wait_dma2 semaphore(%arg16 : memref<!tpu.dma_semaphore, #tpu.memory_space<semaphore_mem>>) src(%dma_wait3A_42 : memref<80x128xi32, #tpu.memory_space<hbm>>) dst(%arg7 : memref<80x128xi32, #tpu.memory_space<vmem>>)
    %dma_wait3A_43 = arith.constant 0 : i32
    %dma_wait3A_44 = tpu.memref_slice %arg5[%mul3A_8, %dma_wait3A_43] : memref<2560x128xi32, #tpu.memory_space<hbm>> -> memref<80x128xi32, #tpu.memory_space<hbm>>
    %dma_wait3A_45 = arith.constant 0 : i32
    %dma_wait3A_46 = tpu.memref_slice %arg5[%mul3A_8, %dma_wait3A_45] : memref<2560x128xi32, #tpu.memory_space<hbm>> -> memref<80x128xi32, #tpu.memory_space<hbm>>
    tpu.wait_dma2 semaphore(%arg16 : memref<!tpu.dma_semaphore, #tpu.memory_space<semaphore_mem>>) src(%dma_wait3A_46 : memref<80x128xi32, #tpu.memory_space<hbm>>) dst(%arg8 : memref<80x128xi32, #tpu.memory_space<vmem>>)
    %dma_start3A_47 = arith.constant 0 : i32
    %dma_start3A_48 = arith.constant 0 : i32
    %dma_start3A_49 = tpu.memref_slice %arg7[%dma_start3A_47, %dma_start3A_48] : memref<80x128xi32, #tpu.memory_space<vmem>> -> memref<1x128xi32, #tpu.memory_space<vmem>>
    %dma_start3A_50 = tpu.memref_squeeze %dma_start3A_49 : memref<1x128xi32, #tpu.memory_space<vmem>> -> memref<128xi32, #tpu.memory_space<vmem>>
    %dma_start3A_51 = arith.constant 0 : i32
    %dma_start3A_52 = arith.constant 0 : i32
    %dma_start3A_53 = tpu.memref_slice %arg2[%dma_start3A_51, %dma_start3A_52] : memref<10016x80xf32, #tpu.memory_space<hbm>> -> memref<10016x80xf32, #tpu.memory_space<hbm>>
    tpu.enqueue_indirect_dma source(%dma_start3A_53 : memref<10016x80xf32, #tpu.memory_space<hbm>>) target(%arg9 : memref<128x80xf32, #tpu.memory_space<vmem>>) offsets(%dma_start3A_50 : memref<128xi32, #tpu.memory_space<vmem>>) semaphore(%arg17 : memref<!tpu.dma_semaphore, #tpu.memory_space<semaphore_mem>>)
    %dma_start3A_54 = arith.constant 0 : i32
    %dma_start3A_55 = arith.constant 0 : i32
    %dma_start3A_56 = tpu.memref_slice %arg8[%dma_start3A_54, %dma_start3A_55] : memref<80x128xi32, #tpu.memory_space<vmem>> -> memref<1x128xi32, #tpu.memory_space<vmem>>
    %dma_start3A_57 = tpu.memref_squeeze %dma_start3A_56 : memref<1x128xi32, #tpu.memory_space<vmem>> -> memref<128xi32, #tpu.memory_space<vmem>>
    %dma_start3A_58 = arith.constant 0 : i32
    %dma_start3A_59 = arith.constant 0 : i32
    %dma_start3A_60 = tpu.memref_slice %arg3[%dma_start3A_58, %dma_start3A_59] : memref<10016x16xf32, #tpu.memory_space<hbm>> -> memref<10016x16xf32, #tpu.memory_space<hbm>>
    tpu.enqueue_indirect_dma source(%dma_start3A_60 : memref<10016x16xf32, #tpu.memory_space<hbm>>) target(%arg11 : memref<128x16xf32, #tpu.memory_space<vmem>>) offsets(%dma_start3A_57 : memref<128xi32, #tpu.memory_space<vmem>>) semaphore(%arg17 : memref<!tpu.dma_semaphore, #tpu.memory_space<semaphore_mem>>)
    %scan3A_61 = arith.constant 0 : i32
    %scan3A_62 = arith.constant 0 : i32
    %scan3A_63 = arith.constant 40 : i32
    %scan3A_64 = arith.addi %scan3A_62, %scan3A_63 : i32
    %scan3A_65 = arith.constant 1 : i32
    scf.for %scan3A_91 = %scan3A_62 to %scan3A_64 step %scan3A_65  : i32 {
      %mul3A_92 = arith.constant 2 : i32
      %mul3A_93 = arith.muli %mul3A_92, %scan3A_91 : i32
      %add3A_94 = arith.constant 0 : i32
      %add3A_95 = arith.addi %mul3A_93, %add3A_94 : i32
      %add3A_96 = arith.constant 1 : i32
      %add3A_97 = arith.addi %add3A_95, %add3A_96 : i32
      %dma_start3A_98 = arith.constant 0 : i32
      %dma_start3A_99 = tpu.memref_slice %arg7[%add3A_97, %dma_start3A_98] : memref<80x128xi32, #tpu.memory_space<vmem>> -> memref<1x128xi32, #tpu.memory_space<vmem>>
      %dma_start3A_100 = tpu.memref_squeeze %dma_start3A_99 : memref<1x128xi32, #tpu.memory_space<vmem>> -> memref<128xi32, #tpu.memory_space<vmem>>
      %dma_start3A_101 = arith.constant 0 : i32
      %dma_start3A_102 = arith.constant 0 : i32
      %dma_start3A_103 = tpu.memref_slice %arg2[%dma_start3A_101, %dma_start3A_102] : memref<10016x80xf32, #tpu.memory_space<hbm>> -> memref<10016x80xf32, #tpu.memory_space<hbm>>
      tpu.enqueue_indirect_dma source(%dma_start3A_103 : memref<10016x80xf32, #tpu.memory_space<hbm>>) target(%arg10 : memref<128x80xf32, #tpu.memory_space<vmem>>) offsets(%dma_start3A_100 : memref<128xi32, #tpu.memory_space<vmem>>) semaphore(%arg18 : memref<!tpu.dma_semaphore, #tpu.memory_space<semaphore_mem>>)
      %dma_start3A_104 = arith.constant 0 : i32
      %dma_start3A_105 = tpu.memref_slice %arg8[%add3A_97, %dma_start3A_104] : memref<80x128xi32, #tpu.memory_space<vmem>> -> memref<1x128xi32, #tpu.memory_space<vmem>>
      %dma_start3A_106 = tpu.memref_squeeze %dma_start3A_105 : memref<1x128xi32, #tpu.memory_space<vmem>> -> memref<128xi32, #tpu.memory_space<vmem>>
      %dma_start3A_107 = arith.constant 0 : i32
      %dma_start3A_108 = arith.constant 0 : i32
      %dma_start3A_109 = tpu.memref_slice %arg3[%dma_start3A_107, %dma_start3A_108] : memref<10016x16xf32, #tpu.memory_space<hbm>> -> memref<10016x16xf32, #tpu.memory_space<hbm>>
      tpu.enqueue_indirect_dma source(%dma_start3A_109 : memref<10016x16xf32, #tpu.memory_space<hbm>>) target(%arg12 : memref<128x16xf32, #tpu.memory_space<vmem>>) offsets(%dma_start3A_106 : memref<128xi32, #tpu.memory_space<vmem>>) semaphore(%arg18 : memref<!tpu.dma_semaphore, #tpu.memory_space<semaphore_mem>>)
      %dma_wait3A_110 = arith.constant 0 : i32
      %dma_wait3A_111 = tpu.memref_slice %arg7[%add3A_95, %dma_wait3A_110] : memref<80x128xi32, #tpu.memory_space<vmem>> -> memref<1x128xi32, #tpu.memory_space<vmem>>
      %dma_wait3A_112 = tpu.memref_squeeze %dma_wait3A_111 : memref<1x128xi32, #tpu.memory_space<vmem>> -> memref<128xi32, #tpu.memory_space<vmem>>
      %dma_wait3A_113 = arith.constant 0 : i32
      %dma_wait3A_114 = arith.constant 0 : i32
      %dma_wait3A_115 = tpu.memref_slice %arg2[%dma_wait3A_113, %dma_wait3A_114] : memref<10016x80xf32, #tpu.memory_space<hbm>> -> memref<10016x80xf32, #tpu.memory_space<hbm>>
      tpu.wait_indirect_dma semaphore(%arg17 : memref<!tpu.dma_semaphore, #tpu.memory_space<semaphore_mem>>) src(%dma_wait3A_115 : memref<10016x80xf32, #tpu.memory_space<hbm>>) dst(%arg9 : memref<128x80xf32, #tpu.memory_space<vmem>>)
      %dma_wait3A_116 = arith.constant 0 : i32
      %dma_wait3A_117 = tpu.memref_slice %arg8[%add3A_95, %dma_wait3A_116] : memref<80x128xi32, #tpu.memory_space<vmem>> -> memref<1x128xi32, #tpu.memory_space<vmem>>
      %dma_wait3A_118 = tpu.memref_squeeze %dma_wait3A_117 : memref<1x128xi32, #tpu.memory_space<vmem>> -> memref<128xi32, #tpu.memory_space<vmem>>
      %dma_wait3A_119 = arith.constant 0 : i32
      %dma_wait3A_120 = arith.constant 0 : i32
      %dma_wait3A_121 = tpu.memref_slice %arg3[%dma_wait3A_119, %dma_wait3A_120] : memref<10016x16xf32, #tpu.memory_space<hbm>> -> memref<10016x16xf32, #tpu.memory_space<hbm>>
      tpu.wait_indirect_dma semaphore(%arg17 : memref<!tpu.dma_semaphore, #tpu.memory_space<semaphore_mem>>) src(%dma_wait3A_121 : memref<10016x16xf32, #tpu.memory_space<hbm>>) dst(%arg11 : memref<128x16xf32, #tpu.memory_space<vmem>>)
      %ge3A = arith.constant 1 : i32
      %ge3A_122 = arith.cmpi sge, %scan3A_91, %ge3A : i32
      %convert_element_type3A_123 = arith.extui %ge3A_122 : i1 to i32
      %cond3A_124 = arith.constant 0 : i32
      %cond3A_125 = arith.cmpi ne, %convert_element_type3A_123, %cond3A_124 : i32
      scf.if %cond3A_125 {
        %sub3A = arith.constant 2 : i32
        %sub3A_175 = arith.subi %add3A_95, %sub3A : i32
        %dma_wait3A_176 = arith.constant 0 : i32
        %dma_wait3A_177 = tpu.memref_slice %arg8[%sub3A_175, %dma_wait3A_176] : memref<80x128xi32, #tpu.memory_space<vmem>> -> memref<1x128xi32, #tpu.memory_space<vmem>>
        %dma_wait3A_178 = tpu.memref_squeeze %dma_wait3A_177 : memref<1x128xi32, #tpu.memory_space<vmem>> -> memref<128xi32, #tpu.memory_space<vmem>>
        %dma_wait3A_179 = arith.constant 0 : i32
        %dma_wait3A_180 = arith.constant 0 : i32
        %dma_wait3A_181 = tpu.memref_slice %arg15[%dma_wait3A_179, %dma_wait3A_180] : memref<10016x72xf32, #tpu.memory_space<vmem_shared>> -> memref<10016x72xf32, #tpu.memory_space<vmem_shared>>
        tpu.wait_indirect_dma semaphore(%arg19 : memref<!tpu.dma_semaphore, #tpu.memory_space<semaphore_mem>>) src(%arg13 : memref<128x72xf32, #tpu.memory_space<vmem>>) dst(%dma_wait3A_181 : memref<10016x72xf32, #tpu.memory_space<vmem_shared>>)
      } else {
      }
      %scan3A_126 = arith.constant 0 : i32
      %scan3A_127 = arith.constant 0 : i32
      %scan3A_128 = arith.constant 8 : i32
      %scan3A_129 = arith.addi %scan3A_127, %scan3A_128 : i32
      %scan3A_130 = arith.constant 1 : i32
      scf.for %scan3A_175 = %scan3A_127 to %scan3A_129 step %scan3A_130  : i32 {
        %mul3A_176 = arith.constant 16 : i32
        %mul3A_177 = arith.muli %scan3A_175, %mul3A_176 : i32
        %add3A_178 = vector.broadcast %mul3A_177 : i32 to vector<16xi32>
        %add3A_179 = arith.addi %add3A_178, %iota3A : vector<16xi32>
        %broadcast_in_dim3A_180 = arith.constant 64 : i32
        %broadcast_in_dim3A_181 = vector.broadcast %broadcast_in_dim3A_180 : i32 to vector<16xi32>
        %gather3A = tpu.vector_load_idx %arg9[%add3A_179, %broadcast_in_dim3A_181] : memref<128x80xf32, #tpu.memory_space<vmem>>[vector<16xi32>, vector<16xi32>], vector<16xf32>,
        %broadcast_in_dim3A_182 = arith.constant 8 : i32
        %broadcast_in_dim3A_183 = vector.broadcast %broadcast_in_dim3A_182 : i32 to vector<16xi32>
        %gather3A_184 = tpu.vector_load_idx %arg11[%add3A_179, %broadcast_in_dim3A_183] : memref<128x16xf32, #tpu.memory_space<vmem>>[vector<16xi32>, vector<16xi32>], vector<16xf32>,
        %add3A_185 = arith.addf %gather3A, %gather3A_184 : vector<16xf32>
        %mul3A_186 = arith.constant 2.000000e-01 : f32
        %mul3A_187 = vector.broadcast %mul3A_186 : f32 to vector<16xf32>
        %mul3A_188 = arith.mulf %mul3A_187, %add3A_185 : vector<16xf32>
        %max3A = arith.maximumf %add3A_185, %mul3A_188 : vector<16xf32>
        %exp3A = math.exp %max3A : vector<16xf32>
        %broadcast_in_dim3A_189 = arith.constant 64 : i32
        %broadcast_in_dim3A_190 = vector.broadcast %broadcast_in_dim3A_189 : i32 to vector<16xi32>
        tpu.vector_store_idx %arg13[%add3A_179, %broadcast_in_dim3A_190], %exp3A : memref<128x72xf32, #tpu.memory_space<vmem>>[vector<16xi32>, vector<16xi32>], vector<16xf32>,
        %broadcast_in_dim3A_191 = arith.constant 0 : i32
        %broadcast_in_dim3A_192 = vector.broadcast %broadcast_in_dim3A_191 : i32 to vector<16xi32>
        %gather3A_193 = tpu.vector_load_idx %arg9[%add3A_179, %broadcast_in_dim3A_192] : memref<128x80xf32, #tpu.memory_space<vmem>>[vector<16xi32>, vector<16xi32>], vector<16xf32>,
        %mul3A_194 = arith.mulf %gather3A_193, %exp3A : vector<16xf32>
        tpu.vector_store_idx %arg13[%add3A_179, %broadcast_in_dim3A_192], %mul3A_194 : memref<128x72xf32, #tpu.memory_space<vmem>>[vector<16xi32>, vector<16xi32>], vector<16xf32>,
        %broadcast_in_dim3A_195 = arith.constant 1 : i32
        %broadcast_in_dim3A_196 = vector.broadcast %broadcast_in_dim3A_195 : i32 to vector<16xi32>
        %gather3A_197 = tpu.vector_load_idx %arg9[%add3A_179, %broadcast_in_dim3A_196] : memref<128x80xf32, #tpu.memory_space<vmem>>[vector<16xi32>, vector<16xi32>], vector<16xf32>,
        %mul3A_198 = arith.mulf %gather3A_197, %exp3A : vector<16xf32>
        tpu.vector_store_idx %arg13[%add3A_179, %broadcast_in_dim3A_196], %mul3A_198 : memref<128x72xf32, #tpu.memory_space<vmem>>[vector<16xi32>, vector<16xi32>], vector<16xf32>,
        %broadcast_in_dim3A_199 = arith.constant 2 : i32
        %broadcast_in_dim3A_200 = vector.broadcast %broadcast_in_dim3A_199 : i32 to vector<16xi32>
        %gather3A_201 = tpu.vector_load_idx %arg9[%add3A_179, %broadcast_in_dim3A_200] : memref<128x80xf32, #tpu.memory_space<vmem>>[vector<16xi32>, vector<16xi32>], vector<16xf32>,
        %mul3A_202 = arith.mulf %gather3A_201, %exp3A : vector<16xf32>
        tpu.vector_store_idx %arg13[%add3A_179, %broadcast_in_dim3A_200], %mul3A_202 : memref<128x72xf32, #tpu.memory_space<vmem>>[vector<16xi32>, vector<16xi32>], vector<16xf32>,
        %broadcast_in_dim3A_203 = arith.constant 3 : i32
        %broadcast_in_dim3A_204 = vector.broadcast %broadcast_in_dim3A_203 : i32 to vector<16xi32>
        %gather3A_205 = tpu.vector_load_idx %arg9[%add3A_179, %broadcast_in_dim3A_204] : memref<128x80xf32, #tpu.memory_space<vmem>>[vector<16xi32>, vector<16xi32>], vector<16xf32>,
        %mul3A_206 = arith.mulf %gather3A_205, %exp3A : vector<16xf32>
        tpu.vector_store_idx %arg13[%add3A_179, %broadcast_in_dim3A_204], %mul3A_206 : memref<128x72xf32, #tpu.memory_space<vmem>>[vector<16xi32>, vector<16xi32>], vector<16xf32>,
        %broadcast_in_dim3A_207 = arith.constant 4 : i32
        %broadcast_in_dim3A_208 = vector.broadcast %broadcast_in_dim3A_207 : i32 to vector<16xi32>
        %gather3A_209 = tpu.vector_load_idx %arg9[%add3A_179, %broadcast_in_dim3A_208] : memref<128x80xf32, #tpu.memory_space<vmem>>[vector<16xi32>, vector<16xi32>], vector<16xf32>,
        %mul3A_210 = arith.mulf %gather3A_209, %exp3A : vector<16xf32>
        tpu.vector_store_idx %arg13[%add3A_179, %broadcast_in_dim3A_208], %mul3A_210 : memref<128x72xf32, #tpu.memory_space<vmem>>[vector<16xi32>, vector<16xi32>], vector<16xf32>,
        %broadcast_in_dim3A_211 = arith.constant 5 : i32
        %broadcast_in_dim3A_212 = vector.broadcast %broadcast_in_dim3A_211 : i32 to vector<16xi32>
        %gather3A_213 = tpu.vector_load_idx %arg9[%add3A_179, %broadcast_in_dim3A_212] : memref<128x80xf32, #tpu.memory_space<vmem>>[vector<16xi32>, vector<16xi32>], vector<16xf32>,
        %mul3A_214 = arith.mulf %gather3A_213, %exp3A : vector<16xf32>
        tpu.vector_store_idx %arg13[%add3A_179, %broadcast_in_dim3A_212], %mul3A_214 : memref<128x72xf32, #tpu.memory_space<vmem>>[vector<16xi32>, vector<16xi32>], vector<16xf32>,
        %broadcast_in_dim3A_215 = arith.constant 6 : i32
        %broadcast_in_dim3A_216 = vector.broadcast %broadcast_in_dim3A_215 : i32 to vector<16xi32>
        %gather3A_217 = tpu.vector_load_idx %arg9[%add3A_179, %broadcast_in_dim3A_216] : memref<128x80xf32, #tpu.memory_space<vmem>>[vector<16xi32>, vector<16xi32>], vector<16xf32>,
        %mul3A_218 = arith.mulf %gather3A_217, %exp3A : vector<16xf32>
        tpu.vector_store_idx %arg13[%add3A_179, %broadcast_in_dim3A_216], %mul3A_218 : memref<128x72xf32, #tpu.memory_space<vmem>>[vector<16xi32>, vector<16xi32>], vector<16xf32>,
        %broadcast_in_dim3A_219 = arith.constant 7 : i32
        %broadcast_in_dim3A_220 = vector.broadcast %broadcast_in_dim3A_219 : i32 to vector<16xi32>
        %gather3A_221 = tpu.vector_load_idx %arg9[%add3A_179, %broadcast_in_dim3A_220] : memref<128x80xf32, #tpu.memory_space<vmem>>[vector<16xi32>, vector<16xi32>], vector<16xf32>,
        %mul3A_222 = arith.mulf %gather3A_221, %exp3A : vector<16xf32>
        tpu.vector_store_idx %arg13[%add3A_179, %broadcast_in_dim3A_220], %mul3A_222 : memref<128x72xf32, #tpu.memory_space<vmem>>[vector<16xi32>, vector<16xi32>], vector<16xf32>,
        %broadcast_in_dim3A_223 = arith.constant 65 : i32
        %broadcast_in_dim3A_224 = vector.broadcast %broadcast_in_dim3A_223 : i32 to vector<16xi32>
        %gather3A_225 = tpu.vector_load_idx %arg9[%add3A_179, %broadcast_in_dim3A_224] : memref<128x80xf32, #tpu.memory_space<vmem>>[vector<16xi32>, vector<16xi32>], vector<16xf32>,
        %broadcast_in_dim3A_226 = arith.constant 9 : i32
        %broadcast_in_dim3A_227 = vector.broadcast %broadcast_in_dim3A_226 : i32 to vector<16xi32>
        %gather3A_228 = tpu.vector_load_idx %arg11[%add3A_179, %broadcast_in_dim3A_227] : memref<128x16xf32, #tpu.memory_space<vmem>>[vector<16xi32>, vector<16xi32>], vector<16xf32>,
        %add3A_229 = arith.addf %gather3A_225, %gather3A_228 : vector<16xf32>
        %mul3A_230 = arith.constant 2.000000e-01 : f32
        %mul3A_231 = vector.broadcast %mul3A_230 : f32 to vector<16xf32>
        %mul3A_232 = arith.mulf %mul3A_231, %add3A_229 : vector<16xf32>
        %max3A_233 = arith.maximumf %add3A_229, %mul3A_232 : vector<16xf32>
        %exp3A_234 = math.exp %max3A_233 : vector<16xf32>
        %broadcast_in_dim3A_235 = arith.constant 65 : i32
        %broadcast_in_dim3A_236 = vector.broadcast %broadcast_in_dim3A_235 : i32 to vector<16xi32>
        tpu.vector_store_idx %arg13[%add3A_179, %broadcast_in_dim3A_236], %exp3A_234 : memref<128x72xf32, #tpu.memory_space<vmem>>[vector<16xi32>, vector<16xi32>], vector<16xf32>,
        %broadcast_in_dim3A_237 = arith.constant 8 : i32
        %broadcast_in_dim3A_238 = vector.broadcast %broadcast_in_dim3A_237 : i32 to vector<16xi32>
        %gather3A_239 = tpu.vector_load_idx %arg9[%add3A_179, %broadcast_in_dim3A_238] : memref<128x80xf32, #tpu.memory_space<vmem>>[vector<16xi32>, vector<16xi32>], vector<16xf32>,
        %mul3A_240 = arith.mulf %gather3A_239, %exp3A_234 : vector<16xf32>
        tpu.vector_store_idx %arg13[%add3A_179, %broadcast_in_dim3A_238], %mul3A_240 : memref<128x72xf32, #tpu.memory_space<vmem>>[vector<16xi32>, vector<16xi32>], vector<16xf32>,
        %broadcast_in_dim3A_241 = arith.constant 9 : i32
        %broadcast_in_dim3A_242 = vector.broadcast %broadcast_in_dim3A_241 : i32 to vector<16xi32>
        %gather3A_243 = tpu.vector_load_idx %arg9[%add3A_179, %broadcast_in_dim3A_242] : memref<128x80xf32, #tpu.memory_space<vmem>>[vector<16xi32>, vector<16xi32>], vector<16xf32>,
        %mul3A_244 = arith.mulf %gather3A_243, %exp3A_234 : vector<16xf32>
        tpu.vector_store_idx %arg13[%add3A_179, %broadcast_in_dim3A_242], %mul3A_244 : memref<128x72xf32, #tpu.memory_space<vmem>>[vector<16xi32>, vector<16xi32>], vector<16xf32>,
        %broadcast_in_dim3A_245 = arith.constant 10 : i32
        %broadcast_in_dim3A_246 = vector.broadcast %broadcast_in_dim3A_245 : i32 to vector<16xi32>
        %gather3A_247 = tpu.vector_load_idx %arg9[%add3A_179, %broadcast_in_dim3A_246] : memref<128x80xf32, #tpu.memory_space<vmem>>[vector<16xi32>, vector<16xi32>], vector<16xf32>,
        %mul3A_248 = arith.mulf %gather3A_247, %exp3A_234 : vector<16xf32>
        tpu.vector_store_idx %arg13[%add3A_179, %broadcast_in_dim3A_246], %mul3A_248 : memref<128x72xf32, #tpu.memory_space<vmem>>[vector<16xi32>, vector<16xi32>], vector<16xf32>,
        %broadcast_in_dim3A_249 = arith.constant 11 : i32
        %broadcast_in_dim3A_250 = vector.broadcast %broadcast_in_dim3A_249 : i32 to vector<16xi32>
        %gather3A_251 = tpu.vector_load_idx %arg9[%add3A_179, %broadcast_in_dim3A_250] : memref<128x80xf32, #tpu.memory_space<vmem>>[vector<16xi32>, vector<16xi32>], vector<16xf32>,
        %mul3A_252 = arith.mulf %gather3A_251, %exp3A_234 : vector<16xf32>
        tpu.vector_store_idx %arg13[%add3A_179, %broadcast_in_dim3A_250], %mul3A_252 : memref<128x72xf32, #tpu.memory_space<vmem>>[vector<16xi32>, vector<16xi32>], vector<16xf32>,
        %broadcast_in_dim3A_253 = arith.constant 12 : i32
        %broadcast_in_dim3A_254 = vector.broadcast %broadcast_in_dim3A_253 : i32 to vector<16xi32>
        %gather3A_255 = tpu.vector_load_idx %arg9[%add3A_179, %broadcast_in_dim3A_254] : memref<128x80xf32, #tpu.memory_space<vmem>>[vector<16xi32>, vector<16xi32>], vector<16xf32>,
        %mul3A_256 = arith.mulf %gather3A_255, %exp3A_234 : vector<16xf32>
        tpu.vector_store_idx %arg13[%add3A_179, %broadcast_in_dim3A_254], %mul3A_256 : memref<128x72xf32, #tpu.memory_space<vmem>>[vector<16xi32>, vector<16xi32>], vector<16xf32>,
        %broadcast_in_dim3A_257 = arith.constant 13 : i32
        %broadcast_in_dim3A_258 = vector.broadcast %broadcast_in_dim3A_257 : i32 to vector<16xi32>
        %gather3A_259 = tpu.vector_load_idx %arg9[%add3A_179, %broadcast_in_dim3A_258] : memref<128x80xf32, #tpu.memory_space<vmem>>[vector<16xi32>, vector<16xi32>], vector<16xf32>,
        %mul3A_260 = arith.mulf %gather3A_259, %exp3A_234 : vector<16xf32>
        tpu.vector_store_idx %arg13[%add3A_179, %broadcast_in_dim3A_258], %mul3A_260 : memref<128x72xf32, #tpu.memory_space<vmem>>[vector<16xi32>, vector<16xi32>], vector<16xf32>,
        %broadcast_in_dim3A_261 = arith.constant 14 : i32
        %broadcast_in_dim3A_262 = vector.broadcast %broadcast_in_dim3A_261 : i32 to vector<16xi32>
        %gather3A_263 = tpu.vector_load_idx %arg9[%add3A_179, %broadcast_in_dim3A_262] : memref<128x80xf32, #tpu.memory_space<vmem>>[vector<16xi32>, vector<16xi32>], vector<16xf32>,
        %mul3A_264 = arith.mulf %gather3A_263, %exp3A_234 : vector<16xf32>
        tpu.vector_store_idx %arg13[%add3A_179, %broadcast_in_dim3A_262], %mul3A_264 : memref<128x72xf32, #tpu.memory_space<vmem>>[vector<16xi32>, vector<16xi32>], vector<16xf32>,
        %broadcast_in_dim3A_265 = arith.constant 15 : i32
        %broadcast_in_dim3A_266 = vector.broadcast %broadcast_in_dim3A_265 : i32 to vector<16xi32>
        %gather3A_267 = tpu.vector_load_idx %arg9[%add3A_179, %broadcast_in_dim3A_266] : memref<128x80xf32, #tpu.memory_space<vmem>>[vector<16xi32>, vector<16xi32>], vector<16xf32>,
        %mul3A_268 = arith.mulf %gather3A_267, %exp3A_234 : vector<16xf32>
        tpu.vector_store_idx %arg13[%add3A_179, %broadcast_in_dim3A_266], %mul3A_268 : memref<128x72xf32, #tpu.memory_space<vmem>>[vector<16xi32>, vector<16xi32>], vector<16xf32>,
        %broadcast_in_dim3A_269 = arith.constant 66 : i32
        %broadcast_in_dim3A_270 = vector.broadcast %broadcast_in_dim3A_269 : i32 to vector<16xi32>
        %gather3A_271 = tpu.vector_load_idx %arg9[%add3A_179, %broadcast_in_dim3A_270] : memref<128x80xf32, #tpu.memory_space<vmem>>[vector<16xi32>, vector<16xi32>], vector<16xf32>,
        %broadcast_in_dim3A_272 = arith.constant 10 : i32
        %broadcast_in_dim3A_273 = vector.broadcast %broadcast_in_dim3A_272 : i32 to vector<16xi32>
        %gather3A_274 = tpu.vector_load_idx %arg11[%add3A_179, %broadcast_in_dim3A_273] : memref<128x16xf32, #tpu.memory_space<vmem>>[vector<16xi32>, vector<16xi32>], vector<16xf32>,
        %add3A_275 = arith.addf %gather3A_271, %gather3A_274 : vector<16xf32>
        %mul3A_276 = arith.constant 2.000000e-01 : f32
        %mul3A_277 = vector.broadcast %mul3A_276 : f32 to vector<16xf32>
        %mul3A_278 = arith.mulf %mul3A_277, %add3A_275 : vector<16xf32>
        %max3A_279 = arith.maximumf %add3A_275, %mul3A_278 : vector<16xf32>
        %exp3A_280 = math.exp %max3A_279 : vector<16xf32>
        %broadcast_in_dim3A_281 = arith.constant 66 : i32
        %broadcast_in_dim3A_282 = vector.broadcast %broadcast_in_dim3A_281 : i32 to vector<16xi32>
        tpu.vector_store_idx %arg13[%add3A_179, %broadcast_in_dim3A_282], %exp3A_280 : memref<128x72xf32, #tpu.memory_space<vmem>>[vector<16xi32>, vector<16xi32>], vector<16xf32>,
        %broadcast_in_dim3A_283 = arith.constant 16 : i32
        %broadcast_in_dim3A_284 = vector.broadcast %broadcast_in_dim3A_283 : i32 to vector<16xi32>
        %gather3A_285 = tpu.vector_load_idx %arg9[%add3A_179, %broadcast_in_dim3A_284] : memref<128x80xf32, #tpu.memory_space<vmem>>[vector<16xi32>, vector<16xi32>], vector<16xf32>,
        %mul3A_286 = arith.mulf %gather3A_285, %exp3A_280 : vector<16xf32>
        tpu.vector_store_idx %arg13[%add3A_179, %broadcast_in_dim3A_284], %mul3A_286 : memref<128x72xf32, #tpu.memory_space<vmem>>[vector<16xi32>, vector<16xi32>], vector<16xf32>,
        %broadcast_in_dim3A_287 = arith.constant 17 : i32
        %broadcast_in_dim3A_288 = vector.broadcast %broadcast_in_dim3A_287 : i32 to vector<16xi32>
        %gather3A_289 = tpu.vector_load_idx %arg9[%add3A_179, %broadcast_in_dim3A_288] : memref<128x80xf32, #tpu.memory_space<vmem>>[vector<16xi32>, vector<16xi32>], vector<16xf32>,
        %mul3A_290 = arith.mulf %gather3A_289, %exp3A_280 : vector<16xf32>
        tpu.vector_store_idx %arg13[%add3A_179, %broadcast_in_dim3A_288], %mul3A_290 : memref<128x72xf32, #tpu.memory_space<vmem>>[vector<16xi32>, vector<16xi32>], vector<16xf32>,
        %broadcast_in_dim3A_291 = arith.constant 18 : i32
        %broadcast_in_dim3A_292 = vector.broadcast %broadcast_in_dim3A_291 : i32 to vector<16xi32>
        %gather3A_293 = tpu.vector_load_idx %arg9[%add3A_179, %broadcast_in_dim3A_292] : memref<128x80xf32, #tpu.memory_space<vmem>>[vector<16xi32>, vector<16xi32>], vector<16xf32>,
        %mul3A_294 = arith.mulf %gather3A_293, %exp3A_280 : vector<16xf32>
        tpu.vector_store_idx %arg13[%add3A_179, %broadcast_in_dim3A_292], %mul3A_294 : memref<128x72xf32, #tpu.memory_space<vmem>>[vector<16xi32>, vector<16xi32>], vector<16xf32>,
        %broadcast_in_dim3A_295 = arith.constant 19 : i32
        %broadcast_in_dim3A_296 = vector.broadcast %broadcast_in_dim3A_295 : i32 to vector<16xi32>
        %gather3A_297 = tpu.vector_load_idx %arg9[%add3A_179, %broadcast_in_dim3A_296] : memref<128x80xf32, #tpu.memory_space<vmem>>[vector<16xi32>, vector<16xi32>], vector<16xf32>,
        %mul3A_298 = arith.mulf %gather3A_297, %exp3A_280 : vector<16xf32>
        tpu.vector_store_idx %arg13[%add3A_179, %broadcast_in_dim3A_296], %mul3A_298 : memref<128x72xf32, #tpu.memory_space<vmem>>[vector<16xi32>, vector<16xi32>], vector<16xf32>,
        %broadcast_in_dim3A_299 = arith.constant 20 : i32
        %broadcast_in_dim3A_300 = vector.broadcast %broadcast_in_dim3A_299 : i32 to vector<16xi32>
        %gather3A_301 = tpu.vector_load_idx %arg9[%add3A_179, %broadcast_in_dim3A_300] : memref<128x80xf32, #tpu.memory_space<vmem>>[vector<16xi32>, vector<16xi32>], vector<16xf32>,
        %mul3A_302 = arith.mulf %gather3A_301, %exp3A_280 : vector<16xf32>
        tpu.vector_store_idx %arg13[%add3A_179, %broadcast_in_dim3A_300], %mul3A_302 : memref<128x72xf32, #tpu.memory_space<vmem>>[vector<16xi32>, vector<16xi32>], vector<16xf32>,
        %broadcast_in_dim3A_303 = arith.constant 21 : i32
        %broadcast_in_dim3A_304 = vector.broadcast %broadcast_in_dim3A_303 : i32 to vector<16xi32>
        %gather3A_305 = tpu.vector_load_idx %arg9[%add3A_179, %broadcast_in_dim3A_304] : memref<128x80xf32, #tpu.memory_space<vmem>>[vector<16xi32>, vector<16xi32>], vector<16xf32>,
        %mul3A_306 = arith.mulf %gather3A_305, %exp3A_280 : vector<16xf32>
        tpu.vector_store_idx %arg13[%add3A_179, %broadcast_in_dim3A_304], %mul3A_306 : memref<128x72xf32, #tpu.memory_space<vmem>>[vector<16xi32>, vector<16xi32>], vector<16xf32>,
        %broadcast_in_dim3A_307 = arith.constant 22 : i32
        %broadcast_in_dim3A_308 = vector.broadcast %broadcast_in_dim3A_307 : i32 to vector<16xi32>
        %gather3A_309 = tpu.vector_load_idx %arg9[%add3A_179, %broadcast_in_dim3A_308] : memref<128x80xf32, #tpu.memory_space<vmem>>[vector<16xi32>, vector<16xi32>], vector<16xf32>,
        %mul3A_310 = arith.mulf %gather3A_309, %exp3A_280 : vector<16xf32>
        tpu.vector_store_idx %arg13[%add3A_179, %broadcast_in_dim3A_308], %mul3A_310 : memref<128x72xf32, #tpu.memory_space<vmem>>[vector<16xi32>, vector<16xi32>], vector<16xf32>,
        %broadcast_in_dim3A_311 = arith.constant 23 : i32
        %broadcast_in_dim3A_312 = vector.broadcast %broadcast_in_dim3A_311 : i32 to vector<16xi32>
        %gather3A_313 = tpu.vector_load_idx %arg9[%add3A_179, %broadcast_in_dim3A_312] : memref<128x80xf32, #tpu.memory_space<vmem>>[vector<16xi32>, vector<16xi32>], vector<16xf32>,
        %mul3A_314 = arith.mulf %gather3A_313, %exp3A_280 : vector<16xf32>
        tpu.vector_store_idx %arg13[%add3A_179, %broadcast_in_dim3A_312], %mul3A_314 : memref<128x72xf32, #tpu.memory_space<vmem>>[vector<16xi32>, vector<16xi32>], vector<16xf32>,
        %broadcast_in_dim3A_315 = arith.constant 67 : i32
        %broadcast_in_dim3A_316 = vector.broadcast %broadcast_in_dim3A_315 : i32 to vector<16xi32>
        %gather3A_317 = tpu.vector_load_idx %arg9[%add3A_179, %broadcast_in_dim3A_316] : memref<128x80xf32, #tpu.memory_space<vmem>>[vector<16xi32>, vector<16xi32>], vector<16xf32>,
        %broadcast_in_dim3A_318 = arith.constant 11 : i32
        %broadcast_in_dim3A_319 = vector.broadcast %broadcast_in_dim3A_318 : i32 to vector<16xi32>
        %gather3A_320 = tpu.vector_load_idx %arg11[%add3A_179, %broadcast_in_dim3A_319] : memref<128x16xf32, #tpu.memory_space<vmem>>[vector<16xi32>, vector<16xi32>], vector<16xf32>,
        %add3A_321 = arith.addf %gather3A_317, %gather3A_320 : vector<16xf32>
        %mul3A_322 = arith.constant 2.000000e-01 : f32
        %mul3A_323 = vector.broadcast %mul3A_322 : f32 to vector<16xf32>
        %mul3A_324 = arith.mulf %mul3A_323, %add3A_321 : vector<16xf32>
        %max3A_325 = arith.maximumf %add3A_321, %mul3A_324 : vector<16xf32>
        %exp3A_326 = math.exp %max3A_325 : vector<16xf32>
        %broadcast_in_dim3A_327 = arith.constant 67 : i32
        %broadcast_in_dim3A_328 = vector.broadcast %broadcast_in_dim3A_327 : i32 to vector<16xi32>
        tpu.vector_store_idx %arg13[%add3A_179, %broadcast_in_dim3A_328], %exp3A_326 : memref<128x72xf32, #tpu.memory_space<vmem>>[vector<16xi32>, vector<16xi32>], vector<16xf32>,
        %broadcast_in_dim3A_329 = arith.constant 24 : i32
        %broadcast_in_dim3A_330 = vector.broadcast %broadcast_in_dim3A_329 : i32 to vector<16xi32>
        %gather3A_331 = tpu.vector_load_idx %arg9[%add3A_179, %broadcast_in_dim3A_330] : memref<128x80xf32, #tpu.memory_space<vmem>>[vector<16xi32>, vector<16xi32>], vector<16xf32>,
        %mul3A_332 = arith.mulf %gather3A_331, %exp3A_326 : vector<16xf32>
        tpu.vector_store_idx %arg13[%add3A_179, %broadcast_in_dim3A_330], %mul3A_332 : memref<128x72xf32, #tpu.memory_space<vmem>>[vector<16xi32>, vector<16xi32>], vector<16xf32>,
        %broadcast_in_dim3A_333 = arith.constant 25 : i32
        %broadcast_in_dim3A_334 = vector.broadcast %broadcast_in_dim3A_333 : i32 to vector<16xi32>
        %gather3A_335 = tpu.vector_load_idx %arg9[%add3A_179, %broadcast_in_dim3A_334] : memref<128x80xf32, #tpu.memory_space<vmem>>[vector<16xi32>, vector<16xi32>], vector<16xf32>,
        %mul3A_336 = arith.mulf %gather3A_335, %exp3A_326 : vector<16xf32>
        tpu.vector_store_idx %arg13[%add3A_179, %broadcast_in_dim3A_334], %mul3A_336 : memref<128x72xf32, #tpu.memory_space<vmem>>[vector<16xi32>, vector<16xi32>], vector<16xf32>,
        %broadcast_in_dim3A_337 = arith.constant 26 : i32
        %broadcast_in_dim3A_338 = vector.broadcast %broadcast_in_dim3A_337 : i32 to vector<16xi32>
        %gather3A_339 = tpu.vector_load_idx %arg9[%add3A_179, %broadcast_in_dim3A_338] : memref<128x80xf32, #tpu.memory_space<vmem>>[vector<16xi32>, vector<16xi32>], vector<16xf32>,
        %mul3A_340 = arith.mulf %gather3A_339, %exp3A_326 : vector<16xf32>
        tpu.vector_store_idx %arg13[%add3A_179, %broadcast_in_dim3A_338], %mul3A_340 : memref<128x72xf32, #tpu.memory_space<vmem>>[vector<16xi32>, vector<16xi32>], vector<16xf32>,
        %broadcast_in_dim3A_341 = arith.constant 27 : i32
        %broadcast_in_dim3A_342 = vector.broadcast %broadcast_in_dim3A_341 : i32 to vector<16xi32>
        %gather3A_343 = tpu.vector_load_idx %arg9[%add3A_179, %broadcast_in_dim3A_342] : memref<128x80xf32, #tpu.memory_space<vmem>>[vector<16xi32>, vector<16xi32>], vector<16xf32>,
        %mul3A_344 = arith.mulf %gather3A_343, %exp3A_326 : vector<16xf32>
        tpu.vector_store_idx %arg13[%add3A_179, %broadcast_in_dim3A_342], %mul3A_344 : memref<128x72xf32, #tpu.memory_space<vmem>>[vector<16xi32>, vector<16xi32>], vector<16xf32>,
        %broadcast_in_dim3A_345 = arith.constant 28 : i32
        %broadcast_in_dim3A_346 = vector.broadcast %broadcast_in_dim3A_345 : i32 to vector<16xi32>
        %gather3A_347 = tpu.vector_load_idx %arg9[%add3A_179, %broadcast_in_dim3A_346] : memref<128x80xf32, #tpu.memory_space<vmem>>[vector<16xi32>, vector<16xi32>], vector<16xf32>,
        %mul3A_348 = arith.mulf %gather3A_347, %exp3A_326 : vector<16xf32>
        tpu.vector_store_idx %arg13[%add3A_179, %broadcast_in_dim3A_346], %mul3A_348 : memref<128x72xf32, #tpu.memory_space<vmem>>[vector<16xi32>, vector<16xi32>], vector<16xf32>,
        %broadcast_in_dim3A_349 = arith.constant 29 : i32
        %broadcast_in_dim3A_350 = vector.broadcast %broadcast_in_dim3A_349 : i32 to vector<16xi32>
        %gather3A_351 = tpu.vector_load_idx %arg9[%add3A_179, %broadcast_in_dim3A_350] : memref<128x80xf32, #tpu.memory_space<vmem>>[vector<16xi32>, vector<16xi32>], vector<16xf32>,
        %mul3A_352 = arith.mulf %gather3A_351, %exp3A_326 : vector<16xf32>
        tpu.vector_store_idx %arg13[%add3A_179, %broadcast_in_dim3A_350], %mul3A_352 : memref<128x72xf32, #tpu.memory_space<vmem>>[vector<16xi32>, vector<16xi32>], vector<16xf32>,
        %broadcast_in_dim3A_353 = arith.constant 30 : i32
        %broadcast_in_dim3A_354 = vector.broadcast %broadcast_in_dim3A_353 : i32 to vector<16xi32>
        %gather3A_355 = tpu.vector_load_idx %arg9[%add3A_179, %broadcast_in_dim3A_354] : memref<128x80xf32, #tpu.memory_space<vmem>>[vector<16xi32>, vector<16xi32>], vector<16xf32>,
        %mul3A_356 = arith.mulf %gather3A_355, %exp3A_326 : vector<16xf32>
        tpu.vector_store_idx %arg13[%add3A_179, %broadcast_in_dim3A_354], %mul3A_356 : memref<128x72xf32, #tpu.memory_space<vmem>>[vector<16xi32>, vector<16xi32>], vector<16xf32>,
        %broadcast_in_dim3A_357 = arith.constant 31 : i32
        %broadcast_in_dim3A_358 = vector.broadcast %broadcast_in_dim3A_357 : i32 to vector<16xi32>
        %gather3A_359 = tpu.vector_load_idx %arg9[%add3A_179, %broadcast_in_dim3A_358] : memref<128x80xf32, #tpu.memory_space<vmem>>[vector<16xi32>, vector<16xi32>], vector<16xf32>,
        %mul3A_360 = arith.mulf %gather3A_359, %exp3A_326 : vector<16xf32>
        tpu.vector_store_idx %arg13[%add3A_179, %broadcast_in_dim3A_358], %mul3A_360 : memref<128x72xf32, #tpu.memory_space<vmem>>[vector<16xi32>, vector<16xi32>], vector<16xf32>,
        %broadcast_in_dim3A_361 = arith.constant 68 : i32
        %broadcast_in_dim3A_362 = vector.broadcast %broadcast_in_dim3A_361 : i32 to vector<16xi32>
        %gather3A_363 = tpu.vector_load_idx %arg9[%add3A_179, %broadcast_in_dim3A_362] : memref<128x80xf32, #tpu.memory_space<vmem>>[vector<16xi32>, vector<16xi32>], vector<16xf32>,
        %broadcast_in_dim3A_364 = arith.constant 12 : i32
        %broadcast_in_dim3A_365 = vector.broadcast %broadcast_in_dim3A_364 : i32 to vector<16xi32>
        %gather3A_366 = tpu.vector_load_idx %arg11[%add3A_179, %broadcast_in_dim3A_365] : memref<128x16xf32, #tpu.memory_space<vmem>>[vector<16xi32>, vector<16xi32>], vector<16xf32>,
        %add3A_367 = arith.addf %gather3A_363, %gather3A_366 : vector<16xf32>
        %mul3A_368 = arith.constant 2.000000e-01 : f32
        %mul3A_369 = vector.broadcast %mul3A_368 : f32 to vector<16xf32>
        %mul3A_370 = arith.mulf %mul3A_369, %add3A_367 : vector<16xf32>
        %max3A_371 = arith.maximumf %add3A_367, %mul3A_370 : vector<16xf32>
        %exp3A_372 = math.exp %max3A_371 : vector<16xf32>
        %broadcast_in_dim3A_373 = arith.constant 68 : i32
        %broadcast_in_dim3A_374 = vector.broadcast %broadcast_in_dim3A_373 : i32 to vector<16xi32>
        tpu.vector_store_idx %arg13[%add3A_179, %broadcast_in_dim3A_374], %exp3A_372 : memref<128x72xf32, #tpu.memory_space<vmem>>[vector<16xi32>, vector<16xi32>], vector<16xf32>,
        %broadcast_in_dim3A_375 = arith.constant 32 : i32
        %broadcast_in_dim3A_376 = vector.broadcast %broadcast_in_dim3A_375 : i32 to vector<16xi32>
        %gather3A_377 = tpu.vector_load_idx %arg9[%add3A_179, %broadcast_in_dim3A_376] : memref<128x80xf32, #tpu.memory_space<vmem>>[vector<16xi32>, vector<16xi32>], vector<16xf32>,
        %mul3A_378 = arith.mulf %gather3A_377, %exp3A_372 : vector<16xf32>
        tpu.vector_store_idx %arg13[%add3A_179, %broadcast_in_dim3A_376], %mul3A_378 : memref<128x72xf32, #tpu.memory_space<vmem>>[vector<16xi32>, vector<16xi32>], vector<16xf32>,
        %broadcast_in_dim3A_379 = arith.constant 33 : i32
        %broadcast_in_dim3A_380 = vector.broadcast %broadcast_in_dim3A_379 : i32 to vector<16xi32>
        %gather3A_381 = tpu.vector_load_idx %arg9[%add3A_179, %broadcast_in_dim3A_380] : memref<128x80xf32, #tpu.memory_space<vmem>>[vector<16xi32>, vector<16xi32>], vector<16xf32>,
        %mul3A_382 = arith.mulf %gather3A_381, %exp3A_372 : vector<16xf32>
        tpu.vector_store_idx %arg13[%add3A_179, %broadcast_in_dim3A_380], %mul3A_382 : memref<128x72xf32, #tpu.memory_space<vmem>>[vector<16xi32>, vector<16xi32>], vector<16xf32>,
        %broadcast_in_dim3A_383 = arith.constant 34 : i32
        %broadcast_in_dim3A_384 = vector.broadcast %broadcast_in_dim3A_383 : i32 to vector<16xi32>
        %gather3A_385 = tpu.vector_load_idx %arg9[%add3A_179, %broadcast_in_dim3A_384] : memref<128x80xf32, #tpu.memory_space<vmem>>[vector<16xi32>, vector<16xi32>], vector<16xf32>,
        %mul3A_386 = arith.mulf %gather3A_385, %exp3A_372 : vector<16xf32>
        tpu.vector_store_idx %arg13[%add3A_179, %broadcast_in_dim3A_384], %mul3A_386 : memref<128x72xf32, #tpu.memory_space<vmem>>[vector<16xi32>, vector<16xi32>], vector<16xf32>,
        %broadcast_in_dim3A_387 = arith.constant 35 : i32
        %broadcast_in_dim3A_388 = vector.broadcast %broadcast_in_dim3A_387 : i32 to vector<16xi32>
        %gather3A_389 = tpu.vector_load_idx %arg9[%add3A_179, %broadcast_in_dim3A_388] : memref<128x80xf32, #tpu.memory_space<vmem>>[vector<16xi32>, vector<16xi32>], vector<16xf32>,
        %mul3A_390 = arith.mulf %gather3A_389, %exp3A_372 : vector<16xf32>
        tpu.vector_store_idx %arg13[%add3A_179, %broadcast_in_dim3A_388], %mul3A_390 : memref<128x72xf32, #tpu.memory_space<vmem>>[vector<16xi32>, vector<16xi32>], vector<16xf32>,
        %broadcast_in_dim3A_391 = arith.constant 36 : i32
        %broadcast_in_dim3A_392 = vector.broadcast %broadcast_in_dim3A_391 : i32 to vector<16xi32>
        %gather3A_393 = tpu.vector_load_idx %arg9[%add3A_179, %broadcast_in_dim3A_392] : memref<128x80xf32, #tpu.memory_space<vmem>>[vector<16xi32>, vector<16xi32>], vector<16xf32>,
        %mul3A_394 = arith.mulf %gather3A_393, %exp3A_372 : vector<16xf32>
        tpu.vector_store_idx %arg13[%add3A_179, %broadcast_in_dim3A_392], %mul3A_394 : memref<128x72xf32, #tpu.memory_space<vmem>>[vector<16xi32>, vector<16xi32>], vector<16xf32>,
        %broadcast_in_dim3A_395 = arith.constant 37 : i32
        %broadcast_in_dim3A_396 = vector.broadcast %broadcast_in_dim3A_395 : i32 to vector<16xi32>
        %gather3A_397 = tpu.vector_load_idx %arg9[%add3A_179, %broadcast_in_dim3A_396] : memref<128x80xf32, #tpu.memory_space<vmem>>[vector<16xi32>, vector<16xi32>], vector<16xf32>,
        %mul3A_398 = arith.mulf %gather3A_397, %exp3A_372 : vector<16xf32>
        tpu.vector_store_idx %arg13[%add3A_179, %broadcast_in_dim3A_396], %mul3A_398 : memref<128x72xf32, #tpu.memory_space<vmem>>[vector<16xi32>, vector<16xi32>], vector<16xf32>,
        %broadcast_in_dim3A_399 = arith.constant 38 : i32
        %broadcast_in_dim3A_400 = vector.broadcast %broadcast_in_dim3A_399 : i32 to vector<16xi32>
        %gather3A_401 = tpu.vector_load_idx %arg9[%add3A_179, %broadcast_in_dim3A_400] : memref<128x80xf32, #tpu.memory_space<vmem>>[vector<16xi32>, vector<16xi32>], vector<16xf32>,
        %mul3A_402 = arith.mulf %gather3A_401, %exp3A_372 : vector<16xf32>
        tpu.vector_store_idx %arg13[%add3A_179, %broadcast_in_dim3A_400], %mul3A_402 : memref<128x72xf32, #tpu.memory_space<vmem>>[vector<16xi32>, vector<16xi32>], vector<16xf32>,
        %broadcast_in_dim3A_403 = arith.constant 39 : i32
        %broadcast_in_dim3A_404 = vector.broadcast %broadcast_in_dim3A_403 : i32 to vector<16xi32>
        %gather3A_405 = tpu.vector_load_idx %arg9[%add3A_179, %broadcast_in_dim3A_404] : memref<128x80xf32, #tpu.memory_space<vmem>>[vector<16xi32>, vector<16xi32>], vector<16xf32>,
        %mul3A_406 = arith.mulf %gather3A_405, %exp3A_372 : vector<16xf32>
        tpu.vector_store_idx %arg13[%add3A_179, %broadcast_in_dim3A_404], %mul3A_406 : memref<128x72xf32, #tpu.memory_space<vmem>>[vector<16xi32>, vector<16xi32>], vector<16xf32>,
        %broadcast_in_dim3A_407 = arith.constant 69 : i32
        %broadcast_in_dim3A_408 = vector.broadcast %broadcast_in_dim3A_407 : i32 to vector<16xi32>
        %gather3A_409 = tpu.vector_load_idx %arg9[%add3A_179, %broadcast_in_dim3A_408] : memref<128x80xf32, #tpu.memory_space<vmem>>[vector<16xi32>, vector<16xi32>], vector<16xf32>,
        %broadcast_in_dim3A_410 = arith.constant 13 : i32
        %broadcast_in_dim3A_411 = vector.broadcast %broadcast_in_dim3A_410 : i32 to vector<16xi32>
        %gather3A_412 = tpu.vector_load_idx %arg11[%add3A_179, %broadcast_in_dim3A_411] : memref<128x16xf32, #tpu.memory_space<vmem>>[vector<16xi32>, vector<16xi32>], vector<16xf32>,
        %add3A_413 = arith.addf %gather3A_409, %gather3A_412 : vector<16xf32>
        %mul3A_414 = arith.constant 2.000000e-01 : f32
        %mul3A_415 = vector.broadcast %mul3A_414 : f32 to vector<16xf32>
        %mul3A_416 = arith.mulf %mul3A_415, %add3A_413 : vector<16xf32>
        %max3A_417 = arith.maximumf %add3A_413, %mul3A_416 : vector<16xf32>
        %exp3A_418 = math.exp %max3A_417 : vector<16xf32>
        %broadcast_in_dim3A_419 = arith.constant 69 : i32
        %broadcast_in_dim3A_420 = vector.broadcast %broadcast_in_dim3A_419 : i32 to vector<16xi32>
        tpu.vector_store_idx %arg13[%add3A_179, %broadcast_in_dim3A_420], %exp3A_418 : memref<128x72xf32, #tpu.memory_space<vmem>>[vector<16xi32>, vector<16xi32>], vector<16xf32>,
        %broadcast_in_dim3A_421 = arith.constant 40 : i32
        %broadcast_in_dim3A_422 = vector.broadcast %broadcast_in_dim3A_421 : i32 to vector<16xi32>
        %gather3A_423 = tpu.vector_load_idx %arg9[%add3A_179, %broadcast_in_dim3A_422] : memref<128x80xf32, #tpu.memory_space<vmem>>[vector<16xi32>, vector<16xi32>], vector<16xf32>,
        %mul3A_424 = arith.mulf %gather3A_423, %exp3A_418 : vector<16xf32>
        tpu.vector_store_idx %arg13[%add3A_179, %broadcast_in_dim3A_422], %mul3A_424 : memref<128x72xf32, #tpu.memory_space<vmem>>[vector<16xi32>, vector<16xi32>], vector<16xf32>,
        %broadcast_in_dim3A_425 = arith.constant 41 : i32
        %broadcast_in_dim3A_426 = vector.broadcast %broadcast_in_dim3A_425 : i32 to vector<16xi32>
        %gather3A_427 = tpu.vector_load_idx %arg9[%add3A_179, %broadcast_in_dim3A_426] : memref<128x80xf32, #tpu.memory_space<vmem>>[vector<16xi32>, vector<16xi32>], vector<16xf32>,
        %mul3A_428 = arith.mulf %gather3A_427, %exp3A_418 : vector<16xf32>
        tpu.vector_store_idx %arg13[%add3A_179, %broadcast_in_dim3A_426], %mul3A_428 : memref<128x72xf32, #tpu.memory_space<vmem>>[vector<16xi32>, vector<16xi32>], vector<16xf32>,
        %broadcast_in_dim3A_429 = arith.constant 42 : i32
        %broadcast_in_dim3A_430 = vector.broadcast %broadcast_in_dim3A_429 : i32 to vector<16xi32>
        %gather3A_431 = tpu.vector_load_idx %arg9[%add3A_179, %broadcast_in_dim3A_430] : memref<128x80xf32, #tpu.memory_space<vmem>>[vector<16xi32>, vector<16xi32>], vector<16xf32>,
        %mul3A_432 = arith.mulf %gather3A_431, %exp3A_418 : vector<16xf32>
        tpu.vector_store_idx %arg13[%add3A_179, %broadcast_in_dim3A_430], %mul3A_432 : memref<128x72xf32, #tpu.memory_space<vmem>>[vector<16xi32>, vector<16xi32>], vector<16xf32>,
        %broadcast_in_dim3A_433 = arith.constant 43 : i32
        %broadcast_in_dim3A_434 = vector.broadcast %broadcast_in_dim3A_433 : i32 to vector<16xi32>
        %gather3A_435 = tpu.vector_load_idx %arg9[%add3A_179, %broadcast_in_dim3A_434] : memref<128x80xf32, #tpu.memory_space<vmem>>[vector<16xi32>, vector<16xi32>], vector<16xf32>,
        %mul3A_436 = arith.mulf %gather3A_435, %exp3A_418 : vector<16xf32>
        tpu.vector_store_idx %arg13[%add3A_179, %broadcast_in_dim3A_434], %mul3A_436 : memref<128x72xf32, #tpu.memory_space<vmem>>[vector<16xi32>, vector<16xi32>], vector<16xf32>,
        %broadcast_in_dim3A_437 = arith.constant 44 : i32
        %broadcast_in_dim3A_438 = vector.broadcast %broadcast_in_dim3A_437 : i32 to vector<16xi32>
        %gather3A_439 = tpu.vector_load_idx %arg9[%add3A_179, %broadcast_in_dim3A_438] : memref<128x80xf32, #tpu.memory_space<vmem>>[vector<16xi32>, vector<16xi32>], vector<16xf32>,
        %mul3A_440 = arith.mulf %gather3A_439, %exp3A_418 : vector<16xf32>
        tpu.vector_store_idx %arg13[%add3A_179, %broadcast_in_dim3A_438], %mul3A_440 : memref<128x72xf32, #tpu.memory_space<vmem>>[vector<16xi32>, vector<16xi32>], vector<16xf32>,
        %broadcast_in_dim3A_441 = arith.constant 45 : i32
        %broadcast_in_dim3A_442 = vector.broadcast %broadcast_in_dim3A_441 : i32 to vector<16xi32>
        %gather3A_443 = tpu.vector_load_idx %arg9[%add3A_179, %broadcast_in_dim3A_442] : memref<128x80xf32, #tpu.memory_space<vmem>>[vector<16xi32>, vector<16xi32>], vector<16xf32>,
        %mul3A_444 = arith.mulf %gather3A_443, %exp3A_418 : vector<16xf32>
        tpu.vector_store_idx %arg13[%add3A_179, %broadcast_in_dim3A_442], %mul3A_444 : memref<128x72xf32, #tpu.memory_space<vmem>>[vector<16xi32>, vector<16xi32>], vector<16xf32>,
        %broadcast_in_dim3A_445 = arith.constant 46 : i32
        %broadcast_in_dim3A_446 = vector.broadcast %broadcast_in_dim3A_445 : i32 to vector<16xi32>
        %gather3A_447 = tpu.vector_load_idx %arg9[%add3A_179, %broadcast_in_dim3A_446] : memref<128x80xf32, #tpu.memory_space<vmem>>[vector<16xi32>, vector<16xi32>], vector<16xf32>,
        %mul3A_448 = arith.mulf %gather3A_447, %exp3A_418 : vector<16xf32>
        tpu.vector_store_idx %arg13[%add3A_179, %broadcast_in_dim3A_446], %mul3A_448 : memref<128x72xf32, #tpu.memory_space<vmem>>[vector<16xi32>, vector<16xi32>], vector<16xf32>,
        %broadcast_in_dim3A_449 = arith.constant 47 : i32
        %broadcast_in_dim3A_450 = vector.broadcast %broadcast_in_dim3A_449 : i32 to vector<16xi32>
        %gather3A_451 = tpu.vector_load_idx %arg9[%add3A_179, %broadcast_in_dim3A_450] : memref<128x80xf32, #tpu.memory_space<vmem>>[vector<16xi32>, vector<16xi32>], vector<16xf32>,
        %mul3A_452 = arith.mulf %gather3A_451, %exp3A_418 : vector<16xf32>
        tpu.vector_store_idx %arg13[%add3A_179, %broadcast_in_dim3A_450], %mul3A_452 : memref<128x72xf32, #tpu.memory_space<vmem>>[vector<16xi32>, vector<16xi32>], vector<16xf32>,
        %broadcast_in_dim3A_453 = arith.constant 70 : i32
        %broadcast_in_dim3A_454 = vector.broadcast %broadcast_in_dim3A_453 : i32 to vector<16xi32>
        %gather3A_455 = tpu.vector_load_idx %arg9[%add3A_179, %broadcast_in_dim3A_454] : memref<128x80xf32, #tpu.memory_space<vmem>>[vector<16xi32>, vector<16xi32>], vector<16xf32>,
        %broadcast_in_dim3A_456 = arith.constant 14 : i32
        %broadcast_in_dim3A_457 = vector.broadcast %broadcast_in_dim3A_456 : i32 to vector<16xi32>
        %gather3A_458 = tpu.vector_load_idx %arg11[%add3A_179, %broadcast_in_dim3A_457] : memref<128x16xf32, #tpu.memory_space<vmem>>[vector<16xi32>, vector<16xi32>], vector<16xf32>,
        %add3A_459 = arith.addf %gather3A_455, %gather3A_458 : vector<16xf32>
        %mul3A_460 = arith.constant 2.000000e-01 : f32
        %mul3A_461 = vector.broadcast %mul3A_460 : f32 to vector<16xf32>
        %mul3A_462 = arith.mulf %mul3A_461, %add3A_459 : vector<16xf32>
        %max3A_463 = arith.maximumf %add3A_459, %mul3A_462 : vector<16xf32>
        %exp3A_464 = math.exp %max3A_463 : vector<16xf32>
        %broadcast_in_dim3A_465 = arith.constant 70 : i32
        %broadcast_in_dim3A_466 = vector.broadcast %broadcast_in_dim3A_465 : i32 to vector<16xi32>
        tpu.vector_store_idx %arg13[%add3A_179, %broadcast_in_dim3A_466], %exp3A_464 : memref<128x72xf32, #tpu.memory_space<vmem>>[vector<16xi32>, vector<16xi32>], vector<16xf32>,
        %broadcast_in_dim3A_467 = arith.constant 48 : i32
        %broadcast_in_dim3A_468 = vector.broadcast %broadcast_in_dim3A_467 : i32 to vector<16xi32>
        %gather3A_469 = tpu.vector_load_idx %arg9[%add3A_179, %broadcast_in_dim3A_468] : memref<128x80xf32, #tpu.memory_space<vmem>>[vector<16xi32>, vector<16xi32>], vector<16xf32>,
        %mul3A_470 = arith.mulf %gather3A_469, %exp3A_464 : vector<16xf32>
        tpu.vector_store_idx %arg13[%add3A_179, %broadcast_in_dim3A_468], %mul3A_470 : memref<128x72xf32, #tpu.memory_space<vmem>>[vector<16xi32>, vector<16xi32>], vector<16xf32>,
        %broadcast_in_dim3A_471 = arith.constant 49 : i32
        %broadcast_in_dim3A_472 = vector.broadcast %broadcast_in_dim3A_471 : i32 to vector<16xi32>
        %gather3A_473 = tpu.vector_load_idx %arg9[%add3A_179, %broadcast_in_dim3A_472] : memref<128x80xf32, #tpu.memory_space<vmem>>[vector<16xi32>, vector<16xi32>], vector<16xf32>,
        %mul3A_474 = arith.mulf %gather3A_473, %exp3A_464 : vector<16xf32>
        tpu.vector_store_idx %arg13[%add3A_179, %broadcast_in_dim3A_472], %mul3A_474 : memref<128x72xf32, #tpu.memory_space<vmem>>[vector<16xi32>, vector<16xi32>], vector<16xf32>,
        %broadcast_in_dim3A_475 = arith.constant 50 : i32
        %broadcast_in_dim3A_476 = vector.broadcast %broadcast_in_dim3A_475 : i32 to vector<16xi32>
        %gather3A_477 = tpu.vector_load_idx %arg9[%add3A_179, %broadcast_in_dim3A_476] : memref<128x80xf32, #tpu.memory_space<vmem>>[vector<16xi32>, vector<16xi32>], vector<16xf32>,
        %mul3A_478 = arith.mulf %gather3A_477, %exp3A_464 : vector<16xf32>
        tpu.vector_store_idx %arg13[%add3A_179, %broadcast_in_dim3A_476], %mul3A_478 : memref<128x72xf32, #tpu.memory_space<vmem>>[vector<16xi32>, vector<16xi32>], vector<16xf32>,
        %broadcast_in_dim3A_479 = arith.constant 51 : i32
        %broadcast_in_dim3A_480 = vector.broadcast %broadcast_in_dim3A_479 : i32 to vector<16xi32>
        %gather3A_481 = tpu.vector_load_idx %arg9[%add3A_179, %broadcast_in_dim3A_480] : memref<128x80xf32, #tpu.memory_space<vmem>>[vector<16xi32>, vector<16xi32>], vector<16xf32>,
        %mul3A_482 = arith.mulf %gather3A_481, %exp3A_464 : vector<16xf32>
        tpu.vector_store_idx %arg13[%add3A_179, %broadcast_in_dim3A_480], %mul3A_482 : memref<128x72xf32, #tpu.memory_space<vmem>>[vector<16xi32>, vector<16xi32>], vector<16xf32>,
        %broadcast_in_dim3A_483 = arith.constant 52 : i32
        %broadcast_in_dim3A_484 = vector.broadcast %broadcast_in_dim3A_483 : i32 to vector<16xi32>
        %gather3A_485 = tpu.vector_load_idx %arg9[%add3A_179, %broadcast_in_dim3A_484] : memref<128x80xf32, #tpu.memory_space<vmem>>[vector<16xi32>, vector<16xi32>], vector<16xf32>,
        %mul3A_486 = arith.mulf %gather3A_485, %exp3A_464 : vector<16xf32>
        tpu.vector_store_idx %arg13[%add3A_179, %broadcast_in_dim3A_484], %mul3A_486 : memref<128x72xf32, #tpu.memory_space<vmem>>[vector<16xi32>, vector<16xi32>], vector<16xf32>,
        %broadcast_in_dim3A_487 = arith.constant 53 : i32
        %broadcast_in_dim3A_488 = vector.broadcast %broadcast_in_dim3A_487 : i32 to vector<16xi32>
        %gather3A_489 = tpu.vector_load_idx %arg9[%add3A_179, %broadcast_in_dim3A_488] : memref<128x80xf32, #tpu.memory_space<vmem>>[vector<16xi32>, vector<16xi32>], vector<16xf32>,
        %mul3A_490 = arith.mulf %gather3A_489, %exp3A_464 : vector<16xf32>
        tpu.vector_store_idx %arg13[%add3A_179, %broadcast_in_dim3A_488], %mul3A_490 : memref<128x72xf32, #tpu.memory_space<vmem>>[vector<16xi32>, vector<16xi32>], vector<16xf32>,
        %broadcast_in_dim3A_491 = arith.constant 54 : i32
        %broadcast_in_dim3A_492 = vector.broadcast %broadcast_in_dim3A_491 : i32 to vector<16xi32>
        %gather3A_493 = tpu.vector_load_idx %arg9[%add3A_179, %broadcast_in_dim3A_492] : memref<128x80xf32, #tpu.memory_space<vmem>>[vector<16xi32>, vector<16xi32>], vector<16xf32>,
        %mul3A_494 = arith.mulf %gather3A_493, %exp3A_464 : vector<16xf32>
        tpu.vector_store_idx %arg13[%add3A_179, %broadcast_in_dim3A_492], %mul3A_494 : memref<128x72xf32, #tpu.memory_space<vmem>>[vector<16xi32>, vector<16xi32>], vector<16xf32>,
        %broadcast_in_dim3A_495 = arith.constant 55 : i32
        %broadcast_in_dim3A_496 = vector.broadcast %broadcast_in_dim3A_495 : i32 to vector<16xi32>
        %gather3A_497 = tpu.vector_load_idx %arg9[%add3A_179, %broadcast_in_dim3A_496] : memref<128x80xf32, #tpu.memory_space<vmem>>[vector<16xi32>, vector<16xi32>], vector<16xf32>,
        %mul3A_498 = arith.mulf %gather3A_497, %exp3A_464 : vector<16xf32>
        tpu.vector_store_idx %arg13[%add3A_179, %broadcast_in_dim3A_496], %mul3A_498 : memref<128x72xf32, #tpu.memory_space<vmem>>[vector<16xi32>, vector<16xi32>], vector<16xf32>,
        %broadcast_in_dim3A_499 = arith.constant 71 : i32
        %broadcast_in_dim3A_500 = vector.broadcast %broadcast_in_dim3A_499 : i32 to vector<16xi32>
        %gather3A_501 = tpu.vector_load_idx %arg9[%add3A_179, %broadcast_in_dim3A_500] : memref<128x80xf32, #tpu.memory_space<vmem>>[vector<16xi32>, vector<16xi32>], vector<16xf32>,
        %broadcast_in_dim3A_502 = arith.constant 15 : i32
        %broadcast_in_dim3A_503 = vector.broadcast %broadcast_in_dim3A_502 : i32 to vector<16xi32>
        %gather3A_504 = tpu.vector_load_idx %arg11[%add3A_179, %broadcast_in_dim3A_503] : memref<128x16xf32, #tpu.memory_space<vmem>>[vector<16xi32>, vector<16xi32>], vector<16xf32>,
        %add3A_505 = arith.addf %gather3A_501, %gather3A_504 : vector<16xf32>
        %mul3A_506 = arith.constant 2.000000e-01 : f32
        %mul3A_507 = vector.broadcast %mul3A_506 : f32 to vector<16xf32>
        %mul3A_508 = arith.mulf %mul3A_507, %add3A_505 : vector<16xf32>
        %max3A_509 = arith.maximumf %add3A_505, %mul3A_508 : vector<16xf32>
        %exp3A_510 = math.exp %max3A_509 : vector<16xf32>
        %broadcast_in_dim3A_511 = arith.constant 71 : i32
        %broadcast_in_dim3A_512 = vector.broadcast %broadcast_in_dim3A_511 : i32 to vector<16xi32>
        tpu.vector_store_idx %arg13[%add3A_179, %broadcast_in_dim3A_512], %exp3A_510 : memref<128x72xf32, #tpu.memory_space<vmem>>[vector<16xi32>, vector<16xi32>], vector<16xf32>,
        %broadcast_in_dim3A_513 = arith.constant 56 : i32
        %broadcast_in_dim3A_514 = vector.broadcast %broadcast_in_dim3A_513 : i32 to vector<16xi32>
        %gather3A_515 = tpu.vector_load_idx %arg9[%add3A_179, %broadcast_in_dim3A_514] : memref<128x80xf32, #tpu.memory_space<vmem>>[vector<16xi32>, vector<16xi32>], vector<16xf32>,
        %mul3A_516 = arith.mulf %gather3A_515, %exp3A_510 : vector<16xf32>
        tpu.vector_store_idx %arg13[%add3A_179, %broadcast_in_dim3A_514], %mul3A_516 : memref<128x72xf32, #tpu.memory_space<vmem>>[vector<16xi32>, vector<16xi32>], vector<16xf32>,
        %broadcast_in_dim3A_517 = arith.constant 57 : i32
        %broadcast_in_dim3A_518 = vector.broadcast %broadcast_in_dim3A_517 : i32 to vector<16xi32>
        %gather3A_519 = tpu.vector_load_idx %arg9[%add3A_179, %broadcast_in_dim3A_518] : memref<128x80xf32, #tpu.memory_space<vmem>>[vector<16xi32>, vector<16xi32>], vector<16xf32>,
        %mul3A_520 = arith.mulf %gather3A_519, %exp3A_510 : vector<16xf32>
        tpu.vector_store_idx %arg13[%add3A_179, %broadcast_in_dim3A_518], %mul3A_520 : memref<128x72xf32, #tpu.memory_space<vmem>>[vector<16xi32>, vector<16xi32>], vector<16xf32>,
        %broadcast_in_dim3A_521 = arith.constant 58 : i32
        %broadcast_in_dim3A_522 = vector.broadcast %broadcast_in_dim3A_521 : i32 to vector<16xi32>
        %gather3A_523 = tpu.vector_load_idx %arg9[%add3A_179, %broadcast_in_dim3A_522] : memref<128x80xf32, #tpu.memory_space<vmem>>[vector<16xi32>, vector<16xi32>], vector<16xf32>,
        %mul3A_524 = arith.mulf %gather3A_523, %exp3A_510 : vector<16xf32>
        tpu.vector_store_idx %arg13[%add3A_179, %broadcast_in_dim3A_522], %mul3A_524 : memref<128x72xf32, #tpu.memory_space<vmem>>[vector<16xi32>, vector<16xi32>], vector<16xf32>,
        %broadcast_in_dim3A_525 = arith.constant 59 : i32
        %broadcast_in_dim3A_526 = vector.broadcast %broadcast_in_dim3A_525 : i32 to vector<16xi32>
        %gather3A_527 = tpu.vector_load_idx %arg9[%add3A_179, %broadcast_in_dim3A_526] : memref<128x80xf32, #tpu.memory_space<vmem>>[vector<16xi32>, vector<16xi32>], vector<16xf32>,
        %mul3A_528 = arith.mulf %gather3A_527, %exp3A_510 : vector<16xf32>
        tpu.vector_store_idx %arg13[%add3A_179, %broadcast_in_dim3A_526], %mul3A_528 : memref<128x72xf32, #tpu.memory_space<vmem>>[vector<16xi32>, vector<16xi32>], vector<16xf32>,
        %broadcast_in_dim3A_529 = arith.constant 60 : i32
        %broadcast_in_dim3A_530 = vector.broadcast %broadcast_in_dim3A_529 : i32 to vector<16xi32>
        %gather3A_531 = tpu.vector_load_idx %arg9[%add3A_179, %broadcast_in_dim3A_530] : memref<128x80xf32, #tpu.memory_space<vmem>>[vector<16xi32>, vector<16xi32>], vector<16xf32>,
        %mul3A_532 = arith.mulf %gather3A_531, %exp3A_510 : vector<16xf32>
        tpu.vector_store_idx %arg13[%add3A_179, %broadcast_in_dim3A_530], %mul3A_532 : memref<128x72xf32, #tpu.memory_space<vmem>>[vector<16xi32>, vector<16xi32>], vector<16xf32>,
        %broadcast_in_dim3A_533 = arith.constant 61 : i32
        %broadcast_in_dim3A_534 = vector.broadcast %broadcast_in_dim3A_533 : i32 to vector<16xi32>
        %gather3A_535 = tpu.vector_load_idx %arg9[%add3A_179, %broadcast_in_dim3A_534] : memref<128x80xf32, #tpu.memory_space<vmem>>[vector<16xi32>, vector<16xi32>], vector<16xf32>,
        %mul3A_536 = arith.mulf %gather3A_535, %exp3A_510 : vector<16xf32>
        tpu.vector_store_idx %arg13[%add3A_179, %broadcast_in_dim3A_534], %mul3A_536 : memref<128x72xf32, #tpu.memory_space<vmem>>[vector<16xi32>, vector<16xi32>], vector<16xf32>,
        %broadcast_in_dim3A_537 = arith.constant 62 : i32
        %broadcast_in_dim3A_538 = vector.broadcast %broadcast_in_dim3A_537 : i32 to vector<16xi32>
        %gather3A_539 = tpu.vector_load_idx %arg9[%add3A_179, %broadcast_in_dim3A_538] : memref<128x80xf32, #tpu.memory_space<vmem>>[vector<16xi32>, vector<16xi32>], vector<16xf32>,
        %mul3A_540 = arith.mulf %gather3A_539, %exp3A_510 : vector<16xf32>
        tpu.vector_store_idx %arg13[%add3A_179, %broadcast_in_dim3A_538], %mul3A_540 : memref<128x72xf32, #tpu.memory_space<vmem>>[vector<16xi32>, vector<16xi32>], vector<16xf32>,
        %broadcast_in_dim3A_541 = arith.constant 63 : i32
        %broadcast_in_dim3A_542 = vector.broadcast %broadcast_in_dim3A_541 : i32 to vector<16xi32>
        %gather3A_543 = tpu.vector_load_idx %arg9[%add3A_179, %broadcast_in_dim3A_542] : memref<128x80xf32, #tpu.memory_space<vmem>>[vector<16xi32>, vector<16xi32>], vector<16xf32>,
        %mul3A_544 = arith.mulf %gather3A_543, %exp3A_510 : vector<16xf32>
        tpu.vector_store_idx %arg13[%add3A_179, %broadcast_in_dim3A_542], %mul3A_544 : memref<128x72xf32, #tpu.memory_space<vmem>>[vector<16xi32>, vector<16xi32>], vector<16xf32>,
      }
      %scan3A_131 = arith.constant 8 : i32
      %dma_start3A_132 = arith.constant 0 : i32
      %dma_start3A_133 = tpu.memref_slice %arg8[%add3A_95, %dma_start3A_132] : memref<80x128xi32, #tpu.memory_space<vmem>> -> memref<1x128xi32, #tpu.memory_space<vmem>>
      %dma_start3A_134 = tpu.memref_squeeze %dma_start3A_133 : memref<1x128xi32, #tpu.memory_space<vmem>> -> memref<128xi32, #tpu.memory_space<vmem>>
      %dma_start3A_135 = arith.constant 0 : i32
      %dma_start3A_136 = arith.constant 0 : i32
      %dma_start3A_137 = tpu.memref_slice %arg15[%dma_start3A_135, %dma_start3A_136] : memref<10016x72xf32, #tpu.memory_space<vmem_shared>> -> memref<10016x72xf32, #tpu.memory_space<vmem_shared>>
      tpu.enqueue_indirect_dma source(%arg13 : memref<128x72xf32, #tpu.memory_space<vmem>>) target(%dma_start3A_137 : memref<10016x72xf32, #tpu.memory_space<vmem_shared>>) offsets(%dma_start3A_134 : memref<128xi32, #tpu.memory_space<vmem>>) semaphore(%arg19 : memref<!tpu.dma_semaphore, #tpu.memory_space<semaphore_mem>>) {add = true}
      %mul3A_138 = arith.constant 2 : i32
      %mul3A_139 = arith.muli %mul3A_138, %scan3A_91 : i32
      %add3A_140 = arith.constant 1 : i32
      %add3A_141 = arith.addi %mul3A_139, %add3A_140 : i32
      %lt3A = arith.constant 39 : i32
      %lt3A_142 = arith.cmpi slt, %scan3A_91, %lt3A : i32
      %convert_element_type3A_143 = arith.extui %lt3A_142 : i1 to i32
      %cond3A_144 = arith.constant 0 : i32
      %cond3A_145 = arith.cmpi ne, %convert_element_type3A_143, %cond3A_144 : i32
      scf.if %cond3A_145 {
        %add3A_175 = arith.constant 1 : i32
        %add3A_176 = arith.addi %add3A_141, %add3A_175 : i32
        %dma_start3A_177 = arith.constant 0 : i32
        %dma_start3A_178 = tpu.memref_slice %arg7[%add3A_176, %dma_start3A_177] : memref<80x128xi32, #tpu.memory_space<vmem>> -> memref<1x128xi32, #tpu.memory_space<vmem>>
        %dma_start3A_179 = tpu.memref_squeeze %dma_start3A_178 : memref<1x128xi32, #tpu.memory_space<vmem>> -> memref<128xi32, #tpu.memory_space<vmem>>
        %dma_start3A_180 = arith.constant 0 : i32
        %dma_start3A_181 = arith.constant 0 : i32
        %dma_start3A_182 = tpu.memref_slice %arg2[%dma_start3A_180, %dma_start3A_181] : memref<10016x80xf32, #tpu.memory_space<hbm>> -> memref<10016x80xf32, #tpu.memory_space<hbm>>
        tpu.enqueue_indirect_dma source(%dma_start3A_182 : memref<10016x80xf32, #tpu.memory_space<hbm>>) target(%arg9 : memref<128x80xf32, #tpu.memory_space<vmem>>) offsets(%dma_start3A_179 : memref<128xi32, #tpu.memory_space<vmem>>) semaphore(%arg17 : memref<!tpu.dma_semaphore, #tpu.memory_space<semaphore_mem>>)
        %dma_start3A_183 = arith.constant 0 : i32
        %dma_start3A_184 = tpu.memref_slice %arg8[%add3A_176, %dma_start3A_183] : memref<80x128xi32, #tpu.memory_space<vmem>> -> memref<1x128xi32, #tpu.memory_space<vmem>>
        %dma_start3A_185 = tpu.memref_squeeze %dma_start3A_184 : memref<1x128xi32, #tpu.memory_space<vmem>> -> memref<128xi32, #tpu.memory_space<vmem>>
        %dma_start3A_186 = arith.constant 0 : i32
        %dma_start3A_187 = arith.constant 0 : i32
        %dma_start3A_188 = tpu.memref_slice %arg3[%dma_start3A_186, %dma_start3A_187] : memref<10016x16xf32, #tpu.memory_space<hbm>> -> memref<10016x16xf32, #tpu.memory_space<hbm>>
        tpu.enqueue_indirect_dma source(%dma_start3A_188 : memref<10016x16xf32, #tpu.memory_space<hbm>>) target(%arg11 : memref<128x16xf32, #tpu.memory_space<vmem>>) offsets(%dma_start3A_185 : memref<128xi32, #tpu.memory_space<vmem>>) semaphore(%arg17 : memref<!tpu.dma_semaphore, #tpu.memory_space<semaphore_mem>>)
      } else {
      }
      %dma_wait3A_146 = arith.constant 0 : i32
      %dma_wait3A_147 = tpu.memref_slice %arg7[%add3A_141, %dma_wait3A_146] : memref<80x128xi32, #tpu.memory_space<vmem>> -> memref<1x128xi32, #tpu.memory_space<vmem>>
      %dma_wait3A_148 = tpu.memref_squeeze %dma_wait3A_147 : memref<1x128xi32, #tpu.memory_space<vmem>> -> memref<128xi32, #tpu.memory_space<vmem>>
      %dma_wait3A_149 = arith.constant 0 : i32
      %dma_wait3A_150 = arith.constant 0 : i32
      %dma_wait3A_151 = tpu.memref_slice %arg2[%dma_wait3A_149, %dma_wait3A_150] : memref<10016x80xf32, #tpu.memory_space<hbm>> -> memref<10016x80xf32, #tpu.memory_space<hbm>>
      tpu.wait_indirect_dma semaphore(%arg18 : memref<!tpu.dma_semaphore, #tpu.memory_space<semaphore_mem>>) src(%dma_wait3A_151 : memref<10016x80xf32, #tpu.memory_space<hbm>>) dst(%arg10 : memref<128x80xf32, #tpu.memory_space<vmem>>)
      %dma_wait3A_152 = arith.constant 0 : i32
      %dma_wait3A_153 = tpu.memref_slice %arg8[%add3A_141, %dma_wait3A_152] : memref<80x128xi32, #tpu.memory_space<vmem>> -> memref<1x128xi32, #tpu.memory_space<vmem>>
      %dma_wait3A_154 = tpu.memref_squeeze %dma_wait3A_153 : memref<1x128xi32, #tpu.memory_space<vmem>> -> memref<128xi32, #tpu.memory_space<vmem>>
      %dma_wait3A_155 = arith.constant 0 : i32
      %dma_wait3A_156 = arith.constant 0 : i32
      %dma_wait3A_157 = tpu.memref_slice %arg3[%dma_wait3A_155, %dma_wait3A_156] : memref<10016x16xf32, #tpu.memory_space<hbm>> -> memref<10016x16xf32, #tpu.memory_space<hbm>>
      tpu.wait_indirect_dma semaphore(%arg18 : memref<!tpu.dma_semaphore, #tpu.memory_space<semaphore_mem>>) src(%dma_wait3A_157 : memref<10016x16xf32, #tpu.memory_space<hbm>>) dst(%arg12 : memref<128x16xf32, #tpu.memory_space<vmem>>)
      %ge3A_158 = arith.constant 1 : i32
      %ge3A_159 = arith.cmpi sge, %scan3A_91, %ge3A_158 : i32
      %convert_element_type3A_160 = arith.extui %ge3A_159 : i1 to i32
      %cond3A_161 = arith.constant 0 : i32
      %cond3A_162 = arith.cmpi ne, %convert_element_type3A_160, %cond3A_161 : i32
      scf.if %cond3A_162 {
        %sub3A = arith.constant 2 : i32
        %sub3A_175 = arith.subi %add3A_141, %sub3A : i32
        %dma_wait3A_176 = arith.constant 0 : i32
        %dma_wait3A_177 = tpu.memref_slice %arg8[%sub3A_175, %dma_wait3A_176] : memref<80x128xi32, #tpu.memory_space<vmem>> -> memref<1x128xi32, #tpu.memory_space<vmem>>
        %dma_wait3A_178 = tpu.memref_squeeze %dma_wait3A_177 : memref<1x128xi32, #tpu.memory_space<vmem>> -> memref<128xi32, #tpu.memory_space<vmem>>
        %dma_wait3A_179 = arith.constant 0 : i32
        %dma_wait3A_180 = arith.constant 0 : i32
        %dma_wait3A_181 = tpu.memref_slice %arg15[%dma_wait3A_179, %dma_wait3A_180] : memref<10016x72xf32, #tpu.memory_space<vmem_shared>> -> memref<10016x72xf32, #tpu.memory_space<vmem_shared>>
        tpu.wait_indirect_dma semaphore(%arg20 : memref<!tpu.dma_semaphore, #tpu.memory_space<semaphore_mem>>) src(%arg14 : memref<128x72xf32, #tpu.memory_space<vmem>>) dst(%dma_wait3A_181 : memref<10016x72xf32, #tpu.memory_space<vmem_shared>>)
      } else {
      }
      %scan3A_163 = arith.constant 0 : i32
      %scan3A_164 = arith.constant 0 : i32
      %scan3A_165 = arith.constant 8 : i32
      %scan3A_166 = arith.addi %scan3A_164, %scan3A_165 : i32
      %scan3A_167 = arith.constant 1 : i32
      scf.for %scan3A_175 = %scan3A_164 to %scan3A_166 step %scan3A_167  : i32 {
        %mul3A_176 = arith.constant 16 : i32
        %mul3A_177 = arith.muli %scan3A_175, %mul3A_176 : i32
        %add3A_178 = vector.broadcast %mul3A_177 : i32 to vector<16xi32>
        %add3A_179 = arith.addi %add3A_178, %iota3A : vector<16xi32>
        %broadcast_in_dim3A_180 = arith.constant 64 : i32
        %broadcast_in_dim3A_181 = vector.broadcast %broadcast_in_dim3A_180 : i32 to vector<16xi32>
        %gather3A = tpu.vector_load_idx %arg10[%add3A_179, %broadcast_in_dim3A_181] : memref<128x80xf32, #tpu.memory_space<vmem>>[vector<16xi32>, vector<16xi32>], vector<16xf32>,
        %broadcast_in_dim3A_182 = arith.constant 8 : i32
        %broadcast_in_dim3A_183 = vector.broadcast %broadcast_in_dim3A_182 : i32 to vector<16xi32>
        %gather3A_184 = tpu.vector_load_idx %arg12[%add3A_179, %broadcast_in_dim3A_183] : memref<128x16xf32, #tpu.memory_space<vmem>>[vector<16xi32>, vector<16xi32>], vector<16xf32>,
        %add3A_185 = arith.addf %gather3A, %gather3A_184 : vector<16xf32>
        %mul3A_186 = arith.constant 2.000000e-01 : f32
        %mul3A_187 = vector.broadcast %mul3A_186 : f32 to vector<16xf32>
        %mul3A_188 = arith.mulf %mul3A_187, %add3A_185 : vector<16xf32>
        %max3A = arith.maximumf %add3A_185, %mul3A_188 : vector<16xf32>
        %exp3A = math.exp %max3A : vector<16xf32>
        %broadcast_in_dim3A_189 = arith.constant 64 : i32
        %broadcast_in_dim3A_190 = vector.broadcast %broadcast_in_dim3A_189 : i32 to vector<16xi32>
        tpu.vector_store_idx %arg14[%add3A_179, %broadcast_in_dim3A_190], %exp3A : memref<128x72xf32, #tpu.memory_space<vmem>>[vector<16xi32>, vector<16xi32>], vector<16xf32>,
        %broadcast_in_dim3A_191 = arith.constant 0 : i32
        %broadcast_in_dim3A_192 = vector.broadcast %broadcast_in_dim3A_191 : i32 to vector<16xi32>
        %gather3A_193 = tpu.vector_load_idx %arg10[%add3A_179, %broadcast_in_dim3A_192] : memref<128x80xf32, #tpu.memory_space<vmem>>[vector<16xi32>, vector<16xi32>], vector<16xf32>,
        %mul3A_194 = arith.mulf %gather3A_193, %exp3A : vector<16xf32>
        tpu.vector_store_idx %arg14[%add3A_179, %broadcast_in_dim3A_192], %mul3A_194 : memref<128x72xf32, #tpu.memory_space<vmem>>[vector<16xi32>, vector<16xi32>], vector<16xf32>,
        %broadcast_in_dim3A_195 = arith.constant 1 : i32
        %broadcast_in_dim3A_196 = vector.broadcast %broadcast_in_dim3A_195 : i32 to vector<16xi32>
        %gather3A_197 = tpu.vector_load_idx %arg10[%add3A_179, %broadcast_in_dim3A_196] : memref<128x80xf32, #tpu.memory_space<vmem>>[vector<16xi32>, vector<16xi32>], vector<16xf32>,
        %mul3A_198 = arith.mulf %gather3A_197, %exp3A : vector<16xf32>
        tpu.vector_store_idx %arg14[%add3A_179, %broadcast_in_dim3A_196], %mul3A_198 : memref<128x72xf32, #tpu.memory_space<vmem>>[vector<16xi32>, vector<16xi32>], vector<16xf32>,
        %broadcast_in_dim3A_199 = arith.constant 2 : i32
        %broadcast_in_dim3A_200 = vector.broadcast %broadcast_in_dim3A_199 : i32 to vector<16xi32>
        %gather3A_201 = tpu.vector_load_idx %arg10[%add3A_179, %broadcast_in_dim3A_200] : memref<128x80xf32, #tpu.memory_space<vmem>>[vector<16xi32>, vector<16xi32>], vector<16xf32>,
        %mul3A_202 = arith.mulf %gather3A_201, %exp3A : vector<16xf32>
        tpu.vector_store_idx %arg14[%add3A_179, %broadcast_in_dim3A_200], %mul3A_202 : memref<128x72xf32, #tpu.memory_space<vmem>>[vector<16xi32>, vector<16xi32>], vector<16xf32>,
        %broadcast_in_dim3A_203 = arith.constant 3 : i32
        %broadcast_in_dim3A_204 = vector.broadcast %broadcast_in_dim3A_203 : i32 to vector<16xi32>
        %gather3A_205 = tpu.vector_load_idx %arg10[%add3A_179, %broadcast_in_dim3A_204] : memref<128x80xf32, #tpu.memory_space<vmem>>[vector<16xi32>, vector<16xi32>], vector<16xf32>,
        %mul3A_206 = arith.mulf %gather3A_205, %exp3A : vector<16xf32>
        tpu.vector_store_idx %arg14[%add3A_179, %broadcast_in_dim3A_204], %mul3A_206 : memref<128x72xf32, #tpu.memory_space<vmem>>[vector<16xi32>, vector<16xi32>], vector<16xf32>,
        %broadcast_in_dim3A_207 = arith.constant 4 : i32
        %broadcast_in_dim3A_208 = vector.broadcast %broadcast_in_dim3A_207 : i32 to vector<16xi32>
        %gather3A_209 = tpu.vector_load_idx %arg10[%add3A_179, %broadcast_in_dim3A_208] : memref<128x80xf32, #tpu.memory_space<vmem>>[vector<16xi32>, vector<16xi32>], vector<16xf32>,
        %mul3A_210 = arith.mulf %gather3A_209, %exp3A : vector<16xf32>
        tpu.vector_store_idx %arg14[%add3A_179, %broadcast_in_dim3A_208], %mul3A_210 : memref<128x72xf32, #tpu.memory_space<vmem>>[vector<16xi32>, vector<16xi32>], vector<16xf32>,
        %broadcast_in_dim3A_211 = arith.constant 5 : i32
        %broadcast_in_dim3A_212 = vector.broadcast %broadcast_in_dim3A_211 : i32 to vector<16xi32>
        %gather3A_213 = tpu.vector_load_idx %arg10[%add3A_179, %broadcast_in_dim3A_212] : memref<128x80xf32, #tpu.memory_space<vmem>>[vector<16xi32>, vector<16xi32>], vector<16xf32>,
        %mul3A_214 = arith.mulf %gather3A_213, %exp3A : vector<16xf32>
        tpu.vector_store_idx %arg14[%add3A_179, %broadcast_in_dim3A_212], %mul3A_214 : memref<128x72xf32, #tpu.memory_space<vmem>>[vector<16xi32>, vector<16xi32>], vector<16xf32>,
        %broadcast_in_dim3A_215 = arith.constant 6 : i32
        %broadcast_in_dim3A_216 = vector.broadcast %broadcast_in_dim3A_215 : i32 to vector<16xi32>
        %gather3A_217 = tpu.vector_load_idx %arg10[%add3A_179, %broadcast_in_dim3A_216] : memref<128x80xf32, #tpu.memory_space<vmem>>[vector<16xi32>, vector<16xi32>], vector<16xf32>,
        %mul3A_218 = arith.mulf %gather3A_217, %exp3A : vector<16xf32>
        tpu.vector_store_idx %arg14[%add3A_179, %broadcast_in_dim3A_216], %mul3A_218 : memref<128x72xf32, #tpu.memory_space<vmem>>[vector<16xi32>, vector<16xi32>], vector<16xf32>,
        %broadcast_in_dim3A_219 = arith.constant 7 : i32
        %broadcast_in_dim3A_220 = vector.broadcast %broadcast_in_dim3A_219 : i32 to vector<16xi32>
        %gather3A_221 = tpu.vector_load_idx %arg10[%add3A_179, %broadcast_in_dim3A_220] : memref<128x80xf32, #tpu.memory_space<vmem>>[vector<16xi32>, vector<16xi32>], vector<16xf32>,
        %mul3A_222 = arith.mulf %gather3A_221, %exp3A : vector<16xf32>
        tpu.vector_store_idx %arg14[%add3A_179, %broadcast_in_dim3A_220], %mul3A_222 : memref<128x72xf32, #tpu.memory_space<vmem>>[vector<16xi32>, vector<16xi32>], vector<16xf32>,
        %broadcast_in_dim3A_223 = arith.constant 65 : i32
        %broadcast_in_dim3A_224 = vector.broadcast %broadcast_in_dim3A_223 : i32 to vector<16xi32>
        %gather3A_225 = tpu.vector_load_idx %arg10[%add3A_179, %broadcast_in_dim3A_224] : memref<128x80xf32, #tpu.memory_space<vmem>>[vector<16xi32>, vector<16xi32>], vector<16xf32>,
        %broadcast_in_dim3A_226 = arith.constant 9 : i32
        %broadcast_in_dim3A_227 = vector.broadcast %broadcast_in_dim3A_226 : i32 to vector<16xi32>
        %gather3A_228 = tpu.vector_load_idx %arg12[%add3A_179, %broadcast_in_dim3A_227] : memref<128x16xf32, #tpu.memory_space<vmem>>[vector<16xi32>, vector<16xi32>], vector<16xf32>,
        %add3A_229 = arith.addf %gather3A_225, %gather3A_228 : vector<16xf32>
        %mul3A_230 = arith.constant 2.000000e-01 : f32
        %mul3A_231 = vector.broadcast %mul3A_230 : f32 to vector<16xf32>
        %mul3A_232 = arith.mulf %mul3A_231, %add3A_229 : vector<16xf32>
        %max3A_233 = arith.maximumf %add3A_229, %mul3A_232 : vector<16xf32>
        %exp3A_234 = math.exp %max3A_233 : vector<16xf32>
        %broadcast_in_dim3A_235 = arith.constant 65 : i32
        %broadcast_in_dim3A_236 = vector.broadcast %broadcast_in_dim3A_235 : i32 to vector<16xi32>
        tpu.vector_store_idx %arg14[%add3A_179, %broadcast_in_dim3A_236], %exp3A_234 : memref<128x72xf32, #tpu.memory_space<vmem>>[vector<16xi32>, vector<16xi32>], vector<16xf32>,
        %broadcast_in_dim3A_237 = arith.constant 8 : i32
        %broadcast_in_dim3A_238 = vector.broadcast %broadcast_in_dim3A_237 : i32 to vector<16xi32>
        %gather3A_239 = tpu.vector_load_idx %arg10[%add3A_179, %broadcast_in_dim3A_238] : memref<128x80xf32, #tpu.memory_space<vmem>>[vector<16xi32>, vector<16xi32>], vector<16xf32>,
        %mul3A_240 = arith.mulf %gather3A_239, %exp3A_234 : vector<16xf32>
        tpu.vector_store_idx %arg14[%add3A_179, %broadcast_in_dim3A_238], %mul3A_240 : memref<128x72xf32, #tpu.memory_space<vmem>>[vector<16xi32>, vector<16xi32>], vector<16xf32>,
        %broadcast_in_dim3A_241 = arith.constant 9 : i32
        %broadcast_in_dim3A_242 = vector.broadcast %broadcast_in_dim3A_241 : i32 to vector<16xi32>
        %gather3A_243 = tpu.vector_load_idx %arg10[%add3A_179, %broadcast_in_dim3A_242] : memref<128x80xf32, #tpu.memory_space<vmem>>[vector<16xi32>, vector<16xi32>], vector<16xf32>,
        %mul3A_244 = arith.mulf %gather3A_243, %exp3A_234 : vector<16xf32>
        tpu.vector_store_idx %arg14[%add3A_179, %broadcast_in_dim3A_242], %mul3A_244 : memref<128x72xf32, #tpu.memory_space<vmem>>[vector<16xi32>, vector<16xi32>], vector<16xf32>,
        %broadcast_in_dim3A_245 = arith.constant 10 : i32
        %broadcast_in_dim3A_246 = vector.broadcast %broadcast_in_dim3A_245 : i32 to vector<16xi32>
        %gather3A_247 = tpu.vector_load_idx %arg10[%add3A_179, %broadcast_in_dim3A_246] : memref<128x80xf32, #tpu.memory_space<vmem>>[vector<16xi32>, vector<16xi32>], vector<16xf32>,
        %mul3A_248 = arith.mulf %gather3A_247, %exp3A_234 : vector<16xf32>
        tpu.vector_store_idx %arg14[%add3A_179, %broadcast_in_dim3A_246], %mul3A_248 : memref<128x72xf32, #tpu.memory_space<vmem>>[vector<16xi32>, vector<16xi32>], vector<16xf32>,
        %broadcast_in_dim3A_249 = arith.constant 11 : i32
        %broadcast_in_dim3A_250 = vector.broadcast %broadcast_in_dim3A_249 : i32 to vector<16xi32>
        %gather3A_251 = tpu.vector_load_idx %arg10[%add3A_179, %broadcast_in_dim3A_250] : memref<128x80xf32, #tpu.memory_space<vmem>>[vector<16xi32>, vector<16xi32>], vector<16xf32>,
        %mul3A_252 = arith.mulf %gather3A_251, %exp3A_234 : vector<16xf32>
        tpu.vector_store_idx %arg14[%add3A_179, %broadcast_in_dim3A_250], %mul3A_252 : memref<128x72xf32, #tpu.memory_space<vmem>>[vector<16xi32>, vector<16xi32>], vector<16xf32>,
        %broadcast_in_dim3A_253 = arith.constant 12 : i32
        %broadcast_in_dim3A_254 = vector.broadcast %broadcast_in_dim3A_253 : i32 to vector<16xi32>
        %gather3A_255 = tpu.vector_load_idx %arg10[%add3A_179, %broadcast_in_dim3A_254] : memref<128x80xf32, #tpu.memory_space<vmem>>[vector<16xi32>, vector<16xi32>], vector<16xf32>,
        %mul3A_256 = arith.mulf %gather3A_255, %exp3A_234 : vector<16xf32>
        tpu.vector_store_idx %arg14[%add3A_179, %broadcast_in_dim3A_254], %mul3A_256 : memref<128x72xf32, #tpu.memory_space<vmem>>[vector<16xi32>, vector<16xi32>], vector<16xf32>,
        %broadcast_in_dim3A_257 = arith.constant 13 : i32
        %broadcast_in_dim3A_258 = vector.broadcast %broadcast_in_dim3A_257 : i32 to vector<16xi32>
        %gather3A_259 = tpu.vector_load_idx %arg10[%add3A_179, %broadcast_in_dim3A_258] : memref<128x80xf32, #tpu.memory_space<vmem>>[vector<16xi32>, vector<16xi32>], vector<16xf32>,
        %mul3A_260 = arith.mulf %gather3A_259, %exp3A_234 : vector<16xf32>
        tpu.vector_store_idx %arg14[%add3A_179, %broadcast_in_dim3A_258], %mul3A_260 : memref<128x72xf32, #tpu.memory_space<vmem>>[vector<16xi32>, vector<16xi32>], vector<16xf32>,
        %broadcast_in_dim3A_261 = arith.constant 14 : i32
        %broadcast_in_dim3A_262 = vector.broadcast %broadcast_in_dim3A_261 : i32 to vector<16xi32>
        %gather3A_263 = tpu.vector_load_idx %arg10[%add3A_179, %broadcast_in_dim3A_262] : memref<128x80xf32, #tpu.memory_space<vmem>>[vector<16xi32>, vector<16xi32>], vector<16xf32>,
        %mul3A_264 = arith.mulf %gather3A_263, %exp3A_234 : vector<16xf32>
        tpu.vector_store_idx %arg14[%add3A_179, %broadcast_in_dim3A_262], %mul3A_264 : memref<128x72xf32, #tpu.memory_space<vmem>>[vector<16xi32>, vector<16xi32>], vector<16xf32>,
        %broadcast_in_dim3A_265 = arith.constant 15 : i32
        %broadcast_in_dim3A_266 = vector.broadcast %broadcast_in_dim3A_265 : i32 to vector<16xi32>
        %gather3A_267 = tpu.vector_load_idx %arg10[%add3A_179, %broadcast_in_dim3A_266] : memref<128x80xf32, #tpu.memory_space<vmem>>[vector<16xi32>, vector<16xi32>], vector<16xf32>,
        %mul3A_268 = arith.mulf %gather3A_267, %exp3A_234 : vector<16xf32>
        tpu.vector_store_idx %arg14[%add3A_179, %broadcast_in_dim3A_266], %mul3A_268 : memref<128x72xf32, #tpu.memory_space<vmem>>[vector<16xi32>, vector<16xi32>], vector<16xf32>,
        %broadcast_in_dim3A_269 = arith.constant 66 : i32
        %broadcast_in_dim3A_270 = vector.broadcast %broadcast_in_dim3A_269 : i32 to vector<16xi32>
        %gather3A_271 = tpu.vector_load_idx %arg10[%add3A_179, %broadcast_in_dim3A_270] : memref<128x80xf32, #tpu.memory_space<vmem>>[vector<16xi32>, vector<16xi32>], vector<16xf32>,
        %broadcast_in_dim3A_272 = arith.constant 10 : i32
        %broadcast_in_dim3A_273 = vector.broadcast %broadcast_in_dim3A_272 : i32 to vector<16xi32>
        %gather3A_274 = tpu.vector_load_idx %arg12[%add3A_179, %broadcast_in_dim3A_273] : memref<128x16xf32, #tpu.memory_space<vmem>>[vector<16xi32>, vector<16xi32>], vector<16xf32>,
        %add3A_275 = arith.addf %gather3A_271, %gather3A_274 : vector<16xf32>
        %mul3A_276 = arith.constant 2.000000e-01 : f32
        %mul3A_277 = vector.broadcast %mul3A_276 : f32 to vector<16xf32>
        %mul3A_278 = arith.mulf %mul3A_277, %add3A_275 : vector<16xf32>
        %max3A_279 = arith.maximumf %add3A_275, %mul3A_278 : vector<16xf32>
        %exp3A_280 = math.exp %max3A_279 : vector<16xf32>
        %broadcast_in_dim3A_281 = arith.constant 66 : i32
        %broadcast_in_dim3A_282 = vector.broadcast %broadcast_in_dim3A_281 : i32 to vector<16xi32>
        tpu.vector_store_idx %arg14[%add3A_179, %broadcast_in_dim3A_282], %exp3A_280 : memref<128x72xf32, #tpu.memory_space<vmem>>[vector<16xi32>, vector<16xi32>], vector<16xf32>,
        %broadcast_in_dim3A_283 = arith.constant 16 : i32
        %broadcast_in_dim3A_284 = vector.broadcast %broadcast_in_dim3A_283 : i32 to vector<16xi32>
        %gather3A_285 = tpu.vector_load_idx %arg10[%add3A_179, %broadcast_in_dim3A_284] : memref<128x80xf32, #tpu.memory_space<vmem>>[vector<16xi32>, vector<16xi32>], vector<16xf32>,
        %mul3A_286 = arith.mulf %gather3A_285, %exp3A_280 : vector<16xf32>
        tpu.vector_store_idx %arg14[%add3A_179, %broadcast_in_dim3A_284], %mul3A_286 : memref<128x72xf32, #tpu.memory_space<vmem>>[vector<16xi32>, vector<16xi32>], vector<16xf32>,
        %broadcast_in_dim3A_287 = arith.constant 17 : i32
        %broadcast_in_dim3A_288 = vector.broadcast %broadcast_in_dim3A_287 : i32 to vector<16xi32>
        %gather3A_289 = tpu.vector_load_idx %arg10[%add3A_179, %broadcast_in_dim3A_288] : memref<128x80xf32, #tpu.memory_space<vmem>>[vector<16xi32>, vector<16xi32>], vector<16xf32>,
        %mul3A_290 = arith.mulf %gather3A_289, %exp3A_280 : vector<16xf32>
        tpu.vector_store_idx %arg14[%add3A_179, %broadcast_in_dim3A_288], %mul3A_290 : memref<128x72xf32, #tpu.memory_space<vmem>>[vector<16xi32>, vector<16xi32>], vector<16xf32>,
        %broadcast_in_dim3A_291 = arith.constant 18 : i32
        %broadcast_in_dim3A_292 = vector.broadcast %broadcast_in_dim3A_291 : i32 to vector<16xi32>
        %gather3A_293 = tpu.vector_load_idx %arg10[%add3A_179, %broadcast_in_dim3A_292] : memref<128x80xf32, #tpu.memory_space<vmem>>[vector<16xi32>, vector<16xi32>], vector<16xf32>,
        %mul3A_294 = arith.mulf %gather3A_293, %exp3A_280 : vector<16xf32>
        tpu.vector_store_idx %arg14[%add3A_179, %broadcast_in_dim3A_292], %mul3A_294 : memref<128x72xf32, #tpu.memory_space<vmem>>[vector<16xi32>, vector<16xi32>], vector<16xf32>,
        %broadcast_in_dim3A_295 = arith.constant 19 : i32
        %broadcast_in_dim3A_296 = vector.broadcast %broadcast_in_dim3A_295 : i32 to vector<16xi32>
        %gather3A_297 = tpu.vector_load_idx %arg10[%add3A_179, %broadcast_in_dim3A_296] : memref<128x80xf32, #tpu.memory_space<vmem>>[vector<16xi32>, vector<16xi32>], vector<16xf32>,
        %mul3A_298 = arith.mulf %gather3A_297, %exp3A_280 : vector<16xf32>
        tpu.vector_store_idx %arg14[%add3A_179, %broadcast_in_dim3A_296], %mul3A_298 : memref<128x72xf32, #tpu.memory_space<vmem>>[vector<16xi32>, vector<16xi32>], vector<16xf32>,
        %broadcast_in_dim3A_299 = arith.constant 20 : i32
        %broadcast_in_dim3A_300 = vector.broadcast %broadcast_in_dim3A_299 : i32 to vector<16xi32>
        %gather3A_301 = tpu.vector_load_idx %arg10[%add3A_179, %broadcast_in_dim3A_300] : memref<128x80xf32, #tpu.memory_space<vmem>>[vector<16xi32>, vector<16xi32>], vector<16xf32>,
        %mul3A_302 = arith.mulf %gather3A_301, %exp3A_280 : vector<16xf32>
        tpu.vector_store_idx %arg14[%add3A_179, %broadcast_in_dim3A_300], %mul3A_302 : memref<128x72xf32, #tpu.memory_space<vmem>>[vector<16xi32>, vector<16xi32>], vector<16xf32>,
        %broadcast_in_dim3A_303 = arith.constant 21 : i32
        %broadcast_in_dim3A_304 = vector.broadcast %broadcast_in_dim3A_303 : i32 to vector<16xi32>
        %gather3A_305 = tpu.vector_load_idx %arg10[%add3A_179, %broadcast_in_dim3A_304] : memref<128x80xf32, #tpu.memory_space<vmem>>[vector<16xi32>, vector<16xi32>], vector<16xf32>,
        %mul3A_306 = arith.mulf %gather3A_305, %exp3A_280 : vector<16xf32>
        tpu.vector_store_idx %arg14[%add3A_179, %broadcast_in_dim3A_304], %mul3A_306 : memref<128x72xf32, #tpu.memory_space<vmem>>[vector<16xi32>, vector<16xi32>], vector<16xf32>,
        %broadcast_in_dim3A_307 = arith.constant 22 : i32
        %broadcast_in_dim3A_308 = vector.broadcast %broadcast_in_dim3A_307 : i32 to vector<16xi32>
        %gather3A_309 = tpu.vector_load_idx %arg10[%add3A_179, %broadcast_in_dim3A_308] : memref<128x80xf32, #tpu.memory_space<vmem>>[vector<16xi32>, vector<16xi32>], vector<16xf32>,
        %mul3A_310 = arith.mulf %gather3A_309, %exp3A_280 : vector<16xf32>
        tpu.vector_store_idx %arg14[%add3A_179, %broadcast_in_dim3A_308], %mul3A_310 : memref<128x72xf32, #tpu.memory_space<vmem>>[vector<16xi32>, vector<16xi32>], vector<16xf32>,
        %broadcast_in_dim3A_311 = arith.constant 23 : i32
        %broadcast_in_dim3A_312 = vector.broadcast %broadcast_in_dim3A_311 : i32 to vector<16xi32>
        %gather3A_313 = tpu.vector_load_idx %arg10[%add3A_179, %broadcast_in_dim3A_312] : memref<128x80xf32, #tpu.memory_space<vmem>>[vector<16xi32>, vector<16xi32>], vector<16xf32>,
        %mul3A_314 = arith.mulf %gather3A_313, %exp3A_280 : vector<16xf32>
        tpu.vector_store_idx %arg14[%add3A_179, %broadcast_in_dim3A_312], %mul3A_314 : memref<128x72xf32, #tpu.memory_space<vmem>>[vector<16xi32>, vector<16xi32>], vector<16xf32>,
        %broadcast_in_dim3A_315 = arith.constant 67 : i32
        %broadcast_in_dim3A_316 = vector.broadcast %broadcast_in_dim3A_315 : i32 to vector<16xi32>
        %gather3A_317 = tpu.vector_load_idx %arg10[%add3A_179, %broadcast_in_dim3A_316] : memref<128x80xf32, #tpu.memory_space<vmem>>[vector<16xi32>, vector<16xi32>], vector<16xf32>,
        %broadcast_in_dim3A_318 = arith.constant 11 : i32
        %broadcast_in_dim3A_319 = vector.broadcast %broadcast_in_dim3A_318 : i32 to vector<16xi32>
        %gather3A_320 = tpu.vector_load_idx %arg12[%add3A_179, %broadcast_in_dim3A_319] : memref<128x16xf32, #tpu.memory_space<vmem>>[vector<16xi32>, vector<16xi32>], vector<16xf32>,
        %add3A_321 = arith.addf %gather3A_317, %gather3A_320 : vector<16xf32>
        %mul3A_322 = arith.constant 2.000000e-01 : f32
        %mul3A_323 = vector.broadcast %mul3A_322 : f32 to vector<16xf32>
        %mul3A_324 = arith.mulf %mul3A_323, %add3A_321 : vector<16xf32>
        %max3A_325 = arith.maximumf %add3A_321, %mul3A_324 : vector<16xf32>
        %exp3A_326 = math.exp %max3A_325 : vector<16xf32>
        %broadcast_in_dim3A_327 = arith.constant 67 : i32
        %broadcast_in_dim3A_328 = vector.broadcast %broadcast_in_dim3A_327 : i32 to vector<16xi32>
        tpu.vector_store_idx %arg14[%add3A_179, %broadcast_in_dim3A_328], %exp3A_326 : memref<128x72xf32, #tpu.memory_space<vmem>>[vector<16xi32>, vector<16xi32>], vector<16xf32>,
        %broadcast_in_dim3A_329 = arith.constant 24 : i32
        %broadcast_in_dim3A_330 = vector.broadcast %broadcast_in_dim3A_329 : i32 to vector<16xi32>
        %gather3A_331 = tpu.vector_load_idx %arg10[%add3A_179, %broadcast_in_dim3A_330] : memref<128x80xf32, #tpu.memory_space<vmem>>[vector<16xi32>, vector<16xi32>], vector<16xf32>,
        %mul3A_332 = arith.mulf %gather3A_331, %exp3A_326 : vector<16xf32>
        tpu.vector_store_idx %arg14[%add3A_179, %broadcast_in_dim3A_330], %mul3A_332 : memref<128x72xf32, #tpu.memory_space<vmem>>[vector<16xi32>, vector<16xi32>], vector<16xf32>,
        %broadcast_in_dim3A_333 = arith.constant 25 : i32
        %broadcast_in_dim3A_334 = vector.broadcast %broadcast_in_dim3A_333 : i32 to vector<16xi32>
        %gather3A_335 = tpu.vector_load_idx %arg10[%add3A_179, %broadcast_in_dim3A_334] : memref<128x80xf32, #tpu.memory_space<vmem>>[vector<16xi32>, vector<16xi32>], vector<16xf32>,
        %mul3A_336 = arith.mulf %gather3A_335, %exp3A_326 : vector<16xf32>
        tpu.vector_store_idx %arg14[%add3A_179, %broadcast_in_dim3A_334], %mul3A_336 : memref<128x72xf32, #tpu.memory_space<vmem>>[vector<16xi32>, vector<16xi32>], vector<16xf32>,
        %broadcast_in_dim3A_337 = arith.constant 26 : i32
        %broadcast_in_dim3A_338 = vector.broadcast %broadcast_in_dim3A_337 : i32 to vector<16xi32>
        %gather3A_339 = tpu.vector_load_idx %arg10[%add3A_179, %broadcast_in_dim3A_338] : memref<128x80xf32, #tpu.memory_space<vmem>>[vector<16xi32>, vector<16xi32>], vector<16xf32>,
        %mul3A_340 = arith.mulf %gather3A_339, %exp3A_326 : vector<16xf32>
        tpu.vector_store_idx %arg14[%add3A_179, %broadcast_in_dim3A_338], %mul3A_340 : memref<128x72xf32, #tpu.memory_space<vmem>>[vector<16xi32>, vector<16xi32>], vector<16xf32>,
        %broadcast_in_dim3A_341 = arith.constant 27 : i32
        %broadcast_in_dim3A_342 = vector.broadcast %broadcast_in_dim3A_341 : i32 to vector<16xi32>
        %gather3A_343 = tpu.vector_load_idx %arg10[%add3A_179, %broadcast_in_dim3A_342] : memref<128x80xf32, #tpu.memory_space<vmem>>[vector<16xi32>, vector<16xi32>], vector<16xf32>,
        %mul3A_344 = arith.mulf %gather3A_343, %exp3A_326 : vector<16xf32>
        tpu.vector_store_idx %arg14[%add3A_179, %broadcast_in_dim3A_342], %mul3A_344 : memref<128x72xf32, #tpu.memory_space<vmem>>[vector<16xi32>, vector<16xi32>], vector<16xf32>,
        %broadcast_in_dim3A_345 = arith.constant 28 : i32
        %broadcast_in_dim3A_346 = vector.broadcast %broadcast_in_dim3A_345 : i32 to vector<16xi32>
        %gather3A_347 = tpu.vector_load_idx %arg10[%add3A_179, %broadcast_in_dim3A_346] : memref<128x80xf32, #tpu.memory_space<vmem>>[vector<16xi32>, vector<16xi32>], vector<16xf32>,
        %mul3A_348 = arith.mulf %gather3A_347, %exp3A_326 : vector<16xf32>
        tpu.vector_store_idx %arg14[%add3A_179, %broadcast_in_dim3A_346], %mul3A_348 : memref<128x72xf32, #tpu.memory_space<vmem>>[vector<16xi32>, vector<16xi32>], vector<16xf32>,
        %broadcast_in_dim3A_349 = arith.constant 29 : i32
        %broadcast_in_dim3A_350 = vector.broadcast %broadcast_in_dim3A_349 : i32 to vector<16xi32>
        %gather3A_351 = tpu.vector_load_idx %arg10[%add3A_179, %broadcast_in_dim3A_350] : memref<128x80xf32, #tpu.memory_space<vmem>>[vector<16xi32>, vector<16xi32>], vector<16xf32>,
        %mul3A_352 = arith.mulf %gather3A_351, %exp3A_326 : vector<16xf32>
        tpu.vector_store_idx %arg14[%add3A_179, %broadcast_in_dim3A_350], %mul3A_352 : memref<128x72xf32, #tpu.memory_space<vmem>>[vector<16xi32>, vector<16xi32>], vector<16xf32>,
        %broadcast_in_dim3A_353 = arith.constant 30 : i32
        %broadcast_in_dim3A_354 = vector.broadcast %broadcast_in_dim3A_353 : i32 to vector<16xi32>
        %gather3A_355 = tpu.vector_load_idx %arg10[%add3A_179, %broadcast_in_dim3A_354] : memref<128x80xf32, #tpu.memory_space<vmem>>[vector<16xi32>, vector<16xi32>], vector<16xf32>,
        %mul3A_356 = arith.mulf %gather3A_355, %exp3A_326 : vector<16xf32>
        tpu.vector_store_idx %arg14[%add3A_179, %broadcast_in_dim3A_354], %mul3A_356 : memref<128x72xf32, #tpu.memory_space<vmem>>[vector<16xi32>, vector<16xi32>], vector<16xf32>,
        %broadcast_in_dim3A_357 = arith.constant 31 : i32
        %broadcast_in_dim3A_358 = vector.broadcast %broadcast_in_dim3A_357 : i32 to vector<16xi32>
        %gather3A_359 = tpu.vector_load_idx %arg10[%add3A_179, %broadcast_in_dim3A_358] : memref<128x80xf32, #tpu.memory_space<vmem>>[vector<16xi32>, vector<16xi32>], vector<16xf32>,
        %mul3A_360 = arith.mulf %gather3A_359, %exp3A_326 : vector<16xf32>
        tpu.vector_store_idx %arg14[%add3A_179, %broadcast_in_dim3A_358], %mul3A_360 : memref<128x72xf32, #tpu.memory_space<vmem>>[vector<16xi32>, vector<16xi32>], vector<16xf32>,
        %broadcast_in_dim3A_361 = arith.constant 68 : i32
        %broadcast_in_dim3A_362 = vector.broadcast %broadcast_in_dim3A_361 : i32 to vector<16xi32>
        %gather3A_363 = tpu.vector_load_idx %arg10[%add3A_179, %broadcast_in_dim3A_362] : memref<128x80xf32, #tpu.memory_space<vmem>>[vector<16xi32>, vector<16xi32>], vector<16xf32>,
        %broadcast_in_dim3A_364 = arith.constant 12 : i32
        %broadcast_in_dim3A_365 = vector.broadcast %broadcast_in_dim3A_364 : i32 to vector<16xi32>
        %gather3A_366 = tpu.vector_load_idx %arg12[%add3A_179, %broadcast_in_dim3A_365] : memref<128x16xf32, #tpu.memory_space<vmem>>[vector<16xi32>, vector<16xi32>], vector<16xf32>,
        %add3A_367 = arith.addf %gather3A_363, %gather3A_366 : vector<16xf32>
        %mul3A_368 = arith.constant 2.000000e-01 : f32
        %mul3A_369 = vector.broadcast %mul3A_368 : f32 to vector<16xf32>
        %mul3A_370 = arith.mulf %mul3A_369, %add3A_367 : vector<16xf32>
        %max3A_371 = arith.maximumf %add3A_367, %mul3A_370 : vector<16xf32>
        %exp3A_372 = math.exp %max3A_371 : vector<16xf32>
        %broadcast_in_dim3A_373 = arith.constant 68 : i32
        %broadcast_in_dim3A_374 = vector.broadcast %broadcast_in_dim3A_373 : i32 to vector<16xi32>
        tpu.vector_store_idx %arg14[%add3A_179, %broadcast_in_dim3A_374], %exp3A_372 : memref<128x72xf32, #tpu.memory_space<vmem>>[vector<16xi32>, vector<16xi32>], vector<16xf32>,
        %broadcast_in_dim3A_375 = arith.constant 32 : i32
        %broadcast_in_dim3A_376 = vector.broadcast %broadcast_in_dim3A_375 : i32 to vector<16xi32>
        %gather3A_377 = tpu.vector_load_idx %arg10[%add3A_179, %broadcast_in_dim3A_376] : memref<128x80xf32, #tpu.memory_space<vmem>>[vector<16xi32>, vector<16xi32>], vector<16xf32>,
        %mul3A_378 = arith.mulf %gather3A_377, %exp3A_372 : vector<16xf32>
        tpu.vector_store_idx %arg14[%add3A_179, %broadcast_in_dim3A_376], %mul3A_378 : memref<128x72xf32, #tpu.memory_space<vmem>>[vector<16xi32>, vector<16xi32>], vector<16xf32>,
        %broadcast_in_dim3A_379 = arith.constant 33 : i32
        %broadcast_in_dim3A_380 = vector.broadcast %broadcast_in_dim3A_379 : i32 to vector<16xi32>
        %gather3A_381 = tpu.vector_load_idx %arg10[%add3A_179, %broadcast_in_dim3A_380] : memref<128x80xf32, #tpu.memory_space<vmem>>[vector<16xi32>, vector<16xi32>], vector<16xf32>,
        %mul3A_382 = arith.mulf %gather3A_381, %exp3A_372 : vector<16xf32>
        tpu.vector_store_idx %arg14[%add3A_179, %broadcast_in_dim3A_380], %mul3A_382 : memref<128x72xf32, #tpu.memory_space<vmem>>[vector<16xi32>, vector<16xi32>], vector<16xf32>,
        %broadcast_in_dim3A_383 = arith.constant 34 : i32
        %broadcast_in_dim3A_384 = vector.broadcast %broadcast_in_dim3A_383 : i32 to vector<16xi32>
        %gather3A_385 = tpu.vector_load_idx %arg10[%add3A_179, %broadcast_in_dim3A_384] : memref<128x80xf32, #tpu.memory_space<vmem>>[vector<16xi32>, vector<16xi32>], vector<16xf32>,
        %mul3A_386 = arith.mulf %gather3A_385, %exp3A_372 : vector<16xf32>
        tpu.vector_store_idx %arg14[%add3A_179, %broadcast_in_dim3A_384], %mul3A_386 : memref<128x72xf32, #tpu.memory_space<vmem>>[vector<16xi32>, vector<16xi32>], vector<16xf32>,
        %broadcast_in_dim3A_387 = arith.constant 35 : i32
        %broadcast_in_dim3A_388 = vector.broadcast %broadcast_in_dim3A_387 : i32 to vector<16xi32>
        %gather3A_389 = tpu.vector_load_idx %arg10[%add3A_179, %broadcast_in_dim3A_388] : memref<128x80xf32, #tpu.memory_space<vmem>>[vector<16xi32>, vector<16xi32>], vector<16xf32>,
        %mul3A_390 = arith.mulf %gather3A_389, %exp3A_372 : vector<16xf32>
        tpu.vector_store_idx %arg14[%add3A_179, %broadcast_in_dim3A_388], %mul3A_390 : memref<128x72xf32, #tpu.memory_space<vmem>>[vector<16xi32>, vector<16xi32>], vector<16xf32>,
        %broadcast_in_dim3A_391 = arith.constant 36 : i32
        %broadcast_in_dim3A_392 = vector.broadcast %broadcast_in_dim3A_391 : i32 to vector<16xi32>
        %gather3A_393 = tpu.vector_load_idx %arg10[%add3A_179, %broadcast_in_dim3A_392] : memref<128x80xf32, #tpu.memory_space<vmem>>[vector<16xi32>, vector<16xi32>], vector<16xf32>,
        %mul3A_394 = arith.mulf %gather3A_393, %exp3A_372 : vector<16xf32>
        tpu.vector_store_idx %arg14[%add3A_179, %broadcast_in_dim3A_392], %mul3A_394 : memref<128x72xf32, #tpu.memory_space<vmem>>[vector<16xi32>, vector<16xi32>], vector<16xf32>,
        %broadcast_in_dim3A_395 = arith.constant 37 : i32
        %broadcast_in_dim3A_396 = vector.broadcast %broadcast_in_dim3A_395 : i32 to vector<16xi32>
        %gather3A_397 = tpu.vector_load_idx %arg10[%add3A_179, %broadcast_in_dim3A_396] : memref<128x80xf32, #tpu.memory_space<vmem>>[vector<16xi32>, vector<16xi32>], vector<16xf32>,
        %mul3A_398 = arith.mulf %gather3A_397, %exp3A_372 : vector<16xf32>
        tpu.vector_store_idx %arg14[%add3A_179, %broadcast_in_dim3A_396], %mul3A_398 : memref<128x72xf32, #tpu.memory_space<vmem>>[vector<16xi32>, vector<16xi32>], vector<16xf32>,
        %broadcast_in_dim3A_399 = arith.constant 38 : i32
        %broadcast_in_dim3A_400 = vector.broadcast %broadcast_in_dim3A_399 : i32 to vector<16xi32>
        %gather3A_401 = tpu.vector_load_idx %arg10[%add3A_179, %broadcast_in_dim3A_400] : memref<128x80xf32, #tpu.memory_space<vmem>>[vector<16xi32>, vector<16xi32>], vector<16xf32>,
        %mul3A_402 = arith.mulf %gather3A_401, %exp3A_372 : vector<16xf32>
        tpu.vector_store_idx %arg14[%add3A_179, %broadcast_in_dim3A_400], %mul3A_402 : memref<128x72xf32, #tpu.memory_space<vmem>>[vector<16xi32>, vector<16xi32>], vector<16xf32>,
        %broadcast_in_dim3A_403 = arith.constant 39 : i32
        %broadcast_in_dim3A_404 = vector.broadcast %broadcast_in_dim3A_403 : i32 to vector<16xi32>
        %gather3A_405 = tpu.vector_load_idx %arg10[%add3A_179, %broadcast_in_dim3A_404] : memref<128x80xf32, #tpu.memory_space<vmem>>[vector<16xi32>, vector<16xi32>], vector<16xf32>,
        %mul3A_406 = arith.mulf %gather3A_405, %exp3A_372 : vector<16xf32>
        tpu.vector_store_idx %arg14[%add3A_179, %broadcast_in_dim3A_404], %mul3A_406 : memref<128x72xf32, #tpu.memory_space<vmem>>[vector<16xi32>, vector<16xi32>], vector<16xf32>,
        %broadcast_in_dim3A_407 = arith.constant 69 : i32
        %broadcast_in_dim3A_408 = vector.broadcast %broadcast_in_dim3A_407 : i32 to vector<16xi32>
        %gather3A_409 = tpu.vector_load_idx %arg10[%add3A_179, %broadcast_in_dim3A_408] : memref<128x80xf32, #tpu.memory_space<vmem>>[vector<16xi32>, vector<16xi32>], vector<16xf32>,
        %broadcast_in_dim3A_410 = arith.constant 13 : i32
        %broadcast_in_dim3A_411 = vector.broadcast %broadcast_in_dim3A_410 : i32 to vector<16xi32>
        %gather3A_412 = tpu.vector_load_idx %arg12[%add3A_179, %broadcast_in_dim3A_411] : memref<128x16xf32, #tpu.memory_space<vmem>>[vector<16xi32>, vector<16xi32>], vector<16xf32>,
        %add3A_413 = arith.addf %gather3A_409, %gather3A_412 : vector<16xf32>
        %mul3A_414 = arith.constant 2.000000e-01 : f32
        %mul3A_415 = vector.broadcast %mul3A_414 : f32 to vector<16xf32>
        %mul3A_416 = arith.mulf %mul3A_415, %add3A_413 : vector<16xf32>
        %max3A_417 = arith.maximumf %add3A_413, %mul3A_416 : vector<16xf32>
        %exp3A_418 = math.exp %max3A_417 : vector<16xf32>
        %broadcast_in_dim3A_419 = arith.constant 69 : i32
        %broadcast_in_dim3A_420 = vector.broadcast %broadcast_in_dim3A_419 : i32 to vector<16xi32>
        tpu.vector_store_idx %arg14[%add3A_179, %broadcast_in_dim3A_420], %exp3A_418 : memref<128x72xf32, #tpu.memory_space<vmem>>[vector<16xi32>, vector<16xi32>], vector<16xf32>,
        %broadcast_in_dim3A_421 = arith.constant 40 : i32
        %broadcast_in_dim3A_422 = vector.broadcast %broadcast_in_dim3A_421 : i32 to vector<16xi32>
        %gather3A_423 = tpu.vector_load_idx %arg10[%add3A_179, %broadcast_in_dim3A_422] : memref<128x80xf32, #tpu.memory_space<vmem>>[vector<16xi32>, vector<16xi32>], vector<16xf32>,
        %mul3A_424 = arith.mulf %gather3A_423, %exp3A_418 : vector<16xf32>
        tpu.vector_store_idx %arg14[%add3A_179, %broadcast_in_dim3A_422], %mul3A_424 : memref<128x72xf32, #tpu.memory_space<vmem>>[vector<16xi32>, vector<16xi32>], vector<16xf32>,
        %broadcast_in_dim3A_425 = arith.constant 41 : i32
        %broadcast_in_dim3A_426 = vector.broadcast %broadcast_in_dim3A_425 : i32 to vector<16xi32>
        %gather3A_427 = tpu.vector_load_idx %arg10[%add3A_179, %broadcast_in_dim3A_426] : memref<128x80xf32, #tpu.memory_space<vmem>>[vector<16xi32>, vector<16xi32>], vector<16xf32>,
        %mul3A_428 = arith.mulf %gather3A_427, %exp3A_418 : vector<16xf32>
        tpu.vector_store_idx %arg14[%add3A_179, %broadcast_in_dim3A_426], %mul3A_428 : memref<128x72xf32, #tpu.memory_space<vmem>>[vector<16xi32>, vector<16xi32>], vector<16xf32>,
        %broadcast_in_dim3A_429 = arith.constant 42 : i32
        %broadcast_in_dim3A_430 = vector.broadcast %broadcast_in_dim3A_429 : i32 to vector<16xi32>
        %gather3A_431 = tpu.vector_load_idx %arg10[%add3A_179, %broadcast_in_dim3A_430] : memref<128x80xf32, #tpu.memory_space<vmem>>[vector<16xi32>, vector<16xi32>], vector<16xf32>,
        %mul3A_432 = arith.mulf %gather3A_431, %exp3A_418 : vector<16xf32>
        tpu.vector_store_idx %arg14[%add3A_179, %broadcast_in_dim3A_430], %mul3A_432 : memref<128x72xf32, #tpu.memory_space<vmem>>[vector<16xi32>, vector<16xi32>], vector<16xf32>,
        %broadcast_in_dim3A_433 = arith.constant 43 : i32
        %broadcast_in_dim3A_434 = vector.broadcast %broadcast_in_dim3A_433 : i32 to vector<16xi32>
        %gather3A_435 = tpu.vector_load_idx %arg10[%add3A_179, %broadcast_in_dim3A_434] : memref<128x80xf32, #tpu.memory_space<vmem>>[vector<16xi32>, vector<16xi32>], vector<16xf32>,
        %mul3A_436 = arith.mulf %gather3A_435, %exp3A_418 : vector<16xf32>
        tpu.vector_store_idx %arg14[%add3A_179, %broadcast_in_dim3A_434], %mul3A_436 : memref<128x72xf32, #tpu.memory_space<vmem>>[vector<16xi32>, vector<16xi32>], vector<16xf32>,
        %broadcast_in_dim3A_437 = arith.constant 44 : i32
        %broadcast_in_dim3A_438 = vector.broadcast %broadcast_in_dim3A_437 : i32 to vector<16xi32>
        %gather3A_439 = tpu.vector_load_idx %arg10[%add3A_179, %broadcast_in_dim3A_438] : memref<128x80xf32, #tpu.memory_space<vmem>>[vector<16xi32>, vector<16xi32>], vector<16xf32>,
        %mul3A_440 = arith.mulf %gather3A_439, %exp3A_418 : vector<16xf32>
        tpu.vector_store_idx %arg14[%add3A_179, %broadcast_in_dim3A_438], %mul3A_440 : memref<128x72xf32, #tpu.memory_space<vmem>>[vector<16xi32>, vector<16xi32>], vector<16xf32>,
        %broadcast_in_dim3A_441 = arith.constant 45 : i32
        %broadcast_in_dim3A_442 = vector.broadcast %broadcast_in_dim3A_441 : i32 to vector<16xi32>
        %gather3A_443 = tpu.vector_load_idx %arg10[%add3A_179, %broadcast_in_dim3A_442] : memref<128x80xf32, #tpu.memory_space<vmem>>[vector<16xi32>, vector<16xi32>], vector<16xf32>,
        %mul3A_444 = arith.mulf %gather3A_443, %exp3A_418 : vector<16xf32>
        tpu.vector_store_idx %arg14[%add3A_179, %broadcast_in_dim3A_442], %mul3A_444 : memref<128x72xf32, #tpu.memory_space<vmem>>[vector<16xi32>, vector<16xi32>], vector<16xf32>,
        %broadcast_in_dim3A_445 = arith.constant 46 : i32
        %broadcast_in_dim3A_446 = vector.broadcast %broadcast_in_dim3A_445 : i32 to vector<16xi32>
        %gather3A_447 = tpu.vector_load_idx %arg10[%add3A_179, %broadcast_in_dim3A_446] : memref<128x80xf32, #tpu.memory_space<vmem>>[vector<16xi32>, vector<16xi32>], vector<16xf32>,
        %mul3A_448 = arith.mulf %gather3A_447, %exp3A_418 : vector<16xf32>
        tpu.vector_store_idx %arg14[%add3A_179, %broadcast_in_dim3A_446], %mul3A_448 : memref<128x72xf32, #tpu.memory_space<vmem>>[vector<16xi32>, vector<16xi32>], vector<16xf32>,
        %broadcast_in_dim3A_449 = arith.constant 47 : i32
        %broadcast_in_dim3A_450 = vector.broadcast %broadcast_in_dim3A_449 : i32 to vector<16xi32>
        %gather3A_451 = tpu.vector_load_idx %arg10[%add3A_179, %broadcast_in_dim3A_450] : memref<128x80xf32, #tpu.memory_space<vmem>>[vector<16xi32>, vector<16xi32>], vector<16xf32>,
        %mul3A_452 = arith.mulf %gather3A_451, %exp3A_418 : vector<16xf32>
        tpu.vector_store_idx %arg14[%add3A_179, %broadcast_in_dim3A_450], %mul3A_452 : memref<128x72xf32, #tpu.memory_space<vmem>>[vector<16xi32>, vector<16xi32>], vector<16xf32>,
        %broadcast_in_dim3A_453 = arith.constant 70 : i32
        %broadcast_in_dim3A_454 = vector.broadcast %broadcast_in_dim3A_453 : i32 to vector<16xi32>
        %gather3A_455 = tpu.vector_load_idx %arg10[%add3A_179, %broadcast_in_dim3A_454] : memref<128x80xf32, #tpu.memory_space<vmem>>[vector<16xi32>, vector<16xi32>], vector<16xf32>,
        %broadcast_in_dim3A_456 = arith.constant 14 : i32
        %broadcast_in_dim3A_457 = vector.broadcast %broadcast_in_dim3A_456 : i32 to vector<16xi32>
        %gather3A_458 = tpu.vector_load_idx %arg12[%add3A_179, %broadcast_in_dim3A_457] : memref<128x16xf32, #tpu.memory_space<vmem>>[vector<16xi32>, vector<16xi32>], vector<16xf32>,
        %add3A_459 = arith.addf %gather3A_455, %gather3A_458 : vector<16xf32>
        %mul3A_460 = arith.constant 2.000000e-01 : f32
        %mul3A_461 = vector.broadcast %mul3A_460 : f32 to vector<16xf32>
        %mul3A_462 = arith.mulf %mul3A_461, %add3A_459 : vector<16xf32>
        %max3A_463 = arith.maximumf %add3A_459, %mul3A_462 : vector<16xf32>
        %exp3A_464 = math.exp %max3A_463 : vector<16xf32>
        %broadcast_in_dim3A_465 = arith.constant 70 : i32
        %broadcast_in_dim3A_466 = vector.broadcast %broadcast_in_dim3A_465 : i32 to vector<16xi32>
        tpu.vector_store_idx %arg14[%add3A_179, %broadcast_in_dim3A_466], %exp3A_464 : memref<128x72xf32, #tpu.memory_space<vmem>>[vector<16xi32>, vector<16xi32>], vector<16xf32>,
        %broadcast_in_dim3A_467 = arith.constant 48 : i32
        %broadcast_in_dim3A_468 = vector.broadcast %broadcast_in_dim3A_467 : i32 to vector<16xi32>
        %gather3A_469 = tpu.vector_load_idx %arg10[%add3A_179, %broadcast_in_dim3A_468] : memref<128x80xf32, #tpu.memory_space<vmem>>[vector<16xi32>, vector<16xi32>], vector<16xf32>,
        %mul3A_470 = arith.mulf %gather3A_469, %exp3A_464 : vector<16xf32>
        tpu.vector_store_idx %arg14[%add3A_179, %broadcast_in_dim3A_468], %mul3A_470 : memref<128x72xf32, #tpu.memory_space<vmem>>[vector<16xi32>, vector<16xi32>], vector<16xf32>,
        %broadcast_in_dim3A_471 = arith.constant 49 : i32
        %broadcast_in_dim3A_472 = vector.broadcast %broadcast_in_dim3A_471 : i32 to vector<16xi32>
        %gather3A_473 = tpu.vector_load_idx %arg10[%add3A_179, %broadcast_in_dim3A_472] : memref<128x80xf32, #tpu.memory_space<vmem>>[vector<16xi32>, vector<16xi32>], vector<16xf32>,
        %mul3A_474 = arith.mulf %gather3A_473, %exp3A_464 : vector<16xf32>
        tpu.vector_store_idx %arg14[%add3A_179, %broadcast_in_dim3A_472], %mul3A_474 : memref<128x72xf32, #tpu.memory_space<vmem>>[vector<16xi32>, vector<16xi32>], vector<16xf32>,
        %broadcast_in_dim3A_475 = arith.constant 50 : i32
        %broadcast_in_dim3A_476 = vector.broadcast %broadcast_in_dim3A_475 : i32 to vector<16xi32>
        %gather3A_477 = tpu.vector_load_idx %arg10[%add3A_179, %broadcast_in_dim3A_476] : memref<128x80xf32, #tpu.memory_space<vmem>>[vector<16xi32>, vector<16xi32>], vector<16xf32>,
        %mul3A_478 = arith.mulf %gather3A_477, %exp3A_464 : vector<16xf32>
        tpu.vector_store_idx %arg14[%add3A_179, %broadcast_in_dim3A_476], %mul3A_478 : memref<128x72xf32, #tpu.memory_space<vmem>>[vector<16xi32>, vector<16xi32>], vector<16xf32>,
        %broadcast_in_dim3A_479 = arith.constant 51 : i32
        %broadcast_in_dim3A_480 = vector.broadcast %broadcast_in_dim3A_479 : i32 to vector<16xi32>
        %gather3A_481 = tpu.vector_load_idx %arg10[%add3A_179, %broadcast_in_dim3A_480] : memref<128x80xf32, #tpu.memory_space<vmem>>[vector<16xi32>, vector<16xi32>], vector<16xf32>,
        %mul3A_482 = arith.mulf %gather3A_481, %exp3A_464 : vector<16xf32>
        tpu.vector_store_idx %arg14[%add3A_179, %broadcast_in_dim3A_480], %mul3A_482 : memref<128x72xf32, #tpu.memory_space<vmem>>[vector<16xi32>, vector<16xi32>], vector<16xf32>,
        %broadcast_in_dim3A_483 = arith.constant 52 : i32
        %broadcast_in_dim3A_484 = vector.broadcast %broadcast_in_dim3A_483 : i32 to vector<16xi32>
        %gather3A_485 = tpu.vector_load_idx %arg10[%add3A_179, %broadcast_in_dim3A_484] : memref<128x80xf32, #tpu.memory_space<vmem>>[vector<16xi32>, vector<16xi32>], vector<16xf32>,
        %mul3A_486 = arith.mulf %gather3A_485, %exp3A_464 : vector<16xf32>
        tpu.vector_store_idx %arg14[%add3A_179, %broadcast_in_dim3A_484], %mul3A_486 : memref<128x72xf32, #tpu.memory_space<vmem>>[vector<16xi32>, vector<16xi32>], vector<16xf32>,
        %broadcast_in_dim3A_487 = arith.constant 53 : i32
        %broadcast_in_dim3A_488 = vector.broadcast %broadcast_in_dim3A_487 : i32 to vector<16xi32>
        %gather3A_489 = tpu.vector_load_idx %arg10[%add3A_179, %broadcast_in_dim3A_488] : memref<128x80xf32, #tpu.memory_space<vmem>>[vector<16xi32>, vector<16xi32>], vector<16xf32>,
        %mul3A_490 = arith.mulf %gather3A_489, %exp3A_464 : vector<16xf32>
        tpu.vector_store_idx %arg14[%add3A_179, %broadcast_in_dim3A_488], %mul3A_490 : memref<128x72xf32, #tpu.memory_space<vmem>>[vector<16xi32>, vector<16xi32>], vector<16xf32>,
        %broadcast_in_dim3A_491 = arith.constant 54 : i32
        %broadcast_in_dim3A_492 = vector.broadcast %broadcast_in_dim3A_491 : i32 to vector<16xi32>
        %gather3A_493 = tpu.vector_load_idx %arg10[%add3A_179, %broadcast_in_dim3A_492] : memref<128x80xf32, #tpu.memory_space<vmem>>[vector<16xi32>, vector<16xi32>], vector<16xf32>,
        %mul3A_494 = arith.mulf %gather3A_493, %exp3A_464 : vector<16xf32>
        tpu.vector_store_idx %arg14[%add3A_179, %broadcast_in_dim3A_492], %mul3A_494 : memref<128x72xf32, #tpu.memory_space<vmem>>[vector<16xi32>, vector<16xi32>], vector<16xf32>,
        %broadcast_in_dim3A_495 = arith.constant 55 : i32
        %broadcast_in_dim3A_496 = vector.broadcast %broadcast_in_dim3A_495 : i32 to vector<16xi32>
        %gather3A_497 = tpu.vector_load_idx %arg10[%add3A_179, %broadcast_in_dim3A_496] : memref<128x80xf32, #tpu.memory_space<vmem>>[vector<16xi32>, vector<16xi32>], vector<16xf32>,
        %mul3A_498 = arith.mulf %gather3A_497, %exp3A_464 : vector<16xf32>
        tpu.vector_store_idx %arg14[%add3A_179, %broadcast_in_dim3A_496], %mul3A_498 : memref<128x72xf32, #tpu.memory_space<vmem>>[vector<16xi32>, vector<16xi32>], vector<16xf32>,
        %broadcast_in_dim3A_499 = arith.constant 71 : i32
        %broadcast_in_dim3A_500 = vector.broadcast %broadcast_in_dim3A_499 : i32 to vector<16xi32>
        %gather3A_501 = tpu.vector_load_idx %arg10[%add3A_179, %broadcast_in_dim3A_500] : memref<128x80xf32, #tpu.memory_space<vmem>>[vector<16xi32>, vector<16xi32>], vector<16xf32>,
        %broadcast_in_dim3A_502 = arith.constant 15 : i32
        %broadcast_in_dim3A_503 = vector.broadcast %broadcast_in_dim3A_502 : i32 to vector<16xi32>
        %gather3A_504 = tpu.vector_load_idx %arg12[%add3A_179, %broadcast_in_dim3A_503] : memref<128x16xf32, #tpu.memory_space<vmem>>[vector<16xi32>, vector<16xi32>], vector<16xf32>,
        %add3A_505 = arith.addf %gather3A_501, %gather3A_504 : vector<16xf32>
        %mul3A_506 = arith.constant 2.000000e-01 : f32
        %mul3A_507 = vector.broadcast %mul3A_506 : f32 to vector<16xf32>
        %mul3A_508 = arith.mulf %mul3A_507, %add3A_505 : vector<16xf32>
        %max3A_509 = arith.maximumf %add3A_505, %mul3A_508 : vector<16xf32>
        %exp3A_510 = math.exp %max3A_509 : vector<16xf32>
        %broadcast_in_dim3A_511 = arith.constant 71 : i32
        %broadcast_in_dim3A_512 = vector.broadcast %broadcast_in_dim3A_511 : i32 to vector<16xi32>
        tpu.vector_store_idx %arg14[%add3A_179, %broadcast_in_dim3A_512], %exp3A_510 : memref<128x72xf32, #tpu.memory_space<vmem>>[vector<16xi32>, vector<16xi32>], vector<16xf32>,
        %broadcast_in_dim3A_513 = arith.constant 56 : i32
        %broadcast_in_dim3A_514 = vector.broadcast %broadcast_in_dim3A_513 : i32 to vector<16xi32>
        %gather3A_515 = tpu.vector_load_idx %arg10[%add3A_179, %broadcast_in_dim3A_514] : memref<128x80xf32, #tpu.memory_space<vmem>>[vector<16xi32>, vector<16xi32>], vector<16xf32>,
        %mul3A_516 = arith.mulf %gather3A_515, %exp3A_510 : vector<16xf32>
        tpu.vector_store_idx %arg14[%add3A_179, %broadcast_in_dim3A_514], %mul3A_516 : memref<128x72xf32, #tpu.memory_space<vmem>>[vector<16xi32>, vector<16xi32>], vector<16xf32>,
        %broadcast_in_dim3A_517 = arith.constant 57 : i32
        %broadcast_in_dim3A_518 = vector.broadcast %broadcast_in_dim3A_517 : i32 to vector<16xi32>
        %gather3A_519 = tpu.vector_load_idx %arg10[%add3A_179, %broadcast_in_dim3A_518] : memref<128x80xf32, #tpu.memory_space<vmem>>[vector<16xi32>, vector<16xi32>], vector<16xf32>,
        %mul3A_520 = arith.mulf %gather3A_519, %exp3A_510 : vector<16xf32>
        tpu.vector_store_idx %arg14[%add3A_179, %broadcast_in_dim3A_518], %mul3A_520 : memref<128x72xf32, #tpu.memory_space<vmem>>[vector<16xi32>, vector<16xi32>], vector<16xf32>,
        %broadcast_in_dim3A_521 = arith.constant 58 : i32
        %broadcast_in_dim3A_522 = vector.broadcast %broadcast_in_dim3A_521 : i32 to vector<16xi32>
        %gather3A_523 = tpu.vector_load_idx %arg10[%add3A_179, %broadcast_in_dim3A_522] : memref<128x80xf32, #tpu.memory_space<vmem>>[vector<16xi32>, vector<16xi32>], vector<16xf32>,
        %mul3A_524 = arith.mulf %gather3A_523, %exp3A_510 : vector<16xf32>
        tpu.vector_store_idx %arg14[%add3A_179, %broadcast_in_dim3A_522], %mul3A_524 : memref<128x72xf32, #tpu.memory_space<vmem>>[vector<16xi32>, vector<16xi32>], vector<16xf32>,
        %broadcast_in_dim3A_525 = arith.constant 59 : i32
        %broadcast_in_dim3A_526 = vector.broadcast %broadcast_in_dim3A_525 : i32 to vector<16xi32>
        %gather3A_527 = tpu.vector_load_idx %arg10[%add3A_179, %broadcast_in_dim3A_526] : memref<128x80xf32, #tpu.memory_space<vmem>>[vector<16xi32>, vector<16xi32>], vector<16xf32>,
        %mul3A_528 = arith.mulf %gather3A_527, %exp3A_510 : vector<16xf32>
        tpu.vector_store_idx %arg14[%add3A_179, %broadcast_in_dim3A_526], %mul3A_528 : memref<128x72xf32, #tpu.memory_space<vmem>>[vector<16xi32>, vector<16xi32>], vector<16xf32>,
        %broadcast_in_dim3A_529 = arith.constant 60 : i32
        %broadcast_in_dim3A_530 = vector.broadcast %broadcast_in_dim3A_529 : i32 to vector<16xi32>
        %gather3A_531 = tpu.vector_load_idx %arg10[%add3A_179, %broadcast_in_dim3A_530] : memref<128x80xf32, #tpu.memory_space<vmem>>[vector<16xi32>, vector<16xi32>], vector<16xf32>,
        %mul3A_532 = arith.mulf %gather3A_531, %exp3A_510 : vector<16xf32>
        tpu.vector_store_idx %arg14[%add3A_179, %broadcast_in_dim3A_530], %mul3A_532 : memref<128x72xf32, #tpu.memory_space<vmem>>[vector<16xi32>, vector<16xi32>], vector<16xf32>,
        %broadcast_in_dim3A_533 = arith.constant 61 : i32
        %broadcast_in_dim3A_534 = vector.broadcast %broadcast_in_dim3A_533 : i32 to vector<16xi32>
        %gather3A_535 = tpu.vector_load_idx %arg10[%add3A_179, %broadcast_in_dim3A_534] : memref<128x80xf32, #tpu.memory_space<vmem>>[vector<16xi32>, vector<16xi32>], vector<16xf32>,
        %mul3A_536 = arith.mulf %gather3A_535, %exp3A_510 : vector<16xf32>
        tpu.vector_store_idx %arg14[%add3A_179, %broadcast_in_dim3A_534], %mul3A_536 : memref<128x72xf32, #tpu.memory_space<vmem>>[vector<16xi32>, vector<16xi32>], vector<16xf32>,
        %broadcast_in_dim3A_537 = arith.constant 62 : i32
        %broadcast_in_dim3A_538 = vector.broadcast %broadcast_in_dim3A_537 : i32 to vector<16xi32>
        %gather3A_539 = tpu.vector_load_idx %arg10[%add3A_179, %broadcast_in_dim3A_538] : memref<128x80xf32, #tpu.memory_space<vmem>>[vector<16xi32>, vector<16xi32>], vector<16xf32>,
        %mul3A_540 = arith.mulf %gather3A_539, %exp3A_510 : vector<16xf32>
        tpu.vector_store_idx %arg14[%add3A_179, %broadcast_in_dim3A_538], %mul3A_540 : memref<128x72xf32, #tpu.memory_space<vmem>>[vector<16xi32>, vector<16xi32>], vector<16xf32>,
        %broadcast_in_dim3A_541 = arith.constant 63 : i32
        %broadcast_in_dim3A_542 = vector.broadcast %broadcast_in_dim3A_541 : i32 to vector<16xi32>
        %gather3A_543 = tpu.vector_load_idx %arg10[%add3A_179, %broadcast_in_dim3A_542] : memref<128x80xf32, #tpu.memory_space<vmem>>[vector<16xi32>, vector<16xi32>], vector<16xf32>,
        %mul3A_544 = arith.mulf %gather3A_543, %exp3A_510 : vector<16xf32>
        tpu.vector_store_idx %arg14[%add3A_179, %broadcast_in_dim3A_542], %mul3A_544 : memref<128x72xf32, #tpu.memory_space<vmem>>[vector<16xi32>, vector<16xi32>], vector<16xf32>,
      }
      %scan3A_168 = arith.constant 8 : i32
      %dma_start3A_169 = arith.constant 0 : i32
      %dma_start3A_170 = tpu.memref_slice %arg8[%add3A_141, %dma_start3A_169] : memref<80x128xi32, #tpu.memory_space<vmem>> -> memref<1x128xi32, #tpu.memory_space<vmem>>
      %dma_start3A_171 = tpu.memref_squeeze %dma_start3A_170 : memref<1x128xi32, #tpu.memory_space<vmem>> -> memref<128xi32, #tpu.memory_space<vmem>>
      %dma_start3A_172 = arith.constant 0 : i32
      %dma_start3A_173 = arith.constant 0 : i32
      %dma_start3A_174 = tpu.memref_slice %arg15[%dma_start3A_172, %dma_start3A_173] : memref<10016x72xf32, #tpu.memory_space<vmem_shared>> -> memref<10016x72xf32, #tpu.memory_space<vmem_shared>>
      tpu.enqueue_indirect_dma source(%arg14 : memref<128x72xf32, #tpu.memory_space<vmem>>) target(%dma_start3A_174 : memref<10016x72xf32, #tpu.memory_space<vmem_shared>>) offsets(%dma_start3A_171 : memref<128xi32, #tpu.memory_space<vmem>>) semaphore(%arg20 : memref<!tpu.dma_semaphore, #tpu.memory_space<semaphore_mem>>) {add = true}
    }
    %scan3A_66 = arith.constant 40 : i32
    %dma_wait3A_67 = arith.constant 78 : i32
    %dma_wait3A_68 = arith.constant 0 : i32
    %dma_wait3A_69 = tpu.memref_slice %arg8[%dma_wait3A_67, %dma_wait3A_68] : memref<80x128xi32, #tpu.memory_space<vmem>> -> memref<1x128xi32, #tpu.memory_space<vmem>>
    %dma_wait3A_70 = tpu.memref_squeeze %dma_wait3A_69 : memref<1x128xi32, #tpu.memory_space<vmem>> -> memref<128xi32, #tpu.memory_space<vmem>>
    %dma_wait3A_71 = arith.constant 0 : i32
    %dma_wait3A_72 = arith.constant 0 : i32
    %dma_wait3A_73 = tpu.memref_slice %arg15[%dma_wait3A_71, %dma_wait3A_72] : memref<10016x72xf32, #tpu.memory_space<vmem_shared>> -> memref<10016x72xf32, #tpu.memory_space<vmem_shared>>
    tpu.wait_indirect_dma semaphore(%arg19 : memref<!tpu.dma_semaphore, #tpu.memory_space<semaphore_mem>>) src(%arg13 : memref<128x72xf32, #tpu.memory_space<vmem>>) dst(%dma_wait3A_73 : memref<10016x72xf32, #tpu.memory_space<vmem_shared>>)
    %dma_wait3A_74 = arith.constant 79 : i32
    %dma_wait3A_75 = arith.constant 0 : i32
    %dma_wait3A_76 = tpu.memref_slice %arg8[%dma_wait3A_74, %dma_wait3A_75] : memref<80x128xi32, #tpu.memory_space<vmem>> -> memref<1x128xi32, #tpu.memory_space<vmem>>
    %dma_wait3A_77 = tpu.memref_squeeze %dma_wait3A_76 : memref<1x128xi32, #tpu.memory_space<vmem>> -> memref<128xi32, #tpu.memory_space<vmem>>
    %dma_wait3A_78 = arith.constant 0 : i32
    %dma_wait3A_79 = arith.constant 0 : i32
    %dma_wait3A_80 = tpu.memref_slice %arg15[%dma_wait3A_78, %dma_wait3A_79] : memref<10016x72xf32, #tpu.memory_space<vmem_shared>> -> memref<10016x72xf32, #tpu.memory_space<vmem_shared>>
    tpu.wait_indirect_dma semaphore(%arg20 : memref<!tpu.dma_semaphore, #tpu.memory_space<semaphore_mem>>) src(%arg14 : memref<128x72xf32, #tpu.memory_space<vmem>>) dst(%dma_wait3A_80 : memref<10016x72xf32, #tpu.memory_space<vmem_shared>>)
    %barrier3A_81 = arith.constant 0 : index
    tpu.barrier barrier_id(%barrier3A_81)
    %mul3A_82 = arith.constant 624 : i32
    %mul3A_83 = arith.muli %arg1, %mul3A_82 : i32
    %mul3A_84 = arith.constant 624 : i32
    %mul3A_85 = arith.muli %arg1, %mul3A_84 : i32
    "tpu.region"() ({
      %run_scoped3A = tpu.sem_alloc : memref<!tpu.dma_semaphore, #tpu.memory_space<semaphore_mem>>
      %dma_start3A_91 = arith.constant 0 : i32
      %dma_start3A_92 = tpu.memref_slice %arg6[%arg0, %mul3A_85, %dma_start3A_91] : memref<2x10000x72xf32, #tpu.memory_space<hbm>> -> memref<1x624x72xf32, #tpu.memory_space<hbm>>
      %dma_start3A_93 = tpu.memref_squeeze %dma_start3A_92 : memref<1x624x72xf32, #tpu.memory_space<hbm>> -> memref<624x72xf32, #tpu.memory_space<hbm>>
      %dma_start3A_94 = arith.constant 0 : i32
      %dma_start3A_95 = tpu.memref_slice %arg15[%mul3A_83, %dma_start3A_94] : memref<10016x72xf32, #tpu.memory_space<vmem_shared>> -> memref<624x72xf32, #tpu.memory_space<vmem_shared>>
      tpu.enqueue_dma source(%dma_start3A_95 : memref<624x72xf32, #tpu.memory_space<vmem_shared>>) target(%dma_start3A_93 : memref<624x72xf32, #tpu.memory_space<hbm>>) target_semaphore(%run_scoped3A : memref<!tpu.dma_semaphore, #tpu.memory_space<semaphore_mem>>)
      %dma_wait3A_96 = arith.constant 0 : i32
      %dma_wait3A_97 = tpu.memref_slice %arg6[%arg0, %mul3A_85, %dma_wait3A_96] : memref<2x10000x72xf32, #tpu.memory_space<hbm>> -> memref<1x624x72xf32, #tpu.memory_space<hbm>>
      %dma_wait3A_98 = tpu.memref_squeeze %dma_wait3A_97 : memref<1x624x72xf32, #tpu.memory_space<hbm>> -> memref<624x72xf32, #tpu.memory_space<hbm>>
      %dma_wait3A_99 = arith.constant 0 : i32
      %dma_wait3A_100 = tpu.memref_slice %arg15[%mul3A_83, %dma_wait3A_99] : memref<10016x72xf32, #tpu.memory_space<vmem_shared>> -> memref<624x72xf32, #tpu.memory_space<vmem_shared>>
      tpu.wait_dma2 semaphore(%run_scoped3A : memref<!tpu.dma_semaphore, #tpu.memory_space<semaphore_mem>>) src(%dma_wait3A_100 : memref<624x72xf32, #tpu.memory_space<vmem_shared>>) dst(%dma_wait3A_98 : memref<624x72xf32, #tpu.memory_space<hbm>>)
      tpu.yield
    }) : () -> ()
    %eq3A_86 = arith.constant 15 : i32
    %eq3A_87 = arith.cmpi eq, %arg1, %eq3A_86 : i32
    %convert_element_type3A_88 = arith.extui %eq3A_87 : i1 to i32
    %cond3A_89 = arith.constant 0 : i32
    %cond3A_90 = arith.cmpi ne, %convert_element_type3A_88, %cond3A_89 : i32
    scf.if %cond3A_90 {
      "tpu.region"() ({
        %run_scoped3A = tpu.sem_alloc : memref<!tpu.dma_semaphore, #tpu.memory_space<semaphore_mem>>
        %dma_start3A_91 = arith.constant 9984 : i32
        %dma_start3A_92 = arith.constant 0 : i32
        %dma_start3A_93 = tpu.memref_slice %arg6[%arg0, %dma_start3A_91, %dma_start3A_92] : memref<2x10000x72xf32, #tpu.memory_space<hbm>> -> memref<1x16x72xf32, #tpu.memory_space<hbm>>
        %dma_start3A_94 = tpu.memref_squeeze %dma_start3A_93 : memref<1x16x72xf32, #tpu.memory_space<hbm>> -> memref<16x72xf32, #tpu.memory_space<hbm>>
        %dma_start3A_95 = arith.constant 9984 : i32
        %dma_start3A_96 = arith.constant 0 : i32
        %dma_start3A_97 = tpu.memref_slice %arg15[%dma_start3A_95, %dma_start3A_96] : memref<10016x72xf32, #tpu.memory_space<vmem_shared>> -> memref<16x72xf32, #tpu.memory_space<vmem_shared>>
        tpu.enqueue_dma source(%dma_start3A_97 : memref<16x72xf32, #tpu.memory_space<vmem_shared>>) target(%dma_start3A_94 : memref<16x72xf32, #tpu.memory_space<hbm>>) target_semaphore(%run_scoped3A : memref<!tpu.dma_semaphore, #tpu.memory_space<semaphore_mem>>)
        %dma_wait3A_98 = arith.constant 9984 : i32
        %dma_wait3A_99 = arith.constant 0 : i32
        %dma_wait3A_100 = tpu.memref_slice %arg6[%arg0, %dma_wait3A_98, %dma_wait3A_99] : memref<2x10000x72xf32, #tpu.memory_space<hbm>> -> memref<1x16x72xf32, #tpu.memory_space<hbm>>
        %dma_wait3A_101 = tpu.memref_squeeze %dma_wait3A_100 : memref<1x16x72xf32, #tpu.memory_space<hbm>> -> memref<16x72xf32, #tpu.memory_space<hbm>>
        %dma_wait3A_102 = arith.constant 9984 : i32
        %dma_wait3A_103 = arith.constant 0 : i32
        %dma_wait3A_104 = tpu.memref_slice %arg15[%dma_wait3A_102, %dma_wait3A_103] : memref<10016x72xf32, #tpu.memory_space<vmem_shared>> -> memref<16x72xf32, #tpu.memory_space<vmem_shared>>
        tpu.wait_dma2 semaphore(%run_scoped3A : memref<!tpu.dma_semaphore, #tpu.memory_space<semaphore_mem>>) src(%dma_wait3A_104 : memref<16x72xf32, #tpu.memory_space<vmem_shared>>) dst(%dma_wait3A_101 : memref<16x72xf32, #tpu.memory_space<hbm>>)
        tpu.yield
      }) : () -> ()
    } else {
    }
    return
  }
}

#map = affine_map<(d0, d1) -> (0, 0)>
#map1 = affine_map<(d0, d1) -> (0, 0, 0)>
module attributes {stable_mosaic.version = 14 : i64} {
  func.func @_sc2_body(%arg0: i32, %arg1: i32, %arg2: memref<10016x48xf32, #tpu.memory_space<hbm>>, %arg3: memref<10016x16xf32, #tpu.memory_space<hbm>>, %arg4: memref<2560x128xi32, #tpu.memory_space<hbm>>, %arg5: memref<2560x128xi32, #tpu.memory_space<hbm>>, %arg6: memref<2x10000x48xf32, #tpu.memory_space<hbm>>, %arg7: memref<80x128xi32, #tpu.memory_space<vmem>>, %arg8: memref<80x128xi32, #tpu.memory_space<vmem>>, %arg9: memref<128x48xf32, #tpu.memory_space<vmem>>, %arg10: memref<128x48xf32, #tpu.memory_space<vmem>>, %arg11: memref<128x16xf32, #tpu.memory_space<vmem>>, %arg12: memref<128x16xf32, #tpu.memory_space<vmem>>, %arg13: memref<128x48xf32, #tpu.memory_space<vmem>>, %arg14: memref<128x48xf32, #tpu.memory_space<vmem>>, %arg15: memref<10016x48xf32, #tpu.memory_space<vmem_shared>>, %arg16: memref<!tpu.dma_semaphore, #tpu.memory_space<semaphore_mem>>, %arg17: memref<!tpu.dma_semaphore, #tpu.memory_space<semaphore_mem>>, %arg18: memref<!tpu.dma_semaphore, #tpu.memory_space<semaphore_mem>>, %arg19: memref<!tpu.dma_semaphore, #tpu.memory_space<semaphore_mem>>, %arg20: memref<!tpu.dma_semaphore, #tpu.memory_space<semaphore_mem>>) attributes {dimension_semantics = [#tpu.dimension_semantics<core_parallel>, #tpu.dimension_semantics<subcore_parallel>], iteration_bounds = array<i64: 2, 16>, scalar_prefetch = 0 : i64, scratch_operands = 14 : i64, tpu.core_type = #tpu.core_type<sc_vector_subcore>, window_params = [{transform_indices = #map}, {transform_indices = #map}, {transform_indices = #map}, {transform_indices = #map}, {transform_indices = #map1}]} {
    %mul3A = arith.constant 2 : i32
    %mul3A_0 = arith.muli %mul3A, %arg1 : i32
    %add3A = arith.addi %mul3A_0, %arg0 : i32
    %iota3A = tpu.iota {dimensions = array<i32: 0>} : vector<16xi32>
    %broadcast_in_dim3A = arith.constant 0.000000e+00 : f32
    %broadcast_in_dim3A_1 = vector.broadcast %broadcast_in_dim3A : f32 to vector<16xf32>
    %mul3A_2 = arith.constant 80 : i32
    %mul3A_3 = arith.muli %add3A, %mul3A_2 : i32
    %dma_start3A = arith.constant 0 : i32
    %dma_start3A_4 = tpu.memref_slice %arg4[%mul3A_3, %dma_start3A] : memref<2560x128xi32, #tpu.memory_space<hbm>> -> memref<80x128xi32, #tpu.memory_space<hbm>>
    %dma_start3A_5 = arith.constant 0 : i32
    %dma_start3A_6 = tpu.memref_slice %arg4[%mul3A_3, %dma_start3A_5] : memref<2560x128xi32, #tpu.memory_space<hbm>> -> memref<80x128xi32, #tpu.memory_space<hbm>>
    tpu.enqueue_dma source(%dma_start3A_6 : memref<80x128xi32, #tpu.memory_space<hbm>>) target(%arg7 : memref<80x128xi32, #tpu.memory_space<vmem>>) target_semaphore(%arg16 : memref<!tpu.dma_semaphore, #tpu.memory_space<semaphore_mem>>)
    %mul3A_7 = arith.constant 80 : i32
    %mul3A_8 = arith.muli %add3A, %mul3A_7 : i32
    %dma_start3A_9 = arith.constant 0 : i32
    %dma_start3A_10 = tpu.memref_slice %arg5[%mul3A_8, %dma_start3A_9] : memref<2560x128xi32, #tpu.memory_space<hbm>> -> memref<80x128xi32, #tpu.memory_space<hbm>>
    %dma_start3A_11 = arith.constant 0 : i32
    %dma_start3A_12 = tpu.memref_slice %arg5[%mul3A_8, %dma_start3A_11] : memref<2560x128xi32, #tpu.memory_space<hbm>> -> memref<80x128xi32, #tpu.memory_space<hbm>>
    tpu.enqueue_dma source(%dma_start3A_12 : memref<80x128xi32, #tpu.memory_space<hbm>>) target(%arg8 : memref<80x128xi32, #tpu.memory_space<vmem>>) target_semaphore(%arg16 : memref<!tpu.dma_semaphore, #tpu.memory_space<semaphore_mem>>)
    %scan3A = arith.constant 0 : i32
    %scan3A_13 = arith.constant 0 : i32
    %scan3A_14 = arith.constant 128 : i32
    %scan3A_15 = arith.addi %scan3A_13, %scan3A_14 : i32
    %scan3A_16 = arith.constant 1 : i32
    scf.for %scan3A_91 = %scan3A_13 to %scan3A_15 step %scan3A_16  : i32 {
      %swap3A = arith.index_cast %scan3A_91 : i32 to index
      %swap3A_92 = arith.constant 0 : index
      %swap3A_93 = tpu.vector_load %arg13[%swap3A, %swap3A_92] {strides = array<i32>} : memref<128x48xf32, #tpu.memory_space<vmem>>, vector<16xf32>,
      tpu.vector_store %arg13[%swap3A, %swap3A_92], %broadcast_in_dim3A_1 {strides = array<i32>} : memref<128x48xf32, #tpu.memory_space<vmem>>, vector<16xf32>,
      %swap3A_94 = arith.index_cast %scan3A_91 : i32 to index
      %swap3A_95 = arith.constant 0 : index
      %swap3A_96 = tpu.vector_load %arg14[%swap3A_94, %swap3A_95] {strides = array<i32>} : memref<128x48xf32, #tpu.memory_space<vmem>>, vector<16xf32>,
      tpu.vector_store %arg14[%swap3A_94, %swap3A_95], %broadcast_in_dim3A_1 {strides = array<i32>} : memref<128x48xf32, #tpu.memory_space<vmem>>, vector<16xf32>,
      %swap3A_97 = arith.index_cast %scan3A_91 : i32 to index
      %swap3A_98 = arith.constant 16 : index
      %swap3A_99 = tpu.vector_load %arg13[%swap3A_97, %swap3A_98] {strides = array<i32>} : memref<128x48xf32, #tpu.memory_space<vmem>>, vector<16xf32>,
      tpu.vector_store %arg13[%swap3A_97, %swap3A_98], %broadcast_in_dim3A_1 {strides = array<i32>} : memref<128x48xf32, #tpu.memory_space<vmem>>, vector<16xf32>,
      %swap3A_100 = arith.index_cast %scan3A_91 : i32 to index
      %swap3A_101 = arith.constant 16 : index
      %swap3A_102 = tpu.vector_load %arg14[%swap3A_100, %swap3A_101] {strides = array<i32>} : memref<128x48xf32, #tpu.memory_space<vmem>>, vector<16xf32>,
      tpu.vector_store %arg14[%swap3A_100, %swap3A_101], %broadcast_in_dim3A_1 {strides = array<i32>} : memref<128x48xf32, #tpu.memory_space<vmem>>, vector<16xf32>,
      %swap3A_103 = arith.index_cast %scan3A_91 : i32 to index
      %swap3A_104 = arith.constant 32 : index
      %swap3A_105 = tpu.vector_load %arg13[%swap3A_103, %swap3A_104] {strides = array<i32>} : memref<128x48xf32, #tpu.memory_space<vmem>>, vector<16xf32>,
      tpu.vector_store %arg13[%swap3A_103, %swap3A_104], %broadcast_in_dim3A_1 {strides = array<i32>} : memref<128x48xf32, #tpu.memory_space<vmem>>, vector<16xf32>,
      %swap3A_106 = arith.index_cast %scan3A_91 : i32 to index
      %swap3A_107 = arith.constant 32 : index
      %swap3A_108 = tpu.vector_load %arg14[%swap3A_106, %swap3A_107] {strides = array<i32>} : memref<128x48xf32, #tpu.memory_space<vmem>>, vector<16xf32>,
      tpu.vector_store %arg14[%swap3A_106, %swap3A_107], %broadcast_in_dim3A_1 {strides = array<i32>} : memref<128x48xf32, #tpu.memory_space<vmem>>, vector<16xf32>,
    }
    %scan3A_17 = arith.constant 128 : i32
    %mul3A_18 = arith.constant 624 : i32
    %mul3A_19 = arith.muli %arg1, %mul3A_18 : i32
    %add3A_20 = arith.constant 0 : i32
    %add3A_21 = arith.addi %mul3A_19, %add3A_20 : i32
    "tpu.region"() ({
      %run_scoped3A = tpu.sem_alloc : memref<!tpu.dma_semaphore, #tpu.memory_space<semaphore_mem>>
      %dma_start3A_91 = arith.constant 0 : i32
      %dma_start3A_92 = tpu.memref_slice %arg15[%add3A_21, %dma_start3A_91] : memref<10016x48xf32, #tpu.memory_space<vmem_shared>> -> memref<128x48xf32, #tpu.memory_space<vmem_shared>>
      %dma_start3A_93 = arith.constant 0 : i32
      %dma_start3A_94 = tpu.memref_slice %arg15[%add3A_21, %dma_start3A_93] : memref<10016x48xf32, #tpu.memory_space<vmem_shared>> -> memref<128x48xf32, #tpu.memory_space<vmem_shared>>
      tpu.enqueue_dma source(%arg13 : memref<128x48xf32, #tpu.memory_space<vmem>>) target(%dma_start3A_94 : memref<128x48xf32, #tpu.memory_space<vmem_shared>>) target_semaphore(%run_scoped3A : memref<!tpu.dma_semaphore, #tpu.memory_space<semaphore_mem>>)
      %dma_wait3A_95 = arith.constant 0 : i32
      %dma_wait3A_96 = tpu.memref_slice %arg15[%add3A_21, %dma_wait3A_95] : memref<10016x48xf32, #tpu.memory_space<vmem_shared>> -> memref<128x48xf32, #tpu.memory_space<vmem_shared>>
      %dma_wait3A_97 = arith.constant 0 : i32
      %dma_wait3A_98 = tpu.memref_slice %arg15[%add3A_21, %dma_wait3A_97] : memref<10016x48xf32, #tpu.memory_space<vmem_shared>> -> memref<128x48xf32, #tpu.memory_space<vmem_shared>>
      tpu.wait_dma2 semaphore(%run_scoped3A : memref<!tpu.dma_semaphore, #tpu.memory_space<semaphore_mem>>) src(%arg13 : memref<128x48xf32, #tpu.memory_space<vmem>>) dst(%dma_wait3A_98 : memref<128x48xf32, #tpu.memory_space<vmem_shared>>)
      tpu.yield
    }) : () -> ()
    %mul3A_22 = arith.constant 624 : i32
    %mul3A_23 = arith.muli %arg1, %mul3A_22 : i32
    %add3A_24 = arith.constant 128 : i32
    %add3A_25 = arith.addi %mul3A_23, %add3A_24 : i32
    "tpu.region"() ({
      %run_scoped3A = tpu.sem_alloc : memref<!tpu.dma_semaphore, #tpu.memory_space<semaphore_mem>>
      %dma_start3A_91 = arith.constant 0 : i32
      %dma_start3A_92 = tpu.memref_slice %arg15[%add3A_25, %dma_start3A_91] : memref<10016x48xf32, #tpu.memory_space<vmem_shared>> -> memref<128x48xf32, #tpu.memory_space<vmem_shared>>
      %dma_start3A_93 = arith.constant 0 : i32
      %dma_start3A_94 = tpu.memref_slice %arg15[%add3A_25, %dma_start3A_93] : memref<10016x48xf32, #tpu.memory_space<vmem_shared>> -> memref<128x48xf32, #tpu.memory_space<vmem_shared>>
      tpu.enqueue_dma source(%arg13 : memref<128x48xf32, #tpu.memory_space<vmem>>) target(%dma_start3A_94 : memref<128x48xf32, #tpu.memory_space<vmem_shared>>) target_semaphore(%run_scoped3A : memref<!tpu.dma_semaphore, #tpu.memory_space<semaphore_mem>>)
      %dma_wait3A_95 = arith.constant 0 : i32
      %dma_wait3A_96 = tpu.memref_slice %arg15[%add3A_25, %dma_wait3A_95] : memref<10016x48xf32, #tpu.memory_space<vmem_shared>> -> memref<128x48xf32, #tpu.memory_space<vmem_shared>>
      %dma_wait3A_97 = arith.constant 0 : i32
      %dma_wait3A_98 = tpu.memref_slice %arg15[%add3A_25, %dma_wait3A_97] : memref<10016x48xf32, #tpu.memory_space<vmem_shared>> -> memref<128x48xf32, #tpu.memory_space<vmem_shared>>
      tpu.wait_dma2 semaphore(%run_scoped3A : memref<!tpu.dma_semaphore, #tpu.memory_space<semaphore_mem>>) src(%arg13 : memref<128x48xf32, #tpu.memory_space<vmem>>) dst(%dma_wait3A_98 : memref<128x48xf32, #tpu.memory_space<vmem_shared>>)
      tpu.yield
    }) : () -> ()
    %mul3A_26 = arith.constant 624 : i32
    %mul3A_27 = arith.muli %arg1, %mul3A_26 : i32
    %add3A_28 = arith.constant 256 : i32
    %add3A_29 = arith.addi %mul3A_27, %add3A_28 : i32
    "tpu.region"() ({
      %run_scoped3A = tpu.sem_alloc : memref<!tpu.dma_semaphore, #tpu.memory_space<semaphore_mem>>
      %dma_start3A_91 = arith.constant 0 : i32
      %dma_start3A_92 = tpu.memref_slice %arg15[%add3A_29, %dma_start3A_91] : memref<10016x48xf32, #tpu.memory_space<vmem_shared>> -> memref<128x48xf32, #tpu.memory_space<vmem_shared>>
      %dma_start3A_93 = arith.constant 0 : i32
      %dma_start3A_94 = tpu.memref_slice %arg15[%add3A_29, %dma_start3A_93] : memref<10016x48xf32, #tpu.memory_space<vmem_shared>> -> memref<128x48xf32, #tpu.memory_space<vmem_shared>>
      tpu.enqueue_dma source(%arg13 : memref<128x48xf32, #tpu.memory_space<vmem>>) target(%dma_start3A_94 : memref<128x48xf32, #tpu.memory_space<vmem_shared>>) target_semaphore(%run_scoped3A : memref<!tpu.dma_semaphore, #tpu.memory_space<semaphore_mem>>)
      %dma_wait3A_95 = arith.constant 0 : i32
      %dma_wait3A_96 = tpu.memref_slice %arg15[%add3A_29, %dma_wait3A_95] : memref<10016x48xf32, #tpu.memory_space<vmem_shared>> -> memref<128x48xf32, #tpu.memory_space<vmem_shared>>
      %dma_wait3A_97 = arith.constant 0 : i32
      %dma_wait3A_98 = tpu.memref_slice %arg15[%add3A_29, %dma_wait3A_97] : memref<10016x48xf32, #tpu.memory_space<vmem_shared>> -> memref<128x48xf32, #tpu.memory_space<vmem_shared>>
      tpu.wait_dma2 semaphore(%run_scoped3A : memref<!tpu.dma_semaphore, #tpu.memory_space<semaphore_mem>>) src(%arg13 : memref<128x48xf32, #tpu.memory_space<vmem>>) dst(%dma_wait3A_98 : memref<128x48xf32, #tpu.memory_space<vmem_shared>>)
      tpu.yield
    }) : () -> ()
    %mul3A_30 = arith.constant 624 : i32
    %mul3A_31 = arith.muli %arg1, %mul3A_30 : i32
    %add3A_32 = arith.constant 384 : i32
    %add3A_33 = arith.addi %mul3A_31, %add3A_32 : i32
    "tpu.region"() ({
      %run_scoped3A = tpu.sem_alloc : memref<!tpu.dma_semaphore, #tpu.memory_space<semaphore_mem>>
      %dma_start3A_91 = arith.constant 0 : i32
      %dma_start3A_92 = tpu.memref_slice %arg15[%add3A_33, %dma_start3A_91] : memref<10016x48xf32, #tpu.memory_space<vmem_shared>> -> memref<128x48xf32, #tpu.memory_space<vmem_shared>>
      %dma_start3A_93 = arith.constant 0 : i32
      %dma_start3A_94 = tpu.memref_slice %arg15[%add3A_33, %dma_start3A_93] : memref<10016x48xf32, #tpu.memory_space<vmem_shared>> -> memref<128x48xf32, #tpu.memory_space<vmem_shared>>
      tpu.enqueue_dma source(%arg13 : memref<128x48xf32, #tpu.memory_space<vmem>>) target(%dma_start3A_94 : memref<128x48xf32, #tpu.memory_space<vmem_shared>>) target_semaphore(%run_scoped3A : memref<!tpu.dma_semaphore, #tpu.memory_space<semaphore_mem>>)
      %dma_wait3A_95 = arith.constant 0 : i32
      %dma_wait3A_96 = tpu.memref_slice %arg15[%add3A_33, %dma_wait3A_95] : memref<10016x48xf32, #tpu.memory_space<vmem_shared>> -> memref<128x48xf32, #tpu.memory_space<vmem_shared>>
      %dma_wait3A_97 = arith.constant 0 : i32
      %dma_wait3A_98 = tpu.memref_slice %arg15[%add3A_33, %dma_wait3A_97] : memref<10016x48xf32, #tpu.memory_space<vmem_shared>> -> memref<128x48xf32, #tpu.memory_space<vmem_shared>>
      tpu.wait_dma2 semaphore(%run_scoped3A : memref<!tpu.dma_semaphore, #tpu.memory_space<semaphore_mem>>) src(%arg13 : memref<128x48xf32, #tpu.memory_space<vmem>>) dst(%dma_wait3A_98 : memref<128x48xf32, #tpu.memory_space<vmem_shared>>)
      tpu.yield
    }) : () -> ()
    %mul3A_34 = arith.constant 624 : i32
    %mul3A_35 = arith.muli %arg1, %mul3A_34 : i32
    %add3A_36 = arith.constant 512 : i32
    %add3A_37 = arith.addi %mul3A_35, %add3A_36 : i32
    "tpu.region"() ({
      %run_scoped3A = tpu.sem_alloc : memref<!tpu.dma_semaphore, #tpu.memory_space<semaphore_mem>>
      %dma_start3A_91 = arith.constant 0 : i32
      %dma_start3A_92 = tpu.memref_slice %arg15[%add3A_37, %dma_start3A_91] : memref<10016x48xf32, #tpu.memory_space<vmem_shared>> -> memref<128x48xf32, #tpu.memory_space<vmem_shared>>
      %dma_start3A_93 = arith.constant 0 : i32
      %dma_start3A_94 = tpu.memref_slice %arg15[%add3A_37, %dma_start3A_93] : memref<10016x48xf32, #tpu.memory_space<vmem_shared>> -> memref<128x48xf32, #tpu.memory_space<vmem_shared>>
      tpu.enqueue_dma source(%arg13 : memref<128x48xf32, #tpu.memory_space<vmem>>) target(%dma_start3A_94 : memref<128x48xf32, #tpu.memory_space<vmem_shared>>) target_semaphore(%run_scoped3A : memref<!tpu.dma_semaphore, #tpu.memory_space<semaphore_mem>>)
      %dma_wait3A_95 = arith.constant 0 : i32
      %dma_wait3A_96 = tpu.memref_slice %arg15[%add3A_37, %dma_wait3A_95] : memref<10016x48xf32, #tpu.memory_space<vmem_shared>> -> memref<128x48xf32, #tpu.memory_space<vmem_shared>>
      %dma_wait3A_97 = arith.constant 0 : i32
      %dma_wait3A_98 = tpu.memref_slice %arg15[%add3A_37, %dma_wait3A_97] : memref<10016x48xf32, #tpu.memory_space<vmem_shared>> -> memref<128x48xf32, #tpu.memory_space<vmem_shared>>
      tpu.wait_dma2 semaphore(%run_scoped3A : memref<!tpu.dma_semaphore, #tpu.memory_space<semaphore_mem>>) src(%arg13 : memref<128x48xf32, #tpu.memory_space<vmem>>) dst(%dma_wait3A_98 : memref<128x48xf32, #tpu.memory_space<vmem_shared>>)
      tpu.yield
    }) : () -> ()
    %eq3A = arith.constant 15 : i32
    %eq3A_38 = arith.cmpi eq, %arg1, %eq3A : i32
    %convert_element_type3A = arith.extui %eq3A_38 : i1 to i32
    %cond3A = arith.constant 0 : i32
    %cond3A_39 = arith.cmpi ne, %convert_element_type3A, %cond3A : i32
    scf.if %cond3A_39 {
      "tpu.region"() ({
        %run_scoped3A = tpu.sem_alloc : memref<!tpu.dma_semaphore, #tpu.memory_space<semaphore_mem>>
        %dma_start3A_91 = arith.constant 9888 : i32
        %dma_start3A_92 = arith.constant 0 : i32
        %dma_start3A_93 = tpu.memref_slice %arg15[%dma_start3A_91, %dma_start3A_92] : memref<10016x48xf32, #tpu.memory_space<vmem_shared>> -> memref<128x48xf32, #tpu.memory_space<vmem_shared>>
        %dma_start3A_94 = arith.constant 9888 : i32
        %dma_start3A_95 = arith.constant 0 : i32
        %dma_start3A_96 = tpu.memref_slice %arg15[%dma_start3A_94, %dma_start3A_95] : memref<10016x48xf32, #tpu.memory_space<vmem_shared>> -> memref<128x48xf32, #tpu.memory_space<vmem_shared>>
        tpu.enqueue_dma source(%arg13 : memref<128x48xf32, #tpu.memory_space<vmem>>) target(%dma_start3A_96 : memref<128x48xf32, #tpu.memory_space<vmem_shared>>) target_semaphore(%run_scoped3A : memref<!tpu.dma_semaphore, #tpu.memory_space<semaphore_mem>>)
        %dma_wait3A_97 = arith.constant 9888 : i32
        %dma_wait3A_98 = arith.constant 0 : i32
        %dma_wait3A_99 = tpu.memref_slice %arg15[%dma_wait3A_97, %dma_wait3A_98] : memref<10016x48xf32, #tpu.memory_space<vmem_shared>> -> memref<128x48xf32, #tpu.memory_space<vmem_shared>>
        %dma_wait3A_100 = arith.constant 9888 : i32
        %dma_wait3A_101 = arith.constant 0 : i32
        %dma_wait3A_102 = tpu.memref_slice %arg15[%dma_wait3A_100, %dma_wait3A_101] : memref<10016x48xf32, #tpu.memory_space<vmem_shared>> -> memref<128x48xf32, #tpu.memory_space<vmem_shared>>
        tpu.wait_dma2 semaphore(%run_scoped3A : memref<!tpu.dma_semaphore, #tpu.memory_space<semaphore_mem>>) src(%arg13 : memref<128x48xf32, #tpu.memory_space<vmem>>) dst(%dma_wait3A_102 : memref<128x48xf32, #tpu.memory_space<vmem_shared>>)
        tpu.yield
      }) : () -> ()
    } else {
    }
    %barrier3A = arith.constant 0 : index
    tpu.barrier barrier_id(%barrier3A)
    %dma_wait3A = arith.constant 0 : i32
    %dma_wait3A_40 = tpu.memref_slice %arg4[%mul3A_3, %dma_wait3A] : memref<2560x128xi32, #tpu.memory_space<hbm>> -> memref<80x128xi32, #tpu.memory_space<hbm>>
    %dma_wait3A_41 = arith.constant 0 : i32
    %dma_wait3A_42 = tpu.memref_slice %arg4[%mul3A_3, %dma_wait3A_41] : memref<2560x128xi32, #tpu.memory_space<hbm>> -> memref<80x128xi32, #tpu.memory_space<hbm>>
    tpu.wait_dma2 semaphore(%arg16 : memref<!tpu.dma_semaphore, #tpu.memory_space<semaphore_mem>>) src(%dma_wait3A_42 : memref<80x128xi32, #tpu.memory_space<hbm>>) dst(%arg7 : memref<80x128xi32, #tpu.memory_space<vmem>>)
    %dma_wait3A_43 = arith.constant 0 : i32
    %dma_wait3A_44 = tpu.memref_slice %arg5[%mul3A_8, %dma_wait3A_43] : memref<2560x128xi32, #tpu.memory_space<hbm>> -> memref<80x128xi32, #tpu.memory_space<hbm>>
    %dma_wait3A_45 = arith.constant 0 : i32
    %dma_wait3A_46 = tpu.memref_slice %arg5[%mul3A_8, %dma_wait3A_45] : memref<2560x128xi32, #tpu.memory_space<hbm>> -> memref<80x128xi32, #tpu.memory_space<hbm>>
    tpu.wait_dma2 semaphore(%arg16 : memref<!tpu.dma_semaphore, #tpu.memory_space<semaphore_mem>>) src(%dma_wait3A_46 : memref<80x128xi32, #tpu.memory_space<hbm>>) dst(%arg8 : memref<80x128xi32, #tpu.memory_space<vmem>>)
    %dma_start3A_47 = arith.constant 0 : i32
    %dma_start3A_48 = arith.constant 0 : i32
    %dma_start3A_49 = tpu.memref_slice %arg7[%dma_start3A_47, %dma_start3A_48] : memref<80x128xi32, #tpu.memory_space<vmem>> -> memref<1x128xi32, #tpu.memory_space<vmem>>
    %dma_start3A_50 = tpu.memref_squeeze %dma_start3A_49 : memref<1x128xi32, #tpu.memory_space<vmem>> -> memref<128xi32, #tpu.memory_space<vmem>>
    %dma_start3A_51 = arith.constant 0 : i32
    %dma_start3A_52 = arith.constant 0 : i32
    %dma_start3A_53 = tpu.memref_slice %arg2[%dma_start3A_51, %dma_start3A_52] : memref<10016x48xf32, #tpu.memory_space<hbm>> -> memref<10016x48xf32, #tpu.memory_space<hbm>>
    tpu.enqueue_indirect_dma source(%dma_start3A_53 : memref<10016x48xf32, #tpu.memory_space<hbm>>) target(%arg9 : memref<128x48xf32, #tpu.memory_space<vmem>>) offsets(%dma_start3A_50 : memref<128xi32, #tpu.memory_space<vmem>>) semaphore(%arg17 : memref<!tpu.dma_semaphore, #tpu.memory_space<semaphore_mem>>)
    %dma_start3A_54 = arith.constant 0 : i32
    %dma_start3A_55 = arith.constant 0 : i32
    %dma_start3A_56 = tpu.memref_slice %arg8[%dma_start3A_54, %dma_start3A_55] : memref<80x128xi32, #tpu.memory_space<vmem>> -> memref<1x128xi32, #tpu.memory_space<vmem>>
    %dma_start3A_57 = tpu.memref_squeeze %dma_start3A_56 : memref<1x128xi32, #tpu.memory_space<vmem>> -> memref<128xi32, #tpu.memory_space<vmem>>
    %dma_start3A_58 = arith.constant 0 : i32
    %dma_start3A_59 = arith.constant 0 : i32
    %dma_start3A_60 = tpu.memref_slice %arg3[%dma_start3A_58, %dma_start3A_59] : memref<10016x16xf32, #tpu.memory_space<hbm>> -> memref<10016x16xf32, #tpu.memory_space<hbm>>
    tpu.enqueue_indirect_dma source(%dma_start3A_60 : memref<10016x16xf32, #tpu.memory_space<hbm>>) target(%arg11 : memref<128x16xf32, #tpu.memory_space<vmem>>) offsets(%dma_start3A_57 : memref<128xi32, #tpu.memory_space<vmem>>) semaphore(%arg17 : memref<!tpu.dma_semaphore, #tpu.memory_space<semaphore_mem>>)
    %scan3A_61 = arith.constant 0 : i32
    %scan3A_62 = arith.constant 0 : i32
    %scan3A_63 = arith.constant 40 : i32
    %scan3A_64 = arith.addi %scan3A_62, %scan3A_63 : i32
    %scan3A_65 = arith.constant 1 : i32
    scf.for %scan3A_91 = %scan3A_62 to %scan3A_64 step %scan3A_65  : i32 {
      %mul3A_92 = arith.constant 2 : i32
      %mul3A_93 = arith.muli %mul3A_92, %scan3A_91 : i32
      %add3A_94 = arith.constant 0 : i32
      %add3A_95 = arith.addi %mul3A_93, %add3A_94 : i32
      %add3A_96 = arith.constant 1 : i32
      %add3A_97 = arith.addi %add3A_95, %add3A_96 : i32
      %dma_start3A_98 = arith.constant 0 : i32
      %dma_start3A_99 = tpu.memref_slice %arg7[%add3A_97, %dma_start3A_98] : memref<80x128xi32, #tpu.memory_space<vmem>> -> memref<1x128xi32, #tpu.memory_space<vmem>>
      %dma_start3A_100 = tpu.memref_squeeze %dma_start3A_99 : memref<1x128xi32, #tpu.memory_space<vmem>> -> memref<128xi32, #tpu.memory_space<vmem>>
      %dma_start3A_101 = arith.constant 0 : i32
      %dma_start3A_102 = arith.constant 0 : i32
      %dma_start3A_103 = tpu.memref_slice %arg2[%dma_start3A_101, %dma_start3A_102] : memref<10016x48xf32, #tpu.memory_space<hbm>> -> memref<10016x48xf32, #tpu.memory_space<hbm>>
      tpu.enqueue_indirect_dma source(%dma_start3A_103 : memref<10016x48xf32, #tpu.memory_space<hbm>>) target(%arg10 : memref<128x48xf32, #tpu.memory_space<vmem>>) offsets(%dma_start3A_100 : memref<128xi32, #tpu.memory_space<vmem>>) semaphore(%arg18 : memref<!tpu.dma_semaphore, #tpu.memory_space<semaphore_mem>>)
      %dma_start3A_104 = arith.constant 0 : i32
      %dma_start3A_105 = tpu.memref_slice %arg8[%add3A_97, %dma_start3A_104] : memref<80x128xi32, #tpu.memory_space<vmem>> -> memref<1x128xi32, #tpu.memory_space<vmem>>
      %dma_start3A_106 = tpu.memref_squeeze %dma_start3A_105 : memref<1x128xi32, #tpu.memory_space<vmem>> -> memref<128xi32, #tpu.memory_space<vmem>>
      %dma_start3A_107 = arith.constant 0 : i32
      %dma_start3A_108 = arith.constant 0 : i32
      %dma_start3A_109 = tpu.memref_slice %arg3[%dma_start3A_107, %dma_start3A_108] : memref<10016x16xf32, #tpu.memory_space<hbm>> -> memref<10016x16xf32, #tpu.memory_space<hbm>>
      tpu.enqueue_indirect_dma source(%dma_start3A_109 : memref<10016x16xf32, #tpu.memory_space<hbm>>) target(%arg12 : memref<128x16xf32, #tpu.memory_space<vmem>>) offsets(%dma_start3A_106 : memref<128xi32, #tpu.memory_space<vmem>>) semaphore(%arg18 : memref<!tpu.dma_semaphore, #tpu.memory_space<semaphore_mem>>)
      %dma_wait3A_110 = arith.constant 0 : i32
      %dma_wait3A_111 = tpu.memref_slice %arg7[%add3A_95, %dma_wait3A_110] : memref<80x128xi32, #tpu.memory_space<vmem>> -> memref<1x128xi32, #tpu.memory_space<vmem>>
      %dma_wait3A_112 = tpu.memref_squeeze %dma_wait3A_111 : memref<1x128xi32, #tpu.memory_space<vmem>> -> memref<128xi32, #tpu.memory_space<vmem>>
      %dma_wait3A_113 = arith.constant 0 : i32
      %dma_wait3A_114 = arith.constant 0 : i32
      %dma_wait3A_115 = tpu.memref_slice %arg2[%dma_wait3A_113, %dma_wait3A_114] : memref<10016x48xf32, #tpu.memory_space<hbm>> -> memref<10016x48xf32, #tpu.memory_space<hbm>>
      tpu.wait_indirect_dma semaphore(%arg17 : memref<!tpu.dma_semaphore, #tpu.memory_space<semaphore_mem>>) src(%dma_wait3A_115 : memref<10016x48xf32, #tpu.memory_space<hbm>>) dst(%arg9 : memref<128x48xf32, #tpu.memory_space<vmem>>)
      %dma_wait3A_116 = arith.constant 0 : i32
      %dma_wait3A_117 = tpu.memref_slice %arg8[%add3A_95, %dma_wait3A_116] : memref<80x128xi32, #tpu.memory_space<vmem>> -> memref<1x128xi32, #tpu.memory_space<vmem>>
      %dma_wait3A_118 = tpu.memref_squeeze %dma_wait3A_117 : memref<1x128xi32, #tpu.memory_space<vmem>> -> memref<128xi32, #tpu.memory_space<vmem>>
      %dma_wait3A_119 = arith.constant 0 : i32
      %dma_wait3A_120 = arith.constant 0 : i32
      %dma_wait3A_121 = tpu.memref_slice %arg3[%dma_wait3A_119, %dma_wait3A_120] : memref<10016x16xf32, #tpu.memory_space<hbm>> -> memref<10016x16xf32, #tpu.memory_space<hbm>>
      tpu.wait_indirect_dma semaphore(%arg17 : memref<!tpu.dma_semaphore, #tpu.memory_space<semaphore_mem>>) src(%dma_wait3A_121 : memref<10016x16xf32, #tpu.memory_space<hbm>>) dst(%arg11 : memref<128x16xf32, #tpu.memory_space<vmem>>)
      %ge3A = arith.constant 1 : i32
      %ge3A_122 = arith.cmpi sge, %scan3A_91, %ge3A : i32
      %convert_element_type3A_123 = arith.extui %ge3A_122 : i1 to i32
      %cond3A_124 = arith.constant 0 : i32
      %cond3A_125 = arith.cmpi ne, %convert_element_type3A_123, %cond3A_124 : i32
      scf.if %cond3A_125 {
        %sub3A = arith.constant 2 : i32
        %sub3A_175 = arith.subi %add3A_95, %sub3A : i32
        %dma_wait3A_176 = arith.constant 0 : i32
        %dma_wait3A_177 = tpu.memref_slice %arg8[%sub3A_175, %dma_wait3A_176] : memref<80x128xi32, #tpu.memory_space<vmem>> -> memref<1x128xi32, #tpu.memory_space<vmem>>
        %dma_wait3A_178 = tpu.memref_squeeze %dma_wait3A_177 : memref<1x128xi32, #tpu.memory_space<vmem>> -> memref<128xi32, #tpu.memory_space<vmem>>
        %dma_wait3A_179 = arith.constant 0 : i32
        %dma_wait3A_180 = arith.constant 0 : i32
        %dma_wait3A_181 = tpu.memref_slice %arg15[%dma_wait3A_179, %dma_wait3A_180] : memref<10016x48xf32, #tpu.memory_space<vmem_shared>> -> memref<10016x48xf32, #tpu.memory_space<vmem_shared>>
        tpu.wait_indirect_dma semaphore(%arg19 : memref<!tpu.dma_semaphore, #tpu.memory_space<semaphore_mem>>) src(%arg13 : memref<128x48xf32, #tpu.memory_space<vmem>>) dst(%dma_wait3A_181 : memref<10016x48xf32, #tpu.memory_space<vmem_shared>>)
      } else {
      }
      %scan3A_126 = arith.constant 0 : i32
      %scan3A_127 = arith.constant 0 : i32
      %scan3A_128 = arith.constant 8 : i32
      %scan3A_129 = arith.addi %scan3A_127, %scan3A_128 : i32
      %scan3A_130 = arith.constant 1 : i32
      scf.for %scan3A_175 = %scan3A_127 to %scan3A_129 step %scan3A_130  : i32 {
        %mul3A_176 = arith.constant 16 : i32
        %mul3A_177 = arith.muli %scan3A_175, %mul3A_176 : i32
        %add3A_178 = vector.broadcast %mul3A_177 : i32 to vector<16xi32>
        %add3A_179 = arith.addi %add3A_178, %iota3A : vector<16xi32>
        %broadcast_in_dim3A_180 = arith.constant 40 : i32
        %broadcast_in_dim3A_181 = vector.broadcast %broadcast_in_dim3A_180 : i32 to vector<16xi32>
        %gather3A = tpu.vector_load_idx %arg9[%add3A_179, %broadcast_in_dim3A_181] : memref<128x48xf32, #tpu.memory_space<vmem>>[vector<16xi32>, vector<16xi32>], vector<16xf32>,
        %broadcast_in_dim3A_182 = arith.constant 0 : i32
        %broadcast_in_dim3A_183 = vector.broadcast %broadcast_in_dim3A_182 : i32 to vector<16xi32>
        %gather3A_184 = tpu.vector_load_idx %arg11[%add3A_179, %broadcast_in_dim3A_183] : memref<128x16xf32, #tpu.memory_space<vmem>>[vector<16xi32>, vector<16xi32>], vector<16xf32>,
        %add3A_185 = arith.addf %gather3A, %gather3A_184 : vector<16xf32>
        %mul3A_186 = arith.constant 2.000000e-01 : f32
        %mul3A_187 = vector.broadcast %mul3A_186 : f32 to vector<16xf32>
        %mul3A_188 = arith.mulf %mul3A_187, %add3A_185 : vector<16xf32>
        %max3A = arith.maximumf %add3A_185, %mul3A_188 : vector<16xf32>
        %exp3A = math.exp %max3A : vector<16xf32>
        %broadcast_in_dim3A_189 = arith.constant 0 : i32
        %broadcast_in_dim3A_190 = vector.broadcast %broadcast_in_dim3A_189 : i32 to vector<16xi32>
        %gather3A_191 = tpu.vector_load_idx %arg9[%add3A_179, %broadcast_in_dim3A_190] : memref<128x48xf32, #tpu.memory_space<vmem>>[vector<16xi32>, vector<16xi32>], vector<16xf32>,
        %mul3A_192 = arith.mulf %gather3A_191, %exp3A : vector<16xf32>
        tpu.vector_store_idx %arg13[%add3A_179, %broadcast_in_dim3A_190], %mul3A_192 : memref<128x48xf32, #tpu.memory_space<vmem>>[vector<16xi32>, vector<16xi32>], vector<16xf32>,
        %broadcast_in_dim3A_193 = arith.constant 1 : i32
        %broadcast_in_dim3A_194 = vector.broadcast %broadcast_in_dim3A_193 : i32 to vector<16xi32>
        %gather3A_195 = tpu.vector_load_idx %arg9[%add3A_179, %broadcast_in_dim3A_194] : memref<128x48xf32, #tpu.memory_space<vmem>>[vector<16xi32>, vector<16xi32>], vector<16xf32>,
        %mul3A_196 = arith.mulf %gather3A_195, %exp3A : vector<16xf32>
        tpu.vector_store_idx %arg13[%add3A_179, %broadcast_in_dim3A_194], %mul3A_196 : memref<128x48xf32, #tpu.memory_space<vmem>>[vector<16xi32>, vector<16xi32>], vector<16xf32>,
        %broadcast_in_dim3A_197 = arith.constant 2 : i32
        %broadcast_in_dim3A_198 = vector.broadcast %broadcast_in_dim3A_197 : i32 to vector<16xi32>
        %gather3A_199 = tpu.vector_load_idx %arg9[%add3A_179, %broadcast_in_dim3A_198] : memref<128x48xf32, #tpu.memory_space<vmem>>[vector<16xi32>, vector<16xi32>], vector<16xf32>,
        %mul3A_200 = arith.mulf %gather3A_199, %exp3A : vector<16xf32>
        tpu.vector_store_idx %arg13[%add3A_179, %broadcast_in_dim3A_198], %mul3A_200 : memref<128x48xf32, #tpu.memory_space<vmem>>[vector<16xi32>, vector<16xi32>], vector<16xf32>,
        %broadcast_in_dim3A_201 = arith.constant 3 : i32
        %broadcast_in_dim3A_202 = vector.broadcast %broadcast_in_dim3A_201 : i32 to vector<16xi32>
        %gather3A_203 = tpu.vector_load_idx %arg9[%add3A_179, %broadcast_in_dim3A_202] : memref<128x48xf32, #tpu.memory_space<vmem>>[vector<16xi32>, vector<16xi32>], vector<16xf32>,
        %mul3A_204 = arith.mulf %gather3A_203, %exp3A : vector<16xf32>
        tpu.vector_store_idx %arg13[%add3A_179, %broadcast_in_dim3A_202], %mul3A_204 : memref<128x48xf32, #tpu.memory_space<vmem>>[vector<16xi32>, vector<16xi32>], vector<16xf32>,
        %broadcast_in_dim3A_205 = arith.constant 4 : i32
        %broadcast_in_dim3A_206 = vector.broadcast %broadcast_in_dim3A_205 : i32 to vector<16xi32>
        %gather3A_207 = tpu.vector_load_idx %arg9[%add3A_179, %broadcast_in_dim3A_206] : memref<128x48xf32, #tpu.memory_space<vmem>>[vector<16xi32>, vector<16xi32>], vector<16xf32>,
        %mul3A_208 = arith.mulf %gather3A_207, %exp3A : vector<16xf32>
        tpu.vector_store_idx %arg13[%add3A_179, %broadcast_in_dim3A_206], %mul3A_208 : memref<128x48xf32, #tpu.memory_space<vmem>>[vector<16xi32>, vector<16xi32>], vector<16xf32>,
        %broadcast_in_dim3A_209 = arith.constant 5 : i32
        %broadcast_in_dim3A_210 = vector.broadcast %broadcast_in_dim3A_209 : i32 to vector<16xi32>
        %gather3A_211 = tpu.vector_load_idx %arg9[%add3A_179, %broadcast_in_dim3A_210] : memref<128x48xf32, #tpu.memory_space<vmem>>[vector<16xi32>, vector<16xi32>], vector<16xf32>,
        %mul3A_212 = arith.mulf %gather3A_211, %exp3A : vector<16xf32>
        tpu.vector_store_idx %arg13[%add3A_179, %broadcast_in_dim3A_210], %mul3A_212 : memref<128x48xf32, #tpu.memory_space<vmem>>[vector<16xi32>, vector<16xi32>], vector<16xf32>,
        %broadcast_in_dim3A_213 = arith.constant 6 : i32
        %broadcast_in_dim3A_214 = vector.broadcast %broadcast_in_dim3A_213 : i32 to vector<16xi32>
        %gather3A_215 = tpu.vector_load_idx %arg9[%add3A_179, %broadcast_in_dim3A_214] : memref<128x48xf32, #tpu.memory_space<vmem>>[vector<16xi32>, vector<16xi32>], vector<16xf32>,
        %mul3A_216 = arith.mulf %gather3A_215, %exp3A : vector<16xf32>
        tpu.vector_store_idx %arg13[%add3A_179, %broadcast_in_dim3A_214], %mul3A_216 : memref<128x48xf32, #tpu.memory_space<vmem>>[vector<16xi32>, vector<16xi32>], vector<16xf32>,
        %broadcast_in_dim3A_217 = arith.constant 7 : i32
        %broadcast_in_dim3A_218 = vector.broadcast %broadcast_in_dim3A_217 : i32 to vector<16xi32>
        %gather3A_219 = tpu.vector_load_idx %arg9[%add3A_179, %broadcast_in_dim3A_218] : memref<128x48xf32, #tpu.memory_space<vmem>>[vector<16xi32>, vector<16xi32>], vector<16xf32>,
        %mul3A_220 = arith.mulf %gather3A_219, %exp3A : vector<16xf32>
        tpu.vector_store_idx %arg13[%add3A_179, %broadcast_in_dim3A_218], %mul3A_220 : memref<128x48xf32, #tpu.memory_space<vmem>>[vector<16xi32>, vector<16xi32>], vector<16xf32>,
        %broadcast_in_dim3A_221 = arith.constant 8 : i32
        %broadcast_in_dim3A_222 = vector.broadcast %broadcast_in_dim3A_221 : i32 to vector<16xi32>
        %gather3A_223 = tpu.vector_load_idx %arg9[%add3A_179, %broadcast_in_dim3A_222] : memref<128x48xf32, #tpu.memory_space<vmem>>[vector<16xi32>, vector<16xi32>], vector<16xf32>,
        %mul3A_224 = arith.mulf %gather3A_223, %exp3A : vector<16xf32>
        tpu.vector_store_idx %arg13[%add3A_179, %broadcast_in_dim3A_222], %mul3A_224 : memref<128x48xf32, #tpu.memory_space<vmem>>[vector<16xi32>, vector<16xi32>], vector<16xf32>,
        %broadcast_in_dim3A_225 = arith.constant 9 : i32
        %broadcast_in_dim3A_226 = vector.broadcast %broadcast_in_dim3A_225 : i32 to vector<16xi32>
        %gather3A_227 = tpu.vector_load_idx %arg9[%add3A_179, %broadcast_in_dim3A_226] : memref<128x48xf32, #tpu.memory_space<vmem>>[vector<16xi32>, vector<16xi32>], vector<16xf32>,
        %mul3A_228 = arith.mulf %gather3A_227, %exp3A : vector<16xf32>
        tpu.vector_store_idx %arg13[%add3A_179, %broadcast_in_dim3A_226], %mul3A_228 : memref<128x48xf32, #tpu.memory_space<vmem>>[vector<16xi32>, vector<16xi32>], vector<16xf32>,
        %broadcast_in_dim3A_229 = arith.constant 10 : i32
        %broadcast_in_dim3A_230 = vector.broadcast %broadcast_in_dim3A_229 : i32 to vector<16xi32>
        %gather3A_231 = tpu.vector_load_idx %arg9[%add3A_179, %broadcast_in_dim3A_230] : memref<128x48xf32, #tpu.memory_space<vmem>>[vector<16xi32>, vector<16xi32>], vector<16xf32>,
        %mul3A_232 = arith.mulf %gather3A_231, %exp3A : vector<16xf32>
        tpu.vector_store_idx %arg13[%add3A_179, %broadcast_in_dim3A_230], %mul3A_232 : memref<128x48xf32, #tpu.memory_space<vmem>>[vector<16xi32>, vector<16xi32>], vector<16xf32>,
        %broadcast_in_dim3A_233 = arith.constant 11 : i32
        %broadcast_in_dim3A_234 = vector.broadcast %broadcast_in_dim3A_233 : i32 to vector<16xi32>
        %gather3A_235 = tpu.vector_load_idx %arg9[%add3A_179, %broadcast_in_dim3A_234] : memref<128x48xf32, #tpu.memory_space<vmem>>[vector<16xi32>, vector<16xi32>], vector<16xf32>,
        %mul3A_236 = arith.mulf %gather3A_235, %exp3A : vector<16xf32>
        tpu.vector_store_idx %arg13[%add3A_179, %broadcast_in_dim3A_234], %mul3A_236 : memref<128x48xf32, #tpu.memory_space<vmem>>[vector<16xi32>, vector<16xi32>], vector<16xf32>,
        %broadcast_in_dim3A_237 = arith.constant 12 : i32
        %broadcast_in_dim3A_238 = vector.broadcast %broadcast_in_dim3A_237 : i32 to vector<16xi32>
        %gather3A_239 = tpu.vector_load_idx %arg9[%add3A_179, %broadcast_in_dim3A_238] : memref<128x48xf32, #tpu.memory_space<vmem>>[vector<16xi32>, vector<16xi32>], vector<16xf32>,
        %mul3A_240 = arith.mulf %gather3A_239, %exp3A : vector<16xf32>
        tpu.vector_store_idx %arg13[%add3A_179, %broadcast_in_dim3A_238], %mul3A_240 : memref<128x48xf32, #tpu.memory_space<vmem>>[vector<16xi32>, vector<16xi32>], vector<16xf32>,
        %broadcast_in_dim3A_241 = arith.constant 13 : i32
        %broadcast_in_dim3A_242 = vector.broadcast %broadcast_in_dim3A_241 : i32 to vector<16xi32>
        %gather3A_243 = tpu.vector_load_idx %arg9[%add3A_179, %broadcast_in_dim3A_242] : memref<128x48xf32, #tpu.memory_space<vmem>>[vector<16xi32>, vector<16xi32>], vector<16xf32>,
        %mul3A_244 = arith.mulf %gather3A_243, %exp3A : vector<16xf32>
        tpu.vector_store_idx %arg13[%add3A_179, %broadcast_in_dim3A_242], %mul3A_244 : memref<128x48xf32, #tpu.memory_space<vmem>>[vector<16xi32>, vector<16xi32>], vector<16xf32>,
        %broadcast_in_dim3A_245 = arith.constant 14 : i32
        %broadcast_in_dim3A_246 = vector.broadcast %broadcast_in_dim3A_245 : i32 to vector<16xi32>
        %gather3A_247 = tpu.vector_load_idx %arg9[%add3A_179, %broadcast_in_dim3A_246] : memref<128x48xf32, #tpu.memory_space<vmem>>[vector<16xi32>, vector<16xi32>], vector<16xf32>,
        %mul3A_248 = arith.mulf %gather3A_247, %exp3A : vector<16xf32>
        tpu.vector_store_idx %arg13[%add3A_179, %broadcast_in_dim3A_246], %mul3A_248 : memref<128x48xf32, #tpu.memory_space<vmem>>[vector<16xi32>, vector<16xi32>], vector<16xf32>,
        %broadcast_in_dim3A_249 = arith.constant 15 : i32
        %broadcast_in_dim3A_250 = vector.broadcast %broadcast_in_dim3A_249 : i32 to vector<16xi32>
        %gather3A_251 = tpu.vector_load_idx %arg9[%add3A_179, %broadcast_in_dim3A_250] : memref<128x48xf32, #tpu.memory_space<vmem>>[vector<16xi32>, vector<16xi32>], vector<16xf32>,
        %mul3A_252 = arith.mulf %gather3A_251, %exp3A : vector<16xf32>
        tpu.vector_store_idx %arg13[%add3A_179, %broadcast_in_dim3A_250], %mul3A_252 : memref<128x48xf32, #tpu.memory_space<vmem>>[vector<16xi32>, vector<16xi32>], vector<16xf32>,
        %broadcast_in_dim3A_253 = arith.constant 16 : i32
        %broadcast_in_dim3A_254 = vector.broadcast %broadcast_in_dim3A_253 : i32 to vector<16xi32>
        %gather3A_255 = tpu.vector_load_idx %arg9[%add3A_179, %broadcast_in_dim3A_254] : memref<128x48xf32, #tpu.memory_space<vmem>>[vector<16xi32>, vector<16xi32>], vector<16xf32>,
        %mul3A_256 = arith.mulf %gather3A_255, %exp3A : vector<16xf32>
        tpu.vector_store_idx %arg13[%add3A_179, %broadcast_in_dim3A_254], %mul3A_256 : memref<128x48xf32, #tpu.memory_space<vmem>>[vector<16xi32>, vector<16xi32>], vector<16xf32>,
        %broadcast_in_dim3A_257 = arith.constant 17 : i32
        %broadcast_in_dim3A_258 = vector.broadcast %broadcast_in_dim3A_257 : i32 to vector<16xi32>
        %gather3A_259 = tpu.vector_load_idx %arg9[%add3A_179, %broadcast_in_dim3A_258] : memref<128x48xf32, #tpu.memory_space<vmem>>[vector<16xi32>, vector<16xi32>], vector<16xf32>,
        %mul3A_260 = arith.mulf %gather3A_259, %exp3A : vector<16xf32>
        tpu.vector_store_idx %arg13[%add3A_179, %broadcast_in_dim3A_258], %mul3A_260 : memref<128x48xf32, #tpu.memory_space<vmem>>[vector<16xi32>, vector<16xi32>], vector<16xf32>,
        %broadcast_in_dim3A_261 = arith.constant 18 : i32
        %broadcast_in_dim3A_262 = vector.broadcast %broadcast_in_dim3A_261 : i32 to vector<16xi32>
        %gather3A_263 = tpu.vector_load_idx %arg9[%add3A_179, %broadcast_in_dim3A_262] : memref<128x48xf32, #tpu.memory_space<vmem>>[vector<16xi32>, vector<16xi32>], vector<16xf32>,
        %mul3A_264 = arith.mulf %gather3A_263, %exp3A : vector<16xf32>
        tpu.vector_store_idx %arg13[%add3A_179, %broadcast_in_dim3A_262], %mul3A_264 : memref<128x48xf32, #tpu.memory_space<vmem>>[vector<16xi32>, vector<16xi32>], vector<16xf32>,
        %broadcast_in_dim3A_265 = arith.constant 19 : i32
        %broadcast_in_dim3A_266 = vector.broadcast %broadcast_in_dim3A_265 : i32 to vector<16xi32>
        %gather3A_267 = tpu.vector_load_idx %arg9[%add3A_179, %broadcast_in_dim3A_266] : memref<128x48xf32, #tpu.memory_space<vmem>>[vector<16xi32>, vector<16xi32>], vector<16xf32>,
        %mul3A_268 = arith.mulf %gather3A_267, %exp3A : vector<16xf32>
        tpu.vector_store_idx %arg13[%add3A_179, %broadcast_in_dim3A_266], %mul3A_268 : memref<128x48xf32, #tpu.memory_space<vmem>>[vector<16xi32>, vector<16xi32>], vector<16xf32>,
        %broadcast_in_dim3A_269 = arith.constant 20 : i32
        %broadcast_in_dim3A_270 = vector.broadcast %broadcast_in_dim3A_269 : i32 to vector<16xi32>
        %gather3A_271 = tpu.vector_load_idx %arg9[%add3A_179, %broadcast_in_dim3A_270] : memref<128x48xf32, #tpu.memory_space<vmem>>[vector<16xi32>, vector<16xi32>], vector<16xf32>,
        %mul3A_272 = arith.mulf %gather3A_271, %exp3A : vector<16xf32>
        tpu.vector_store_idx %arg13[%add3A_179, %broadcast_in_dim3A_270], %mul3A_272 : memref<128x48xf32, #tpu.memory_space<vmem>>[vector<16xi32>, vector<16xi32>], vector<16xf32>,
        %broadcast_in_dim3A_273 = arith.constant 21 : i32
        %broadcast_in_dim3A_274 = vector.broadcast %broadcast_in_dim3A_273 : i32 to vector<16xi32>
        %gather3A_275 = tpu.vector_load_idx %arg9[%add3A_179, %broadcast_in_dim3A_274] : memref<128x48xf32, #tpu.memory_space<vmem>>[vector<16xi32>, vector<16xi32>], vector<16xf32>,
        %mul3A_276 = arith.mulf %gather3A_275, %exp3A : vector<16xf32>
        tpu.vector_store_idx %arg13[%add3A_179, %broadcast_in_dim3A_274], %mul3A_276 : memref<128x48xf32, #tpu.memory_space<vmem>>[vector<16xi32>, vector<16xi32>], vector<16xf32>,
        %broadcast_in_dim3A_277 = arith.constant 22 : i32
        %broadcast_in_dim3A_278 = vector.broadcast %broadcast_in_dim3A_277 : i32 to vector<16xi32>
        %gather3A_279 = tpu.vector_load_idx %arg9[%add3A_179, %broadcast_in_dim3A_278] : memref<128x48xf32, #tpu.memory_space<vmem>>[vector<16xi32>, vector<16xi32>], vector<16xf32>,
        %mul3A_280 = arith.mulf %gather3A_279, %exp3A : vector<16xf32>
        tpu.vector_store_idx %arg13[%add3A_179, %broadcast_in_dim3A_278], %mul3A_280 : memref<128x48xf32, #tpu.memory_space<vmem>>[vector<16xi32>, vector<16xi32>], vector<16xf32>,
        %broadcast_in_dim3A_281 = arith.constant 23 : i32
        %broadcast_in_dim3A_282 = vector.broadcast %broadcast_in_dim3A_281 : i32 to vector<16xi32>
        %gather3A_283 = tpu.vector_load_idx %arg9[%add3A_179, %broadcast_in_dim3A_282] : memref<128x48xf32, #tpu.memory_space<vmem>>[vector<16xi32>, vector<16xi32>], vector<16xf32>,
        %mul3A_284 = arith.mulf %gather3A_283, %exp3A : vector<16xf32>
        tpu.vector_store_idx %arg13[%add3A_179, %broadcast_in_dim3A_282], %mul3A_284 : memref<128x48xf32, #tpu.memory_space<vmem>>[vector<16xi32>, vector<16xi32>], vector<16xf32>,
        %broadcast_in_dim3A_285 = arith.constant 24 : i32
        %broadcast_in_dim3A_286 = vector.broadcast %broadcast_in_dim3A_285 : i32 to vector<16xi32>
        %gather3A_287 = tpu.vector_load_idx %arg9[%add3A_179, %broadcast_in_dim3A_286] : memref<128x48xf32, #tpu.memory_space<vmem>>[vector<16xi32>, vector<16xi32>], vector<16xf32>,
        %mul3A_288 = arith.mulf %gather3A_287, %exp3A : vector<16xf32>
        tpu.vector_store_idx %arg13[%add3A_179, %broadcast_in_dim3A_286], %mul3A_288 : memref<128x48xf32, #tpu.memory_space<vmem>>[vector<16xi32>, vector<16xi32>], vector<16xf32>,
        %broadcast_in_dim3A_289 = arith.constant 25 : i32
        %broadcast_in_dim3A_290 = vector.broadcast %broadcast_in_dim3A_289 : i32 to vector<16xi32>
        %gather3A_291 = tpu.vector_load_idx %arg9[%add3A_179, %broadcast_in_dim3A_290] : memref<128x48xf32, #tpu.memory_space<vmem>>[vector<16xi32>, vector<16xi32>], vector<16xf32>,
        %mul3A_292 = arith.mulf %gather3A_291, %exp3A : vector<16xf32>
        tpu.vector_store_idx %arg13[%add3A_179, %broadcast_in_dim3A_290], %mul3A_292 : memref<128x48xf32, #tpu.memory_space<vmem>>[vector<16xi32>, vector<16xi32>], vector<16xf32>,
        %broadcast_in_dim3A_293 = arith.constant 26 : i32
        %broadcast_in_dim3A_294 = vector.broadcast %broadcast_in_dim3A_293 : i32 to vector<16xi32>
        %gather3A_295 = tpu.vector_load_idx %arg9[%add3A_179, %broadcast_in_dim3A_294] : memref<128x48xf32, #tpu.memory_space<vmem>>[vector<16xi32>, vector<16xi32>], vector<16xf32>,
        %mul3A_296 = arith.mulf %gather3A_295, %exp3A : vector<16xf32>
        tpu.vector_store_idx %arg13[%add3A_179, %broadcast_in_dim3A_294], %mul3A_296 : memref<128x48xf32, #tpu.memory_space<vmem>>[vector<16xi32>, vector<16xi32>], vector<16xf32>,
        %broadcast_in_dim3A_297 = arith.constant 27 : i32
        %broadcast_in_dim3A_298 = vector.broadcast %broadcast_in_dim3A_297 : i32 to vector<16xi32>
        %gather3A_299 = tpu.vector_load_idx %arg9[%add3A_179, %broadcast_in_dim3A_298] : memref<128x48xf32, #tpu.memory_space<vmem>>[vector<16xi32>, vector<16xi32>], vector<16xf32>,
        %mul3A_300 = arith.mulf %gather3A_299, %exp3A : vector<16xf32>
        tpu.vector_store_idx %arg13[%add3A_179, %broadcast_in_dim3A_298], %mul3A_300 : memref<128x48xf32, #tpu.memory_space<vmem>>[vector<16xi32>, vector<16xi32>], vector<16xf32>,
        %broadcast_in_dim3A_301 = arith.constant 28 : i32
        %broadcast_in_dim3A_302 = vector.broadcast %broadcast_in_dim3A_301 : i32 to vector<16xi32>
        %gather3A_303 = tpu.vector_load_idx %arg9[%add3A_179, %broadcast_in_dim3A_302] : memref<128x48xf32, #tpu.memory_space<vmem>>[vector<16xi32>, vector<16xi32>], vector<16xf32>,
        %mul3A_304 = arith.mulf %gather3A_303, %exp3A : vector<16xf32>
        tpu.vector_store_idx %arg13[%add3A_179, %broadcast_in_dim3A_302], %mul3A_304 : memref<128x48xf32, #tpu.memory_space<vmem>>[vector<16xi32>, vector<16xi32>], vector<16xf32>,
        %broadcast_in_dim3A_305 = arith.constant 29 : i32
        %broadcast_in_dim3A_306 = vector.broadcast %broadcast_in_dim3A_305 : i32 to vector<16xi32>
        %gather3A_307 = tpu.vector_load_idx %arg9[%add3A_179, %broadcast_in_dim3A_306] : memref<128x48xf32, #tpu.memory_space<vmem>>[vector<16xi32>, vector<16xi32>], vector<16xf32>,
        %mul3A_308 = arith.mulf %gather3A_307, %exp3A : vector<16xf32>
        tpu.vector_store_idx %arg13[%add3A_179, %broadcast_in_dim3A_306], %mul3A_308 : memref<128x48xf32, #tpu.memory_space<vmem>>[vector<16xi32>, vector<16xi32>], vector<16xf32>,
        %broadcast_in_dim3A_309 = arith.constant 30 : i32
        %broadcast_in_dim3A_310 = vector.broadcast %broadcast_in_dim3A_309 : i32 to vector<16xi32>
        %gather3A_311 = tpu.vector_load_idx %arg9[%add3A_179, %broadcast_in_dim3A_310] : memref<128x48xf32, #tpu.memory_space<vmem>>[vector<16xi32>, vector<16xi32>], vector<16xf32>,
        %mul3A_312 = arith.mulf %gather3A_311, %exp3A : vector<16xf32>
        tpu.vector_store_idx %arg13[%add3A_179, %broadcast_in_dim3A_310], %mul3A_312 : memref<128x48xf32, #tpu.memory_space<vmem>>[vector<16xi32>, vector<16xi32>], vector<16xf32>,
        %broadcast_in_dim3A_313 = arith.constant 31 : i32
        %broadcast_in_dim3A_314 = vector.broadcast %broadcast_in_dim3A_313 : i32 to vector<16xi32>
        %gather3A_315 = tpu.vector_load_idx %arg9[%add3A_179, %broadcast_in_dim3A_314] : memref<128x48xf32, #tpu.memory_space<vmem>>[vector<16xi32>, vector<16xi32>], vector<16xf32>,
        %mul3A_316 = arith.mulf %gather3A_315, %exp3A : vector<16xf32>
        tpu.vector_store_idx %arg13[%add3A_179, %broadcast_in_dim3A_314], %mul3A_316 : memref<128x48xf32, #tpu.memory_space<vmem>>[vector<16xi32>, vector<16xi32>], vector<16xf32>,
        %broadcast_in_dim3A_317 = arith.constant 32 : i32
        %broadcast_in_dim3A_318 = vector.broadcast %broadcast_in_dim3A_317 : i32 to vector<16xi32>
        %gather3A_319 = tpu.vector_load_idx %arg9[%add3A_179, %broadcast_in_dim3A_318] : memref<128x48xf32, #tpu.memory_space<vmem>>[vector<16xi32>, vector<16xi32>], vector<16xf32>,
        %mul3A_320 = arith.mulf %gather3A_319, %exp3A : vector<16xf32>
        tpu.vector_store_idx %arg13[%add3A_179, %broadcast_in_dim3A_318], %mul3A_320 : memref<128x48xf32, #tpu.memory_space<vmem>>[vector<16xi32>, vector<16xi32>], vector<16xf32>,
        %broadcast_in_dim3A_321 = arith.constant 33 : i32
        %broadcast_in_dim3A_322 = vector.broadcast %broadcast_in_dim3A_321 : i32 to vector<16xi32>
        %gather3A_323 = tpu.vector_load_idx %arg9[%add3A_179, %broadcast_in_dim3A_322] : memref<128x48xf32, #tpu.memory_space<vmem>>[vector<16xi32>, vector<16xi32>], vector<16xf32>,
        %mul3A_324 = arith.mulf %gather3A_323, %exp3A : vector<16xf32>
        tpu.vector_store_idx %arg13[%add3A_179, %broadcast_in_dim3A_322], %mul3A_324 : memref<128x48xf32, #tpu.memory_space<vmem>>[vector<16xi32>, vector<16xi32>], vector<16xf32>,
        %broadcast_in_dim3A_325 = arith.constant 34 : i32
        %broadcast_in_dim3A_326 = vector.broadcast %broadcast_in_dim3A_325 : i32 to vector<16xi32>
        %gather3A_327 = tpu.vector_load_idx %arg9[%add3A_179, %broadcast_in_dim3A_326] : memref<128x48xf32, #tpu.memory_space<vmem>>[vector<16xi32>, vector<16xi32>], vector<16xf32>,
        %mul3A_328 = arith.mulf %gather3A_327, %exp3A : vector<16xf32>
        tpu.vector_store_idx %arg13[%add3A_179, %broadcast_in_dim3A_326], %mul3A_328 : memref<128x48xf32, #tpu.memory_space<vmem>>[vector<16xi32>, vector<16xi32>], vector<16xf32>,
        %broadcast_in_dim3A_329 = arith.constant 35 : i32
        %broadcast_in_dim3A_330 = vector.broadcast %broadcast_in_dim3A_329 : i32 to vector<16xi32>
        %gather3A_331 = tpu.vector_load_idx %arg9[%add3A_179, %broadcast_in_dim3A_330] : memref<128x48xf32, #tpu.memory_space<vmem>>[vector<16xi32>, vector<16xi32>], vector<16xf32>,
        %mul3A_332 = arith.mulf %gather3A_331, %exp3A : vector<16xf32>
        tpu.vector_store_idx %arg13[%add3A_179, %broadcast_in_dim3A_330], %mul3A_332 : memref<128x48xf32, #tpu.memory_space<vmem>>[vector<16xi32>, vector<16xi32>], vector<16xf32>,
        %broadcast_in_dim3A_333 = arith.constant 36 : i32
        %broadcast_in_dim3A_334 = vector.broadcast %broadcast_in_dim3A_333 : i32 to vector<16xi32>
        %gather3A_335 = tpu.vector_load_idx %arg9[%add3A_179, %broadcast_in_dim3A_334] : memref<128x48xf32, #tpu.memory_space<vmem>>[vector<16xi32>, vector<16xi32>], vector<16xf32>,
        %mul3A_336 = arith.mulf %gather3A_335, %exp3A : vector<16xf32>
        tpu.vector_store_idx %arg13[%add3A_179, %broadcast_in_dim3A_334], %mul3A_336 : memref<128x48xf32, #tpu.memory_space<vmem>>[vector<16xi32>, vector<16xi32>], vector<16xf32>,
        %broadcast_in_dim3A_337 = arith.constant 37 : i32
        %broadcast_in_dim3A_338 = vector.broadcast %broadcast_in_dim3A_337 : i32 to vector<16xi32>
        %gather3A_339 = tpu.vector_load_idx %arg9[%add3A_179, %broadcast_in_dim3A_338] : memref<128x48xf32, #tpu.memory_space<vmem>>[vector<16xi32>, vector<16xi32>], vector<16xf32>,
        %mul3A_340 = arith.mulf %gather3A_339, %exp3A : vector<16xf32>
        tpu.vector_store_idx %arg13[%add3A_179, %broadcast_in_dim3A_338], %mul3A_340 : memref<128x48xf32, #tpu.memory_space<vmem>>[vector<16xi32>, vector<16xi32>], vector<16xf32>,
        %broadcast_in_dim3A_341 = arith.constant 38 : i32
        %broadcast_in_dim3A_342 = vector.broadcast %broadcast_in_dim3A_341 : i32 to vector<16xi32>
        %gather3A_343 = tpu.vector_load_idx %arg9[%add3A_179, %broadcast_in_dim3A_342] : memref<128x48xf32, #tpu.memory_space<vmem>>[vector<16xi32>, vector<16xi32>], vector<16xf32>,
        %mul3A_344 = arith.mulf %gather3A_343, %exp3A : vector<16xf32>
        tpu.vector_store_idx %arg13[%add3A_179, %broadcast_in_dim3A_342], %mul3A_344 : memref<128x48xf32, #tpu.memory_space<vmem>>[vector<16xi32>, vector<16xi32>], vector<16xf32>,
        %broadcast_in_dim3A_345 = arith.constant 39 : i32
        %broadcast_in_dim3A_346 = vector.broadcast %broadcast_in_dim3A_345 : i32 to vector<16xi32>
        %gather3A_347 = tpu.vector_load_idx %arg9[%add3A_179, %broadcast_in_dim3A_346] : memref<128x48xf32, #tpu.memory_space<vmem>>[vector<16xi32>, vector<16xi32>], vector<16xf32>,
        %mul3A_348 = arith.mulf %gather3A_347, %exp3A : vector<16xf32>
        tpu.vector_store_idx %arg13[%add3A_179, %broadcast_in_dim3A_346], %mul3A_348 : memref<128x48xf32, #tpu.memory_space<vmem>>[vector<16xi32>, vector<16xi32>], vector<16xf32>,
        %broadcast_in_dim3A_349 = arith.constant 40 : i32
        %broadcast_in_dim3A_350 = vector.broadcast %broadcast_in_dim3A_349 : i32 to vector<16xi32>
        %gather3A_351 = tpu.vector_load_idx %arg9[%add3A_179, %broadcast_in_dim3A_350] : memref<128x48xf32, #tpu.memory_space<vmem>>[vector<16xi32>, vector<16xi32>], vector<16xf32>,
        %mul3A_352 = arith.mulf %gather3A_351, %exp3A : vector<16xf32>
        tpu.vector_store_idx %arg13[%add3A_179, %broadcast_in_dim3A_350], %mul3A_352 : memref<128x48xf32, #tpu.memory_space<vmem>>[vector<16xi32>, vector<16xi32>], vector<16xf32>,
        %broadcast_in_dim3A_353 = arith.constant 41 : i32
        %broadcast_in_dim3A_354 = vector.broadcast %broadcast_in_dim3A_353 : i32 to vector<16xi32>
        %gather3A_355 = tpu.vector_load_idx %arg9[%add3A_179, %broadcast_in_dim3A_354] : memref<128x48xf32, #tpu.memory_space<vmem>>[vector<16xi32>, vector<16xi32>], vector<16xf32>,
        %mul3A_356 = arith.mulf %gather3A_355, %exp3A : vector<16xf32>
        tpu.vector_store_idx %arg13[%add3A_179, %broadcast_in_dim3A_354], %mul3A_356 : memref<128x48xf32, #tpu.memory_space<vmem>>[vector<16xi32>, vector<16xi32>], vector<16xf32>,
        %broadcast_in_dim3A_357 = arith.constant 42 : i32
        %broadcast_in_dim3A_358 = vector.broadcast %broadcast_in_dim3A_357 : i32 to vector<16xi32>
        %gather3A_359 = tpu.vector_load_idx %arg9[%add3A_179, %broadcast_in_dim3A_358] : memref<128x48xf32, #tpu.memory_space<vmem>>[vector<16xi32>, vector<16xi32>], vector<16xf32>,
        %mul3A_360 = arith.mulf %gather3A_359, %exp3A : vector<16xf32>
        tpu.vector_store_idx %arg13[%add3A_179, %broadcast_in_dim3A_358], %mul3A_360 : memref<128x48xf32, #tpu.memory_space<vmem>>[vector<16xi32>, vector<16xi32>], vector<16xf32>,
        %broadcast_in_dim3A_361 = arith.constant 43 : i32
        %broadcast_in_dim3A_362 = vector.broadcast %broadcast_in_dim3A_361 : i32 to vector<16xi32>
        %gather3A_363 = tpu.vector_load_idx %arg9[%add3A_179, %broadcast_in_dim3A_362] : memref<128x48xf32, #tpu.memory_space<vmem>>[vector<16xi32>, vector<16xi32>], vector<16xf32>,
        %mul3A_364 = arith.mulf %gather3A_363, %exp3A : vector<16xf32>
        tpu.vector_store_idx %arg13[%add3A_179, %broadcast_in_dim3A_362], %mul3A_364 : memref<128x48xf32, #tpu.memory_space<vmem>>[vector<16xi32>, vector<16xi32>], vector<16xf32>,
        %broadcast_in_dim3A_365 = arith.constant 44 : i32
        %broadcast_in_dim3A_366 = vector.broadcast %broadcast_in_dim3A_365 : i32 to vector<16xi32>
        %gather3A_367 = tpu.vector_load_idx %arg9[%add3A_179, %broadcast_in_dim3A_366] : memref<128x48xf32, #tpu.memory_space<vmem>>[vector<16xi32>, vector<16xi32>], vector<16xf32>,
        %mul3A_368 = arith.mulf %gather3A_367, %exp3A : vector<16xf32>
        tpu.vector_store_idx %arg13[%add3A_179, %broadcast_in_dim3A_366], %mul3A_368 : memref<128x48xf32, #tpu.memory_space<vmem>>[vector<16xi32>, vector<16xi32>], vector<16xf32>,
        %broadcast_in_dim3A_369 = arith.constant 45 : i32
        %broadcast_in_dim3A_370 = vector.broadcast %broadcast_in_dim3A_369 : i32 to vector<16xi32>
        %gather3A_371 = tpu.vector_load_idx %arg9[%add3A_179, %broadcast_in_dim3A_370] : memref<128x48xf32, #tpu.memory_space<vmem>>[vector<16xi32>, vector<16xi32>], vector<16xf32>,
        %mul3A_372 = arith.mulf %gather3A_371, %exp3A : vector<16xf32>
        tpu.vector_store_idx %arg13[%add3A_179, %broadcast_in_dim3A_370], %mul3A_372 : memref<128x48xf32, #tpu.memory_space<vmem>>[vector<16xi32>, vector<16xi32>], vector<16xf32>,
        %broadcast_in_dim3A_373 = arith.constant 46 : i32
        %broadcast_in_dim3A_374 = vector.broadcast %broadcast_in_dim3A_373 : i32 to vector<16xi32>
        %gather3A_375 = tpu.vector_load_idx %arg9[%add3A_179, %broadcast_in_dim3A_374] : memref<128x48xf32, #tpu.memory_space<vmem>>[vector<16xi32>, vector<16xi32>], vector<16xf32>,
        %mul3A_376 = arith.mulf %gather3A_375, %exp3A : vector<16xf32>
        tpu.vector_store_idx %arg13[%add3A_179, %broadcast_in_dim3A_374], %mul3A_376 : memref<128x48xf32, #tpu.memory_space<vmem>>[vector<16xi32>, vector<16xi32>], vector<16xf32>,
        %broadcast_in_dim3A_377 = arith.constant 47 : i32
        %broadcast_in_dim3A_378 = vector.broadcast %broadcast_in_dim3A_377 : i32 to vector<16xi32>
        %gather3A_379 = tpu.vector_load_idx %arg9[%add3A_179, %broadcast_in_dim3A_378] : memref<128x48xf32, #tpu.memory_space<vmem>>[vector<16xi32>, vector<16xi32>], vector<16xf32>,
        %mul3A_380 = arith.mulf %gather3A_379, %exp3A : vector<16xf32>
        tpu.vector_store_idx %arg13[%add3A_179, %broadcast_in_dim3A_378], %mul3A_380 : memref<128x48xf32, #tpu.memory_space<vmem>>[vector<16xi32>, vector<16xi32>], vector<16xf32>,
      }
      %scan3A_131 = arith.constant 8 : i32
      %dma_start3A_132 = arith.constant 0 : i32
      %dma_start3A_133 = tpu.memref_slice %arg8[%add3A_95, %dma_start3A_132] : memref<80x128xi32, #tpu.memory_space<vmem>> -> memref<1x128xi32, #tpu.memory_space<vmem>>
      %dma_start3A_134 = tpu.memref_squeeze %dma_start3A_133 : memref<1x128xi32, #tpu.memory_space<vmem>> -> memref<128xi32, #tpu.memory_space<vmem>>
      %dma_start3A_135 = arith.constant 0 : i32
      %dma_start3A_136 = arith.constant 0 : i32
      %dma_start3A_137 = tpu.memref_slice %arg15[%dma_start3A_135, %dma_start3A_136] : memref<10016x48xf32, #tpu.memory_space<vmem_shared>> -> memref<10016x48xf32, #tpu.memory_space<vmem_shared>>
      tpu.enqueue_indirect_dma source(%arg13 : memref<128x48xf32, #tpu.memory_space<vmem>>) target(%dma_start3A_137 : memref<10016x48xf32, #tpu.memory_space<vmem_shared>>) offsets(%dma_start3A_134 : memref<128xi32, #tpu.memory_space<vmem>>) semaphore(%arg19 : memref<!tpu.dma_semaphore, #tpu.memory_space<semaphore_mem>>) {add = true}
      %mul3A_138 = arith.constant 2 : i32
      %mul3A_139 = arith.muli %mul3A_138, %scan3A_91 : i32
      %add3A_140 = arith.constant 1 : i32
      %add3A_141 = arith.addi %mul3A_139, %add3A_140 : i32
      %lt3A = arith.constant 39 : i32
      %lt3A_142 = arith.cmpi slt, %scan3A_91, %lt3A : i32
      %convert_element_type3A_143 = arith.extui %lt3A_142 : i1 to i32
      %cond3A_144 = arith.constant 0 : i32
      %cond3A_145 = arith.cmpi ne, %convert_element_type3A_143, %cond3A_144 : i32
      scf.if %cond3A_145 {
        %add3A_175 = arith.constant 1 : i32
        %add3A_176 = arith.addi %add3A_141, %add3A_175 : i32
        %dma_start3A_177 = arith.constant 0 : i32
        %dma_start3A_178 = tpu.memref_slice %arg7[%add3A_176, %dma_start3A_177] : memref<80x128xi32, #tpu.memory_space<vmem>> -> memref<1x128xi32, #tpu.memory_space<vmem>>
        %dma_start3A_179 = tpu.memref_squeeze %dma_start3A_178 : memref<1x128xi32, #tpu.memory_space<vmem>> -> memref<128xi32, #tpu.memory_space<vmem>>
        %dma_start3A_180 = arith.constant 0 : i32
        %dma_start3A_181 = arith.constant 0 : i32
        %dma_start3A_182 = tpu.memref_slice %arg2[%dma_start3A_180, %dma_start3A_181] : memref<10016x48xf32, #tpu.memory_space<hbm>> -> memref<10016x48xf32, #tpu.memory_space<hbm>>
        tpu.enqueue_indirect_dma source(%dma_start3A_182 : memref<10016x48xf32, #tpu.memory_space<hbm>>) target(%arg9 : memref<128x48xf32, #tpu.memory_space<vmem>>) offsets(%dma_start3A_179 : memref<128xi32, #tpu.memory_space<vmem>>) semaphore(%arg17 : memref<!tpu.dma_semaphore, #tpu.memory_space<semaphore_mem>>)
        %dma_start3A_183 = arith.constant 0 : i32
        %dma_start3A_184 = tpu.memref_slice %arg8[%add3A_176, %dma_start3A_183] : memref<80x128xi32, #tpu.memory_space<vmem>> -> memref<1x128xi32, #tpu.memory_space<vmem>>
        %dma_start3A_185 = tpu.memref_squeeze %dma_start3A_184 : memref<1x128xi32, #tpu.memory_space<vmem>> -> memref<128xi32, #tpu.memory_space<vmem>>
        %dma_start3A_186 = arith.constant 0 : i32
        %dma_start3A_187 = arith.constant 0 : i32
        %dma_start3A_188 = tpu.memref_slice %arg3[%dma_start3A_186, %dma_start3A_187] : memref<10016x16xf32, #tpu.memory_space<hbm>> -> memref<10016x16xf32, #tpu.memory_space<hbm>>
        tpu.enqueue_indirect_dma source(%dma_start3A_188 : memref<10016x16xf32, #tpu.memory_space<hbm>>) target(%arg11 : memref<128x16xf32, #tpu.memory_space<vmem>>) offsets(%dma_start3A_185 : memref<128xi32, #tpu.memory_space<vmem>>) semaphore(%arg17 : memref<!tpu.dma_semaphore, #tpu.memory_space<semaphore_mem>>)
      } else {
      }
      %dma_wait3A_146 = arith.constant 0 : i32
      %dma_wait3A_147 = tpu.memref_slice %arg7[%add3A_141, %dma_wait3A_146] : memref<80x128xi32, #tpu.memory_space<vmem>> -> memref<1x128xi32, #tpu.memory_space<vmem>>
      %dma_wait3A_148 = tpu.memref_squeeze %dma_wait3A_147 : memref<1x128xi32, #tpu.memory_space<vmem>> -> memref<128xi32, #tpu.memory_space<vmem>>
      %dma_wait3A_149 = arith.constant 0 : i32
      %dma_wait3A_150 = arith.constant 0 : i32
      %dma_wait3A_151 = tpu.memref_slice %arg2[%dma_wait3A_149, %dma_wait3A_150] : memref<10016x48xf32, #tpu.memory_space<hbm>> -> memref<10016x48xf32, #tpu.memory_space<hbm>>
      tpu.wait_indirect_dma semaphore(%arg18 : memref<!tpu.dma_semaphore, #tpu.memory_space<semaphore_mem>>) src(%dma_wait3A_151 : memref<10016x48xf32, #tpu.memory_space<hbm>>) dst(%arg10 : memref<128x48xf32, #tpu.memory_space<vmem>>)
      %dma_wait3A_152 = arith.constant 0 : i32
      %dma_wait3A_153 = tpu.memref_slice %arg8[%add3A_141, %dma_wait3A_152] : memref<80x128xi32, #tpu.memory_space<vmem>> -> memref<1x128xi32, #tpu.memory_space<vmem>>
      %dma_wait3A_154 = tpu.memref_squeeze %dma_wait3A_153 : memref<1x128xi32, #tpu.memory_space<vmem>> -> memref<128xi32, #tpu.memory_space<vmem>>
      %dma_wait3A_155 = arith.constant 0 : i32
      %dma_wait3A_156 = arith.constant 0 : i32
      %dma_wait3A_157 = tpu.memref_slice %arg3[%dma_wait3A_155, %dma_wait3A_156] : memref<10016x16xf32, #tpu.memory_space<hbm>> -> memref<10016x16xf32, #tpu.memory_space<hbm>>
      tpu.wait_indirect_dma semaphore(%arg18 : memref<!tpu.dma_semaphore, #tpu.memory_space<semaphore_mem>>) src(%dma_wait3A_157 : memref<10016x16xf32, #tpu.memory_space<hbm>>) dst(%arg12 : memref<128x16xf32, #tpu.memory_space<vmem>>)
      %ge3A_158 = arith.constant 1 : i32
      %ge3A_159 = arith.cmpi sge, %scan3A_91, %ge3A_158 : i32
      %convert_element_type3A_160 = arith.extui %ge3A_159 : i1 to i32
      %cond3A_161 = arith.constant 0 : i32
      %cond3A_162 = arith.cmpi ne, %convert_element_type3A_160, %cond3A_161 : i32
      scf.if %cond3A_162 {
        %sub3A = arith.constant 2 : i32
        %sub3A_175 = arith.subi %add3A_141, %sub3A : i32
        %dma_wait3A_176 = arith.constant 0 : i32
        %dma_wait3A_177 = tpu.memref_slice %arg8[%sub3A_175, %dma_wait3A_176] : memref<80x128xi32, #tpu.memory_space<vmem>> -> memref<1x128xi32, #tpu.memory_space<vmem>>
        %dma_wait3A_178 = tpu.memref_squeeze %dma_wait3A_177 : memref<1x128xi32, #tpu.memory_space<vmem>> -> memref<128xi32, #tpu.memory_space<vmem>>
        %dma_wait3A_179 = arith.constant 0 : i32
        %dma_wait3A_180 = arith.constant 0 : i32
        %dma_wait3A_181 = tpu.memref_slice %arg15[%dma_wait3A_179, %dma_wait3A_180] : memref<10016x48xf32, #tpu.memory_space<vmem_shared>> -> memref<10016x48xf32, #tpu.memory_space<vmem_shared>>
        tpu.wait_indirect_dma semaphore(%arg20 : memref<!tpu.dma_semaphore, #tpu.memory_space<semaphore_mem>>) src(%arg14 : memref<128x48xf32, #tpu.memory_space<vmem>>) dst(%dma_wait3A_181 : memref<10016x48xf32, #tpu.memory_space<vmem_shared>>)
      } else {
      }
      %scan3A_163 = arith.constant 0 : i32
      %scan3A_164 = arith.constant 0 : i32
      %scan3A_165 = arith.constant 8 : i32
      %scan3A_166 = arith.addi %scan3A_164, %scan3A_165 : i32
      %scan3A_167 = arith.constant 1 : i32
      scf.for %scan3A_175 = %scan3A_164 to %scan3A_166 step %scan3A_167  : i32 {
        %mul3A_176 = arith.constant 16 : i32
        %mul3A_177 = arith.muli %scan3A_175, %mul3A_176 : i32
        %add3A_178 = vector.broadcast %mul3A_177 : i32 to vector<16xi32>
        %add3A_179 = arith.addi %add3A_178, %iota3A : vector<16xi32>
        %broadcast_in_dim3A_180 = arith.constant 40 : i32
        %broadcast_in_dim3A_181 = vector.broadcast %broadcast_in_dim3A_180 : i32 to vector<16xi32>
        %gather3A = tpu.vector_load_idx %arg10[%add3A_179, %broadcast_in_dim3A_181] : memref<128x48xf32, #tpu.memory_space<vmem>>[vector<16xi32>, vector<16xi32>], vector<16xf32>,
        %broadcast_in_dim3A_182 = arith.constant 0 : i32
        %broadcast_in_dim3A_183 = vector.broadcast %broadcast_in_dim3A_182 : i32 to vector<16xi32>
        %gather3A_184 = tpu.vector_load_idx %arg12[%add3A_179, %broadcast_in_dim3A_183] : memref<128x16xf32, #tpu.memory_space<vmem>>[vector<16xi32>, vector<16xi32>], vector<16xf32>,
        %add3A_185 = arith.addf %gather3A, %gather3A_184 : vector<16xf32>
        %mul3A_186 = arith.constant 2.000000e-01 : f32
        %mul3A_187 = vector.broadcast %mul3A_186 : f32 to vector<16xf32>
        %mul3A_188 = arith.mulf %mul3A_187, %add3A_185 : vector<16xf32>
        %max3A = arith.maximumf %add3A_185, %mul3A_188 : vector<16xf32>
        %exp3A = math.exp %max3A : vector<16xf32>
        %broadcast_in_dim3A_189 = arith.constant 0 : i32
        %broadcast_in_dim3A_190 = vector.broadcast %broadcast_in_dim3A_189 : i32 to vector<16xi32>
        %gather3A_191 = tpu.vector_load_idx %arg10[%add3A_179, %broadcast_in_dim3A_190] : memref<128x48xf32, #tpu.memory_space<vmem>>[vector<16xi32>, vector<16xi32>], vector<16xf32>,
        %mul3A_192 = arith.mulf %gather3A_191, %exp3A : vector<16xf32>
        tpu.vector_store_idx %arg14[%add3A_179, %broadcast_in_dim3A_190], %mul3A_192 : memref<128x48xf32, #tpu.memory_space<vmem>>[vector<16xi32>, vector<16xi32>], vector<16xf32>,
        %broadcast_in_dim3A_193 = arith.constant 1 : i32
        %broadcast_in_dim3A_194 = vector.broadcast %broadcast_in_dim3A_193 : i32 to vector<16xi32>
        %gather3A_195 = tpu.vector_load_idx %arg10[%add3A_179, %broadcast_in_dim3A_194] : memref<128x48xf32, #tpu.memory_space<vmem>>[vector<16xi32>, vector<16xi32>], vector<16xf32>,
        %mul3A_196 = arith.mulf %gather3A_195, %exp3A : vector<16xf32>
        tpu.vector_store_idx %arg14[%add3A_179, %broadcast_in_dim3A_194], %mul3A_196 : memref<128x48xf32, #tpu.memory_space<vmem>>[vector<16xi32>, vector<16xi32>], vector<16xf32>,
        %broadcast_in_dim3A_197 = arith.constant 2 : i32
        %broadcast_in_dim3A_198 = vector.broadcast %broadcast_in_dim3A_197 : i32 to vector<16xi32>
        %gather3A_199 = tpu.vector_load_idx %arg10[%add3A_179, %broadcast_in_dim3A_198] : memref<128x48xf32, #tpu.memory_space<vmem>>[vector<16xi32>, vector<16xi32>], vector<16xf32>,
        %mul3A_200 = arith.mulf %gather3A_199, %exp3A : vector<16xf32>
        tpu.vector_store_idx %arg14[%add3A_179, %broadcast_in_dim3A_198], %mul3A_200 : memref<128x48xf32, #tpu.memory_space<vmem>>[vector<16xi32>, vector<16xi32>], vector<16xf32>,
        %broadcast_in_dim3A_201 = arith.constant 3 : i32
        %broadcast_in_dim3A_202 = vector.broadcast %broadcast_in_dim3A_201 : i32 to vector<16xi32>
        %gather3A_203 = tpu.vector_load_idx %arg10[%add3A_179, %broadcast_in_dim3A_202] : memref<128x48xf32, #tpu.memory_space<vmem>>[vector<16xi32>, vector<16xi32>], vector<16xf32>,
        %mul3A_204 = arith.mulf %gather3A_203, %exp3A : vector<16xf32>
        tpu.vector_store_idx %arg14[%add3A_179, %broadcast_in_dim3A_202], %mul3A_204 : memref<128x48xf32, #tpu.memory_space<vmem>>[vector<16xi32>, vector<16xi32>], vector<16xf32>,
        %broadcast_in_dim3A_205 = arith.constant 4 : i32
        %broadcast_in_dim3A_206 = vector.broadcast %broadcast_in_dim3A_205 : i32 to vector<16xi32>
        %gather3A_207 = tpu.vector_load_idx %arg10[%add3A_179, %broadcast_in_dim3A_206] : memref<128x48xf32, #tpu.memory_space<vmem>>[vector<16xi32>, vector<16xi32>], vector<16xf32>,
        %mul3A_208 = arith.mulf %gather3A_207, %exp3A : vector<16xf32>
        tpu.vector_store_idx %arg14[%add3A_179, %broadcast_in_dim3A_206], %mul3A_208 : memref<128x48xf32, #tpu.memory_space<vmem>>[vector<16xi32>, vector<16xi32>], vector<16xf32>,
        %broadcast_in_dim3A_209 = arith.constant 5 : i32
        %broadcast_in_dim3A_210 = vector.broadcast %broadcast_in_dim3A_209 : i32 to vector<16xi32>
        %gather3A_211 = tpu.vector_load_idx %arg10[%add3A_179, %broadcast_in_dim3A_210] : memref<128x48xf32, #tpu.memory_space<vmem>>[vector<16xi32>, vector<16xi32>], vector<16xf32>,
        %mul3A_212 = arith.mulf %gather3A_211, %exp3A : vector<16xf32>
        tpu.vector_store_idx %arg14[%add3A_179, %broadcast_in_dim3A_210], %mul3A_212 : memref<128x48xf32, #tpu.memory_space<vmem>>[vector<16xi32>, vector<16xi32>], vector<16xf32>,
        %broadcast_in_dim3A_213 = arith.constant 6 : i32
        %broadcast_in_dim3A_214 = vector.broadcast %broadcast_in_dim3A_213 : i32 to vector<16xi32>
        %gather3A_215 = tpu.vector_load_idx %arg10[%add3A_179, %broadcast_in_dim3A_214] : memref<128x48xf32, #tpu.memory_space<vmem>>[vector<16xi32>, vector<16xi32>], vector<16xf32>,
        %mul3A_216 = arith.mulf %gather3A_215, %exp3A : vector<16xf32>
        tpu.vector_store_idx %arg14[%add3A_179, %broadcast_in_dim3A_214], %mul3A_216 : memref<128x48xf32, #tpu.memory_space<vmem>>[vector<16xi32>, vector<16xi32>], vector<16xf32>,
        %broadcast_in_dim3A_217 = arith.constant 7 : i32
        %broadcast_in_dim3A_218 = vector.broadcast %broadcast_in_dim3A_217 : i32 to vector<16xi32>
        %gather3A_219 = tpu.vector_load_idx %arg10[%add3A_179, %broadcast_in_dim3A_218] : memref<128x48xf32, #tpu.memory_space<vmem>>[vector<16xi32>, vector<16xi32>], vector<16xf32>,
        %mul3A_220 = arith.mulf %gather3A_219, %exp3A : vector<16xf32>
        tpu.vector_store_idx %arg14[%add3A_179, %broadcast_in_dim3A_218], %mul3A_220 : memref<128x48xf32, #tpu.memory_space<vmem>>[vector<16xi32>, vector<16xi32>], vector<16xf32>,
        %broadcast_in_dim3A_221 = arith.constant 8 : i32
        %broadcast_in_dim3A_222 = vector.broadcast %broadcast_in_dim3A_221 : i32 to vector<16xi32>
        %gather3A_223 = tpu.vector_load_idx %arg10[%add3A_179, %broadcast_in_dim3A_222] : memref<128x48xf32, #tpu.memory_space<vmem>>[vector<16xi32>, vector<16xi32>], vector<16xf32>,
        %mul3A_224 = arith.mulf %gather3A_223, %exp3A : vector<16xf32>
        tpu.vector_store_idx %arg14[%add3A_179, %broadcast_in_dim3A_222], %mul3A_224 : memref<128x48xf32, #tpu.memory_space<vmem>>[vector<16xi32>, vector<16xi32>], vector<16xf32>,
        %broadcast_in_dim3A_225 = arith.constant 9 : i32
        %broadcast_in_dim3A_226 = vector.broadcast %broadcast_in_dim3A_225 : i32 to vector<16xi32>
        %gather3A_227 = tpu.vector_load_idx %arg10[%add3A_179, %broadcast_in_dim3A_226] : memref<128x48xf32, #tpu.memory_space<vmem>>[vector<16xi32>, vector<16xi32>], vector<16xf32>,
        %mul3A_228 = arith.mulf %gather3A_227, %exp3A : vector<16xf32>
        tpu.vector_store_idx %arg14[%add3A_179, %broadcast_in_dim3A_226], %mul3A_228 : memref<128x48xf32, #tpu.memory_space<vmem>>[vector<16xi32>, vector<16xi32>], vector<16xf32>,
        %broadcast_in_dim3A_229 = arith.constant 10 : i32
        %broadcast_in_dim3A_230 = vector.broadcast %broadcast_in_dim3A_229 : i32 to vector<16xi32>
        %gather3A_231 = tpu.vector_load_idx %arg10[%add3A_179, %broadcast_in_dim3A_230] : memref<128x48xf32, #tpu.memory_space<vmem>>[vector<16xi32>, vector<16xi32>], vector<16xf32>,
        %mul3A_232 = arith.mulf %gather3A_231, %exp3A : vector<16xf32>
        tpu.vector_store_idx %arg14[%add3A_179, %broadcast_in_dim3A_230], %mul3A_232 : memref<128x48xf32, #tpu.memory_space<vmem>>[vector<16xi32>, vector<16xi32>], vector<16xf32>,
        %broadcast_in_dim3A_233 = arith.constant 11 : i32
        %broadcast_in_dim3A_234 = vector.broadcast %broadcast_in_dim3A_233 : i32 to vector<16xi32>
        %gather3A_235 = tpu.vector_load_idx %arg10[%add3A_179, %broadcast_in_dim3A_234] : memref<128x48xf32, #tpu.memory_space<vmem>>[vector<16xi32>, vector<16xi32>], vector<16xf32>,
        %mul3A_236 = arith.mulf %gather3A_235, %exp3A : vector<16xf32>
        tpu.vector_store_idx %arg14[%add3A_179, %broadcast_in_dim3A_234], %mul3A_236 : memref<128x48xf32, #tpu.memory_space<vmem>>[vector<16xi32>, vector<16xi32>], vector<16xf32>,
        %broadcast_in_dim3A_237 = arith.constant 12 : i32
        %broadcast_in_dim3A_238 = vector.broadcast %broadcast_in_dim3A_237 : i32 to vector<16xi32>
        %gather3A_239 = tpu.vector_load_idx %arg10[%add3A_179, %broadcast_in_dim3A_238] : memref<128x48xf32, #tpu.memory_space<vmem>>[vector<16xi32>, vector<16xi32>], vector<16xf32>,
        %mul3A_240 = arith.mulf %gather3A_239, %exp3A : vector<16xf32>
        tpu.vector_store_idx %arg14[%add3A_179, %broadcast_in_dim3A_238], %mul3A_240 : memref<128x48xf32, #tpu.memory_space<vmem>>[vector<16xi32>, vector<16xi32>], vector<16xf32>,
        %broadcast_in_dim3A_241 = arith.constant 13 : i32
        %broadcast_in_dim3A_242 = vector.broadcast %broadcast_in_dim3A_241 : i32 to vector<16xi32>
        %gather3A_243 = tpu.vector_load_idx %arg10[%add3A_179, %broadcast_in_dim3A_242] : memref<128x48xf32, #tpu.memory_space<vmem>>[vector<16xi32>, vector<16xi32>], vector<16xf32>,
        %mul3A_244 = arith.mulf %gather3A_243, %exp3A : vector<16xf32>
        tpu.vector_store_idx %arg14[%add3A_179, %broadcast_in_dim3A_242], %mul3A_244 : memref<128x48xf32, #tpu.memory_space<vmem>>[vector<16xi32>, vector<16xi32>], vector<16xf32>,
        %broadcast_in_dim3A_245 = arith.constant 14 : i32
        %broadcast_in_dim3A_246 = vector.broadcast %broadcast_in_dim3A_245 : i32 to vector<16xi32>
        %gather3A_247 = tpu.vector_load_idx %arg10[%add3A_179, %broadcast_in_dim3A_246] : memref<128x48xf32, #tpu.memory_space<vmem>>[vector<16xi32>, vector<16xi32>], vector<16xf32>,
        %mul3A_248 = arith.mulf %gather3A_247, %exp3A : vector<16xf32>
        tpu.vector_store_idx %arg14[%add3A_179, %broadcast_in_dim3A_246], %mul3A_248 : memref<128x48xf32, #tpu.memory_space<vmem>>[vector<16xi32>, vector<16xi32>], vector<16xf32>,
        %broadcast_in_dim3A_249 = arith.constant 15 : i32
        %broadcast_in_dim3A_250 = vector.broadcast %broadcast_in_dim3A_249 : i32 to vector<16xi32>
        %gather3A_251 = tpu.vector_load_idx %arg10[%add3A_179, %broadcast_in_dim3A_250] : memref<128x48xf32, #tpu.memory_space<vmem>>[vector<16xi32>, vector<16xi32>], vector<16xf32>,
        %mul3A_252 = arith.mulf %gather3A_251, %exp3A : vector<16xf32>
        tpu.vector_store_idx %arg14[%add3A_179, %broadcast_in_dim3A_250], %mul3A_252 : memref<128x48xf32, #tpu.memory_space<vmem>>[vector<16xi32>, vector<16xi32>], vector<16xf32>,
        %broadcast_in_dim3A_253 = arith.constant 16 : i32
        %broadcast_in_dim3A_254 = vector.broadcast %broadcast_in_dim3A_253 : i32 to vector<16xi32>
        %gather3A_255 = tpu.vector_load_idx %arg10[%add3A_179, %broadcast_in_dim3A_254] : memref<128x48xf32, #tpu.memory_space<vmem>>[vector<16xi32>, vector<16xi32>], vector<16xf32>,
        %mul3A_256 = arith.mulf %gather3A_255, %exp3A : vector<16xf32>
        tpu.vector_store_idx %arg14[%add3A_179, %broadcast_in_dim3A_254], %mul3A_256 : memref<128x48xf32, #tpu.memory_space<vmem>>[vector<16xi32>, vector<16xi32>], vector<16xf32>,
        %broadcast_in_dim3A_257 = arith.constant 17 : i32
        %broadcast_in_dim3A_258 = vector.broadcast %broadcast_in_dim3A_257 : i32 to vector<16xi32>
        %gather3A_259 = tpu.vector_load_idx %arg10[%add3A_179, %broadcast_in_dim3A_258] : memref<128x48xf32, #tpu.memory_space<vmem>>[vector<16xi32>, vector<16xi32>], vector<16xf32>,
        %mul3A_260 = arith.mulf %gather3A_259, %exp3A : vector<16xf32>
        tpu.vector_store_idx %arg14[%add3A_179, %broadcast_in_dim3A_258], %mul3A_260 : memref<128x48xf32, #tpu.memory_space<vmem>>[vector<16xi32>, vector<16xi32>], vector<16xf32>,
        %broadcast_in_dim3A_261 = arith.constant 18 : i32
        %broadcast_in_dim3A_262 = vector.broadcast %broadcast_in_dim3A_261 : i32 to vector<16xi32>
        %gather3A_263 = tpu.vector_load_idx %arg10[%add3A_179, %broadcast_in_dim3A_262] : memref<128x48xf32, #tpu.memory_space<vmem>>[vector<16xi32>, vector<16xi32>], vector<16xf32>,
        %mul3A_264 = arith.mulf %gather3A_263, %exp3A : vector<16xf32>
        tpu.vector_store_idx %arg14[%add3A_179, %broadcast_in_dim3A_262], %mul3A_264 : memref<128x48xf32, #tpu.memory_space<vmem>>[vector<16xi32>, vector<16xi32>], vector<16xf32>,
        %broadcast_in_dim3A_265 = arith.constant 19 : i32
        %broadcast_in_dim3A_266 = vector.broadcast %broadcast_in_dim3A_265 : i32 to vector<16xi32>
        %gather3A_267 = tpu.vector_load_idx %arg10[%add3A_179, %broadcast_in_dim3A_266] : memref<128x48xf32, #tpu.memory_space<vmem>>[vector<16xi32>, vector<16xi32>], vector<16xf32>,
        %mul3A_268 = arith.mulf %gather3A_267, %exp3A : vector<16xf32>
        tpu.vector_store_idx %arg14[%add3A_179, %broadcast_in_dim3A_266], %mul3A_268 : memref<128x48xf32, #tpu.memory_space<vmem>>[vector<16xi32>, vector<16xi32>], vector<16xf32>,
        %broadcast_in_dim3A_269 = arith.constant 20 : i32
        %broadcast_in_dim3A_270 = vector.broadcast %broadcast_in_dim3A_269 : i32 to vector<16xi32>
        %gather3A_271 = tpu.vector_load_idx %arg10[%add3A_179, %broadcast_in_dim3A_270] : memref<128x48xf32, #tpu.memory_space<vmem>>[vector<16xi32>, vector<16xi32>], vector<16xf32>,
        %mul3A_272 = arith.mulf %gather3A_271, %exp3A : vector<16xf32>
        tpu.vector_store_idx %arg14[%add3A_179, %broadcast_in_dim3A_270], %mul3A_272 : memref<128x48xf32, #tpu.memory_space<vmem>>[vector<16xi32>, vector<16xi32>], vector<16xf32>,
        %broadcast_in_dim3A_273 = arith.constant 21 : i32
        %broadcast_in_dim3A_274 = vector.broadcast %broadcast_in_dim3A_273 : i32 to vector<16xi32>
        %gather3A_275 = tpu.vector_load_idx %arg10[%add3A_179, %broadcast_in_dim3A_274] : memref<128x48xf32, #tpu.memory_space<vmem>>[vector<16xi32>, vector<16xi32>], vector<16xf32>,
        %mul3A_276 = arith.mulf %gather3A_275, %exp3A : vector<16xf32>
        tpu.vector_store_idx %arg14[%add3A_179, %broadcast_in_dim3A_274], %mul3A_276 : memref<128x48xf32, #tpu.memory_space<vmem>>[vector<16xi32>, vector<16xi32>], vector<16xf32>,
        %broadcast_in_dim3A_277 = arith.constant 22 : i32
        %broadcast_in_dim3A_278 = vector.broadcast %broadcast_in_dim3A_277 : i32 to vector<16xi32>
        %gather3A_279 = tpu.vector_load_idx %arg10[%add3A_179, %broadcast_in_dim3A_278] : memref<128x48xf32, #tpu.memory_space<vmem>>[vector<16xi32>, vector<16xi32>], vector<16xf32>,
        %mul3A_280 = arith.mulf %gather3A_279, %exp3A : vector<16xf32>
        tpu.vector_store_idx %arg14[%add3A_179, %broadcast_in_dim3A_278], %mul3A_280 : memref<128x48xf32, #tpu.memory_space<vmem>>[vector<16xi32>, vector<16xi32>], vector<16xf32>,
        %broadcast_in_dim3A_281 = arith.constant 23 : i32
        %broadcast_in_dim3A_282 = vector.broadcast %broadcast_in_dim3A_281 : i32 to vector<16xi32>
        %gather3A_283 = tpu.vector_load_idx %arg10[%add3A_179, %broadcast_in_dim3A_282] : memref<128x48xf32, #tpu.memory_space<vmem>>[vector<16xi32>, vector<16xi32>], vector<16xf32>,
        %mul3A_284 = arith.mulf %gather3A_283, %exp3A : vector<16xf32>
        tpu.vector_store_idx %arg14[%add3A_179, %broadcast_in_dim3A_282], %mul3A_284 : memref<128x48xf32, #tpu.memory_space<vmem>>[vector<16xi32>, vector<16xi32>], vector<16xf32>,
        %broadcast_in_dim3A_285 = arith.constant 24 : i32
        %broadcast_in_dim3A_286 = vector.broadcast %broadcast_in_dim3A_285 : i32 to vector<16xi32>
        %gather3A_287 = tpu.vector_load_idx %arg10[%add3A_179, %broadcast_in_dim3A_286] : memref<128x48xf32, #tpu.memory_space<vmem>>[vector<16xi32>, vector<16xi32>], vector<16xf32>,
        %mul3A_288 = arith.mulf %gather3A_287, %exp3A : vector<16xf32>
        tpu.vector_store_idx %arg14[%add3A_179, %broadcast_in_dim3A_286], %mul3A_288 : memref<128x48xf32, #tpu.memory_space<vmem>>[vector<16xi32>, vector<16xi32>], vector<16xf32>,
        %broadcast_in_dim3A_289 = arith.constant 25 : i32
        %broadcast_in_dim3A_290 = vector.broadcast %broadcast_in_dim3A_289 : i32 to vector<16xi32>
        %gather3A_291 = tpu.vector_load_idx %arg10[%add3A_179, %broadcast_in_dim3A_290] : memref<128x48xf32, #tpu.memory_space<vmem>>[vector<16xi32>, vector<16xi32>], vector<16xf32>,
        %mul3A_292 = arith.mulf %gather3A_291, %exp3A : vector<16xf32>
        tpu.vector_store_idx %arg14[%add3A_179, %broadcast_in_dim3A_290], %mul3A_292 : memref<128x48xf32, #tpu.memory_space<vmem>>[vector<16xi32>, vector<16xi32>], vector<16xf32>,
        %broadcast_in_dim3A_293 = arith.constant 26 : i32
        %broadcast_in_dim3A_294 = vector.broadcast %broadcast_in_dim3A_293 : i32 to vector<16xi32>
        %gather3A_295 = tpu.vector_load_idx %arg10[%add3A_179, %broadcast_in_dim3A_294] : memref<128x48xf32, #tpu.memory_space<vmem>>[vector<16xi32>, vector<16xi32>], vector<16xf32>,
        %mul3A_296 = arith.mulf %gather3A_295, %exp3A : vector<16xf32>
        tpu.vector_store_idx %arg14[%add3A_179, %broadcast_in_dim3A_294], %mul3A_296 : memref<128x48xf32, #tpu.memory_space<vmem>>[vector<16xi32>, vector<16xi32>], vector<16xf32>,
        %broadcast_in_dim3A_297 = arith.constant 27 : i32
        %broadcast_in_dim3A_298 = vector.broadcast %broadcast_in_dim3A_297 : i32 to vector<16xi32>
        %gather3A_299 = tpu.vector_load_idx %arg10[%add3A_179, %broadcast_in_dim3A_298] : memref<128x48xf32, #tpu.memory_space<vmem>>[vector<16xi32>, vector<16xi32>], vector<16xf32>,
        %mul3A_300 = arith.mulf %gather3A_299, %exp3A : vector<16xf32>
        tpu.vector_store_idx %arg14[%add3A_179, %broadcast_in_dim3A_298], %mul3A_300 : memref<128x48xf32, #tpu.memory_space<vmem>>[vector<16xi32>, vector<16xi32>], vector<16xf32>,
        %broadcast_in_dim3A_301 = arith.constant 28 : i32
        %broadcast_in_dim3A_302 = vector.broadcast %broadcast_in_dim3A_301 : i32 to vector<16xi32>
        %gather3A_303 = tpu.vector_load_idx %arg10[%add3A_179, %broadcast_in_dim3A_302] : memref<128x48xf32, #tpu.memory_space<vmem>>[vector<16xi32>, vector<16xi32>], vector<16xf32>,
        %mul3A_304 = arith.mulf %gather3A_303, %exp3A : vector<16xf32>
        tpu.vector_store_idx %arg14[%add3A_179, %broadcast_in_dim3A_302], %mul3A_304 : memref<128x48xf32, #tpu.memory_space<vmem>>[vector<16xi32>, vector<16xi32>], vector<16xf32>,
        %broadcast_in_dim3A_305 = arith.constant 29 : i32
        %broadcast_in_dim3A_306 = vector.broadcast %broadcast_in_dim3A_305 : i32 to vector<16xi32>
        %gather3A_307 = tpu.vector_load_idx %arg10[%add3A_179, %broadcast_in_dim3A_306] : memref<128x48xf32, #tpu.memory_space<vmem>>[vector<16xi32>, vector<16xi32>], vector<16xf32>,
        %mul3A_308 = arith.mulf %gather3A_307, %exp3A : vector<16xf32>
        tpu.vector_store_idx %arg14[%add3A_179, %broadcast_in_dim3A_306], %mul3A_308 : memref<128x48xf32, #tpu.memory_space<vmem>>[vector<16xi32>, vector<16xi32>], vector<16xf32>,
        %broadcast_in_dim3A_309 = arith.constant 30 : i32
        %broadcast_in_dim3A_310 = vector.broadcast %broadcast_in_dim3A_309 : i32 to vector<16xi32>
        %gather3A_311 = tpu.vector_load_idx %arg10[%add3A_179, %broadcast_in_dim3A_310] : memref<128x48xf32, #tpu.memory_space<vmem>>[vector<16xi32>, vector<16xi32>], vector<16xf32>,
        %mul3A_312 = arith.mulf %gather3A_311, %exp3A : vector<16xf32>
        tpu.vector_store_idx %arg14[%add3A_179, %broadcast_in_dim3A_310], %mul3A_312 : memref<128x48xf32, #tpu.memory_space<vmem>>[vector<16xi32>, vector<16xi32>], vector<16xf32>,
        %broadcast_in_dim3A_313 = arith.constant 31 : i32
        %broadcast_in_dim3A_314 = vector.broadcast %broadcast_in_dim3A_313 : i32 to vector<16xi32>
        %gather3A_315 = tpu.vector_load_idx %arg10[%add3A_179, %broadcast_in_dim3A_314] : memref<128x48xf32, #tpu.memory_space<vmem>>[vector<16xi32>, vector<16xi32>], vector<16xf32>,
        %mul3A_316 = arith.mulf %gather3A_315, %exp3A : vector<16xf32>
        tpu.vector_store_idx %arg14[%add3A_179, %broadcast_in_dim3A_314], %mul3A_316 : memref<128x48xf32, #tpu.memory_space<vmem>>[vector<16xi32>, vector<16xi32>], vector<16xf32>,
        %broadcast_in_dim3A_317 = arith.constant 32 : i32
        %broadcast_in_dim3A_318 = vector.broadcast %broadcast_in_dim3A_317 : i32 to vector<16xi32>
        %gather3A_319 = tpu.vector_load_idx %arg10[%add3A_179, %broadcast_in_dim3A_318] : memref<128x48xf32, #tpu.memory_space<vmem>>[vector<16xi32>, vector<16xi32>], vector<16xf32>,
        %mul3A_320 = arith.mulf %gather3A_319, %exp3A : vector<16xf32>
        tpu.vector_store_idx %arg14[%add3A_179, %broadcast_in_dim3A_318], %mul3A_320 : memref<128x48xf32, #tpu.memory_space<vmem>>[vector<16xi32>, vector<16xi32>], vector<16xf32>,
        %broadcast_in_dim3A_321 = arith.constant 33 : i32
        %broadcast_in_dim3A_322 = vector.broadcast %broadcast_in_dim3A_321 : i32 to vector<16xi32>
        %gather3A_323 = tpu.vector_load_idx %arg10[%add3A_179, %broadcast_in_dim3A_322] : memref<128x48xf32, #tpu.memory_space<vmem>>[vector<16xi32>, vector<16xi32>], vector<16xf32>,
        %mul3A_324 = arith.mulf %gather3A_323, %exp3A : vector<16xf32>
        tpu.vector_store_idx %arg14[%add3A_179, %broadcast_in_dim3A_322], %mul3A_324 : memref<128x48xf32, #tpu.memory_space<vmem>>[vector<16xi32>, vector<16xi32>], vector<16xf32>,
        %broadcast_in_dim3A_325 = arith.constant 34 : i32
        %broadcast_in_dim3A_326 = vector.broadcast %broadcast_in_dim3A_325 : i32 to vector<16xi32>
        %gather3A_327 = tpu.vector_load_idx %arg10[%add3A_179, %broadcast_in_dim3A_326] : memref<128x48xf32, #tpu.memory_space<vmem>>[vector<16xi32>, vector<16xi32>], vector<16xf32>,
        %mul3A_328 = arith.mulf %gather3A_327, %exp3A : vector<16xf32>
        tpu.vector_store_idx %arg14[%add3A_179, %broadcast_in_dim3A_326], %mul3A_328 : memref<128x48xf32, #tpu.memory_space<vmem>>[vector<16xi32>, vector<16xi32>], vector<16xf32>,
        %broadcast_in_dim3A_329 = arith.constant 35 : i32
        %broadcast_in_dim3A_330 = vector.broadcast %broadcast_in_dim3A_329 : i32 to vector<16xi32>
        %gather3A_331 = tpu.vector_load_idx %arg10[%add3A_179, %broadcast_in_dim3A_330] : memref<128x48xf32, #tpu.memory_space<vmem>>[vector<16xi32>, vector<16xi32>], vector<16xf32>,
        %mul3A_332 = arith.mulf %gather3A_331, %exp3A : vector<16xf32>
        tpu.vector_store_idx %arg14[%add3A_179, %broadcast_in_dim3A_330], %mul3A_332 : memref<128x48xf32, #tpu.memory_space<vmem>>[vector<16xi32>, vector<16xi32>], vector<16xf32>,
        %broadcast_in_dim3A_333 = arith.constant 36 : i32
        %broadcast_in_dim3A_334 = vector.broadcast %broadcast_in_dim3A_333 : i32 to vector<16xi32>
        %gather3A_335 = tpu.vector_load_idx %arg10[%add3A_179, %broadcast_in_dim3A_334] : memref<128x48xf32, #tpu.memory_space<vmem>>[vector<16xi32>, vector<16xi32>], vector<16xf32>,
        %mul3A_336 = arith.mulf %gather3A_335, %exp3A : vector<16xf32>
        tpu.vector_store_idx %arg14[%add3A_179, %broadcast_in_dim3A_334], %mul3A_336 : memref<128x48xf32, #tpu.memory_space<vmem>>[vector<16xi32>, vector<16xi32>], vector<16xf32>,
        %broadcast_in_dim3A_337 = arith.constant 37 : i32
        %broadcast_in_dim3A_338 = vector.broadcast %broadcast_in_dim3A_337 : i32 to vector<16xi32>
        %gather3A_339 = tpu.vector_load_idx %arg10[%add3A_179, %broadcast_in_dim3A_338] : memref<128x48xf32, #tpu.memory_space<vmem>>[vector<16xi32>, vector<16xi32>], vector<16xf32>,
        %mul3A_340 = arith.mulf %gather3A_339, %exp3A : vector<16xf32>
        tpu.vector_store_idx %arg14[%add3A_179, %broadcast_in_dim3A_338], %mul3A_340 : memref<128x48xf32, #tpu.memory_space<vmem>>[vector<16xi32>, vector<16xi32>], vector<16xf32>,
        %broadcast_in_dim3A_341 = arith.constant 38 : i32
        %broadcast_in_dim3A_342 = vector.broadcast %broadcast_in_dim3A_341 : i32 to vector<16xi32>
        %gather3A_343 = tpu.vector_load_idx %arg10[%add3A_179, %broadcast_in_dim3A_342] : memref<128x48xf32, #tpu.memory_space<vmem>>[vector<16xi32>, vector<16xi32>], vector<16xf32>,
        %mul3A_344 = arith.mulf %gather3A_343, %exp3A : vector<16xf32>
        tpu.vector_store_idx %arg14[%add3A_179, %broadcast_in_dim3A_342], %mul3A_344 : memref<128x48xf32, #tpu.memory_space<vmem>>[vector<16xi32>, vector<16xi32>], vector<16xf32>,
        %broadcast_in_dim3A_345 = arith.constant 39 : i32
        %broadcast_in_dim3A_346 = vector.broadcast %broadcast_in_dim3A_345 : i32 to vector<16xi32>
        %gather3A_347 = tpu.vector_load_idx %arg10[%add3A_179, %broadcast_in_dim3A_346] : memref<128x48xf32, #tpu.memory_space<vmem>>[vector<16xi32>, vector<16xi32>], vector<16xf32>,
        %mul3A_348 = arith.mulf %gather3A_347, %exp3A : vector<16xf32>
        tpu.vector_store_idx %arg14[%add3A_179, %broadcast_in_dim3A_346], %mul3A_348 : memref<128x48xf32, #tpu.memory_space<vmem>>[vector<16xi32>, vector<16xi32>], vector<16xf32>,
        %broadcast_in_dim3A_349 = arith.constant 40 : i32
        %broadcast_in_dim3A_350 = vector.broadcast %broadcast_in_dim3A_349 : i32 to vector<16xi32>
        %gather3A_351 = tpu.vector_load_idx %arg10[%add3A_179, %broadcast_in_dim3A_350] : memref<128x48xf32, #tpu.memory_space<vmem>>[vector<16xi32>, vector<16xi32>], vector<16xf32>,
        %mul3A_352 = arith.mulf %gather3A_351, %exp3A : vector<16xf32>
        tpu.vector_store_idx %arg14[%add3A_179, %broadcast_in_dim3A_350], %mul3A_352 : memref<128x48xf32, #tpu.memory_space<vmem>>[vector<16xi32>, vector<16xi32>], vector<16xf32>,
        %broadcast_in_dim3A_353 = arith.constant 41 : i32
        %broadcast_in_dim3A_354 = vector.broadcast %broadcast_in_dim3A_353 : i32 to vector<16xi32>
        %gather3A_355 = tpu.vector_load_idx %arg10[%add3A_179, %broadcast_in_dim3A_354] : memref<128x48xf32, #tpu.memory_space<vmem>>[vector<16xi32>, vector<16xi32>], vector<16xf32>,
        %mul3A_356 = arith.mulf %gather3A_355, %exp3A : vector<16xf32>
        tpu.vector_store_idx %arg14[%add3A_179, %broadcast_in_dim3A_354], %mul3A_356 : memref<128x48xf32, #tpu.memory_space<vmem>>[vector<16xi32>, vector<16xi32>], vector<16xf32>,
        %broadcast_in_dim3A_357 = arith.constant 42 : i32
        %broadcast_in_dim3A_358 = vector.broadcast %broadcast_in_dim3A_357 : i32 to vector<16xi32>
        %gather3A_359 = tpu.vector_load_idx %arg10[%add3A_179, %broadcast_in_dim3A_358] : memref<128x48xf32, #tpu.memory_space<vmem>>[vector<16xi32>, vector<16xi32>], vector<16xf32>,
        %mul3A_360 = arith.mulf %gather3A_359, %exp3A : vector<16xf32>
        tpu.vector_store_idx %arg14[%add3A_179, %broadcast_in_dim3A_358], %mul3A_360 : memref<128x48xf32, #tpu.memory_space<vmem>>[vector<16xi32>, vector<16xi32>], vector<16xf32>,
        %broadcast_in_dim3A_361 = arith.constant 43 : i32
        %broadcast_in_dim3A_362 = vector.broadcast %broadcast_in_dim3A_361 : i32 to vector<16xi32>
        %gather3A_363 = tpu.vector_load_idx %arg10[%add3A_179, %broadcast_in_dim3A_362] : memref<128x48xf32, #tpu.memory_space<vmem>>[vector<16xi32>, vector<16xi32>], vector<16xf32>,
        %mul3A_364 = arith.mulf %gather3A_363, %exp3A : vector<16xf32>
        tpu.vector_store_idx %arg14[%add3A_179, %broadcast_in_dim3A_362], %mul3A_364 : memref<128x48xf32, #tpu.memory_space<vmem>>[vector<16xi32>, vector<16xi32>], vector<16xf32>,
        %broadcast_in_dim3A_365 = arith.constant 44 : i32
        %broadcast_in_dim3A_366 = vector.broadcast %broadcast_in_dim3A_365 : i32 to vector<16xi32>
        %gather3A_367 = tpu.vector_load_idx %arg10[%add3A_179, %broadcast_in_dim3A_366] : memref<128x48xf32, #tpu.memory_space<vmem>>[vector<16xi32>, vector<16xi32>], vector<16xf32>,
        %mul3A_368 = arith.mulf %gather3A_367, %exp3A : vector<16xf32>
        tpu.vector_store_idx %arg14[%add3A_179, %broadcast_in_dim3A_366], %mul3A_368 : memref<128x48xf32, #tpu.memory_space<vmem>>[vector<16xi32>, vector<16xi32>], vector<16xf32>,
        %broadcast_in_dim3A_369 = arith.constant 45 : i32
        %broadcast_in_dim3A_370 = vector.broadcast %broadcast_in_dim3A_369 : i32 to vector<16xi32>
        %gather3A_371 = tpu.vector_load_idx %arg10[%add3A_179, %broadcast_in_dim3A_370] : memref<128x48xf32, #tpu.memory_space<vmem>>[vector<16xi32>, vector<16xi32>], vector<16xf32>,
        %mul3A_372 = arith.mulf %gather3A_371, %exp3A : vector<16xf32>
        tpu.vector_store_idx %arg14[%add3A_179, %broadcast_in_dim3A_370], %mul3A_372 : memref<128x48xf32, #tpu.memory_space<vmem>>[vector<16xi32>, vector<16xi32>], vector<16xf32>,
        %broadcast_in_dim3A_373 = arith.constant 46 : i32
        %broadcast_in_dim3A_374 = vector.broadcast %broadcast_in_dim3A_373 : i32 to vector<16xi32>
        %gather3A_375 = tpu.vector_load_idx %arg10[%add3A_179, %broadcast_in_dim3A_374] : memref<128x48xf32, #tpu.memory_space<vmem>>[vector<16xi32>, vector<16xi32>], vector<16xf32>,
        %mul3A_376 = arith.mulf %gather3A_375, %exp3A : vector<16xf32>
        tpu.vector_store_idx %arg14[%add3A_179, %broadcast_in_dim3A_374], %mul3A_376 : memref<128x48xf32, #tpu.memory_space<vmem>>[vector<16xi32>, vector<16xi32>], vector<16xf32>,
        %broadcast_in_dim3A_377 = arith.constant 47 : i32
        %broadcast_in_dim3A_378 = vector.broadcast %broadcast_in_dim3A_377 : i32 to vector<16xi32>
        %gather3A_379 = tpu.vector_load_idx %arg10[%add3A_179, %broadcast_in_dim3A_378] : memref<128x48xf32, #tpu.memory_space<vmem>>[vector<16xi32>, vector<16xi32>], vector<16xf32>,
        %mul3A_380 = arith.mulf %gather3A_379, %exp3A : vector<16xf32>
        tpu.vector_store_idx %arg14[%add3A_179, %broadcast_in_dim3A_378], %mul3A_380 : memref<128x48xf32, #tpu.memory_space<vmem>>[vector<16xi32>, vector<16xi32>], vector<16xf32>,
      }
      %scan3A_168 = arith.constant 8 : i32
      %dma_start3A_169 = arith.constant 0 : i32
      %dma_start3A_170 = tpu.memref_slice %arg8[%add3A_141, %dma_start3A_169] : memref<80x128xi32, #tpu.memory_space<vmem>> -> memref<1x128xi32, #tpu.memory_space<vmem>>
      %dma_start3A_171 = tpu.memref_squeeze %dma_start3A_170 : memref<1x128xi32, #tpu.memory_space<vmem>> -> memref<128xi32, #tpu.memory_space<vmem>>
      %dma_start3A_172 = arith.constant 0 : i32
      %dma_start3A_173 = arith.constant 0 : i32
      %dma_start3A_174 = tpu.memref_slice %arg15[%dma_start3A_172, %dma_start3A_173] : memref<10016x48xf32, #tpu.memory_space<vmem_shared>> -> memref<10016x48xf32, #tpu.memory_space<vmem_shared>>
      tpu.enqueue_indirect_dma source(%arg14 : memref<128x48xf32, #tpu.memory_space<vmem>>) target(%dma_start3A_174 : memref<10016x48xf32, #tpu.memory_space<vmem_shared>>) offsets(%dma_start3A_171 : memref<128xi32, #tpu.memory_space<vmem>>) semaphore(%arg20 : memref<!tpu.dma_semaphore, #tpu.memory_space<semaphore_mem>>) {add = true}
    }
    %scan3A_66 = arith.constant 40 : i32
    %dma_wait3A_67 = arith.constant 78 : i32
    %dma_wait3A_68 = arith.constant 0 : i32
    %dma_wait3A_69 = tpu.memref_slice %arg8[%dma_wait3A_67, %dma_wait3A_68] : memref<80x128xi32, #tpu.memory_space<vmem>> -> memref<1x128xi32, #tpu.memory_space<vmem>>
    %dma_wait3A_70 = tpu.memref_squeeze %dma_wait3A_69 : memref<1x128xi32, #tpu.memory_space<vmem>> -> memref<128xi32, #tpu.memory_space<vmem>>
    %dma_wait3A_71 = arith.constant 0 : i32
    %dma_wait3A_72 = arith.constant 0 : i32
    %dma_wait3A_73 = tpu.memref_slice %arg15[%dma_wait3A_71, %dma_wait3A_72] : memref<10016x48xf32, #tpu.memory_space<vmem_shared>> -> memref<10016x48xf32, #tpu.memory_space<vmem_shared>>
    tpu.wait_indirect_dma semaphore(%arg19 : memref<!tpu.dma_semaphore, #tpu.memory_space<semaphore_mem>>) src(%arg13 : memref<128x48xf32, #tpu.memory_space<vmem>>) dst(%dma_wait3A_73 : memref<10016x48xf32, #tpu.memory_space<vmem_shared>>)
    %dma_wait3A_74 = arith.constant 79 : i32
    %dma_wait3A_75 = arith.constant 0 : i32
    %dma_wait3A_76 = tpu.memref_slice %arg8[%dma_wait3A_74, %dma_wait3A_75] : memref<80x128xi32, #tpu.memory_space<vmem>> -> memref<1x128xi32, #tpu.memory_space<vmem>>
    %dma_wait3A_77 = tpu.memref_squeeze %dma_wait3A_76 : memref<1x128xi32, #tpu.memory_space<vmem>> -> memref<128xi32, #tpu.memory_space<vmem>>
    %dma_wait3A_78 = arith.constant 0 : i32
    %dma_wait3A_79 = arith.constant 0 : i32
    %dma_wait3A_80 = tpu.memref_slice %arg15[%dma_wait3A_78, %dma_wait3A_79] : memref<10016x48xf32, #tpu.memory_space<vmem_shared>> -> memref<10016x48xf32, #tpu.memory_space<vmem_shared>>
    tpu.wait_indirect_dma semaphore(%arg20 : memref<!tpu.dma_semaphore, #tpu.memory_space<semaphore_mem>>) src(%arg14 : memref<128x48xf32, #tpu.memory_space<vmem>>) dst(%dma_wait3A_80 : memref<10016x48xf32, #tpu.memory_space<vmem_shared>>)
    %barrier3A_81 = arith.constant 0 : index
    tpu.barrier barrier_id(%barrier3A_81)
    %mul3A_82 = arith.constant 624 : i32
    %mul3A_83 = arith.muli %arg1, %mul3A_82 : i32
    %mul3A_84 = arith.constant 624 : i32
    %mul3A_85 = arith.muli %arg1, %mul3A_84 : i32
    "tpu.region"() ({
      %run_scoped3A = tpu.sem_alloc : memref<!tpu.dma_semaphore, #tpu.memory_space<semaphore_mem>>
      %dma_start3A_91 = arith.constant 0 : i32
      %dma_start3A_92 = tpu.memref_slice %arg6[%arg0, %mul3A_85, %dma_start3A_91] : memref<2x10000x48xf32, #tpu.memory_space<hbm>> -> memref<1x624x48xf32, #tpu.memory_space<hbm>>
      %dma_start3A_93 = tpu.memref_squeeze %dma_start3A_92 : memref<1x624x48xf32, #tpu.memory_space<hbm>> -> memref<624x48xf32, #tpu.memory_space<hbm>>
      %dma_start3A_94 = arith.constant 0 : i32
      %dma_start3A_95 = tpu.memref_slice %arg15[%mul3A_83, %dma_start3A_94] : memref<10016x48xf32, #tpu.memory_space<vmem_shared>> -> memref<624x48xf32, #tpu.memory_space<vmem_shared>>
      tpu.enqueue_dma source(%dma_start3A_95 : memref<624x48xf32, #tpu.memory_space<vmem_shared>>) target(%dma_start3A_93 : memref<624x48xf32, #tpu.memory_space<hbm>>) target_semaphore(%run_scoped3A : memref<!tpu.dma_semaphore, #tpu.memory_space<semaphore_mem>>)
      %dma_wait3A_96 = arith.constant 0 : i32
      %dma_wait3A_97 = tpu.memref_slice %arg6[%arg0, %mul3A_85, %dma_wait3A_96] : memref<2x10000x48xf32, #tpu.memory_space<hbm>> -> memref<1x624x48xf32, #tpu.memory_space<hbm>>
      %dma_wait3A_98 = tpu.memref_squeeze %dma_wait3A_97 : memref<1x624x48xf32, #tpu.memory_space<hbm>> -> memref<624x48xf32, #tpu.memory_space<hbm>>
      %dma_wait3A_99 = arith.constant 0 : i32
      %dma_wait3A_100 = tpu.memref_slice %arg15[%mul3A_83, %dma_wait3A_99] : memref<10016x48xf32, #tpu.memory_space<vmem_shared>> -> memref<624x48xf32, #tpu.memory_space<vmem_shared>>
      tpu.wait_dma2 semaphore(%run_scoped3A : memref<!tpu.dma_semaphore, #tpu.memory_space<semaphore_mem>>) src(%dma_wait3A_100 : memref<624x48xf32, #tpu.memory_space<vmem_shared>>) dst(%dma_wait3A_98 : memref<624x48xf32, #tpu.memory_space<hbm>>)
      tpu.yield
    }) : () -> ()
    %eq3A_86 = arith.constant 15 : i32
    %eq3A_87 = arith.cmpi eq, %arg1, %eq3A_86 : i32
    %convert_element_type3A_88 = arith.extui %eq3A_87 : i1 to i32
    %cond3A_89 = arith.constant 0 : i32
    %cond3A_90 = arith.cmpi ne, %convert_element_type3A_88, %cond3A_89 : i32
    scf.if %cond3A_90 {
      "tpu.region"() ({
        %run_scoped3A = tpu.sem_alloc : memref<!tpu.dma_semaphore, #tpu.memory_space<semaphore_mem>>
        %dma_start3A_91 = arith.constant 9984 : i32
        %dma_start3A_92 = arith.constant 0 : i32
        %dma_start3A_93 = tpu.memref_slice %arg6[%arg0, %dma_start3A_91, %dma_start3A_92] : memref<2x10000x48xf32, #tpu.memory_space<hbm>> -> memref<1x16x48xf32, #tpu.memory_space<hbm>>
        %dma_start3A_94 = tpu.memref_squeeze %dma_start3A_93 : memref<1x16x48xf32, #tpu.memory_space<hbm>> -> memref<16x48xf32, #tpu.memory_space<hbm>>
        %dma_start3A_95 = arith.constant 9984 : i32
        %dma_start3A_96 = arith.constant 0 : i32
        %dma_start3A_97 = tpu.memref_slice %arg15[%dma_start3A_95, %dma_start3A_96] : memref<10016x48xf32, #tpu.memory_space<vmem_shared>> -> memref<16x48xf32, #tpu.memory_space<vmem_shared>>
        tpu.enqueue_dma source(%dma_start3A_97 : memref<16x48xf32, #tpu.memory_space<vmem_shared>>) target(%dma_start3A_94 : memref<16x48xf32, #tpu.memory_space<hbm>>) target_semaphore(%run_scoped3A : memref<!tpu.dma_semaphore, #tpu.memory_space<semaphore_mem>>)
        %dma_wait3A_98 = arith.constant 9984 : i32
        %dma_wait3A_99 = arith.constant 0 : i32
        %dma_wait3A_100 = tpu.memref_slice %arg6[%arg0, %dma_wait3A_98, %dma_wait3A_99] : memref<2x10000x48xf32, #tpu.memory_space<hbm>> -> memref<1x16x48xf32, #tpu.memory_space<hbm>>
        %dma_wait3A_101 = tpu.memref_squeeze %dma_wait3A_100 : memref<1x16x48xf32, #tpu.memory_space<hbm>> -> memref<16x48xf32, #tpu.memory_space<hbm>>
        %dma_wait3A_102 = arith.constant 9984 : i32
        %dma_wait3A_103 = arith.constant 0 : i32
        %dma_wait3A_104 = tpu.memref_slice %arg15[%dma_wait3A_102, %dma_wait3A_103] : memref<10016x48xf32, #tpu.memory_space<vmem_shared>> -> memref<16x48xf32, #tpu.memory_space<vmem_shared>>
        tpu.wait_dma2 semaphore(%run_scoped3A : memref<!tpu.dma_semaphore, #tpu.memory_space<semaphore_mem>>) src(%dma_wait3A_104 : memref<16x48xf32, #tpu.memory_space<vmem_shared>>) dst(%dma_wait3A_101 : memref<16x48xf32, #tpu.memory_space<hbm>>)
        tpu.yield
      }) : () -> ()
    } else {
    }
    return
  }
}

module attributes {stable_mosaic.version = 14 : i64} {
  func.func @_tc1_body(%arg0: i32, %arg1: memref<1000x128xf32, #tpu.memory_space<vmem>>, %arg2: memref<128x64xf32, #tpu.memory_space<vmem>>, %arg3: memref<64x80xf32, #tpu.memory_space<vmem>>, %arg4: memref<64x16xf32, #tpu.memory_space<vmem>>, %arg5: memref<1000x80xf32, #tpu.memory_space<vmem>>, %arg6: memref<1000x16xf32, #tpu.memory_space<vmem>>) attributes {dimension_semantics = [#tpu.dimension_semantics<arbitrary>], iteration_bounds = array<i64: 10>, scalar_prefetch = 0 : i64, scratch_operands = 0 : i64, tpu.core_type = #tpu.core_type<tc>, window_params = [{transform_indices = @transform_0, window_bounds = array<i64: 1000, 128>}, {pipeline_mode = #tpu.pipeline_mode<synchronous>, transform_indices = @transform_1, window_bounds = array<i64: 128, 64>}, {pipeline_mode = #tpu.pipeline_mode<synchronous>, transform_indices = @transform_2, window_bounds = array<i64: 64, 80>}, {pipeline_mode = #tpu.pipeline_mode<synchronous>, transform_indices = @transform_3, window_bounds = array<i64: 64, 16>}, {transform_indices = @transform_4, window_bounds = array<i64: 1000, 80>}, {transform_indices = @transform_5, window_bounds = array<i64: 1000, 16>}]} {
    %get3A = arith.constant 0 : index
    %get3A_0 = arith.constant 0 : index
    %get3A_1 = vector.load %arg1[%get3A, %get3A_0] : memref<1000x128xf32, #tpu.memory_space<vmem>>, vector<1000x128xf32>
    %get3A_2 = arith.constant 0 : index
    %get3A_3 = arith.constant 0 : index
    %get3A_4 = vector.load %arg2[%get3A_2, %get3A_3] : memref<128x64xf32, #tpu.memory_space<vmem>>, vector<128x64xf32>
    %dot_general3A = arith.constant dense<0.000000e+00> : vector<1000x64xf32>
    %dot_general3A_5 = tpu.matmul %get3A_1, %get3A_4, %dot_general3A {dimension_numbers = #tpu.dot_dimension_numbers<[1], [0], [0], [1], [0, 0, 1, 1], [], []>, transpose_lhs_hint = false} : vector<1000x128xf32>, vector<128x64xf32>, vector<1000x64xf32> -> vector<1000x64xf32>
    %get3A_6 = arith.constant 0 : index
    %get3A_7 = arith.constant 0 : index
    %get3A_8 = vector.load %arg3[%get3A_6, %get3A_7] : memref<64x80xf32, #tpu.memory_space<vmem>>, vector<64x80xf32>
    %dot_general3A_9 = arith.constant dense<0.000000e+00> : vector<1000x80xf32>
    %dot_general3A_10 = tpu.matmul %dot_general3A_5, %get3A_8, %dot_general3A_9 {dimension_numbers = #tpu.dot_dimension_numbers<[1], [0], [0], [1], [0, 0, 1, 1], [], []>, transpose_lhs_hint = false} : vector<1000x64xf32>, vector<64x80xf32>, vector<1000x80xf32> -> vector<1000x80xf32>
    %swap3A = arith.constant 0 : index
    %swap3A_11 = arith.constant 0 : index
    %swap3A_12 = vector.load %arg5[%swap3A, %swap3A_11] : memref<1000x80xf32, #tpu.memory_space<vmem>>, vector<1000x80xf32>
    tpu.vector_store %arg5[%swap3A, %swap3A_11], %dot_general3A_10 {strides = array<i32>} : memref<1000x80xf32, #tpu.memory_space<vmem>>, vector<1000x80xf32>,
    %get3A_13 = arith.constant 0 : index
    %get3A_14 = arith.constant 0 : index
    %get3A_15 = vector.load %arg4[%get3A_13, %get3A_14] : memref<64x16xf32, #tpu.memory_space<vmem>>, vector<64x16xf32>
    %dot_general3A_16 = arith.constant dense<0.000000e+00> : vector<1000x16xf32>
    %dot_general3A_17 = tpu.matmul %dot_general3A_5, %get3A_15, %dot_general3A_16 {dimension_numbers = #tpu.dot_dimension_numbers<[1], [0], [0], [1], [0, 0, 1, 1], [], []>, transpose_lhs_hint = false} : vector<1000x64xf32>, vector<64x16xf32>, vector<1000x16xf32> -> vector<1000x16xf32>
    %swap3A_18 = arith.constant 0 : index
    %swap3A_19 = arith.constant 0 : index
    %swap3A_20 = vector.load %arg6[%swap3A_18, %swap3A_19] : memref<1000x16xf32, #tpu.memory_space<vmem>>, vector<1000x16xf32>
    tpu.vector_store %arg6[%swap3A_18, %swap3A_19], %dot_general3A_17 {strides = array<i32>} : memref<1000x16xf32, #tpu.memory_space<vmem>>, vector<1000x16xf32>,
    return
  }
  func.func @transform_0(%arg0: i32) -> (i32, i32) {
    %c0_i32 = arith.constant 0 : i32
    %c0_i32_0 = arith.constant 0 : i32
    return %arg0, %c0_i32 : i32, i32
  }
  func.func @transform_1(%arg0: i32) -> (i32, i32) {
    %c0_i32 = arith.constant 0 : i32
    %c0_i32_0 = arith.constant 0 : i32
    %c0_i32_1 = arith.constant 0 : i32
    return %c0_i32, %c0_i32_0 : i32, i32
  }
  func.func @transform_2(%arg0: i32) -> (i32, i32) {
    %c0_i32 = arith.constant 0 : i32
    %c0_i32_0 = arith.constant 0 : i32
    %c0_i32_1 = arith.constant 0 : i32
    return %c0_i32, %c0_i32_0 : i32, i32
  }
  func.func @transform_3(%arg0: i32) -> (i32, i32) {
    %c0_i32 = arith.constant 0 : i32
    %c0_i32_0 = arith.constant 0 : i32
    %c0_i32_1 = arith.constant 0 : i32
    return %c0_i32, %c0_i32_0 : i32, i32
  }
  func.func @transform_4(%arg0: i32) -> (i32, i32) {
    %c0_i32 = arith.constant 0 : i32
    %c0_i32_0 = arith.constant 0 : i32
    return %arg0, %c0_i32 : i32, i32
  }
  func.func @transform_5(%arg0: i32) -> (i32, i32) {
    %c0_i32 = arith.constant 0 : i32
    %c0_i32_0 = arith.constant 0 : i32
    return %arg0, %c0_i32 : i32, i32
  }
}

module attributes {stable_mosaic.version = 14 : i64} {
  func.func @_tc2_body(%arg0: i32, %arg1: memref<2x1000x72xf32, #tpu.memory_space<vmem>>, %arg2: memref<72x64xf32, #tpu.memory_space<vmem>>, %arg3: memref<72x64xf32, #tpu.memory_space<vmem>>, %arg4: memref<1x64xf32, #tpu.memory_space<vmem>>, %arg5: memref<64x40xf32, #tpu.memory_space<vmem>>, %arg6: memref<40x48xf32, #tpu.memory_space<vmem>>, %arg7: memref<1x48xf32, #tpu.memory_space<vmem>>, %arg8: memref<40x16xf32, #tpu.memory_space<vmem>>, %arg9: memref<1000x48xf32, #tpu.memory_space<vmem>>, %arg10: memref<1000x16xf32, #tpu.memory_space<vmem>>) attributes {dimension_semantics = [#tpu.dimension_semantics<arbitrary>], iteration_bounds = array<i64: 10>, scalar_prefetch = 0 : i64, scratch_operands = 0 : i64, tpu.core_type = #tpu.core_type<tc>, window_params = [{transform_indices = @transform_0, window_bounds = array<i64: 2, 1000, 72>}, {pipeline_mode = #tpu.pipeline_mode<synchronous>, transform_indices = @transform_1, window_bounds = array<i64: 72, 64>}, {pipeline_mode = #tpu.pipeline_mode<synchronous>, transform_indices = @transform_2, window_bounds = array<i64: 72, 64>}, {pipeline_mode = #tpu.pipeline_mode<synchronous>, transform_indices = @transform_3, window_bounds = array<i64: 1, 64>}, {pipeline_mode = #tpu.pipeline_mode<synchronous>, transform_indices = @transform_4, window_bounds = array<i64: 64, 40>}, {pipeline_mode = #tpu.pipeline_mode<synchronous>, transform_indices = @transform_5, window_bounds = array<i64: 40, 48>}, {pipeline_mode = #tpu.pipeline_mode<synchronous>, transform_indices = @transform_6, window_bounds = array<i64: 1, 48>}, {pipeline_mode = #tpu.pipeline_mode<synchronous>, transform_indices = @transform_7, window_bounds = array<i64: 40, 16>}, {transform_indices = @transform_8, window_bounds = array<i64: 1000, 48>}, {transform_indices = @transform_9, window_bounds = array<i64: 1000, 16>}]} {
    %get3A = arith.constant 0 : index
    %get3A_0 = arith.constant 0 : index
    %get3A_1 = arith.constant 0 : index
    %get3A_2 = vector.load %arg1[%get3A, %get3A_0, %get3A_1] : memref<2x1000x72xf32, #tpu.memory_space<vmem>>, vector<1x1000x72xf32>
    %get3A_3 = vector.shape_cast %get3A_2 : vector<1x1000x72xf32> to vector<1000x72xf32>
    %get3A_4 = arith.constant 1 : index
    %get3A_5 = arith.constant 0 : index
    %get3A_6 = arith.constant 0 : index
    %get3A_7 = vector.load %arg1[%get3A_4, %get3A_5, %get3A_6] : memref<2x1000x72xf32, #tpu.memory_space<vmem>>, vector<1x1000x72xf32>
    %get3A_8 = vector.shape_cast %get3A_7 : vector<1x1000x72xf32> to vector<1000x72xf32>
    %add3A = arith.addf %get3A_3, %get3A_8 : vector<1000x72xf32>
    %get3A_9 = arith.constant 0 : index
    %get3A_10 = arith.constant 0 : index
    %get3A_11 = vector.load %arg2[%get3A_9, %get3A_10] : memref<72x64xf32, #tpu.memory_space<vmem>>, vector<72x64xf32>
    %dot_general3A = arith.constant dense<0.000000e+00> : vector<1000x64xf32>
    %dot_general3A_12 = tpu.matmul %add3A, %get3A_11, %dot_general3A {dimension_numbers = #tpu.dot_dimension_numbers<[1], [0], [0], [1], [0, 0, 1, 1], [], []>, transpose_lhs_hint = false} : vector<1000x72xf32>, vector<72x64xf32>, vector<1000x64xf32> -> vector<1000x64xf32>
    %get3A_13 = arith.constant 0 : index
    %get3A_14 = arith.constant 0 : index
    %get3A_15 = vector.load %arg3[%get3A_13, %get3A_14] : memref<72x64xf32, #tpu.memory_space<vmem>>, vector<72x64xf32>
    %dot_general3A_16 = arith.constant dense<0.000000e+00> : vector<1000x64xf32>
    %dot_general3A_17 = tpu.matmul %add3A, %get3A_15, %dot_general3A_16 {dimension_numbers = #tpu.dot_dimension_numbers<[1], [0], [0], [1], [0, 0, 1, 1], [], []>, transpose_lhs_hint = false} : vector<1000x72xf32>, vector<72x64xf32>, vector<1000x64xf32> -> vector<1000x64xf32>
    %add3A_18 = arith.constant 1.000000e-16 : f32
    %add3A_19 = vector.broadcast %add3A_18 : f32 to vector<1000x64xf32>
    %add3A_20 = arith.addf %dot_general3A_17, %add3A_19 : vector<1000x64xf32>
    %div3A = arith.divf %dot_general3A_12, %add3A_20 : vector<1000x64xf32>
    %get3A_21 = arith.constant 0 : index
    %get3A_22 = arith.constant 0 : index
    %get3A_23 = vector.load %arg4[%get3A_21, %get3A_22] : memref<1x64xf32, #tpu.memory_space<vmem>>, vector<1x64xf32>
    %add3A_24 = vector.broadcast %get3A_23 : vector<1x64xf32> to vector<1000x64xf32>
    %add3A_25 = arith.addf %div3A, %add3A_24 : vector<1000x64xf32>
    %gt3A = arith.constant 0.000000e+00 : f32
    %gt3A_26 = vector.broadcast %gt3A : f32 to vector<1000x64xf32>
    %gt3A_27 = arith.cmpf ogt, %add3A_25, %gt3A_26 : vector<1000x64xf32>
    %exp3A = math.exp %add3A_25 : vector<1000x64xf32>
    %sub3A = arith.constant 1.000000e+00 : f32
    %sub3A_28 = vector.broadcast %sub3A : f32 to vector<1000x64xf32>
    %sub3A_29 = arith.subf %exp3A, %sub3A_28 : vector<1000x64xf32>
    %select_n3A = arith.select %gt3A_27, %add3A_25, %sub3A_29 : vector<1000x64xi1>, vector<1000x64xf32>
    %get3A_30 = arith.constant 0 : index
    %get3A_31 = arith.constant 0 : index
    %get3A_32 = vector.load %arg5[%get3A_30, %get3A_31] : memref<64x40xf32, #tpu.memory_space<vmem>>, vector<64x40xf32>
    %dot_general3A_33 = arith.constant dense<0.000000e+00> : vector<1000x40xf32>
    %dot_general3A_34 = tpu.matmul %select_n3A, %get3A_32, %dot_general3A_33 {dimension_numbers = #tpu.dot_dimension_numbers<[1], [0], [0], [1], [0, 0, 1, 1], [], []>, transpose_lhs_hint = false} : vector<1000x64xf32>, vector<64x40xf32>, vector<1000x40xf32> -> vector<1000x40xf32>
    %get3A_35 = arith.constant 0 : index
    %get3A_36 = arith.constant 0 : index
    %get3A_37 = vector.load %arg6[%get3A_35, %get3A_36] : memref<40x48xf32, #tpu.memory_space<vmem>>, vector<40x48xf32>
    %dot_general3A_38 = arith.constant dense<0.000000e+00> : vector<1000x48xf32>
    %dot_general3A_39 = tpu.matmul %dot_general3A_34, %get3A_37, %dot_general3A_38 {dimension_numbers = #tpu.dot_dimension_numbers<[1], [0], [0], [1], [0, 0, 1, 1], [], []>, transpose_lhs_hint = false} : vector<1000x40xf32>, vector<40x48xf32>, vector<1000x48xf32> -> vector<1000x48xf32>
    %get3A_40 = arith.constant 0 : index
    %get3A_41 = arith.constant 0 : index
    %get3A_42 = vector.load %arg7[%get3A_40, %get3A_41] : memref<1x48xf32, #tpu.memory_space<vmem>>, vector<1x48xf32>
    %add3A_43 = vector.broadcast %get3A_42 : vector<1x48xf32> to vector<1000x48xf32>
    %add3A_44 = arith.addf %dot_general3A_39, %add3A_43 : vector<1000x48xf32>
    %swap3A = arith.constant 0 : index
    %swap3A_45 = arith.constant 0 : index
    %swap3A_46 = vector.load %arg9[%swap3A, %swap3A_45] : memref<1000x48xf32, #tpu.memory_space<vmem>>, vector<1000x48xf32>
    tpu.vector_store %arg9[%swap3A, %swap3A_45], %add3A_44 {strides = array<i32>} : memref<1000x48xf32, #tpu.memory_space<vmem>>, vector<1000x48xf32>,
    %get3A_47 = arith.constant 0 : index
    %get3A_48 = arith.constant 0 : index
    %get3A_49 = vector.load %arg8[%get3A_47, %get3A_48] : memref<40x16xf32, #tpu.memory_space<vmem>>, vector<40x16xf32>
    %dot_general3A_50 = arith.constant dense<0.000000e+00> : vector<1000x16xf32>
    %dot_general3A_51 = tpu.matmul %dot_general3A_34, %get3A_49, %dot_general3A_50 {dimension_numbers = #tpu.dot_dimension_numbers<[1], [0], [0], [1], [0, 0, 1, 1], [], []>, transpose_lhs_hint = false} : vector<1000x40xf32>, vector<40x16xf32>, vector<1000x16xf32> -> vector<1000x16xf32>
    %swap3A_52 = arith.constant 0 : index
    %swap3A_53 = arith.constant 0 : index
    %swap3A_54 = vector.load %arg10[%swap3A_52, %swap3A_53] : memref<1000x16xf32, #tpu.memory_space<vmem>>, vector<1000x16xf32>
    tpu.vector_store %arg10[%swap3A_52, %swap3A_53], %dot_general3A_51 {strides = array<i32>} : memref<1000x16xf32, #tpu.memory_space<vmem>>, vector<1000x16xf32>,
    return
  }
  func.func @transform_0(%arg0: i32) -> (i32, i32, i32) {
    %c0_i32 = arith.constant 0 : i32
    %c0_i32_0 = arith.constant 0 : i32
    %c0_i32_1 = arith.constant 0 : i32
    return %c0_i32, %arg0, %c0_i32_0 : i32, i32, i32
  }
  func.func @transform_1(%arg0: i32) -> (i32, i32) {
    %c0_i32 = arith.constant 0 : i32
    %c0_i32_0 = arith.constant 0 : i32
    %c0_i32_1 = arith.constant 0 : i32
    return %c0_i32, %c0_i32_0 : i32, i32
  }
  func.func @transform_2(%arg0: i32) -> (i32, i32) {
    %c0_i32 = arith.constant 0 : i32
    %c0_i32_0 = arith.constant 0 : i32
    %c0_i32_1 = arith.constant 0 : i32
    return %c0_i32, %c0_i32_0 : i32, i32
  }
  func.func @transform_3(%arg0: i32) -> (i32, i32) {
    %c0_i32 = arith.constant 0 : i32
    %c0_i32_0 = arith.constant 0 : i32
    %c0_i32_1 = arith.constant 0 : i32
    return %c0_i32, %c0_i32_0 : i32, i32
  }
  func.func @transform_4(%arg0: i32) -> (i32, i32) {
    %c0_i32 = arith.constant 0 : i32
    %c0_i32_0 = arith.constant 0 : i32
    %c0_i32_1 = arith.constant 0 : i32
    return %c0_i32, %c0_i32_0 : i32, i32
  }
  func.func @transform_5(%arg0: i32) -> (i32, i32) {
    %c0_i32 = arith.constant 0 : i32
    %c0_i32_0 = arith.constant 0 : i32
    %c0_i32_1 = arith.constant 0 : i32
    return %c0_i32, %c0_i32_0 : i32, i32
  }
  func.func @transform_6(%arg0: i32) -> (i32, i32) {
    %c0_i32 = arith.constant 0 : i32
    %c0_i32_0 = arith.constant 0 : i32
    %c0_i32_1 = arith.constant 0 : i32
    return %c0_i32, %c0_i32_0 : i32, i32
  }
  func.func @transform_7(%arg0: i32) -> (i32, i32) {
    %c0_i32 = arith.constant 0 : i32
    %c0_i32_0 = arith.constant 0 : i32
    %c0_i32_1 = arith.constant 0 : i32
    return %c0_i32, %c0_i32_0 : i32, i32
  }
  func.func @transform_8(%arg0: i32) -> (i32, i32) {
    %c0_i32 = arith.constant 0 : i32
    %c0_i32_0 = arith.constant 0 : i32
    return %arg0, %c0_i32 : i32, i32
  }
  func.func @transform_9(%arg0: i32) -> (i32, i32) {
    %c0_i32 = arith.constant 0 : i32
    %c0_i32_0 = arith.constant 0 : i32
    return %arg0, %c0_i32 : i32, i32
  }
}

module attributes {stable_mosaic.version = 14 : i64} {
  func.func @_tc3_body(%arg0: i32, %arg1: memref<2x1000x48xf32, #tpu.memory_space<vmem>>, %arg2: memref<48x40xf32, #tpu.memory_space<vmem>>, %arg3: memref<48x40xf32, #tpu.memory_space<vmem>>, %arg4: memref<1x40xf32, #tpu.memory_space<vmem>>, %arg5: memref<1000x40xf32, #tpu.memory_space<vmem>>) attributes {dimension_semantics = [#tpu.dimension_semantics<arbitrary>], iteration_bounds = array<i64: 10>, scalar_prefetch = 0 : i64, scratch_operands = 0 : i64, tpu.core_type = #tpu.core_type<tc>, window_params = [{transform_indices = @transform_0, window_bounds = array<i64: 2, 1000, 48>}, {pipeline_mode = #tpu.pipeline_mode<synchronous>, transform_indices = @transform_1, window_bounds = array<i64: 48, 40>}, {pipeline_mode = #tpu.pipeline_mode<synchronous>, transform_indices = @transform_2, window_bounds = array<i64: 48, 40>}, {pipeline_mode = #tpu.pipeline_mode<synchronous>, transform_indices = @transform_3, window_bounds = array<i64: 1, 40>}, {transform_indices = @transform_4, window_bounds = array<i64: 1000, 40>}]} {
    %get3A = arith.constant 0 : index
    %get3A_0 = arith.constant 0 : index
    %get3A_1 = arith.constant 0 : index
    %get3A_2 = vector.load %arg1[%get3A, %get3A_0, %get3A_1] : memref<2x1000x48xf32, #tpu.memory_space<vmem>>, vector<1x1000x48xf32>
    %get3A_3 = vector.shape_cast %get3A_2 : vector<1x1000x48xf32> to vector<1000x48xf32>
    %get3A_4 = arith.constant 1 : index
    %get3A_5 = arith.constant 0 : index
    %get3A_6 = arith.constant 0 : index
    %get3A_7 = vector.load %arg1[%get3A_4, %get3A_5, %get3A_6] : memref<2x1000x48xf32, #tpu.memory_space<vmem>>, vector<1x1000x48xf32>
    %get3A_8 = vector.shape_cast %get3A_7 : vector<1x1000x48xf32> to vector<1000x48xf32>
    %add3A = arith.addf %get3A_3, %get3A_8 : vector<1000x48xf32>
    %get3A_9 = arith.constant 0 : index
    %get3A_10 = arith.constant 0 : index
    %get3A_11 = vector.load %arg2[%get3A_9, %get3A_10] : memref<48x40xf32, #tpu.memory_space<vmem>>, vector<48x40xf32>
    %dot_general3A = arith.constant dense<0.000000e+00> : vector<1000x40xf32>
    %dot_general3A_12 = tpu.matmul %add3A, %get3A_11, %dot_general3A {dimension_numbers = #tpu.dot_dimension_numbers<[1], [0], [0], [1], [0, 0, 1, 1], [], []>, transpose_lhs_hint = false} : vector<1000x48xf32>, vector<48x40xf32>, vector<1000x40xf32> -> vector<1000x40xf32>
    %get3A_13 = arith.constant 0 : index
    %get3A_14 = arith.constant 0 : index
    %get3A_15 = vector.load %arg3[%get3A_13, %get3A_14] : memref<48x40xf32, #tpu.memory_space<vmem>>, vector<48x40xf32>
    %dot_general3A_16 = arith.constant dense<0.000000e+00> : vector<1000x40xf32>
    %dot_general3A_17 = tpu.matmul %add3A, %get3A_15, %dot_general3A_16 {dimension_numbers = #tpu.dot_dimension_numbers<[1], [0], [0], [1], [0, 0, 1, 1], [], []>, transpose_lhs_hint = false} : vector<1000x48xf32>, vector<48x40xf32>, vector<1000x40xf32> -> vector<1000x40xf32>
    %add3A_18 = arith.constant 1.000000e-16 : f32
    %add3A_19 = vector.broadcast %add3A_18 : f32 to vector<1000x40xf32>
    %add3A_20 = arith.addf %dot_general3A_17, %add3A_19 : vector<1000x40xf32>
    %div3A = arith.divf %dot_general3A_12, %add3A_20 : vector<1000x40xf32>
    %get3A_21 = arith.constant 0 : index
    %get3A_22 = arith.constant 0 : index
    %get3A_23 = vector.load %arg4[%get3A_21, %get3A_22] : memref<1x40xf32, #tpu.memory_space<vmem>>, vector<1x40xf32>
    %add3A_24 = vector.broadcast %get3A_23 : vector<1x40xf32> to vector<1000x40xf32>
    %add3A_25 = arith.addf %div3A, %add3A_24 : vector<1000x40xf32>
    %reduce_max3A = arith.constant dense<0xFF800000> : vector<1000xf32>
    %reduce_max3A_26 = vector.multi_reduction <maximumf>, %add3A_25, %reduce_max3A [1] : vector<1000x40xf32> to vector<1000xf32>
    %broadcast_in_dim3A = vector.shape_cast %reduce_max3A_26 : vector<1000xf32> to vector<1000x1xf32>
    %sub3A = vector.broadcast %broadcast_in_dim3A : vector<1000x1xf32> to vector<1000x40xf32>
    %sub3A_27 = arith.subf %add3A_25, %sub3A : vector<1000x40xf32>
    %exp3A = math.exp %sub3A_27 : vector<1000x40xf32>
    %reduce_sum3A = arith.constant dense<0.000000e+00> : vector<1000xf32>
    %reduce_sum3A_28 = vector.multi_reduction <add>, %exp3A, %reduce_sum3A [1] : vector<1000x40xf32> to vector<1000xf32>
    %broadcast_in_dim3A_29 = vector.shape_cast %reduce_sum3A_28 : vector<1000xf32> to vector<1000x1xf32>
    %log3A = math.log %broadcast_in_dim3A_29 : vector<1000x1xf32>
    %sub3A_30 = vector.broadcast %log3A : vector<1000x1xf32> to vector<1000x40xf32>
    %sub3A_31 = arith.subf %sub3A_27, %sub3A_30 : vector<1000x40xf32>
    %swap3A = arith.constant 0 : index
    %swap3A_32 = arith.constant 0 : index
    %swap3A_33 = vector.load %arg5[%swap3A, %swap3A_32] : memref<1000x40xf32, #tpu.memory_space<vmem>>, vector<1000x40xf32>
    tpu.vector_store %arg5[%swap3A, %swap3A_32], %sub3A_31 {strides = array<i32>} : memref<1000x40xf32, #tpu.memory_space<vmem>>, vector<1000x40xf32>,
    return
  }
  func.func @transform_0(%arg0: i32) -> (i32, i32, i32) {
    %c0_i32 = arith.constant 0 : i32
    %c0_i32_0 = arith.constant 0 : i32
    %c0_i32_1 = arith.constant 0 : i32
    return %c0_i32, %arg0, %c0_i32_0 : i32, i32, i32
  }
  func.func @transform_1(%arg0: i32) -> (i32, i32) {
    %c0_i32 = arith.constant 0 : i32
    %c0_i32_0 = arith.constant 0 : i32
    %c0_i32_1 = arith.constant 0 : i32
    return %c0_i32, %c0_i32_0 : i32, i32
  }
  func.func @transform_2(%arg0: i32) -> (i32, i32) {
    %c0_i32 = arith.constant 0 : i32
    %c0_i32_0 = arith.constant 0 : i32
    %c0_i32_1 = arith.constant 0 : i32
    return %c0_i32, %c0_i32_0 : i32, i32
  }
  func.func @transform_3(%arg0: i32) -> (i32, i32) {
    %c0_i32 = arith.constant 0 : i32
    %c0_i32_0 = arith.constant 0 : i32
    %c0_i32_1 = arith.constant 0 : i32
    return %c0_i32, %c0_i32_0 : i32, i32
  }
  func.func @transform_4(%arg0: i32) -> (i32, i32) {
    %c0_i32 = arith.constant 0 : i32
    %c0_i32_0 = arith.constant 0 : i32
    return %arg0, %c0_i32 : i32, i32
  }
}

</mosaic_0001>

<sc_bundles>
// kernel: kernel.10.cloned.1.call-start
scs
__scs_entry_jumppad:
0x0: {  	(pc) =	sbr.rel $0x88, $3  }
0x1: {  	(tag) =	ssettag $0x0;
	lr =	simm.s32 $0x1  }
0x2: {  	[smem:$0x3F97] =	sst lr;
	_ =	strace $0xD0000000  }
0x3: {  	_ = 	snop  }
0x4: {  	_ = 	snop  }
0x5: {  	_ = 	snop  }
0x6: {  	_ = 	snop  }
0x7: {  	_ = 	snop  }
__scs_overlays_trampoline_lowered:
0x8: {  	[smem:$0x3FA6] =	sst s0  }
0x9: {  	[smem:$0x3FA7] =	sst s1  }
0xa: {  	[smem:$0x3FA8] =	sst s2  }
0xb: {  	[smem:$0x3FA9] =	sst s3  }
0xc: {  	[smem:$0x3FAA] =	sst s4  }
0xd: {  	[smem:$0x3FAB] =	sst s5  }
0xe: {  	[smem:$0x3FAC] =	sst s6  }
0xf: {  	[smem:$0x3FAD] =	sst s7  }
0x10: {  	[smem:$0x3FAE] =	sst s8  }
0x11: {  	[smem:$0x3FAF] =	sst s9;
	s0 =	simm.s32 @!p0 $0x0  }
0x12: {  	s1 =	sld [smem:$0x3F95];
	s0 =	simm.s32 @p0 $0x1  }
0x13: {  	[smem:$0x3FB0] =	sst s0;
	s0 =	simm.s32 @!p1 $0x0  }
0x14: {  	s2 =	sld [smem:$0x3F94];
	s0 =	simm.s32 @p1 $0x1  }
0x15: {  	[smem:$0x3FB1] =	sst s0;
	s0 =	simm.s32 @!p2 $0x0  }
0x16: {  	s3 =	sld [smem:$0x3FDB];
	s0 =	simm.s32 @p2 $0x1  }
0x17: {  	s4 =	simm.s32 $0x1BF5;
	[smem:$0x3FB3] =	sst s0  }
0x18: {  	s0 =	sld [smem:$0x3F96];
	_ =	swait.ge [sflag:s4], $0x0  }
0x19: {  	s7 =	sld [smem:$0x3F97]  }
0x1a: {  	s8 =	sadd.s32 $0xFFFFE003, lr  }
0x1b: {  	s9 =	sadd.s32 $0xFFFFFEF7, lr;
	s5 =	simm.s32 $0xFFFFFFFF;
	p2 =	slt.u32 s8, $0xFFFFF086  }
0x1c: {  	p1 =	slt.u32 s9, $0xF7A;
	s5 =	simm.s32 @!p2 $0x0  }
0x1d: {  	s5 =	simm.s32 @p1 $0x1;
	p0 =	seq.s32 s7, s2  }
0x1e: {  	s7 =	smul.u32 @!p0 $0xF7A, s2;
	p2 =	seq.s32 @!p0 s5, $0x0  }
0x1f: {  	s9 =	smul.u32 $0xF7A, s1;
	s8 =	simm.s32 @!p0 $0x1BF5;
	p2 =	por !p2, p0  }
0x20: {  	[sflag:s8] =	ssyncset.s32 @!p0 $0xFFFFF086;
	s6 =	sadd.s32 @!p0 s3, s7;
	s7 =	simm.s32 @!p0 $0x108  }
0x21: {  	s3 =	sadd.s32 s3, s9;
	s6 =	sadd.s32 @!p0 $0x88, s6;
	s7 =	simm.s32 @p2 $0x1082  }
0x22: {  	[simem:s7], [sflag:s8] =	dma.local @!p0 [hbm:s6], $0xF7A  }
0x23: {  	s9 =	sor.u32 $0xD0000000, s2;
	s6 =	simm.s32 $0x108;
	_ =	swait.ge @!p0 [sflag:s8], $0x0  }
0x24: {  	s3 =	sadd.s32 $0x88, s3;
	s6 =	simm.s32 @!p1 $0x1082;
	[sflag:s4] =	ssyncset.s32 $0xFFFFF086  }
0x25: {  	[simem:s6], [sflag:s4] =	dma.local [hbm:s3], $0xF7A  }
0x26: {  	[smem:$0x3F97] =	sst s1;
	(tag) =	ssettag s2;
	_ =	strace s9  }
0x27: {  	s1 =	sld [smem:$0x3FA7]  }
0x28: {  	s2 =	sld [smem:$0x3FA8]  }
0x29: {  	s4 =	sld [smem:$0x3FAA]  }
0x2a: {  	p0 =	seq.s32 s5, $0x0;
	s5 =	sld [smem:$0x3FAB]  }
0x2b: {  	s6 =	sld [smem:$0x3FAC]  }
0x2c: {  	s7 =	sld [smem:$0x3FAD]  }
0x2d: {  	s3 =	simm.s32 $0x108;
	s8 =	sld [smem:$0x3FAE]  }
0x2e: {  	s3 =	simm.s32 @!p0 $0x1082;
	s9 =	sld [smem:$0x3FAF]  }
0x2f: {  	lr =	sadd.s32 s0, s3;
	s0 =	sld [smem:$0x3FA6]  }
0x30: {  	s3 =	sld [smem:$0x3FA9]  }
0x31: {  	[smem:$0x3FB2] =	sst s10  }
0x32: {  	s10 =	sld [smem:$0x3FB0];
	_ =	sdelay $0x3  }
0x33: {  	p0 =	seq.s32 s10, $0x1;
	s10 =	sld [smem:$0x3FB2];
	_ =	sdelay $0x3  }
0x34: {  	[smem:$0x3FB2] =	sst s10  }
0x35: {  	s10 =	sld [smem:$0x3FB1];
	_ =	sdelay $0x3  }
0x36: {  	p1 =	seq.s32 s10, $0x1;
	s10 =	sld [smem:$0x3FB2];
	_ =	sdelay $0x3  }
0x37: {  	[smem:$0x3FB2] =	sst s10  }
0x38: {  	s10 =	sld [smem:$0x3FB3]  }
0x39: {  	_ = 	snop;
	(pc) =	sbr.ind lr, $3  }
0x3a: {  	_ = 	snop  }
0x3b: {  	_ = 	snop  }
0x3c: {  	p2 =	seq.s32 s10, $0x1;
	s10 =	sld [smem:$0x3FB2]  }
0x3d: {  	_ =	shalt  }
0x3e: {  	_ =	shalt  }
0x3f: {  	_ =	shalt  }
0x40: {  	_ =	shalt  }
0x41: {  	_ =	shalt  }
0x42: {  	_ =	shalt  }
0x43: {  	_ =	shalt  }
0x44: {  	_ =	shalt  }
0x45: {  	_ =	shalt  }
0x46: {  	_ =	shalt  }
0x47: {  	_ =	shalt  }
0x48: {  	_ =	shalt  }
0x49: {  	_ =	shalt  }
0x4a: {  	_ =	shalt  }
0x4b: {  	_ =	shalt  }
0x4c: {  	_ =	shalt  }
0x4d: {  	_ =	shalt  }
0x4e: {  	_ =	shalt  }
0x4f: {  	_ =	shalt  }
0x50: {  	_ =	shalt  }
0x51: {  	_ =	shalt  }
0x52: {  	_ =	shalt  }
0x53: {  	_ =	shalt  }
0x54: {  	_ =	shalt  }
0x55: {  	_ =	shalt  }
0x56: {  	_ =	shalt  }
0x57: {  	_ =	shalt  }
0x58: {  	_ =	shalt  }
0x59: {  	_ =	shalt  }
0x5a: {  	_ =	shalt  }
0x5b: {  	_ =	shalt  }
0x5c: {  	_ =	shalt  }
0x5d: {  	_ =	shalt  }
0x5e: {  	_ =	shalt  }
0x5f: {  	_ =	shalt  }
0x60: {  	_ =	shalt  }
0x61: {  	_ =	shalt  }
0x62: {  	_ =	shalt  }
0x63: {  	_ =	shalt  }
0x64: {  	_ =	shalt  }
0x65: {  	_ =	shalt  }
0x66: {  	_ =	shalt  }
0x67: {  	_ =	shalt  }
0x68: {  	_ =	shalt  }
0x69: {  	_ =	shalt  }
0x6a: {  	_ =	shalt  }
0x6b: {  	_ =	shalt  }
0x6c: {  	_ =	shalt  }
0x6d: {  	_ =	shalt  }
0x6e: {  	_ =	shalt  }
0x6f: {  	_ =	shalt  }
0x70: {  	_ =	shalt  }
0x71: {  	_ =	shalt  }
0x72: {  	_ =	shalt  }
0x73: {  	_ =	shalt  }
0x74: {  	_ =	shalt  }
0x75: {  	_ =	shalt  }
0x76: {  	_ =	shalt  }
0x77: {  	_ =	shalt  }
0x78: {  	_ =	shalt  }
0x79: {  	_ =	shalt  }
0x7a: {  	_ =	shalt  }
0x7b: {  	_ =	shalt  }
0x7c: {  	_ =	shalt  }
0x7d: {  	_ =	shalt  }
0x7e: {  	_ =	shalt  }
0x7f: {  	_ =	shalt  }
0x80: {  	_ =	shalt  }
0x81: {  	_ =	shalt  }
0x82: {  	_ =	shalt  }
0x83: {  	_ =	shalt  }
0x84: {  	_ =	shalt  }
0x85: {  	_ =	shalt  }
0x86: {  	_ =	shalt  }
0x87: {  	_ =	shalt  }
.Lfunc_end0:
.L_simem_size_0:
called_computation.1_lowered:
.L_overlay_start_0:
0x88: {  	s2 =	sld [smem:$0x3FD9]  }
0x89: {  	s3 =	sld [smem:$0x3FFE];
	_ =	sdelay $0x1  }
0x8a: {  	s1 =	srdreg.scid  }
0x8b: {  	s0 =	sand.u32 $0x1, s1  }
0x8c: {  	s17 =	sshll.u32 s0, $0xA;
	s2 =	sadd.s32 s3, s2  }
0x8d: {  	s2 =	sadd.s32 s2, s17  }
0x8e: {  	[smem:$0x3FBE] =	sst s2  }
0x8f: {  	_ = 	snop  }
0x90: {  	s2 =	sld [smem:$0x3FD0];
	(tm) =	ssettm $0x1  }
0x91: {  	s18 =	sld [smem:$0x3FFB];
	_ =	sdelay $0x3  }
0x92: {  	_ =	strace s18  }
0x93: {  	s3 =	sld [smem:$0x3FFC];
	_ =	sdelay $0x3  }
0x94: {  	_ =	strace s3  }
0x95: {  	s3 =	sld [smem:$0x3FFD];
	_ =	sdelay $0x3  }
0x96: {  	_ =	strace s3  }
0x97: {  	_ =	strace $0x8FFFFFFF  }
0x98: {  	s19 =	sld [smem:$0x3FDB];
	_ =	sdelay $0x1  }
0x99: {  	s4 =	simm.s32 $_scs_section_size  }
0x9a: {  	s5 =	simm.s32 $_size__tile_overlayer_lowered;
	s6 =	simm.s32 $_tile_overlayer_lowered  }
0x9b: {  	s22 =	simm.s32 $0x1BFF;
	s21 =	sshll.u32 s6, $0x1;
	s3 =	sadd.s32 s4, s19  }
0x9c: {  	s7 =	simm.s32 $0x0;
	s20 =	sshll.u32 s5, $0x1;
	s5 =	sadd.s32 s21, s3  }
0x9d: {  	[timem:s7], [sflag:s22] =	dma.local [hbm:s5], s20  }
0x9e: {  	_ =	swait.ge [sflag:s22], s20  }
0x9f: {  	s4 =	ssub.s32 $0x0, s20;
	[sflag:s22] =	ssyncset.done $0x0  }
0xa0: {  	[sflag:s22] =	ssyncadd.s32 s4;
	_ =	sdelay $0x1  }
0xa1: {  	s23 =	simm.s32 $0x1B8B  }
0xa2: {  	_ =	swait.ge [sflag:s23], $0x1  }
0xa3: {  	[sflag:s23] =	ssyncset.done $0x0  }
0xa4: {  	s25 =	simm.s32 $0x1B8E;
	s24 =	sld [smem:$0x3FFE];
	[sflag:s23] =	ssyncadd.s32 $0xFFFFFFFF  }
0xa5: {  	s26 =	simm.s32 $execute0_lowered;
	[smem:$0x3FD2] =	sst s25  }
0xa6: {  	s5 =	sshll.u32 s26, $0x1;
	_ =	strace $0x80000049;
	[dreg:$0x1] =	wrdreg $0xFFFFFFFF  }
0xa7: {  	s28 =	simm.s32 $_size_execute0_lowered;
	s3 =	sadd.s32 s3, s5;
	[dreg:$0x0] =	wrdreg $0x0  }
0xa8: {  	s5 =	sshll.u32 s28, $0x1;
	[dreg:$0x2] =	wrdreg s3  }
0xa9: {  	[dreg:$0x3] =	wrdreg s5  }
0xaa: {  	[dreg:$0x4] =	wrdreg $0xC0  }
0xab: {  	_ =	task [dreg:s7], $0x5FFFF  }
0xac: {  	[dreg:$0x1] =	wrdreg $0xFFFFFFFF  }
0xad: {  	[dreg:$0x0] =	wrdreg $0x60  }
0xae: {  	[dreg:$0x2] =	wrdreg s24  }
0xaf: {  	[dreg:$0x3] =	wrdreg s2  }
0xb0: {  	[dreg:$0x4] =	wrdreg $0xC0000  }
0xb1: {  	[dreg:$0x5] =	wrdreg $0x9  }
0xb2: {  	_ =	task.clear_ibuf [dreg:s7], $0x6FFFF;
	_ =	strace $0x90000049  }
0xb3: {  	s29 =	simm.s32 $0x9;
	_ =	strace $0x8000004B  }
0xb4: {  	_ =	swait.ge [sflag:s29], $0x1  }
0xb5: {  	[sflag:s29] =	ssyncadd.s32 $0xFFFFFFFF  }
0xb6: {  	_ =	strace $0x9000004B  }
0xb7: {  	_ =	sfence  }
0xb8: {  	s30 =	sld [smem:$0x0];
	_ =	sdelay $0x2  }
0xb9: {  	s31 =	sshll.u32 s1, $0xD;
	s1 =	sshrl.u32 s1, $0x2  }
0xba: {  	s3 =	sand.u32 $0x4000, s31;
	s1 =	sadd.s32 s1, s30  }
0xbb: {  	s0 =	sor.u32 s3, s0;
	s1 =	sshll.u32 s1, $0x11  }
0xbc: {  	s0 =	sor.u32 s1, s0  }
0xbd: {  	s0 =	sadd.s32 $0x8F2B, s0  }
0xbe: {  	[sflag:s0] =	ssyncadd.remote.s32 $0x1  }
0xbf: {  	_ =	sfence.sel $0xFFFF  }
0xc0: {  	[dreg:$0x0] =	wrdreg $0xFFFFFFFF;
	(pc) =	sbr.abs _section_cstart, $3  }
0xc1: {  	[dreg:$0x1] =	wrdreg $0xFFFFFFFF  }
0xc2: {  	_ =	task.clear_ibuf [dreg:s7], $0x2FFFF;
	_ =	strace $0x9FFFFFFF  }
0xc3: {  	(tm) =	ssettm $0x7FFFFFFF  }
tec
execute0_lowered:
.L_overlay_start_1:
0x0: {  	(tag) =	ssettag $0x1  }
0x1: {  	s0 =	rddreg [dreg:$0x0]  }
0x2: {  	s1 =	rddreg [dreg:$0x1]  }
0x3: {  	s2 =	rddreg [dreg:$0x2]  }
0x4: {  	s3 =	srdreg.scid;
	s11 =	stileid.u32  }
0x5: {  	s5 =	simm.s32 $0x0;
	s17 =	simm.s32 $0x2800;
	s18 =	simm.s32 $0x9000  }
0x6: {  	s19 =	simm.s32 $0x6;
	s28 =	simm.s32 $0x2;
	s29 =	simm.s32 $0x3  }
0x7: {  	s30 =	simm.s32 $0xA800;
	s31 =	simm.s32 $0x4;
	s3 =	sand.u32 $0x1, s3  }
0x8: {  	s4 =	sshll.u32 s11, $0x1;
	[smem:$0x7FF] =	sst s5;
	s10 =	smul.u32 $0x1D400, s11  }
0x9: {  	s5 =	sadd.s32 $0xFC00, s0;
	s20 =	smul.u32 $0x7500, s11;
	s13 =	sadd.s32 $0x73E00, s2  }
0xa: {  	s4 =	sor.u32 s3, s4;
	s7 =	ssub.s32 $0x2, s3;
	s3 =	smul.u32 $0x75300, s3  }
0xb: {  	p0 =	sne.s32 s11, $0xF;
	_ =	strace $0x8000004A;
	s6 =	smul.u32 $0x500, s4  }
0xc: {  	s4 =	sadd.s32 $0x1000, s0;
	s9 =	sshrl.u32 s7, $0x1;
	s22 =	sshrl.u32 s10, $0x2  }
0xd: {  	s7 =	ssub.s32 s7, s9;
	s26 =	sadd.s32 s20, s3;
	s3 =	sshrl.u32 s3, $0x3  }
0xe: {  	s8 =	sadd.s32 s6, s0;
	s0 =	sadd.s32 $0x28800, s0;
	s1 =	sadd.s32 s1, s6  }
0xf: {  	s16 =	smax.u32 s7, $0x1;
	[dreg:$0x4] =	wrdreg s1;
	s21 =	sadd.s32 $0x1E800, s8  }
0x10: {  	s8 =	sadd.s32 s20, s2;
	s1 =	sadd.s32 s22, s2;
	s3 =	sadd.s32 s0, s3  }
0x11: {  	s20 =	simm.s32 $0x1;
	s22 =	simm.s32 $0x5000;
	[dreg:$0x5] =	wrdreg s21  }
0x12: {  	s23 =	sadd.s32 $0x1800, s1;
	s24 =	sadd.s32 $0x3000, s1;
	s25 =	sadd.s32 $0x4800, s1  }
0x13: {  	s12 =	sadd.s32 $0x6000, s1;
	s1 =	sshrl.u32 s26, $0x3;
	[dreg:$0x6] =	wrdreg s23  }
0x14: {  	s15 =	sadd.s32 $0xEA00, s3;
	s21 =	simm.s32 $0x80;
	[dreg:$0x7] =	wrdreg s24  }
0x15: {  	s26 =	simm.s32 $0x8800;
	[dreg:$0x8] =	wrdreg s25;
	s14 =	sadd.s32 s0, s1  }
0x16: {  	s0 =	sadd.s32 $0x75000, s2;
	s23 =	simm.s32 $0x8000;
	s24 =	simm.s32 $0x6800  }
0x17: {  	v0 =	vimm.f32 $0.0e+00;
	v1 =	vlaneseq.u32;
	s1 =	simm.s32 $0x0;
	s25 =	sshrl.u32 @!p0 s0, $0x3;
	s0 =	simm.s32 $0x5  }
.LBB2_1:
0x18: {  	s3 =	simm.s32 $0x0;
	s6 =	rddreg [dreg:$0x4]  }
0x19: {  	[tilespmem:s3], [sflag:$0x1] =	stream.linear.gather [hbm4b:s6+s3], $0x2800, $0x38;
	[tilespmem:$0x13560] =	vst v63  }
0x1a: {  	s11 =	rddreg [dreg:$0x5]  }
0x1b: {  	[tilespmem:s17], [sflag:$0x1] =	stream.linear.gather [hbm4b:s11+s3], $0x2800, $0x38;
	[tilespmem:$0x13560] =	vst v63  }
0x1c: {  	s3 =	simm.s32 $0x0  }
0x1d: {  	[tilespmem:s3+$0xA820] =	vst v0  }
0x1e: {  	[tilespmem:s3+$0x9000] =	vst v0  }
0x1f: {  	[tilespmem:s3+$0xA800] =	vst v0  }
0x20: {  	[tilespmem:s3+$0x9010] =	vst v0  }
0x21: {  	s6 =	simm.s32 $0xC0;
	[tilespmem:s3+$0xA810] =	vst v0  }
.LBB2_2:
0x22: {  	p1 =	sne.s32 s6, $0x5F40;
	[tilespmem:s3+$0x9020] =	vst v0;
	s3 =	sshra.s32 s6, $0x2;
	s6 =	sadd.s32 $0xC0, s6  }
.Ltmp0:
0x23: {  	[tilespmem:s3+$0xA820] =	vst v0;
	(pc) =	sbr.rel @p1 .LBB2_2-.Ltmp0, $4  }
0x24: {  	[tilespmem:s3+$0x9000] =	vst v0  }
0x25: {  	[tilespmem:s3+$0xA800] =	vst v0  }
0x26: {  	[tilespmem:s3+$0x9010] =	vst v0  }
0x27: {  	[tilespmem:s3+$0xA810] =	vst v0  }
0x28: {  	[tilespmem:s3+$0x9020] =	vst v0  }
0x29: {  	[spmem:s8] =	stream.linear.scatter [tilespmem:s18], [sflag:$0x6], $0x1800, $0x38;
	[tilespmem:$0x13560] =	vst v63  }
0x2a: {  	_ =	swait.ge [sflag:s19], $0x1800  }
0x2b: {  	[sflag:s19] =	ssyncset.done $0x0  }
0x2c: {  	s9 =	rddreg [dreg:$0x6];
	[sflag:s19] =	ssyncadd.s32 $0xFFFFE800  }
0x2d: {  	[spmem:s9] =	stream.linear.scatter [tilespmem:s18], [sflag:$0x6], $0x1800, $0x38;
	[tilespmem:$0x13560] =	vst v63  }
0x2e: {  	_ =	swait.ge [sflag:s19], $0x1800  }
0x2f: {  	[sflag:s19] =	ssyncset.done $0x0  }
0x30: {  	s10 =	rddreg [dreg:$0x7];
	[sflag:s19] =	ssyncadd.s32 $0xFFFFE800  }
0x31: {  	[spmem:s10] =	stream.linear.scatter [tilespmem:s18], [sflag:$0x6], $0x1800, $0x38;
	[tilespmem:$0x13560] =	vst v63  }
0x32: {  	_ =	swait.ge [sflag:s19], $0x1800  }
0x33: {  	[sflag:s19] =	ssyncset.done $0x0  }
0x34: {  	s11 =	rddreg [dreg:$0x8];
	[sflag:s19] =	ssyncadd.s32 $0xFFFFE800  }
0x35: {  	[spmem:s11] =	stream.linear.scatter [tilespmem:s18], [sflag:$0x6], $0x1800, $0x38;
	[tilespmem:$0x13560] =	vst v63  }
0x36: {  	_ =	swait.ge [sflag:s19], $0x1800  }
0x37: {  	[sflag:s19] =	ssyncset.done $0x0  }
0x38: {  	[sflag:s19] =	ssyncadd.s32 $0xFFFFE800  }
0x39: {  	[spmem:s12] =	stream.linear.scatter [tilespmem:s18], [sflag:$0x6], $0x1800, $0x38;
	[tilespmem:$0x13560] =	vst v63  }
0x3a: {  	_ =	swait.ge [sflag:s19], $0x1800  }
0x3b: {  	[sflag:s19] =	ssyncset.done $0x0  }
0x3c: {  	s3 =	simm.s32 @!p0 $0x9000;
	[sflag:s19] =	ssyncadd.s32 $0xFFFFE800  }
0x3d: {  	[spmem:s13] =	stream.linear.scatter @!p0 [tilespmem:s3], [sflag:$0x6], $0x1800, $0x38;
	[tilespmem:$0x13560] =	vst v63  }
0x3e: {  	s3 =	simm.s32 @!p0 $0x6  }
0x3f: {  	_ =	swait.ge @!p0 [sflag:s3], $0x1800  }
0x40: {  	[sflag:s3] =	ssyncset.done @!p0 $0x0  }
0x41: {  	[sflag:s3] =	ssyncadd.s32 @!p0 $0xFFFFE800  }
0x42: {  	[bflag:$0x0] =	sbarrier.arrive $0xFFFF  }
0x43: {  	_ =	swait.ge [sflag:s20], $0x2800  }
0x44: {  	[sflag:s20] =	ssyncset.done $0x0  }
0x45: {  	[sflag:s20] =	ssyncadd.s32 $0xFFFFD800  }
0x46: {  	_ =	swait.ge [sflag:s20], $0x2800  }
0x47: {  	[sflag:s20] =	ssyncset.done $0x0  }
0x48: {  	s3 =	simm.s32 $0x0;
	[sflag:s20] =	ssyncadd.s32 $0xFFFFD800  }
0x49: {  	[tilespmem:s22], [sflag:$0x2] =	stream.indirect.gather [hbm4b:s4+s21], $0x30, s3, s21, $0xb8;
	[tilespmem:$0x13560] =	vst v63  }
0x4a: {  	_ = 	snop  }
0x4b: {  	[tilespmem:s23], [sflag:$0x2] =	stream.indirect.gather [hbm4b:s5+s21], $0x10, s17, s21, $0xb8;
	[tilespmem:$0x13560] =	vst v63  }
.LBB2_4:
0x4c: {  	s7 =	sshll.u32 s3, $0x8  }
0x4d: {  	s6 =	sor.u32 $0x80, s7  }
0x4e: {  	[tilespmem:s24], [sflag:$0x3] =	stream.indirect.gather [hbm4b:s4+s21], $0x30, s6, s21, $0xb8;
	[tilespmem:$0x13560] =	vst v63  }
0x4f: {  	s6 =	sadd.s32 $0x2880, s7  }
0x50: {  	[tilespmem:s26], [sflag:$0x3] =	stream.indirect.gather [hbm4b:s5+s21], $0x10, s6, s21, $0xb8;
	[tilespmem:$0x13560] =	vst v63  }
0x51: {  	_ =	swait.ge [sflag:s28], $0x1800  }
0x52: {  	[sflag:s28] =	ssyncset.done $0x0  }
0x53: {  	[sflag:s28] =	ssyncadd.s32 $0xFFFFE800  }
0x54: {  	_ =	swait.ge [sflag:s28], $0x800  }
0x55: {  	p1 =	seq.s32 s3, $0x0;
	[sflag:s28] =	ssyncset.done $0x0  }
0x56: {  	s9 =	simm.s32 @!p1 $0x4;
	[sflag:s28] =	ssyncadd.s32 $0xFFFFF800  }
0x57: {  	_ =	swait.ge @!p1 [sflag:s9], $0x1800  }
0x58: {  	[sflag:s9] =	ssyncset.done @!p1 $0x0  }
0x59: {  	[sflag:s9] =	ssyncadd.s32 @!p1 $0xFFFFE800;
	s9 =	simm.s32 $0x0  }
.LBB2_5:
0x5a: {  	v3 =	vor.u32 s9, v1  }
0x5b: {  	v2 =	vmul.u32 $0x30, v3  }
0x5c: {  	v3 =	vshll.u32 v3, $0x4  }
0x5d: {  	v4 =	vadd.s32 $0x28, v2;
	_ =	sdelay $0x3  }
0x5e: {  	v3 =	vld.idx.msk [tilespmem:v3+s23+$0x0], $0xffff  }
0x5f: {  	v5 =	vld.idx.msk [tilespmem:v4+s22+$0x0], $0xffff;
	_ =	sdelay $0x4  }
0x60: {  	v3 =	vadd.f32 v3, v5;
	_ =	sdelay $0x1  }
0x61: {  	v5 =	vmul.f32 $2.000000030e-01, v3;
	_ =	sdelay $0x1  }
0x62: {  	v3 =	vmax.f32 v3, v5  }
0x63: {  	v3 =	vmul.f32 $1.442695020e+00, v3;
	_ =	sdelay $0x1  }
0x64: {  	(erf) = vpow2.f32 v3;
	_ =	sdelay $0x4  }
0x65: {  	v20 =	vld.idx.msk [tilespmem:v2+s22+$0x0], $0xffff;
	_ =	sdelay $0x2  }
0x66: {  	v6 =	vor.u32 $0x1, v2  }
0x67: {  	v3 =	vpop (erf)  }
0x68: {  	v5 =	vmul.f32 v3, v20;
	_ =	sdelay $0x1  }
0x69: {  	[tilespmem:v2+s18+$0x0] =	vst.idx.msk $0xffff, v5  }
0x6a: {  	v5 =	vld.idx.msk [tilespmem:v6+s22+$0x0], $0xffff;
	_ =	sdelay $0x2  }
0x6b: {  	v7 =	vor.u32 $0x2, v2;
	_ =	sdelay $0x1  }
0x6c: {  	v5 =	vmul.f32 v3, v5;
	_ =	sdelay $0x1  }
0x6d: {  	[tilespmem:v6+s18+$0x0] =	vst.idx.msk $0xffff, v5  }
0x6e: {  	v5 =	vld.idx.msk [tilespmem:v7+s22+$0x0], $0xffff;
	_ =	sdelay $0x2  }
0x6f: {  	v21 =	vor.u32 $0x3, v2;
	_ =	sdelay $0x1  }
0x70: {  	v5 =	vmul.f32 v3, v5;
	_ =	sdelay $0x1  }
0x71: {  	[tilespmem:v7+s18+$0x0] =	vst.idx.msk $0xffff, v5  }
0x72: {  	v5 =	vld.idx.msk [tilespmem:v21+s22+$0x0], $0xffff;
	_ =	sdelay $0x2  }
0x73: {  	v22 =	vor.u32 $0x4, v2;
	_ =	sdelay $0x1  }
0x74: {  	v5 =	vmul.f32 v5, v3;
	_ =	sdelay $0x1  }
0x75: {  	[tilespmem:v21+s18+$0x0] =	vst.idx.msk $0xffff, v5  }
0x76: {  	v5 =	vld.idx.msk [tilespmem:v22+s22+$0x0], $0xffff;
	_ =	sdelay $0x2  }
0x77: {  	v23 =	vor.u32 $0x5, v2;
	_ =	sdelay $0x1  }
0x78: {  	v5 =	vmul.f32 v5, v3;
	_ =	sdelay $0x1  }
0x79: {  	[tilespmem:v22+s18+$0x0] =	vst.idx.msk $0xffff, v5  }
0x7a: {  	v5 =	vld.idx.msk [tilespmem:v23+s22+$0x0], $0xffff;
	_ =	sdelay $0x2  }
0x7b: {  	v24 =	vor.u32 $0x6, v2;
	_ =	sdelay $0x1  }
0x7c: {  	v5 =	vmul.f32 v5, v3;
	_ =	sdelay $0x1  }
0x7d: {  	[tilespmem:v23+s18+$0x0] =	vst.idx.msk $0xffff, v5  }
0x7e: {  	v5 =	vld.idx.msk [tilespmem:v24+s22+$0x0], $0xffff;
	_ =	sdelay $0x2  }
0x7f: {  	v25 =	vor.u32 $0x7, v2;
	_ =	sdelay $0x1  }
0x80: {  	v5 =	vmul.f32 v5, v3;
	_ =	sdelay $0x1  }
0x81: {  	[tilespmem:v24+s18+$0x0] =	vst.idx.msk $0xffff, v5  }
0x82: {  	v5 =	vld.idx.msk [tilespmem:v25+s22+$0x0], $0xffff;
	_ =	sdelay $0x2  }
0x83: {  	v26 =	vor.u32 $0x8, v2;
	_ =	sdelay $0x1  }
0x84: {  	v5 =	vmul.f32 v5, v3;
	_ =	sdelay $0x1  }
0x85: {  	[tilespmem:v25+s18+$0x0] =	vst.idx.msk $0xffff, v5  }
0x86: {  	v5 =	vld.idx.msk [tilespmem:v26+s22+$0x0], $0xffff;
	_ =	sdelay $0x2  }
0x87: {  	v27 =	vor.u32 $0x9, v2;
	_ =	sdelay $0x1  }
0x88: {  	v5 =	vmul.f32 v5, v3;
	_ =	sdelay $0x1  }
0x89: {  	[tilespmem:v26+s18+$0x0] =	vst.idx.msk $0xffff, v5  }
0x8a: {  	v5 =	vld.idx.msk [tilespmem:v27+s22+$0x0], $0xffff;
	_ =	sdelay $0x2  }
0x8b: {  	v28 =	vor.u32 $0xA, v2;
	_ =	sdelay $0x1  }
0x8c: {  	v5 =	vmul.f32 v5, v3;
	_ =	sdelay $0x1  }
0x8d: {  	[tilespmem:v27+s18+$0x0] =	vst.idx.msk $0xffff, v5  }
0x8e: {  	v5 =	vld.idx.msk [tilespmem:v28+s22+$0x0], $0xffff;
	_ =	sdelay $0x2  }
0x8f: {  	v29 =	vor.u32 $0xB, v2;
	_ =	sdelay $0x1  }
0x90: {  	v5 =	vmul.f32 v5, v3;
	_ =	sdelay $0x1  }
0x91: {  	[tilespmem:v28+s18+$0x0] =	vst.idx.msk $0xffff, v5  }
0x92: {  	v5 =	vld.idx.msk [tilespmem:v29+s22+$0x0], $0xffff;
	_ =	sdelay $0x2  }
0x93: {  	v30 =	vor.u32 $0xC, v2;
	_ =	sdelay $0x1  }
0x94: {  	v5 =	vmul.f32 v5, v3;
	_ =	sdelay $0x1  }
0x95: {  	[tilespmem:v29+s18+$0x0] =	vst.idx.msk $0xffff, v5  }
0x96: {  	v5 =	vld.idx.msk [tilespmem:v30+s22+$0x0], $0xffff;
	_ =	sdelay $0x2  }
0x97: {  	v31 =	vor.u32 $0xD, v2;
	_ =	sdelay $0x1  }
0x98: {  	v5 =	vmul.f32 v5, v3;
	_ =	sdelay $0x1  }
0x99: {  	[tilespmem:v30+s18+$0x0] =	vst.idx.msk $0xffff, v5  }
0x9a: {  	v5 =	vld.idx.msk [tilespmem:v31+s22+$0x0], $0xffff;
	_ =	sdelay $0x2  }
0x9b: {  	v32 =	vor.u32 $0xE, v2;
	_ =	sdelay $0x1  }
0x9c: {  	v5 =	vmul.f32 v5, v3;
	_ =	sdelay $0x1  }
0x9d: {  	[tilespmem:v31+s18+$0x0] =	vst.idx.msk $0xffff, v5  }
0x9e: {  	v5 =	vld.idx.msk [tilespmem:v32+s22+$0x0], $0xffff;
	_ =	sdelay $0x2  }
0x9f: {  	v33 =	vor.u32 $0xF, v2;
	_ =	sdelay $0x1  }
0xa0: {  	v5 =	vmul.f32 v5, v3;
	_ =	sdelay $0x1  }
0xa1: {  	[tilespmem:v32+s18+$0x0] =	vst.idx.msk $0xffff, v5  }
0xa2: {  	v5 =	vld.idx.msk [tilespmem:v33+s22+$0x0], $0xffff;
	_ =	sdelay $0x2  }
0xa3: {  	v34 =	vadd.s32 $0x10, v2;
	_ =	sdelay $0x1  }
0xa4: {  	v5 =	vmul.f32 v5, v3;
	_ =	sdelay $0x1  }
0xa5: {  	[tilespmem:v33+s18+$0x0] =	vst.idx.msk $0xffff, v5  }
0xa6: {  	v5 =	vld.idx.msk [tilespmem:v34+s22+$0x0], $0xffff;
	_ =	sdelay $0x2  }
0xa7: {  	v35 =	vadd.s32 $0x11, v2;
	_ =	sdelay $0x1  }
0xa8: {  	v5 =	vmul.f32 v5, v3;
	_ =	sdelay $0x1  }
0xa9: {  	[tilespmem:v34+s18+$0x0] =	vst.idx.msk $0xffff, v5  }
0xaa: {  	v5 =	vld.idx.msk [tilespmem:v35+s22+$0x0], $0xffff;
	_ =	sdelay $0x2  }
0xab: {  	v36 =	vadd.s32 $0x12, v2;
	_ =	sdelay $0x1  }
0xac: {  	v5 =	vmul.f32 v5, v3;
	_ =	sdelay $0x1  }
0xad: {  	[tilespmem:v35+s18+$0x0] =	vst.idx.msk $0xffff, v5  }
0xae: {  	v5 =	vld.idx.msk [tilespmem:v36+s22+$0x0], $0xffff;
	_ =	sdelay $0x2  }
0xaf: {  	v37 =	vadd.s32 $0x13, v2;
	_ =	sdelay $0x1  }
0xb0: {  	v5 =	vmul.f32 v5, v3;
	_ =	sdelay $0x1  }
0xb1: {  	[tilespmem:v36+s18+$0x0] =	vst.idx.msk $0xffff, v5  }
0xb2: {  	v5 =	vld.idx.msk [tilespmem:v37+s22+$0x0], $0xffff;
	_ =	sdelay $0x2  }
0xb3: {  	v38 =	vadd.s32 $0x14, v2;
	_ =	sdelay $0x1  }
0xb4: {  	v5 =	vmul.f32 v5, v3;
	_ =	sdelay $0x1  }
0xb5: {  	[tilespmem:v37+s18+$0x0] =	vst.idx.msk $0xffff, v5  }
0xb6: {  	v5 =	vld.idx.msk [tilespmem:v38+s22+$0x0], $0xffff;
	_ =	sdelay $0x2  }
0xb7: {  	v39 =	vadd.s32 $0x15, v2;
	_ =	sdelay $0x1  }
0xb8: {  	v5 =	vmul.f32 v5, v3;
	_ =	sdelay $0x1  }
0xb9: {  	[tilespmem:v38+s18+$0x0] =	vst.idx.msk $0xffff, v5  }
0xba: {  	v5 =	vld.idx.msk [tilespmem:v39+s22+$0x0], $0xffff;
	_ =	sdelay $0x2  }
0xbb: {  	v40 =	vadd.s32 $0x16, v2;
	_ =	sdelay $0x1  }
0xbc: {  	v5 =	vmul.f32 v5, v3;
	_ =	sdelay $0x1  }
0xbd: {  	[tilespmem:v39+s18+$0x0] =	vst.idx.msk $0xffff, v5  }
0xbe: {  	v5 =	vld.idx.msk [tilespmem:v40+s22+$0x0], $0xffff;
	_ =	sdelay $0x2  }
0xbf: {  	v41 =	vadd.s32 $0x17, v2;
	_ =	sdelay $0x1  }
0xc0: {  	v5 =	vmul.f32 v5, v3;
	_ =	sdelay $0x1  }
0xc1: {  	[tilespmem:v40+s18+$0x0] =	vst.idx.msk $0xffff, v5  }
0xc2: {  	v5 =	vld.idx.msk [tilespmem:v41+s22+$0x0], $0xffff;
	_ =	sdelay $0x2  }
0xc3: {  	v42 =	vadd.s32 $0x18, v2;
	_ =	sdelay $0x1  }
0xc4: {  	v5 =	vmul.f32 v5, v3;
	_ =	sdelay $0x1  }
0xc5: {  	[tilespmem:v41+s18+$0x0] =	vst.idx.msk $0xffff, v5  }
0xc6: {  	v5 =	vld.idx.msk [tilespmem:v42+s22+$0x0], $0xffff;
	_ =	sdelay $0x2  }
0xc7: {  	v43 =	vadd.s32 $0x19, v2;
	_ =	sdelay $0x1  }
0xc8: {  	v5 =	vmul.f32 v5, v3;
	_ =	sdelay $0x1  }
0xc9: {  	[tilespmem:v42+s18+$0x0] =	vst.idx.msk $0xffff, v5  }
0xca: {  	v5 =	vld.idx.msk [tilespmem:v43+s22+$0x0], $0xffff;
	_ =	sdelay $0x2  }
0xcb: {  	v44 =	vadd.s32 $0x1A, v2;
	_ =	sdelay $0x1  }
0xcc: {  	v5 =	vmul.f32 v5, v3;
	_ =	sdelay $0x1  }
0xcd: {  	[tilespmem:v43+s18+$0x0] =	vst.idx.msk $0xffff, v5  }
0xce: {  	v5 =	vld.idx.msk [tilespmem:v44+s22+$0x0], $0xffff;
	_ =	sdelay $0x2  }
0xcf: {  	v45 =	vadd.s32 $0x1B, v2;
	_ =	sdelay $0x1  }
0xd0: {  	v5 =	vmul.f32 v5, v3;
	_ =	sdelay $0x1  }
0xd1: {  	[tilespmem:v44+s18+$0x0] =	vst.idx.msk $0xffff, v5  }
0xd2: {  	v5 =	vld.idx.msk [tilespmem:v45+s22+$0x0], $0xffff;
	_ =	sdelay $0x2  }
0xd3: {  	v46 =	vadd.s32 $0x1C, v2;
	_ =	sdelay $0x1  }
0xd4: {  	v5 =	vmul.f32 v5, v3;
	_ =	sdelay $0x1  }
0xd5: {  	[tilespmem:v45+s18+$0x0] =	vst.idx.msk $0xffff, v5  }
0xd6: {  	v5 =	vld.idx.msk [tilespmem:v46+s22+$0x0], $0xffff;
	_ =	sdelay $0x2  }
0xd7: {  	v47 =	vadd.s32 $0x1D, v2;
	_ =	sdelay $0x1  }
0xd8: {  	v5 =	vmul.f32 v5, v3;
	_ =	sdelay $0x1  }
0xd9: {  	[tilespmem:v46+s18+$0x0] =	vst.idx.msk $0xffff, v5  }
0xda: {  	v5 =	vld.idx.msk [tilespmem:v47+s22+$0x0], $0xffff;
	_ =	sdelay $0x2  }
0xdb: {  	v48 =	vadd.s32 $0x1E, v2;
	_ =	sdelay $0x1  }
0xdc: {  	v5 =	vmul.f32 v5, v3;
	_ =	sdelay $0x1  }
0xdd: {  	[tilespmem:v47+s18+$0x0] =	vst.idx.msk $0xffff, v5  }
0xde: {  	v5 =	vld.idx.msk [tilespmem:v48+s22+$0x0], $0xffff;
	_ =	sdelay $0x2  }
0xdf: {  	v49 =	vadd.s32 $0x1F, v2;
	_ =	sdelay $0x1  }
0xe0: {  	v5 =	vmul.f32 v5, v3;
	_ =	sdelay $0x1  }
0xe1: {  	[tilespmem:v48+s18+$0x0] =	vst.idx.msk $0xffff, v5  }
0xe2: {  	v5 =	vld.idx.msk [tilespmem:v49+s22+$0x0], $0xffff;
	_ =	sdelay $0x2  }
0xe3: {  	v50 =	vadd.s32 $0x20, v2;
	_ =	sdelay $0x1  }
0xe4: {  	v5 =	vmul.f32 v5, v3;
	_ =	sdelay $0x1  }
0xe5: {  	[tilespmem:v49+s18+$0x0] =	vst.idx.msk $0xffff, v5  }
0xe6: {  	v5 =	vld.idx.msk [tilespmem:v50+s22+$0x0], $0xffff;
	_ =	sdelay $0x2  }
0xe7: {  	v51 =	vadd.s32 $0x21, v2;
	_ =	sdelay $0x1  }
0xe8: {  	v5 =	vmul.f32 v5, v3;
	_ =	sdelay $0x1  }
0xe9: {  	[tilespmem:v50+s18+$0x0] =	vst.idx.msk $0xffff, v5  }
0xea: {  	v5 =	vld.idx.msk [tilespmem:v51+s22+$0x0], $0xffff;
	_ =	sdelay $0x2  }
0xeb: {  	v52 =	vadd.s32 $0x22, v2;
	_ =	sdelay $0x1  }
0xec: {  	v5 =	vmul.f32 v5, v3;
	_ =	sdelay $0x1  }
0xed: {  	[tilespmem:v51+s18+$0x0] =	vst.idx.msk $0xffff, v5  }
0xee: {  	v5 =	vld.idx.msk [tilespmem:v52+s22+$0x0], $0xffff;
	_ =	sdelay $0x2  }
0xef: {  	v53 =	vadd.s32 $0x23, v2;
	_ =	sdelay $0x1  }
0xf0: {  	v5 =	vmul.f32 v5, v3;
	_ =	sdelay $0x1  }
0xf1: {  	[tilespmem:v52+s18+$0x0] =	vst.idx.msk $0xffff, v5  }
0xf2: {  	v5 =	vld.idx.msk [tilespmem:v53+s22+$0x0], $0xffff;
	_ =	sdelay $0x2  }
0xf3: {  	v54 =	vadd.s32 $0x24, v2;
	_ =	sdelay $0x1  }
0xf4: {  	v5 =	vmul.f32 v5, v3;
	_ =	sdelay $0x1  }
0xf5: {  	[tilespmem:v53+s18+$0x0] =	vst.idx.msk $0xffff, v5  }
0xf6: {  	v5 =	vld.idx.msk [tilespmem:v54+s22+$0x0], $0xffff;
	_ =	sdelay $0x2  }
0xf7: {  	v55 =	vadd.s32 $0x25, v2;
	_ =	sdelay $0x1  }
0xf8: {  	v5 =	vmul.f32 v5, v3;
	_ =	sdelay $0x1  }
0xf9: {  	[tilespmem:v54+s18+$0x0] =	vst.idx.msk $0xffff, v5  }
0xfa: {  	v5 =	vld.idx.msk [tilespmem:v55+s22+$0x0], $0xffff;
	_ =	sdelay $0x2  }
0xfb: {  	v56 =	vadd.s32 $0x26, v2;
	_ =	sdelay $0x1  }
0xfc: {  	v5 =	vmul.f32 v5, v3;
	_ =	sdelay $0x1  }
0xfd: {  	[tilespmem:v55+s18+$0x0] =	vst.idx.msk $0xffff, v5  }
0xfe: {  	v5 =	vld.idx.msk [tilespmem:v56+s22+$0x0], $0xffff;
	_ =	sdelay $0x2  }
0xff: {  	v57 =	vadd.s32 $0x27, v2;
	_ =	sdelay $0x1  }
0x100: {  	v5 =	vmul.f32 v5, v3;
	_ =	sdelay $0x1  }
0x101: {  	[tilespmem:v56+s18+$0x0] =	vst.idx.msk $0xffff, v5  }
0x102: {  	v5 =	vld.idx.msk [tilespmem:v57+s22+$0x0], $0xffff;
	_ =	sdelay $0x4  }
0x103: {  	v5 =	vmul.f32 v5, v3;
	_ =	sdelay $0x1  }
0x104: {  	[tilespmem:v57+s18+$0x0] =	vst.idx.msk $0xffff, v5  }
0x105: {  	v5 =	vld.idx.msk [tilespmem:v4+s22+$0x0], $0xffff;
	_ =	sdelay $0x2  }
0x106: {  	v58 =	vadd.s32 $0x29, v2;
	_ =	sdelay $0x1  }
0x107: {  	v5 =	vmul.f32 v5, v3;
	_ =	sdelay $0x1  }
0x108: {  	[tilespmem:v4+s18+$0x0] =	vst.idx.msk $0xffff, v5  }
0x109: {  	v4 =	vld.idx.msk [tilespmem:v58+s22+$0x0], $0xffff;
	_ =	sdelay $0x2  }
0x10a: {  	v59 =	vadd.s32 $0x2A, v2;
	_ =	sdelay $0x1  }
0x10b: {  	v4 =	vmul.f32 v4, v3;
	_ =	sdelay $0x1  }
0x10c: {  	[tilespmem:v58+s18+$0x0] =	vst.idx.msk $0xffff, v4  }
0x10d: {  	v4 =	vld.idx.msk [tilespmem:v59+s22+$0x0], $0xffff;
	_ =	sdelay $0x2  }
0x10e: {  	v60 =	vadd.s32 $0x2B, v2;
	_ =	sdelay $0x1  }
0x10f: {  	v4 =	vmul.f32 v4, v3;
	_ =	sdelay $0x1  }
0x110: {  	[tilespmem:v59+s18+$0x0] =	vst.idx.msk $0xffff, v4  }
0x111: {  	v4 =	vld.idx.msk [tilespmem:v60+s22+$0x0], $0xffff;
	_ =	sdelay $0x2  }
0x112: {  	v61 =	vadd.s32 $0x2C, v2;
	_ =	sdelay $0x1  }
0x113: {  	v4 =	vmul.f32 v4, v3;
	_ =	sdelay $0x1  }
0x114: {  	[tilespmem:v60+s18+$0x0] =	vst.idx.msk $0xffff, v4  }
0x115: {  	v4 =	vld.idx.msk [tilespmem:v61+s22+$0x0], $0xffff;
	_ =	sdelay $0x2  }
0x116: {  	v62 =	vadd.s32 $0x2D, v2;
	_ =	sdelay $0x1  }
0x117: {  	v4 =	vmul.f32 v4, v3;
	_ =	sdelay $0x1  }
0x118: {  	[tilespmem:v61+s18+$0x0] =	vst.idx.msk $0xffff, v4  }
0x119: {  	v4 =	vld.idx.msk [tilespmem:v62+s22+$0x0], $0xffff;
	_ =	sdelay $0x2  }
0x11a: {  	v63 =	vadd.s32 $0x2E, v2;
	_ =	sdelay $0x1  }
0x11b: {  	v4 =	vmul.f32 v4, v3;
	_ =	sdelay $0x1  }
0x11c: {  	[tilespmem:v62+s18+$0x0] =	vst.idx.msk $0xffff, v4  }
0x11d: {  	v4 =	vld.idx.msk [tilespmem:v63+s22+$0x0], $0xffff;
	_ =	sdelay $0x2  }
0x11e: {  	v2 =	vadd.s32 $0x2F, v2;
	_ =	sdelay $0x1  }
0x11f: {  	v4 =	vmul.f32 v4, v3;
	_ =	sdelay $0x1  }
0x120: {  	[tilespmem:v63+s18+$0x0] =	vst.idx.msk $0xffff, v4  }
0x121: {  	v4 =	vld.idx.msk [tilespmem:v2+s22+$0x0], $0xffff;
	_ =	sdelay $0x1  }
0x122: {  	p2 =	sne.s32 s9, $0x70  }
.Ltmp1:
0x123: {  	_ = 	snop;
	(pc) =	sbr.rel @p2 .LBB2_5-.Ltmp1, $3  }
0x124: {  	_ = 	snop  }
0x125: {  	v3 =	vmul.f32 v4, v3;
	_ =	sdelay $0x1  }
0x126: {  	s9 =	sadd.s32 $0x10, s9;
	[tilespmem:v2+s18+$0x0] =	vst.idx.msk $0xffff, v3  }
0x127: {  	s9 =	sand.u32 $0x3FFFFF00, s7  }
0x128: {  	p2 =	seq.s32 s3, $0x27;
	s9 =	sadd.s32 $0x2800, s9  }
0x129: {  	[spmem:s2] =	stream.indirect.scatter.add.f32 [tilespmem:s18], [sflag:$0x4], $0x30, s9, s21, $0xb8;
	[tilespmem:$0x13560] =	vst v63  }
0x12a: {  	s10 =	simm.s32 @!p2 $0x80;
	s11 =	simm.s32 @!p2 $0x5000;
	s9 =	sadd.s32 @!p2 $0x100, s7  }
0x12b: {  	[tilespmem:s11], [sflag:$0x2] =	stream.indirect.gather @!p2 [hbm4b:s4+s10], $0x30, s9, s10, $0xb8;
	[tilespmem:$0x13560] =	vst v63  }
0x12c: {  	s7 =	sadd.s32 @!p2 $0x2900, s7;
	s9 =	simm.s32 @!p2 $0x8000  }
0x12d: {  	[tilespmem:s9], [sflag:$0x2] =	stream.indirect.gather @!p2 [hbm4b:s5+s10], $0x10, s7, s10, $0xb8;
	[tilespmem:$0x13560] =	vst v63  }
0x12e: {  	_ =	swait.ge [sflag:s29], $0x1800  }
0x12f: {  	[sflag:s29] =	ssyncset.done $0x0  }
0x130: {  	[sflag:s29] =	ssyncadd.s32 $0xFFFFE800  }
0x131: {  	_ =	swait.ge [sflag:s29], $0x800  }
0x132: {  	[sflag:s29] =	ssyncset.done $0x0  }
0x133: {  	s7 =	simm.s32 @!p1 $0x5;
	[sflag:s29] =	ssyncadd.s32 $0xFFFFF800  }
0x134: {  	_ =	swait.ge @!p1 [sflag:s7], $0x1800  }
0x135: {  	[sflag:s7] =	ssyncset.done @!p1 $0x0  }
0x136: {  	[sflag:s7] =	ssyncadd.s32 @!p1 $0xFFFFE800;
	s7 =	simm.s32 $0x0  }
.LBB2_7:
0x137: {  	v3 =	vor.u32 s7, v1  }
0x138: {  	v2 =	vmul.u32 $0x30, v3  }
0x139: {  	v3 =	vshll.u32 v3, $0x4  }
0x13a: {  	v4 =	vadd.s32 $0x28, v2;
	_ =	sdelay $0x3  }
0x13b: {  	v3 =	vld.idx.msk [tilespmem:v3+s26+$0x0], $0xffff  }
0x13c: {  	v5 =	vld.idx.msk [tilespmem:v4+s24+$0x0], $0xffff;
	_ =	sdelay $0x4  }
0x13d: {  	v3 =	vadd.f32 v3, v5;
	_ =	sdelay $0x1  }
0x13e: {  	v5 =	vmul.f32 $2.000000030e-01, v3;
	_ =	sdelay $0x1  }
0x13f: {  	v3 =	vmax.f32 v3, v5  }
0x140: {  	v3 =	vmul.f32 $1.442695020e+00, v3;
	_ =	sdelay $0x1  }
0x141: {  	(erf) = vpow2.f32 v3;
	_ =	sdelay $0x4  }
0x142: {  	v20 =	vld.idx.msk [tilespmem:v2+s24+$0x0], $0xffff;
	_ =	sdelay $0x2  }
0x143: {  	v6 =	vor.u32 $0x1, v2  }
0x144: {  	v3 =	vpop (erf)  }
0x145: {  	v5 =	vmul.f32 v3, v20;
	_ =	sdelay $0x1  }
0x146: {  	[tilespmem:v2+s30+$0x0] =	vst.idx.msk $0xffff, v5  }
0x147: {  	v5 =	vld.idx.msk [tilespmem:v6+s24+$0x0], $0xffff;
	_ =	sdelay $0x2  }
0x148: {  	v7 =	vor.u32 $0x2, v2;
	_ =	sdelay $0x1  }
0x149: {  	v5 =	vmul.f32 v3, v5;
	_ =	sdelay $0x1  }
0x14a: {  	[tilespmem:v6+s30+$0x0] =	vst.idx.msk $0xffff, v5  }
0x14b: {  	v5 =	vld.idx.msk [tilespmem:v7+s24+$0x0], $0xffff;
	_ =	sdelay $0x2  }
0x14c: {  	v21 =	vor.u32 $0x3, v2;
	_ =	sdelay $0x1  }
0x14d: {  	v5 =	vmul.f32 v3, v5;
	_ =	sdelay $0x1  }
0x14e: {  	[tilespmem:v7+s30+$0x0] =	vst.idx.msk $0xffff, v5  }
0x14f: {  	v5 =	vld.idx.msk [tilespmem:v21+s24+$0x0], $0xffff;
	_ =	sdelay $0x2  }
0x150: {  	v22 =	vor.u32 $0x4, v2;
	_ =	sdelay $0x1  }
0x151: {  	v5 =	vmul.f32 v5, v3;
	_ =	sdelay $0x1  }
0x152: {  	[tilespmem:v21+s30+$0x0] =	vst.idx.msk $0xffff, v5  }
0x153: {  	v5 =	vld.idx.msk [tilespmem:v22+s24+$0x0], $0xffff;
	_ =	sdelay $0x2  }
0x154: {  	v23 =	vor.u32 $0x5, v2;
	_ =	sdelay $0x1  }
0x155: {  	v5 =	vmul.f32 v5, v3;
	_ =	sdelay $0x1  }
0x156: {  	[tilespmem:v22+s30+$0x0] =	vst.idx.msk $0xffff, v5  }
0x157: {  	v5 =	vld.idx.msk [tilespmem:v23+s24+$0x0], $0xffff;
	_ =	sdelay $0x2  }
0x158: {  	v24 =	vor.u32 $0x6, v2;
	_ =	sdelay $0x1  }
0x159: {  	v5 =	vmul.f32 v5, v3;
	_ =	sdelay $0x1  }
0x15a: {  	[tilespmem:v23+s30+$0x0] =	vst.idx.msk $0xffff, v5  }
0x15b: {  	v5 =	vld.idx.msk [tilespmem:v24+s24+$0x0], $0xffff;
	_ =	sdelay $0x2  }
0x15c: {  	v25 =	vor.u32 $0x7, v2;
	_ =	sdelay $0x1  }
0x15d: {  	v5 =	vmul.f32 v5, v3;
	_ =	sdelay $0x1  }
0x15e: {  	[tilespmem:v24+s30+$0x0] =	vst.idx.msk $0xffff, v5  }
0x15f: {  	v5 =	vld.idx.msk [tilespmem:v25+s24+$0x0], $0xffff;
	_ =	sdelay $0x2  }
0x160: {  	v26 =	vor.u32 $0x8, v2;
	_ =	sdelay $0x1  }
0x161: {  	v5 =	vmul.f32 v5, v3;
	_ =	sdelay $0x1  }
0x162: {  	[tilespmem:v25+s30+$0x0] =	vst.idx.msk $0xffff, v5  }
0x163: {  	v5 =	vld.idx.msk [tilespmem:v26+s24+$0x0], $0xffff;
	_ =	sdelay $0x2  }
0x164: {  	v27 =	vor.u32 $0x9, v2;
	_ =	sdelay $0x1  }
0x165: {  	v5 =	vmul.f32 v5, v3;
	_ =	sdelay $0x1  }
0x166: {  	[tilespmem:v26+s30+$0x0] =	vst.idx.msk $0xffff, v5  }
0x167: {  	v5 =	vld.idx.msk [tilespmem:v27+s24+$0x0], $0xffff;
	_ =	sdelay $0x2  }
0x168: {  	v28 =	vor.u32 $0xA, v2;
	_ =	sdelay $0x1  }
0x169: {  	v5 =	vmul.f32 v5, v3;
	_ =	sdelay $0x1  }
0x16a: {  	[tilespmem:v27+s30+$0x0] =	vst.idx.msk $0xffff, v5  }
0x16b: {  	v5 =	vld.idx.msk [tilespmem:v28+s24+$0x0], $0xffff;
	_ =	sdelay $0x2  }
0x16c: {  	v29 =	vor.u32 $0xB, v2;
	_ =	sdelay $0x1  }
0x16d: {  	v5 =	vmul.f32 v5, v3;
	_ =	sdelay $0x1  }
0x16e: {  	[tilespmem:v28+s30+$0x0] =	vst.idx.msk $0xffff, v5  }
0x16f: {  	v5 =	vld.idx.msk [tilespmem:v29+s24+$0x0], $0xffff;
	_ =	sdelay $0x2  }
0x170: {  	v30 =	vor.u32 $0xC, v2;
	_ =	sdelay $0x1  }
0x171: {  	v5 =	vmul.f32 v5, v3;
	_ =	sdelay $0x1  }
0x172: {  	[tilespmem:v29+s30+$0x0] =	vst.idx.msk $0xffff, v5  }
0x173: {  	v5 =	vld.idx.msk [tilespmem:v30+s24+$0x0], $0xffff;
	_ =	sdelay $0x2  }
0x174: {  	v31 =	vor.u32 $0xD, v2;
	_ =	sdelay $0x1  }
0x175: {  	v5 =	vmul.f32 v5, v3;
	_ =	sdelay $0x1  }
0x176: {  	[tilespmem:v30+s30+$0x0] =	vst.idx.msk $0xffff, v5  }
0x177: {  	v5 =	vld.idx.msk [tilespmem:v31+s24+$0x0], $0xffff;
	_ =	sdelay $0x2  }
0x178: {  	v32 =	vor.u32 $0xE, v2;
	_ =	sdelay $0x1  }
0x179: {  	v5 =	vmul.f32 v5, v3;
	_ =	sdelay $0x1  }
0x17a: {  	[tilespmem:v31+s30+$0x0] =	vst.idx.msk $0xffff, v5  }
0x17b: {  	v5 =	vld.idx.msk [tilespmem:v32+s24+$0x0], $0xffff;
	_ =	sdelay $0x2  }
0x17c: {  	v33 =	vor.u32 $0xF, v2;
	_ =	sdelay $0x1  }
0x17d: {  	v5 =	vmul.f32 v5, v3;
	_ =	sdelay $0x1  }
0x17e: {  	[tilespmem:v32+s30+$0x0] =	vst.idx.msk $0xffff, v5  }
0x17f: {  	v5 =	vld.idx.msk [tilespmem:v33+s24+$0x0], $0xffff;
	_ =	sdelay $0x2  }
0x180: {  	v34 =	vadd.s32 $0x10, v2;
	_ =	sdelay $0x1  }
0x181: {  	v5 =	vmul.f32 v5, v3;
	_ =	sdelay $0x1  }
0x182: {  	[tilespmem:v33+s30+$0x0] =	vst.idx.msk $0xffff, v5  }
0x183: {  	v5 =	vld.idx.msk [tilespmem:v34+s24+$0x0], $0xffff;
	_ =	sdelay $0x2  }
0x184: {  	v35 =	vadd.s32 $0x11, v2;
	_ =	sdelay $0x1  }
0x185: {  	v5 =	vmul.f32 v5, v3;
	_ =	sdelay $0x1  }
0x186: {  	[tilespmem:v34+s30+$0x0] =	vst.idx.msk $0xffff, v5  }
0x187: {  	v5 =	vld.idx.msk [tilespmem:v35+s24+$0x0], $0xffff;
	_ =	sdelay $0x2  }
0x188: {  	v36 =	vadd.s32 $0x12, v2;
	_ =	sdelay $0x1  }
0x189: {  	v5 =	vmul.f32 v5, v3;
	_ =	sdelay $0x1  }
0x18a: {  	[tilespmem:v35+s30+$0x0] =	vst.idx.msk $0xffff, v5  }
0x18b: {  	v5 =	vld.idx.msk [tilespmem:v36+s24+$0x0], $0xffff;
	_ =	sdelay $0x2  }
0x18c: {  	v37 =	vadd.s32 $0x13, v2;
	_ =	sdelay $0x1  }
0x18d: {  	v5 =	vmul.f32 v5, v3;
	_ =	sdelay $0x1  }
0x18e: {  	[tilespmem:v36+s30+$0x0] =	vst.idx.msk $0xffff, v5  }
0x18f: {  	v5 =	vld.idx.msk [tilespmem:v37+s24+$0x0], $0xffff;
	_ =	sdelay $0x2  }
0x190: {  	v38 =	vadd.s32 $0x14, v2;
	_ =	sdelay $0x1  }
0x191: {  	v5 =	vmul.f32 v5, v3;
	_ =	sdelay $0x1  }
0x192: {  	[tilespmem:v37+s30+$0x0] =	vst.idx.msk $0xffff, v5  }
0x193: {  	v5 =	vld.idx.msk [tilespmem:v38+s24+$0x0], $0xffff;
	_ =	sdelay $0x2  }
0x194: {  	v39 =	vadd.s32 $0x15, v2;
	_ =	sdelay $0x1  }
0x195: {  	v5 =	vmul.f32 v5, v3;
	_ =	sdelay $0x1  }
0x196: {  	[tilespmem:v38+s30+$0x0] =	vst.idx.msk $0xffff, v5  }
0x197: {  	v5 =	vld.idx.msk [tilespmem:v39+s24+$0x0], $0xffff;
	_ =	sdelay $0x2  }
0x198: {  	v40 =	vadd.s32 $0x16, v2;
	_ =	sdelay $0x1  }
0x199: {  	v5 =	vmul.f32 v5, v3;
	_ =	sdelay $0x1  }
0x19a: {  	[tilespmem:v39+s30+$0x0] =	vst.idx.msk $0xffff, v5  }
0x19b: {  	v5 =	vld.idx.msk [tilespmem:v40+s24+$0x0], $0xffff;
	_ =	sdelay $0x2  }
0x19c: {  	v41 =	vadd.s32 $0x17, v2;
	_ =	sdelay $0x1  }
0x19d: {  	v5 =	vmul.f32 v5, v3;
	_ =	sdelay $0x1  }
0x19e: {  	[tilespmem:v40+s30+$0x0] =	vst.idx.msk $0xffff, v5  }
0x19f: {  	v5 =	vld.idx.msk [tilespmem:v41+s24+$0x0], $0xffff;
	_ =	sdelay $0x2  }
0x1a0: {  	v42 =	vadd.s32 $0x18, v2;
	_ =	sdelay $0x1  }
0x1a1: {  	v5 =	vmul.f32 v5, v3;
	_ =	sdelay $0x1  }
0x1a2: {  	[tilespmem:v41+s30+$0x0] =	vst.idx.msk $0xffff, v5  }
0x1a3: {  	v5 =	vld.idx.msk [tilespmem:v42+s24+$0x0], $0xffff;
	_ =	sdelay $0x2  }
0x1a4: {  	v43 =	vadd.s32 $0x19, v2;
	_ =	sdelay $0x1  }
0x1a5: {  	v5 =	vmul.f32 v5, v3;
	_ =	sdelay $0x1  }
0x1a6: {  	[tilespmem:v42+s30+$0x0] =	vst.idx.msk $0xffff, v5  }
0x1a7: {  	v5 =	vld.idx.msk [tilespmem:v43+s24+$0x0], $0xffff;
	_ =	sdelay $0x2  }
0x1a8: {  	v44 =	vadd.s32 $0x1A, v2;
	_ =	sdelay $0x1  }
0x1a9: {  	v5 =	vmul.f32 v5, v3;
	_ =	sdelay $0x1  }
0x1aa: {  	[tilespmem:v43+s30+$0x0] =	vst.idx.msk $0xffff, v5  }
0x1ab: {  	v5 =	vld.idx.msk [tilespmem:v44+s24+$0x0], $0xffff;
	_ =	sdelay $0x2  }
0x1ac: {  	v45 =	vadd.s32 $0x1B, v2;
	_ =	sdelay $0x1  }
0x1ad: {  	v5 =	vmul.f32 v5, v3;
	_ =	sdelay $0x1  }
0x1ae: {  	[tilespmem:v44+s30+$0x0] =	vst.idx.msk $0xffff, v5  }
0x1af: {  	v5 =	vld.idx.msk [tilespmem:v45+s24+$0x0], $0xffff;
	_ =	sdelay $0x2  }
0x1b0: {  	v46 =	vadd.s32 $0x1C, v2;
	_ =	sdelay $0x1  }
0x1b1: {  	v5 =	vmul.f32 v5, v3;
	_ =	sdelay $0x1  }
0x1b2: {  	[tilespmem:v45+s30+$0x0] =	vst.idx.msk $0xffff, v5  }
0x1b3: {  	v5 =	vld.idx.msk [tilespmem:v46+s24+$0x0], $0xffff;
	_ =	sdelay $0x2  }
0x1b4: {  	v47 =	vadd.s32 $0x1D, v2;
	_ =	sdelay $0x1  }
0x1b5: {  	v5 =	vmul.f32 v5, v3;
	_ =	sdelay $0x1  }
0x1b6: {  	[tilespmem:v46+s30+$0x0] =	vst.idx.msk $0xffff, v5  }
0x1b7: {  	v5 =	vld.idx.msk [tilespmem:v47+s24+$0x0], $0xffff;
	_ =	sdelay $0x2  }
0x1b8: {  	v48 =	vadd.s32 $0x1E, v2;
	_ =	sdelay $0x1  }
0x1b9: {  	v5 =	vmul.f32 v5, v3;
	_ =	sdelay $0x1  }
0x1ba: {  	[tilespmem:v47+s30+$0x0] =	vst.idx.msk $0xffff, v5  }
0x1bb: {  	v5 =	vld.idx.msk [tilespmem:v48+s24+$0x0], $0xffff;
	_ =	sdelay $0x2  }
0x1bc: {  	v49 =	vadd.s32 $0x1F, v2;
	_ =	sdelay $0x1  }
0x1bd: {  	v5 =	vmul.f32 v5, v3;
	_ =	sdelay $0x1  }
0x1be: {  	[tilespmem:v48+s30+$0x0] =	vst.idx.msk $0xffff, v5  }
0x1bf: {  	v5 =	vld.idx.msk [tilespmem:v49+s24+$0x0], $0xffff;
	_ =	sdelay $0x2  }
0x1c0: {  	v50 =	vadd.s32 $0x20, v2;
	_ =	sdelay $0x1  }
0x1c1: {  	v5 =	vmul.f32 v5, v3;
	_ =	sdelay $0x1  }
0x1c2: {  	[tilespmem:v49+s30+$0x0] =	vst.idx.msk $0xffff, v5  }
0x1c3: {  	v5 =	vld.idx.msk [tilespmem:v50+s24+$0x0], $0xffff;
	_ =	sdelay $0x2  }
0x1c4: {  	v51 =	vadd.s32 $0x21, v2;
	_ =	sdelay $0x1  }
0x1c5: {  	v5 =	vmul.f32 v5, v3;
	_ =	sdelay $0x1  }
0x1c6: {  	[tilespmem:v50+s30+$0x0] =	vst.idx.msk $0xffff, v5  }
0x1c7: {  	v5 =	vld.idx.msk [tilespmem:v51+s24+$0x0], $0xffff;
	_ =	sdelay $0x2  }
0x1c8: {  	v52 =	vadd.s32 $0x22, v2;
	_ =	sdelay $0x1  }
0x1c9: {  	v5 =	vmul.f32 v5, v3;
	_ =	sdelay $0x1  }
0x1ca: {  	[tilespmem:v51+s30+$0x0] =	vst.idx.msk $0xffff, v5  }
0x1cb: {  	v5 =	vld.idx.msk [tilespmem:v52+s24+$0x0], $0xffff;
	_ =	sdelay $0x2  }
0x1cc: {  	v53 =	vadd.s32 $0x23, v2;
	_ =	sdelay $0x1  }
0x1cd: {  	v5 =	vmul.f32 v5, v3;
	_ =	sdelay $0x1  }
0x1ce: {  	[tilespmem:v52+s30+$0x0] =	vst.idx.msk $0xffff, v5  }
0x1cf: {  	v5 =	vld.idx.msk [tilespmem:v53+s24+$0x0], $0xffff;
	_ =	sdelay $0x2  }
0x1d0: {  	v54 =	vadd.s32 $0x24, v2;
	_ =	sdelay $0x1  }
0x1d1: {  	v5 =	vmul.f32 v5, v3;
	_ =	sdelay $0x1  }
0x1d2: {  	[tilespmem:v53+s30+$0x0] =	vst.idx.msk $0xffff, v5  }
0x1d3: {  	v5 =	vld.idx.msk [tilespmem:v54+s24+$0x0], $0xffff;
	_ =	sdelay $0x2  }
0x1d4: {  	v55 =	vadd.s32 $0x25, v2;
	_ =	sdelay $0x1  }
0x1d5: {  	v5 =	vmul.f32 v5, v3;
	_ =	sdelay $0x1  }
0x1d6: {  	[tilespmem:v54+s30+$0x0] =	vst.idx.msk $0xffff, v5  }
0x1d7: {  	v5 =	vld.idx.msk [tilespmem:v55+s24+$0x0], $0xffff;
	_ =	sdelay $0x2  }
0x1d8: {  	v56 =	vadd.s32 $0x26, v2;
	_ =	sdelay $0x1  }
0x1d9: {  	v5 =	vmul.f32 v5, v3;
	_ =	sdelay $0x1  }
0x1da: {  	[tilespmem:v55+s30+$0x0] =	vst.idx.msk $0xffff, v5  }
0x1db: {  	v5 =	vld.idx.msk [tilespmem:v56+s24+$0x0], $0xffff;
	_ =	sdelay $0x2  }
0x1dc: {  	v57 =	vadd.s32 $0x27, v2;
	_ =	sdelay $0x1  }
0x1dd: {  	v5 =	vmul.f32 v5, v3;
	_ =	sdelay $0x1  }
0x1de: {  	[tilespmem:v56+s30+$0x0] =	vst.idx.msk $0xffff, v5  }
0x1df: {  	v5 =	vld.idx.msk [tilespmem:v57+s24+$0x0], $0xffff;
	_ =	sdelay $0x4  }
0x1e0: {  	v5 =	vmul.f32 v5, v3;
	_ =	sdelay $0x1  }
0x1e1: {  	[tilespmem:v57+s30+$0x0] =	vst.idx.msk $0xffff, v5  }
0x1e2: {  	v5 =	vld.idx.msk [tilespmem:v4+s24+$0x0], $0xffff;
	_ =	sdelay $0x2  }
0x1e3: {  	v58 =	vadd.s32 $0x29, v2;
	_ =	sdelay $0x1  }
0x1e4: {  	v5 =	vmul.f32 v5, v3;
	_ =	sdelay $0x1  }
0x1e5: {  	[tilespmem:v4+s30+$0x0] =	vst.idx.msk $0xffff, v5  }
0x1e6: {  	v4 =	vld.idx.msk [tilespmem:v58+s24+$0x0], $0xffff;
	_ =	sdelay $0x2  }
0x1e7: {  	v59 =	vadd.s32 $0x2A, v2;
	_ =	sdelay $0x1  }
0x1e8: {  	v4 =	vmul.f32 v4, v3;
	_ =	sdelay $0x1  }
0x1e9: {  	[tilespmem:v58+s30+$0x0] =	vst.idx.msk $0xffff, v4  }
0x1ea: {  	v4 =	vld.idx.msk [tilespmem:v59+s24+$0x0], $0xffff;
	_ =	sdelay $0x2  }
0x1eb: {  	v60 =	vadd.s32 $0x2B, v2;
	_ =	sdelay $0x1  }
0x1ec: {  	v4 =	vmul.f32 v4, v3;
	_ =	sdelay $0x1  }
0x1ed: {  	[tilespmem:v59+s30+$0x0] =	vst.idx.msk $0xffff, v4  }
0x1ee: {  	v4 =	vld.idx.msk [tilespmem:v60+s24+$0x0], $0xffff;
	_ =	sdelay $0x2  }
0x1ef: {  	v61 =	vadd.s32 $0x2C, v2;
	_ =	sdelay $0x1  }
0x1f0: {  	v4 =	vmul.f32 v4, v3;
	_ =	sdelay $0x1  }
0x1f1: {  	[tilespmem:v60+s30+$0x0] =	vst.idx.msk $0xffff, v4  }
0x1f2: {  	v4 =	vld.idx.msk [tilespmem:v61+s24+$0x0], $0xffff;
	_ =	sdelay $0x2  }
0x1f3: {  	v62 =	vadd.s32 $0x2D, v2;
	_ =	sdelay $0x1  }
0x1f4: {  	v4 =	vmul.f32 v4, v3;
	_ =	sdelay $0x1  }
0x1f5: {  	[tilespmem:v61+s30+$0x0] =	vst.idx.msk $0xffff, v4  }
0x1f6: {  	v4 =	vld.idx.msk [tilespmem:v62+s24+$0x0], $0xffff;
	_ =	sdelay $0x2  }
0x1f7: {  	v63 =	vadd.s32 $0x2E, v2;
	_ =	sdelay $0x1  }
0x1f8: {  	v4 =	vmul.f32 v4, v3;
	_ =	sdelay $0x1  }
0x1f9: {  	[tilespmem:v62+s30+$0x0] =	vst.idx.msk $0xffff, v4  }
0x1fa: {  	v4 =	vld.idx.msk [tilespmem:v63+s24+$0x0], $0xffff;
	_ =	sdelay $0x2  }
0x1fb: {  	v2 =	vadd.s32 $0x2F, v2;
	_ =	sdelay $0x1  }
0x1fc: {  	v4 =	vmul.f32 v4, v3;
	_ =	sdelay $0x1  }
0x1fd: {  	[tilespmem:v63+s30+$0x0] =	vst.idx.msk $0xffff, v4  }
0x1fe: {  	v4 =	vld.idx.msk [tilespmem:v2+s24+$0x0], $0xffff;
	_ =	sdelay $0x1  }
0x1ff: {  	p1 =	sne.s32 s7, $0x70  }
.Ltmp2:
0x200: {  	_ = 	snop;
	(pc) =	sbr.rel @p1 .LBB2_7-.Ltmp2, $3  }
0x201: {  	_ = 	snop  }
0x202: {  	v3 =	vmul.f32 v4, v3;
	_ =	sdelay $0x1  }
0x203: {  	s7 =	sadd.s32 $0x10, s7;
	[tilespmem:v2+s30+$0x0] =	vst.idx.msk $0xffff, v3  }
0x204: {  	s3 =	sadd.s32 $0x1, s3  }
0x205: {  	p1 =	sne.s32 s3, $0x28  }
.Ltmp3:
0x206: {  	_ = 	snop;
	(pc) =	sbr.rel @p1 .LBB2_4-.Ltmp3, $2  }
0x207: {  	_ =	sdelay $0x2  }
0x208: {  	[spmem:s2] =	stream.indirect.scatter.add.f32 [tilespmem:s30], [sflag:$0x5], $0x30, s6, s21, $0xb8;
	[tilespmem:$0x13560] =	vst v63  }
0x209: {  	_ =	swait.ge [sflag:s31], $0x1800  }
0x20a: {  	[sflag:s31] =	ssyncset.done $0x0  }
0x20b: {  	[sflag:s31] =	ssyncadd.s32 $0xFFFFE800  }
0x20c: {  	_ =	swait.ge [sflag:s0], $0x1800  }
0x20d: {  	s3 =	stileid.u32;
	[sflag:s0] =	ssyncset.done $0x0  }
0x20e: {  	s3 =	sshll.u32 s3, $0x6;
	[sflag:s0] =	ssyncadd.s32 $0xFFFFE800  }
0x20f: {  	s6 =	sshrl.u32 s8, $0x3;
	s3 =	sor.u32 $0x1C06, s3;
	[bflag:$0x0] =	sbarrier.arrive $0xFFFF  }
0x210: {  	[hbm:s14], [sflag:s3] =	dma.local [spmem:s6], $0xEA0  }
0x211: {  	_ =	swait.ge [sflag:s19], $0xEA0  }
0x212: {  	s1 =	sadd.s32 $0x1, s1;
	[sflag:s19] =	ssyncset.done $0x0  }
0x213: {  	p1 =	sne.s32 s1, s16;
	[sflag:s19] =	ssyncadd.s32 $0xFFFFF160  }
0x214: {  	[hbm:s15], [sflag:s3] =	dma.local @!p0 [spmem:s25], $0x60  }
.Ltmp4:
0x215: {  	_ = 	snop;
	(pc) =	sbr.rel @p1 .LBB2_1-.Ltmp4, $4  }
0x216: {  	s3 =	simm.s32 @!p0 $0x6  }
0x217: {  	_ =	swait.ge @!p0 [sflag:s3], $0x60  }
0x218: {  	[sflag:s3] =	ssyncset.done @!p0 $0x0  }
0x219: {  	[sflag:s3] =	ssyncadd.s32 @!p0 $0xFFFFFFA0  }
0x21a: {  	_ =	sfence.sel $0x180000  }
0x21b: {  	[bflag:$0x0] =	sbarrier.arrive $0xFFFF  }
0x21c: {  	_ =	strace $0x9000004A  }
0x21d: {  	s0 =	stileid.u32;
	[bflag:$0x2] =	sbarrier.arrive $0xFFFF  }
0x21e: {  	p0 =	sne.s32 s0, $0x0;
	s0 =	rddreg [dreg:$0x3]  }
0x21f: {  	s0 =	sadd.s32 @!p0 $0x100000, s0  }
0x220: {  	[sflag:s0] =	ssyncadd.tile.s32 @!p0 $0x1;
	_ =	shalt  }
.Lfunc_end2:
_tile_overlayer_lowered:
.L_overlay_start_2:
0x221: {  	(tag) =	ssettag $0x2  }
0x222: {  	s0 =	rddreg [dreg:$0x0];
	s2 =	stileid.u32  }
0x223: {  	s1 =	rddreg [dreg:$0x1];
	p0 =	sne.s32 s2, $0x0  }
0x224: {  	s3 =	rddreg [dreg:$0x2];
	[bflag:$0x3] =	sbarrier.arrive $0xFFFF;
	s2 =	simm.s32 @!p0 $0x1C06  }
0x225: {  	[timem:s3], [sflag:s2] =	dma.local @!p0 [hbm:s0], s1  }
0x226: {  	s0 =	simm.s32 @!p0 $0x6  }
0x227: {  	_ =	swait.ge @!p0 [sflag:s0], s1  }
0x228: {  	s1 =	ssub.s32 @!p0 $0x0, s1;
	[sflag:s0] =	ssyncset.done @!p0 $0x0  }
0x229: {  	[sflag:s0] =	ssyncadd.s32 @!p0 s1  }
0x22a: {  	[bflag:$0x3] =	sbarrier.arrive $0xFFFF  }
0x22b: {  	_ =	shalt  }

// kernel: kernel.7.cloned.1.call-start
scs
__scs_entry_jumppad:
0x0: {  	(pc) =	sbr.rel $0x88, $3  }
0x1: {  	(tag) =	ssettag $0x0;
	lr =	simm.s32 $0x1  }
0x2: {  	[smem:$0x3F97] =	sst lr;
	_ =	strace $0xD0000000  }
0x3: {  	_ = 	snop  }
0x4: {  	_ = 	snop  }
0x5: {  	_ = 	snop  }
0x6: {  	_ = 	snop  }
0x7: {  	_ = 	snop  }
__scs_overlays_trampoline_lowered:
0x8: {  	[smem:$0x3FA6] =	sst s0  }
0x9: {  	[smem:$0x3FA7] =	sst s1  }
0xa: {  	[smem:$0x3FA8] =	sst s2  }
0xb: {  	[smem:$0x3FA9] =	sst s3  }
0xc: {  	[smem:$0x3FAA] =	sst s4  }
0xd: {  	[smem:$0x3FAB] =	sst s5  }
0xe: {  	[smem:$0x3FAC] =	sst s6  }
0xf: {  	[smem:$0x3FAD] =	sst s7  }
0x10: {  	[smem:$0x3FAE] =	sst s8  }
0x11: {  	[smem:$0x3FAF] =	sst s9;
	s0 =	simm.s32 @!p0 $0x0  }
0x12: {  	s1 =	sld [smem:$0x3F95];
	s0 =	simm.s32 @p0 $0x1  }
0x13: {  	[smem:$0x3FB0] =	sst s0;
	s0 =	simm.s32 @!p1 $0x0  }
0x14: {  	s2 =	sld [smem:$0x3F94];
	s0 =	simm.s32 @p1 $0x1  }
0x15: {  	[smem:$0x3FB1] =	sst s0;
	s0 =	simm.s32 @!p2 $0x0  }
0x16: {  	s3 =	sld [smem:$0x3FDB];
	s0 =	simm.s32 @p2 $0x1  }
0x17: {  	s4 =	simm.s32 $0x1BF5;
	[smem:$0x3FB3] =	sst s0  }
0x18: {  	s0 =	sld [smem:$0x3F96];
	_ =	swait.ge [sflag:s4], $0x0  }
0x19: {  	s7 =	sld [smem:$0x3F97]  }
0x1a: {  	s8 =	sadd.s32 $0xFFFFE003, lr  }
0x1b: {  	s9 =	sadd.s32 $0xFFFFFEF7, lr;
	s5 =	simm.s32 $0xFFFFFFFF;
	p2 =	slt.u32 s8, $0xFFFFF086  }
0x1c: {  	p1 =	slt.u32 s9, $0xF7A;
	s5 =	simm.s32 @!p2 $0x0  }
0x1d: {  	s5 =	simm.s32 @p1 $0x1;
	p0 =	seq.s32 s7, s2  }
0x1e: {  	s7 =	smul.u32 @!p0 $0xF7A, s2;
	p2 =	seq.s32 @!p0 s5, $0x0  }
0x1f: {  	s9 =	smul.u32 $0xF7A, s1;
	s8 =	simm.s32 @!p0 $0x1BF5;
	p2 =	por !p2, p0  }
0x20: {  	[sflag:s8] =	ssyncset.s32 @!p0 $0xFFFFF086;
	s6 =	sadd.s32 @!p0 s3, s7;
	s7 =	simm.s32 @!p0 $0x108  }
0x21: {  	s3 =	sadd.s32 s3, s9;
	s6 =	sadd.s32 @!p0 $0x88, s6;
	s7 =	simm.s32 @p2 $0x1082  }
0x22: {  	[simem:s7], [sflag:s8] =	dma.local @!p0 [hbm:s6], $0xF7A  }
0x23: {  	s9 =	sor.u32 $0xD0000000, s2;
	s6 =	simm.s32 $0x108;
	_ =	swait.ge @!p0 [sflag:s8], $0x0  }
0x24: {  	s3 =	sadd.s32 $0x88, s3;
	s6 =	simm.s32 @!p1 $0x1082;
	[sflag:s4] =	ssyncset.s32 $0xFFFFF086  }
0x25: {  	[simem:s6], [sflag:s4] =	dma.local [hbm:s3], $0xF7A  }
0x26: {  	[smem:$0x3F97] =	sst s1;
	(tag) =	ssettag s2;
	_ =	strace s9  }
0x27: {  	s1 =	sld [smem:$0x3FA7]  }
0x28: {  	s2 =	sld [smem:$0x3FA8]  }
0x29: {  	s4 =	sld [smem:$0x3FAA]  }
0x2a: {  	p0 =	seq.s32 s5, $0x0;
	s5 =	sld [smem:$0x3FAB]  }
0x2b: {  	s6 =	sld [smem:$0x3FAC]  }
0x2c: {  	s7 =	sld [smem:$0x3FAD]  }
0x2d: {  	s3 =	simm.s32 $0x108;
	s8 =	sld [smem:$0x3FAE]  }
0x2e: {  	s3 =	simm.s32 @!p0 $0x1082;
	s9 =	sld [smem:$0x3FAF]  }
0x2f: {  	lr =	sadd.s32 s0, s3;
	s0 =	sld [smem:$0x3FA6]  }
0x30: {  	s3 =	sld [smem:$0x3FA9]  }
0x31: {  	[smem:$0x3FB2] =	sst s10  }
0x32: {  	s10 =	sld [smem:$0x3FB0];
	_ =	sdelay $0x3  }
0x33: {  	p0 =	seq.s32 s10, $0x1;
	s10 =	sld [smem:$0x3FB2];
	_ =	sdelay $0x3  }
0x34: {  	[smem:$0x3FB2] =	sst s10  }
0x35: {  	s10 =	sld [smem:$0x3FB1];
	_ =	sdelay $0x3  }
0x36: {  	p1 =	seq.s32 s10, $0x1;
	s10 =	sld [smem:$0x3FB2];
	_ =	sdelay $0x3  }
0x37: {  	[smem:$0x3FB2] =	sst s10  }
0x38: {  	s10 =	sld [smem:$0x3FB3]  }
0x39: {  	_ = 	snop;
	(pc) =	sbr.ind lr, $3  }
0x3a: {  	_ = 	snop  }
0x3b: {  	_ = 	snop  }
0x3c: {  	p2 =	seq.s32 s10, $0x1;
	s10 =	sld [smem:$0x3FB2]  }
0x3d: {  	_ =	shalt  }
0x3e: {  	_ =	shalt  }
0x3f: {  	_ =	shalt  }
0x40: {  	_ =	shalt  }
0x41: {  	_ =	shalt  }
0x42: {  	_ =	shalt  }
0x43: {  	_ =	shalt  }
0x44: {  	_ =	shalt  }
0x45: {  	_ =	shalt  }
0x46: {  	_ =	shalt  }
0x47: {  	_ =	shalt  }
0x48: {  	_ =	shalt  }
0x49: {  	_ =	shalt  }
0x4a: {  	_ =	shalt  }
0x4b: {  	_ =	shalt  }
0x4c: {  	_ =	shalt  }
0x4d: {  	_ =	shalt  }
0x4e: {  	_ =	shalt  }
0x4f: {  	_ =	shalt  }
0x50: {  	_ =	shalt  }
0x51: {  	_ =	shalt  }
0x52: {  	_ =	shalt  }
0x53: {  	_ =	shalt  }
0x54: {  	_ =	shalt  }
0x55: {  	_ =	shalt  }
0x56: {  	_ =	shalt  }
0x57: {  	_ =	shalt  }
0x58: {  	_ =	shalt  }
0x59: {  	_ =	shalt  }
0x5a: {  	_ =	shalt  }
0x5b: {  	_ =	shalt  }
0x5c: {  	_ =	shalt  }
0x5d: {  	_ =	shalt  }
0x5e: {  	_ =	shalt  }
0x5f: {  	_ =	shalt  }
0x60: {  	_ =	shalt  }
0x61: {  	_ =	shalt  }
0x62: {  	_ =	shalt  }
0x63: {  	_ =	shalt  }
0x64: {  	_ =	shalt  }
0x65: {  	_ =	shalt  }
0x66: {  	_ =	shalt  }
0x67: {  	_ =	shalt  }
0x68: {  	_ =	shalt  }
0x69: {  	_ =	shalt  }
0x6a: {  	_ =	shalt  }
0x6b: {  	_ =	shalt  }
0x6c: {  	_ =	shalt  }
0x6d: {  	_ =	shalt  }
0x6e: {  	_ =	shalt  }
0x6f: {  	_ =	shalt  }
0x70: {  	_ =	shalt  }
0x71: {  	_ =	shalt  }
0x72: {  	_ =	shalt  }
0x73: {  	_ =	shalt  }
0x74: {  	_ =	shalt  }
0x75: {  	_ =	shalt  }
0x76: {  	_ =	shalt  }
0x77: {  	_ =	shalt  }
0x78: {  	_ =	shalt  }
0x79: {  	_ =	shalt  }
0x7a: {  	_ =	shalt  }
0x7b: {  	_ =	shalt  }
0x7c: {  	_ =	shalt  }
0x7d: {  	_ =	shalt  }
0x7e: {  	_ =	shalt  }
0x7f: {  	_ =	shalt  }
0x80: {  	_ =	shalt  }
0x81: {  	_ =	shalt  }
0x82: {  	_ =	shalt  }
0x83: {  	_ =	shalt  }
0x84: {  	_ =	shalt  }
0x85: {  	_ =	shalt  }
0x86: {  	_ =	shalt  }
0x87: {  	_ =	shalt  }
.Lfunc_end0:
.L_simem_size_0:
called_computation_lowered:
.L_overlay_start_0:
0x88: {  	s2 =	sld [smem:$0x3FD9]  }
0x89: {  	s3 =	sld [smem:$0x3FFE];
	_ =	sdelay $0x1  }
0x8a: {  	s1 =	srdreg.scid  }
0x8b: {  	s0 =	sand.u32 $0x1, s1  }
0x8c: {  	s17 =	sshll.u32 s0, $0xA;
	s2 =	sadd.s32 s3, s2  }
0x8d: {  	s2 =	sadd.s32 s2, s17  }
0x8e: {  	[smem:$0x3FBE] =	sst s2  }
0x8f: {  	_ = 	snop  }
0x90: {  	s2 =	sld [smem:$0x3FD0];
	(tm) =	ssettm $0x1  }
0x91: {  	s18 =	sld [smem:$0x3FFB];
	_ =	sdelay $0x3  }
0x92: {  	_ =	strace s18  }
0x93: {  	s3 =	sld [smem:$0x3FFC];
	_ =	sdelay $0x3  }
0x94: {  	_ =	strace s3  }
0x95: {  	s3 =	sld [smem:$0x3FFD];
	_ =	sdelay $0x3  }
0x96: {  	_ =	strace s3  }
0x97: {  	_ =	strace $0x8FFFFFFF  }
0x98: {  	s19 =	sld [smem:$0x3FDB];
	_ =	sdelay $0x1  }
0x99: {  	s4 =	simm.s32 $_scs_section_size  }
0x9a: {  	s5 =	simm.s32 $_size__tile_overlayer_lowered;
	s6 =	simm.s32 $_tile_overlayer_lowered  }
0x9b: {  	s22 =	simm.s32 $0x1BFF;
	s21 =	sshll.u32 s6, $0x1;
	s3 =	sadd.s32 s4, s19  }
0x9c: {  	s7 =	simm.s32 $0x0;
	s20 =	sshll.u32 s5, $0x1;
	s5 =	sadd.s32 s21, s3  }
0x9d: {  	[timem:s7], [sflag:s22] =	dma.local [hbm:s5], s20  }
0x9e: {  	_ =	swait.ge [sflag:s22], s20  }
0x9f: {  	s4 =	ssub.s32 $0x0, s20;
	[sflag:s22] =	ssyncset.done $0x0  }
0xa0: {  	[sflag:s22] =	ssyncadd.s32 s4;
	_ =	sdelay $0x1  }
0xa1: {  	s23 =	simm.s32 $0x1B8B  }
0xa2: {  	_ =	swait.ge [sflag:s23], $0x1  }
0xa3: {  	[sflag:s23] =	ssyncset.done $0x0  }
0xa4: {  	s25 =	simm.s32 $0x1B8E;
	s24 =	sld [smem:$0x3FFE];
	[sflag:s23] =	ssyncadd.s32 $0xFFFFFFFF  }
0xa5: {  	s26 =	simm.s32 $execute0_lowered;
	[smem:$0x3FD2] =	sst s25  }
0xa6: {  	s5 =	sshll.u32 s26, $0x1;
	_ =	strace $0x80000046;
	[dreg:$0x1] =	wrdreg $0xFFFFFFFF  }
0xa7: {  	s28 =	simm.s32 $_size_execute0_lowered;
	s3 =	sadd.s32 s3, s5;
	[dreg:$0x0] =	wrdreg $0x0  }
0xa8: {  	s5 =	sshll.u32 s28, $0x1;
	[dreg:$0x2] =	wrdreg s3  }
0xa9: {  	[dreg:$0x3] =	wrdreg s5  }
0xaa: {  	[dreg:$0x4] =	wrdreg $0xC0  }
0xab: {  	_ =	task [dreg:s7], $0x5FFFF  }
0xac: {  	[dreg:$0x1] =	wrdreg $0xFFFFFFFF  }
0xad: {  	[dreg:$0x0] =	wrdreg $0x60  }
0xae: {  	[dreg:$0x2] =	wrdreg s24  }
0xaf: {  	[dreg:$0x3] =	wrdreg s2  }
0xb0: {  	[dreg:$0x4] =	wrdreg $0xF8000  }
0xb1: {  	[dreg:$0x5] =	wrdreg $0x9  }
0xb2: {  	_ =	task.clear_ibuf [dreg:s7], $0x6FFFF;
	_ =	strace $0x90000046  }
0xb3: {  	s29 =	simm.s32 $0x9;
	_ =	strace $0x80000048  }
0xb4: {  	_ =	swait.ge [sflag:s29], $0x1  }
0xb5: {  	[sflag:s29] =	ssyncadd.s32 $0xFFFFFFFF  }
0xb6: {  	_ =	strace $0x90000048  }
0xb7: {  	_ =	sfence  }
0xb8: {  	s30 =	sld [smem:$0x0];
	_ =	sdelay $0x2  }
0xb9: {  	s31 =	sshll.u32 s1, $0xD;
	s1 =	sshrl.u32 s1, $0x2  }
0xba: {  	s3 =	sand.u32 $0x4000, s31;
	s1 =	sadd.s32 s1, s30  }
0xbb: {  	s0 =	sor.u32 s3, s0;
	s1 =	sshll.u32 s1, $0x11  }
0xbc: {  	s0 =	sor.u32 s1, s0  }
0xbd: {  	s0 =	sadd.s32 $0x8F2B, s0  }
0xbe: {  	[sflag:s0] =	ssyncadd.remote.s32 $0x1  }
0xbf: {  	_ =	sfence.sel $0xFFFF  }
0xc0: {  	[dreg:$0x0] =	wrdreg $0xFFFFFFFF;
	(pc) =	sbr.abs _section_cstart, $3  }
0xc1: {  	[dreg:$0x1] =	wrdreg $0xFFFFFFFF  }
0xc2: {  	_ =	task.clear_ibuf [dreg:s7], $0x2FFFF;
	_ =	strace $0x9FFFFFFF  }
0xc3: {  	(tm) =	ssettm $0x7FFFFFFF  }
tec
execute0_lowered:
.L_overlay_start_1:
0x0: {  	(tag) =	ssettag $0x1  }
0x1: {  	s0 =	rddreg [dreg:$0x0]  }
0x2: {  	s1 =	rddreg [dreg:$0x1]  }
0x3: {  	s2 =	rddreg [dreg:$0x2];
	s3 =	srdreg.scid  }
0x4: {  	s17 =	stileid.u32;
	s5 =	simm.s32 $0x0;
	s18 =	simm.s32 $0xB000  }
0x5: {  	s19 =	simm.s32 $0x6;
	s20 =	simm.s32 $0x1;
	s21 =	simm.s32 $0x80  }
0x6: {  	s28 =	simm.s32 $0x2;
	s29 =	simm.s32 $0x3;
	s30 =	simm.s32 $0xD400  }
0x7: {  	s31 =	simm.s32 $0x4;
	s3 =	sand.u32 $0x1, s3;
	s4 =	sshll.u32 s17, $0x1  }
0x8: {  	[smem:$0x7FF] =	sst s5;
	s5 =	sadd.s32 $0x19800, s0;
	s10 =	smul.u32 $0x2BE00, s17  }
0x9: {  	s13 =	smul.u32 $0xAF80, s17;
	p0 =	sne.s32 s17, $0xF;
	s4 =	sor.u32 s3, s4  }
0xa: {  	_ =	strace $0x80000047;
	s7 =	ssub.s32 $0x2, s3;
	s3 =	smul.u32 $0xAFC80, s3  }
0xb: {  	s6 =	smul.u32 $0x500, s4;
	s4 =	sadd.s32 $0x1000, s0;
	s9 =	sshrl.u32 s7, $0x1  }
0xc: {  	s23 =	sshrl.u32 s10, $0x2;
	s7 =	ssub.s32 s7, s9;
	s26 =	sadd.s32 s13, s3  }
0xd: {  	s3 =	sshrl.u32 s3, $0x3;
	s8 =	sadd.s32 s6, s0;
	s0 =	sadd.s32 $0x28800, s0  }
0xe: {  	s1 =	sadd.s32 s1, s6;
	s16 =	smax.u32 s7, $0x1;
	s7 =	simm.s32 $0x2800  }
0xf: {  	[dreg:$0x4] =	wrdreg s1;
	s22 =	sadd.s32 $0x1E800, s8;
	s8 =	sadd.s32 s13, s2  }
0x10: {  	s1 =	sadd.s32 s23, s2;
	s13 =	sadd.s32 $0xADD00, s2;
	s3 =	sadd.s32 s0, s3  }
0x11: {  	s23 =	simm.s32 $0xA000;
	[dreg:$0x5] =	wrdreg s22;
	s24 =	sadd.s32 $0x2400, s1  }
0x12: {  	s25 =	sadd.s32 $0x4800, s1;
	s11 =	sadd.s32 $0x6C00, s1;
	s12 =	sadd.s32 $0x9000, s1  }
0x13: {  	s1 =	sshrl.u32 s26, $0x3;
	s15 =	sadd.s32 $0x15F00, s3;
	[dreg:$0x6] =	wrdreg s24  }
0x14: {  	s22 =	simm.s32 $0x5000;
	s26 =	simm.s32 $0xA800;
	[dreg:$0x7] =	wrdreg s25  }
0x15: {  	s14 =	sadd.s32 s0, s1;
	s0 =	sadd.s32 $0xAF800, s2;
	s24 =	simm.s32 $0x7800  }
0x16: {  	v0 =	vimm.f32 $0.0e+00;
	v1 =	vlaneseq.u32;
	s1 =	simm.s32 $0x0;
	s25 =	sshrl.u32 @!p0 s0, $0x3;
	s0 =	simm.s32 $0x5  }
.LBB2_1:
0x17: {  	s3 =	simm.s32 $0x0;
	s6 =	rddreg [dreg:$0x4]  }
0x18: {  	[tilespmem:s3], [sflag:$0x1] =	stream.linear.gather [hbm4b:s6+s3], $0x2800, $0x38;
	[tilespmem:$0x1A810] =	vst v63  }
0x19: {  	s17 =	rddreg [dreg:$0x5]  }
0x1a: {  	[tilespmem:s7], [sflag:$0x1] =	stream.linear.gather [hbm4b:s17+s3], $0x2800, $0x38;
	[tilespmem:$0x1A810] =	vst v63  }
0x1b: {  	s3 =	simm.s32 $0x0  }
0x1c: {  	[tilespmem:s3+$0xB030] =	vst v0  }
0x1d: {  	[tilespmem:s3+$0xD430] =	vst v0  }
0x1e: {  	s6 =	simm.s32 $0x120;
	[tilespmem:s3+$0xB038] =	vst v0  }
.LBB2_2:
0x1f: {  	p1 =	sne.s32 s6, $0x8EE0;
	[tilespmem:s3+$0xD438] =	vst v0  }
0x20: {  	[tilespmem:s3+$0xB000] =	vst v0  }
0x21: {  	[tilespmem:s3+$0xD400] =	vst v0  }
0x22: {  	[tilespmem:s3+$0xB010] =	vst v0  }
0x23: {  	[tilespmem:s3+$0xD410] =	vst v0  }
.Ltmp0:
0x24: {  	[tilespmem:s3+$0xB020] =	vst v0;
	(pc) =	sbr.rel @p1 .LBB2_2-.Ltmp0, $4  }
0x25: {  	[tilespmem:s3+$0xD420] =	vst v0;
	s3 =	sshra.s32 s6, $0x2  }
0x26: {  	[tilespmem:s3+$0xB030] =	vst v0  }
0x27: {  	[tilespmem:s3+$0xB038] =	vst v0  }
0x28: {  	s6 =	sadd.s32 $0x120, s6;
	[tilespmem:s3+$0xD430] =	vst v0  }
0x29: {  	[tilespmem:s3+$0xD438] =	vst v0  }
0x2a: {  	[tilespmem:s3+$0xB000] =	vst v0  }
0x2b: {  	[tilespmem:s3+$0xD400] =	vst v0  }
0x2c: {  	[tilespmem:s3+$0xB010] =	vst v0  }
0x2d: {  	[tilespmem:s3+$0xD410] =	vst v0  }
0x2e: {  	[tilespmem:s3+$0xB020] =	vst v0  }
0x2f: {  	[tilespmem:s3+$0xD420] =	vst v0  }
0x30: {  	[spmem:s8] =	stream.linear.scatter [tilespmem:s18], [sflag:$0x6], $0x2400, $0x38;
	[tilespmem:$0x1A810] =	vst v63  }
0x31: {  	_ =	swait.ge [sflag:s19], $0x2400  }
0x32: {  	[sflag:s19] =	ssyncset.done $0x0  }
0x33: {  	s10 =	rddreg [dreg:$0x6];
	[sflag:s19] =	ssyncadd.s32 $0xFFFFDC00  }
0x34: {  	[spmem:s10] =	stream.linear.scatter [tilespmem:s18], [sflag:$0x6], $0x2400, $0x38;
	[tilespmem:$0x1A810] =	vst v63  }
0x35: {  	_ =	swait.ge [sflag:s19], $0x2400  }
0x36: {  	[sflag:s19] =	ssyncset.done $0x0  }
0x37: {  	s17 =	rddreg [dreg:$0x7];
	[sflag:s19] =	ssyncadd.s32 $0xFFFFDC00  }
0x38: {  	[spmem:s17] =	stream.linear.scatter [tilespmem:s18], [sflag:$0x6], $0x2400, $0x38;
	[tilespmem:$0x1A810] =	vst v63  }
0x39: {  	_ =	swait.ge [sflag:s19], $0x2400  }
0x3a: {  	[sflag:s19] =	ssyncset.done $0x0  }
0x3b: {  	[sflag:s19] =	ssyncadd.s32 $0xFFFFDC00  }
0x3c: {  	[spmem:s11] =	stream.linear.scatter [tilespmem:s18], [sflag:$0x6], $0x2400, $0x38;
	[tilespmem:$0x1A810] =	vst v63  }
0x3d: {  	_ =	swait.ge [sflag:s19], $0x2400  }
0x3e: {  	[sflag:s19] =	ssyncset.done $0x0  }
0x3f: {  	[sflag:s19] =	ssyncadd.s32 $0xFFFFDC00  }
0x40: {  	[spmem:s12] =	stream.linear.scatter [tilespmem:s18], [sflag:$0x6], $0x2400, $0x38;
	[tilespmem:$0x1A810] =	vst v63  }
0x41: {  	_ =	swait.ge [sflag:s19], $0x2400  }
0x42: {  	[sflag:s19] =	ssyncset.done $0x0  }
0x43: {  	s3 =	simm.s32 @!p0 $0xB000;
	[sflag:s19] =	ssyncadd.s32 $0xFFFFDC00  }
0x44: {  	[spmem:s13] =	stream.linear.scatter @!p0 [tilespmem:s3], [sflag:$0x6], $0x2400, $0x38;
	[tilespmem:$0x1A810] =	vst v63  }
0x45: {  	s3 =	simm.s32 @!p0 $0x6  }
0x46: {  	_ =	swait.ge @!p0 [sflag:s3], $0x2400  }
0x47: {  	[sflag:s3] =	ssyncset.done @!p0 $0x0  }
0x48: {  	[sflag:s3] =	ssyncadd.s32 @!p0 $0xFFFFDC00  }
0x49: {  	[bflag:$0x0] =	sbarrier.arrive $0xFFFF  }
0x4a: {  	_ =	swait.ge [sflag:s20], $0x2800  }
0x4b: {  	[sflag:s20] =	ssyncset.done $0x0  }
0x4c: {  	[sflag:s20] =	ssyncadd.s32 $0xFFFFD800  }
0x4d: {  	_ =	swait.ge [sflag:s20], $0x2800  }
0x4e: {  	[sflag:s20] =	ssyncset.done $0x0  }
0x4f: {  	s3 =	simm.s32 $0x0;
	[sflag:s20] =	ssyncadd.s32 $0xFFFFD800  }
0x50: {  	[tilespmem:s22], [sflag:$0x2] =	stream.indirect.gather [hbm4b:s4+s21], $0x50, s3, s21, $0xb8;
	[tilespmem:$0x1A810] =	vst v63  }
0x51: {  	_ = 	snop  }
0x52: {  	[tilespmem:s23], [sflag:$0x2] =	stream.indirect.gather [hbm4b:s5+s21], $0x10, s7, s21, $0xb8;
	[tilespmem:$0x1A810] =	vst v63  }
.LBB2_4:
0x53: {  	s7 =	sshll.u32 s3, $0x8  }
0x54: {  	s6 =	sor.u32 $0x80, s7  }
0x55: {  	[tilespmem:s24], [sflag:$0x3] =	stream.indirect.gather [hbm4b:s4+s21], $0x50, s6, s21, $0xb8;
	[tilespmem:$0x1A810] =	vst v63  }
0x56: {  	s6 =	sadd.s32 $0x2880, s7  }
0x57: {  	[tilespmem:s26], [sflag:$0x3] =	stream.indirect.gather [hbm4b:s5+s21], $0x10, s6, s21, $0xb8;
	[tilespmem:$0x1A810] =	vst v63  }
0x58: {  	_ =	swait.ge [sflag:s28], $0x2800  }
0x59: {  	[sflag:s28] =	ssyncset.done $0x0  }
0x5a: {  	[sflag:s28] =	ssyncadd.s32 $0xFFFFD800  }
0x5b: {  	_ =	swait.ge [sflag:s28], $0x800  }
0x5c: {  	p1 =	seq.s32 s3, $0x0;
	[sflag:s28] =	ssyncset.done $0x0  }
0x5d: {  	s17 =	simm.s32 @!p1 $0x4;
	[sflag:s28] =	ssyncadd.s32 $0xFFFFF800  }
0x5e: {  	_ =	swait.ge @!p1 [sflag:s17], $0x2400  }
0x5f: {  	[sflag:s17] =	ssyncset.done @!p1 $0x0  }
0x60: {  	[sflag:s17] =	ssyncadd.s32 @!p1 $0xFFFFDC00;
	s17 =	simm.s32 $0x0  }
.LBB2_5:
0x61: {  	v3 =	vor.u32 s17, v1  }
0x62: {  	v2 =	vmul.u32 $0x50, v3;
	v4 =	vshll.u32 v3, $0x4  }
0x63: {  	v6 =	vor.u32 $0x8, v4  }
0x64: {  	v5 =	vadd.s32 $0x40, v2;
	_ =	sdelay $0x3  }
0x65: {  	v6 =	vld.idx.msk [tilespmem:v6+s23+$0x0], $0xffff  }
0x66: {  	v5 =	vld.idx.msk [tilespmem:v5+s22+$0x0], $0xffff;
	_ =	sdelay $0x4  }
0x67: {  	v5 =	vadd.f32 v6, v5;
	_ =	sdelay $0x1  }
0x68: {  	v6 =	vmul.f32 $2.000000030e-01, v5;
	_ =	sdelay $0x1  }
0x69: {  	v5 =	vmax.f32 v5, v6  }
0x6a: {  	v5 =	vmul.f32 $1.442695020e+00, v5;
	_ =	sdelay $0x1  }
0x6b: {  	(erf) = vpow2.f32 v5;
	_ =	sdelay $0x2  }
0x6c: {  	v3 =	vmul.u32 $0x48, v3;
	_ =	sdelay $0x1  }
0x6d: {  	v17 =	vadd.s32 $0x40, v3;
	_ =	sdelay $0x3  }
0x6e: {  	v18 =	vpop (erf)  }
0x6f: {  	[tilespmem:v17+s18+$0x0] =	vst.idx.msk $0xffff, v18  }
0x70: {  	v5 =	vld.idx.msk [tilespmem:v2+s22+$0x0], $0xffff;
	_ =	sdelay $0x2  }
0x71: {  	v7 =	vor.u32 $0x1, v2;
	_ =	sdelay $0x1  }
0x72: {  	v5 =	vmul.f32 v18, v5;
	_ =	sdelay $0x1  }
0x73: {  	[tilespmem:v3+s18+$0x0] =	vst.idx.msk $0xffff, v5  }
0x74: {  	v5 =	vld.idx.msk [tilespmem:v7+s22+$0x0], $0xffff;
	_ =	sdelay $0x1  }
0x75: {  	v19 =	vor.u32 $0x1, v3  }
0x76: {  	v8 =	vor.u32 $0x2, v2;
	_ =	sdelay $0x1  }
0x77: {  	v5 =	vmul.f32 v18, v5;
	_ =	sdelay $0x1  }
0x78: {  	[tilespmem:v19+s18+$0x0] =	vst.idx.msk $0xffff, v5  }
0x79: {  	v5 =	vld.idx.msk [tilespmem:v8+s22+$0x0], $0xffff;
	_ =	sdelay $0x1  }
0x7a: {  	v20 =	vor.u32 $0x2, v3  }
0x7b: {  	v21 =	vor.u32 $0x3, v2;
	_ =	sdelay $0x1  }
0x7c: {  	v5 =	vmul.f32 v5, v18;
	_ =	sdelay $0x1  }
0x7d: {  	[tilespmem:v20+s18+$0x0] =	vst.idx.msk $0xffff, v5  }
0x7e: {  	v5 =	vld.idx.msk [tilespmem:v21+s22+$0x0], $0xffff;
	_ =	sdelay $0x1  }
0x7f: {  	v22 =	vor.u32 $0x3, v3  }
0x80: {  	v23 =	vor.u32 $0x4, v2;
	_ =	sdelay $0x1  }
0x81: {  	v5 =	vmul.f32 v5, v18;
	_ =	sdelay $0x1  }
0x82: {  	[tilespmem:v22+s18+$0x0] =	vst.idx.msk $0xffff, v5  }
0x83: {  	v5 =	vld.idx.msk [tilespmem:v23+s22+$0x0], $0xffff;
	_ =	sdelay $0x1  }
0x84: {  	v24 =	vor.u32 $0x4, v3  }
0x85: {  	v25 =	vor.u32 $0x5, v2;
	_ =	sdelay $0x1  }
0x86: {  	v5 =	vmul.f32 v5, v18;
	_ =	sdelay $0x1  }
0x87: {  	[tilespmem:v24+s18+$0x0] =	vst.idx.msk $0xffff, v5  }
0x88: {  	v5 =	vld.idx.msk [tilespmem:v25+s22+$0x0], $0xffff;
	_ =	sdelay $0x1  }
0x89: {  	v26 =	vor.u32 $0x5, v3  }
0x8a: {  	v27 =	vor.u32 $0x6, v2;
	_ =	sdelay $0x1  }
0x8b: {  	v5 =	vmul.f32 v5, v18;
	_ =	sdelay $0x1  }
0x8c: {  	[tilespmem:v26+s18+$0x0] =	vst.idx.msk $0xffff, v5  }
0x8d: {  	v5 =	vld.idx.msk [tilespmem:v27+s22+$0x0], $0xffff;
	_ =	sdelay $0x1  }
0x8e: {  	v28 =	vor.u32 $0x6, v3  }
0x8f: {  	v29 =	vor.u32 $0x7, v2;
	_ =	sdelay $0x1  }
0x90: {  	v5 =	vmul.f32 v5, v18;
	_ =	sdelay $0x1  }
0x91: {  	[tilespmem:v28+s18+$0x0] =	vst.idx.msk $0xffff, v5  }
0x92: {  	v5 =	vld.idx.msk [tilespmem:v29+s22+$0x0], $0xffff;
	_ =	sdelay $0x1  }
0x93: {  	v30 =	vor.u32 $0x7, v3  }
0x94: {  	v31 =	vadd.s32 $0x41, v2  }
0x95: {  	v9 =	vor.u32 $0x9, v4  }
0x96: {  	v5 =	vmul.f32 v5, v18;
	_ =	sdelay $0x1  }
0x97: {  	[tilespmem:v30+s18+$0x0] =	vst.idx.msk $0xffff, v5  }
0x98: {  	v5 =	vld.idx.msk [tilespmem:v31+s22+$0x0], $0xffff  }
0x99: {  	v32 =	vld.idx.msk [tilespmem:v9+s23+$0x0], $0xffff;
	_ =	sdelay $0x4  }
0x9a: {  	v5 =	vadd.f32 v32, v5;
	_ =	sdelay $0x1  }
0x9b: {  	v6 =	vmul.f32 $2.000000030e-01, v5;
	_ =	sdelay $0x1  }
0x9c: {  	v5 =	vmax.f32 v5, v6  }
0x9d: {  	v5 =	vmul.f32 $1.442695020e+00, v5;
	_ =	sdelay $0x1  }
0x9e: {  	(erf) = vpow2.f32 v5;
	_ =	sdelay $0x4  }
0x9f: {  	v33 =	vadd.s32 $0x41, v3  }
0xa0: {  	v34 =	vor.u32 $0x8, v2;
	_ =	sdelay $0x2  }
0xa1: {  	v35 =	vpop (erf)  }
0xa2: {  	[tilespmem:v33+s18+$0x0] =	vst.idx.msk $0xffff, v35  }
0xa3: {  	v5 =	vld.idx.msk [tilespmem:v34+s22+$0x0], $0xffff;
	_ =	sdelay $0x1  }
0xa4: {  	v36 =	vadd.s32 $0x8, v3  }
0xa5: {  	v37 =	vor.u32 $0x9, v2;
	_ =	sdelay $0x1  }
0xa6: {  	v5 =	vmul.f32 v35, v5;
	_ =	sdelay $0x1  }
0xa7: {  	[tilespmem:v36+s18+$0x0] =	vst.idx.msk $0xffff, v5  }
0xa8: {  	v5 =	vld.idx.msk [tilespmem:v37+s22+$0x0], $0xffff;
	_ =	sdelay $0x1  }
0xa9: {  	v38 =	vadd.s32 $0x9, v3  }
0xaa: {  	v39 =	vor.u32 $0xA, v2;
	_ =	sdelay $0x1  }
0xab: {  	v5 =	vmul.f32 v35, v5;
	_ =	sdelay $0x1  }
0xac: {  	[tilespmem:v38+s18+$0x0] =	vst.idx.msk $0xffff, v5  }
0xad: {  	v5 =	vld.idx.msk [tilespmem:v39+s22+$0x0], $0xffff;
	_ =	sdelay $0x1  }
0xae: {  	v40 =	vadd.s32 $0xA, v3  }
0xaf: {  	v41 =	vor.u32 $0xB, v2;
	_ =	sdelay $0x1  }
0xb0: {  	v5 =	vmul.f32 v5, v35;
	_ =	sdelay $0x1  }
0xb1: {  	[tilespmem:v40+s18+$0x0] =	vst.idx.msk $0xffff, v5  }
0xb2: {  	v5 =	vld.idx.msk [tilespmem:v41+s22+$0x0], $0xffff;
	_ =	sdelay $0x1  }
0xb3: {  	v42 =	vadd.s32 $0xB, v3  }
0xb4: {  	v43 =	vor.u32 $0xC, v2;
	_ =	sdelay $0x1  }
0xb5: {  	v5 =	vmul.f32 v5, v35;
	_ =	sdelay $0x1  }
0xb6: {  	[tilespmem:v42+s18+$0x0] =	vst.idx.msk $0xffff, v5  }
0xb7: {  	v5 =	vld.idx.msk [tilespmem:v43+s22+$0x0], $0xffff;
	_ =	sdelay $0x1  }
0xb8: {  	v44 =	vadd.s32 $0xC, v3  }
0xb9: {  	v45 =	vor.u32 $0xD, v2;
	_ =	sdelay $0x1  }
0xba: {  	v5 =	vmul.f32 v5, v35;
	_ =	sdelay $0x1  }
0xbb: {  	[tilespmem:v44+s18+$0x0] =	vst.idx.msk $0xffff, v5  }
0xbc: {  	v5 =	vld.idx.msk [tilespmem:v45+s22+$0x0], $0xffff;
	_ =	sdelay $0x1  }
0xbd: {  	v46 =	vadd.s32 $0xD, v3  }
0xbe: {  	v47 =	vor.u32 $0xE, v2;
	_ =	sdelay $0x1  }
0xbf: {  	v5 =	vmul.f32 v5, v35;
	_ =	sdelay $0x1  }
0xc0: {  	[tilespmem:v46+s18+$0x0] =	vst.idx.msk $0xffff, v5  }
0xc1: {  	v5 =	vld.idx.msk [tilespmem:v47+s22+$0x0], $0xffff;
	_ =	sdelay $0x1  }
0xc2: {  	v48 =	vadd.s32 $0xE, v3  }
0xc3: {  	v49 =	vor.u32 $0xF, v2;
	_ =	sdelay $0x1  }
0xc4: {  	v5 =	vmul.f32 v5, v35;
	_ =	sdelay $0x1  }
0xc5: {  	[tilespmem:v48+s18+$0x0] =	vst.idx.msk $0xffff, v5  }
0xc6: {  	v5 =	vld.idx.msk [tilespmem:v49+s22+$0x0], $0xffff;
	_ =	sdelay $0x1  }
0xc7: {  	v50 =	vadd.s32 $0xF, v3  }
0xc8: {  	v51 =	vadd.s32 $0x42, v2  }
0xc9: {  	v52 =	vor.u32 $0xA, v4  }
0xca: {  	v5 =	vmul.f32 v5, v35;
	_ =	sdelay $0x1  }
0xcb: {  	[tilespmem:v50+s18+$0x0] =	vst.idx.msk $0xffff, v5  }
0xcc: {  	v5 =	vld.idx.msk [tilespmem:v51+s22+$0x0], $0xffff  }
0xcd: {  	v6 =	vld.idx.msk [tilespmem:v52+s23+$0x0], $0xffff;
	_ =	sdelay $0x4  }
0xce: {  	v5 =	vadd.f32 v6, v5;
	_ =	sdelay $0x1  }
0xcf: {  	v6 =	vmul.f32 $2.000000030e-01, v5;
	_ =	sdelay $0x1  }
0xd0: {  	v5 =	vmax.f32 v5, v6  }
0xd1: {  	v5 =	vmul.f32 $1.442695020e+00, v5;
	_ =	sdelay $0x1  }
0xd2: {  	(erf) = vpow2.f32 v5;
	_ =	sdelay $0x4  }
0xd3: {  	v53 =	vadd.s32 $0x42, v3  }
0xd4: {  	v54 =	vadd.s32 $0x10, v2;
	_ =	sdelay $0x2  }
0xd5: {  	v55 =	vpop (erf)  }
0xd6: {  	[tilespmem:v53+s18+$0x0] =	vst.idx.msk $0xffff, v55  }
0xd7: {  	v5 =	vld.idx.msk [tilespmem:v54+s22+$0x0], $0xffff;
	_ =	sdelay $0x1  }
0xd8: {  	v56 =	vadd.s32 $0x10, v3  }
0xd9: {  	v57 =	vadd.s32 $0x11, v2;
	_ =	sdelay $0x1  }
0xda: {  	v5 =	vmul.f32 v55, v5;
	_ =	sdelay $0x1  }
0xdb: {  	[tilespmem:v56+s18+$0x0] =	vst.idx.msk $0xffff, v5  }
0xdc: {  	v5 =	vld.idx.msk [tilespmem:v57+s22+$0x0], $0xffff;
	_ =	sdelay $0x1  }
0xdd: {  	v58 =	vadd.s32 $0x11, v3  }
0xde: {  	v59 =	vadd.s32 $0x12, v2;
	_ =	sdelay $0x1  }
0xdf: {  	v5 =	vmul.f32 v55, v5;
	_ =	sdelay $0x1  }
0xe0: {  	[tilespmem:v58+s18+$0x0] =	vst.idx.msk $0xffff, v5  }
0xe1: {  	v5 =	vld.idx.msk [tilespmem:v59+s22+$0x0], $0xffff;
	_ =	sdelay $0x1  }
0xe2: {  	v60 =	vadd.s32 $0x12, v3  }
0xe3: {  	v61 =	vadd.s32 $0x13, v2;
	_ =	sdelay $0x1  }
0xe4: {  	v5 =	vmul.f32 v5, v55;
	_ =	sdelay $0x1  }
0xe5: {  	[tilespmem:v60+s18+$0x0] =	vst.idx.msk $0xffff, v5  }
0xe6: {  	v5 =	vld.idx.msk [tilespmem:v61+s22+$0x0], $0xffff;
	_ =	sdelay $0x1  }
0xe7: {  	v62 =	vadd.s32 $0x13, v3  }
0xe8: {  	v63 =	vadd.s32 $0x14, v2;
	_ =	sdelay $0x1  }
0xe9: {  	v5 =	vmul.f32 v5, v55;
	_ =	sdelay $0x1  }
0xea: {  	[tilespmem:v62+s18+$0x0] =	vst.idx.msk $0xffff, v5  }
0xeb: {  	v5 =	vld.idx.msk [tilespmem:v63+s22+$0x0], $0xffff;
	_ =	sdelay $0x1  }
0xec: {  	v12 =	vadd.s32 $0x14, v3  }
0xed: {  	v13 =	vadd.s32 $0x15, v2;
	_ =	sdelay $0x1  }
0xee: {  	v5 =	vmul.f32 v5, v55;
	_ =	sdelay $0x1  }
0xef: {  	[tilespmem:v12+s18+$0x0] =	vst.idx.msk $0xffff, v5  }
0xf0: {  	v5 =	vld.idx.msk [tilespmem:v13+s22+$0x0], $0xffff;
	_ =	sdelay $0x1  }
0xf1: {  	v14 =	vadd.s32 $0x15, v3  }
0xf2: {  	v15 =	vadd.s32 $0x16, v2;
	_ =	sdelay $0x1  }
0xf3: {  	v5 =	vmul.f32 v5, v55;
	_ =	sdelay $0x1  }
0xf4: {  	[tilespmem:v14+s18+$0x0] =	vst.idx.msk $0xffff, v5  }
0xf5: {  	v5 =	vld.idx.msk [tilespmem:v15+s22+$0x0], $0xffff;
	_ =	sdelay $0x1  }
0xf6: {  	v16 =	vadd.s32 $0x16, v3  }
0xf7: {  	v17 =	vadd.s32 $0x17, v2;
	_ =	sdelay $0x1  }
0xf8: {  	v5 =	vmul.f32 v5, v55;
	_ =	sdelay $0x1  }
0xf9: {  	[tilespmem:v16+s18+$0x0] =	vst.idx.msk $0xffff, v5  }
0xfa: {  	v5 =	vld.idx.msk [tilespmem:v17+s22+$0x0], $0xffff;
	_ =	sdelay $0x1  }
0xfb: {  	v18 =	vadd.s32 $0x17, v3  }
0xfc: {  	v19 =	vadd.s32 $0x43, v2  }
0xfd: {  	v20 =	vor.u32 $0xB, v4  }
0xfe: {  	v5 =	vmul.f32 v5, v55;
	_ =	sdelay $0x1  }
0xff: {  	[tilespmem:v18+s18+$0x0] =	vst.idx.msk $0xffff, v5  }
0x100: {  	v5 =	vld.idx.msk [tilespmem:v19+s22+$0x0], $0xffff  }
0x101: {  	v6 =	vld.idx.msk [tilespmem:v20+s23+$0x0], $0xffff;
	_ =	sdelay $0x4  }
0x102: {  	v5 =	vadd.f32 v6, v5;
	_ =	sdelay $0x1  }
0x103: {  	v6 =	vmul.f32 $2.000000030e-01, v5;
	_ =	sdelay $0x1  }
0x104: {  	v5 =	vmax.f32 v5, v6  }
0x105: {  	v5 =	vmul.f32 $1.442695020e+00, v5;
	_ =	sdelay $0x1  }
0x106: {  	(erf) = vpow2.f32 v5;
	_ =	sdelay $0x4  }
0x107: {  	v21 =	vadd.s32 $0x43, v3  }
0x108: {  	v22 =	vadd.s32 $0x18, v2;
	_ =	sdelay $0x2  }
0x109: {  	v23 =	vpop (erf)  }
0x10a: {  	[tilespmem:v21+s18+$0x0] =	vst.idx.msk $0xffff, v23  }
0x10b: {  	v5 =	vld.idx.msk [tilespmem:v22+s22+$0x0], $0xffff;
	_ =	sdelay $0x1  }
0x10c: {  	v24 =	vadd.s32 $0x18, v3  }
0x10d: {  	v25 =	vadd.s32 $0x19, v2;
	_ =	sdelay $0x1  }
0x10e: {  	v5 =	vmul.f32 v23, v5;
	_ =	sdelay $0x1  }
0x10f: {  	[tilespmem:v24+s18+$0x0] =	vst.idx.msk $0xffff, v5  }
0x110: {  	v5 =	vld.idx.msk [tilespmem:v25+s22+$0x0], $0xffff;
	_ =	sdelay $0x1  }
0x111: {  	v26 =	vadd.s32 $0x19, v3  }
0x112: {  	v27 =	vadd.s32 $0x1A, v2;
	_ =	sdelay $0x1  }
0x113: {  	v5 =	vmul.f32 v23, v5;
	_ =	sdelay $0x1  }
0x114: {  	[tilespmem:v26+s18+$0x0] =	vst.idx.msk $0xffff, v5  }
0x115: {  	v5 =	vld.idx.msk [tilespmem:v27+s22+$0x0], $0xffff;
	_ =	sdelay $0x1  }
0x116: {  	v28 =	vadd.s32 $0x1A, v3  }
0x117: {  	v29 =	vadd.s32 $0x1B, v2;
	_ =	sdelay $0x1  }
0x118: {  	v5 =	vmul.f32 v5, v23;
	_ =	sdelay $0x1  }
0x119: {  	[tilespmem:v28+s18+$0x0] =	vst.idx.msk $0xffff, v5  }
0x11a: {  	v5 =	vld.idx.msk [tilespmem:v29+s22+$0x0], $0xffff;
	_ =	sdelay $0x1  }
0x11b: {  	v30 =	vadd.s32 $0x1B, v3  }
0x11c: {  	v31 =	vadd.s32 $0x1C, v2;
	_ =	sdelay $0x1  }
0x11d: {  	v5 =	vmul.f32 v5, v23;
	_ =	sdelay $0x1  }
0x11e: {  	[tilespmem:v30+s18+$0x0] =	vst.idx.msk $0xffff, v5  }
0x11f: {  	v5 =	vld.idx.msk [tilespmem:v31+s22+$0x0], $0xffff;
	_ =	sdelay $0x1  }
0x120: {  	v32 =	vadd.s32 $0x1C, v3  }
0x121: {  	v33 =	vadd.s32 $0x1D, v2;
	_ =	sdelay $0x1  }
0x122: {  	v5 =	vmul.f32 v5, v23;
	_ =	sdelay $0x1  }
0x123: {  	[tilespmem:v32+s18+$0x0] =	vst.idx.msk $0xffff, v5  }
0x124: {  	v5 =	vld.idx.msk [tilespmem:v33+s22+$0x0], $0xffff;
	_ =	sdelay $0x1  }
0x125: {  	v34 =	vadd.s32 $0x1D, v3  }
0x126: {  	v35 =	vadd.s32 $0x1E, v2;
	_ =	sdelay $0x1  }
0x127: {  	v5 =	vmul.f32 v5, v23;
	_ =	sdelay $0x1  }
0x128: {  	[tilespmem:v34+s18+$0x0] =	vst.idx.msk $0xffff, v5  }
0x129: {  	v5 =	vld.idx.msk [tilespmem:v35+s22+$0x0], $0xffff;
	_ =	sdelay $0x1  }
0x12a: {  	v36 =	vadd.s32 $0x1E, v3  }
0x12b: {  	v37 =	vadd.s32 $0x1F, v2;
	_ =	sdelay $0x1  }
0x12c: {  	v5 =	vmul.f32 v5, v23;
	_ =	sdelay $0x1  }
0x12d: {  	[tilespmem:v36+s18+$0x0] =	vst.idx.msk $0xffff, v5  }
0x12e: {  	v5 =	vld.idx.msk [tilespmem:v37+s22+$0x0], $0xffff;
	_ =	sdelay $0x1  }
0x12f: {  	v38 =	vadd.s32 $0x1F, v3  }
0x130: {  	v39 =	vadd.s32 $0x44, v2  }
0x131: {  	v40 =	vor.u32 $0xC, v4  }
0x132: {  	v5 =	vmul.f32 v5, v23;
	_ =	sdelay $0x1  }
0x133: {  	[tilespmem:v38+s18+$0x0] =	vst.idx.msk $0xffff, v5  }
0x134: {  	v5 =	vld.idx.msk [tilespmem:v39+s22+$0x0], $0xffff  }
0x135: {  	v6 =	vld.idx.msk [tilespmem:v40+s23+$0x0], $0xffff;
	_ =	sdelay $0x4  }
0x136: {  	v5 =	vadd.f32 v6, v5;
	_ =	sdelay $0x1  }
0x137: {  	v6 =	vmul.f32 $2.000000030e-01, v5;
	_ =	sdelay $0x1  }
0x138: {  	v5 =	vmax.f32 v5, v6  }
0x139: {  	v5 =	vmul.f32 $1.442695020e+00, v5;
	_ =	sdelay $0x1  }
0x13a: {  	(erf) = vpow2.f32 v5;
	_ =	sdelay $0x4  }
0x13b: {  	v41 =	vadd.s32 $0x44, v3  }
0x13c: {  	v42 =	vadd.s32 $0x20, v2;
	_ =	sdelay $0x2  }
0x13d: {  	v43 =	vpop (erf)  }
0x13e: {  	[tilespmem:v41+s18+$0x0] =	vst.idx.msk $0xffff, v43  }
0x13f: {  	v5 =	vld.idx.msk [tilespmem:v42+s22+$0x0], $0xffff;
	_ =	sdelay $0x1  }
0x140: {  	v44 =	vadd.s32 $0x20, v3  }
0x141: {  	v45 =	vadd.s32 $0x21, v2;
	_ =	sdelay $0x1  }
0x142: {  	v5 =	vmul.f32 v43, v5;
	_ =	sdelay $0x1  }
0x143: {  	[tilespmem:v44+s18+$0x0] =	vst.idx.msk $0xffff, v5  }
0x144: {  	v5 =	vld.idx.msk [tilespmem:v45+s22+$0x0], $0xffff;
	_ =	sdelay $0x1  }
0x145: {  	v46 =	vadd.s32 $0x21, v3  }
0x146: {  	v47 =	vadd.s32 $0x22, v2;
	_ =	sdelay $0x1  }
0x147: {  	v5 =	vmul.f32 v43, v5;
	_ =	sdelay $0x1  }
0x148: {  	[tilespmem:v46+s18+$0x0] =	vst.idx.msk $0xffff, v5  }
0x149: {  	v5 =	vld.idx.msk [tilespmem:v47+s22+$0x0], $0xffff;
	_ =	sdelay $0x1  }
0x14a: {  	v48 =	vadd.s32 $0x22, v3  }
0x14b: {  	v49 =	vadd.s32 $0x23, v2;
	_ =	sdelay $0x1  }
0x14c: {  	v5 =	vmul.f32 v5, v43;
	_ =	sdelay $0x1  }
0x14d: {  	[tilespmem:v48+s18+$0x0] =	vst.idx.msk $0xffff, v5  }
0x14e: {  	v5 =	vld.idx.msk [tilespmem:v49+s22+$0x0], $0xffff;
	_ =	sdelay $0x1  }
0x14f: {  	v50 =	vadd.s32 $0x23, v3  }
0x150: {  	v51 =	vadd.s32 $0x24, v2;
	_ =	sdelay $0x1  }
0x151: {  	v5 =	vmul.f32 v5, v43;
	_ =	sdelay $0x1  }
0x152: {  	[tilespmem:v50+s18+$0x0] =	vst.idx.msk $0xffff, v5  }
0x153: {  	v5 =	vld.idx.msk [tilespmem:v51+s22+$0x0], $0xffff;
	_ =	sdelay $0x1  }
0x154: {  	v52 =	vadd.s32 $0x24, v3  }
0x155: {  	v53 =	vadd.s32 $0x25, v2;
	_ =	sdelay $0x1  }
0x156: {  	v5 =	vmul.f32 v5, v43;
	_ =	sdelay $0x1  }
0x157: {  	[tilespmem:v52+s18+$0x0] =	vst.idx.msk $0xffff, v5  }
0x158: {  	v5 =	vld.idx.msk [tilespmem:v53+s22+$0x0], $0xffff;
	_ =	sdelay $0x1  }
0x159: {  	v54 =	vadd.s32 $0x25, v3  }
0x15a: {  	v55 =	vadd.s32 $0x26, v2;
	_ =	sdelay $0x1  }
0x15b: {  	v5 =	vmul.f32 v5, v43;
	_ =	sdelay $0x1  }
0x15c: {  	[tilespmem:v54+s18+$0x0] =	vst.idx.msk $0xffff, v5  }
0x15d: {  	v5 =	vld.idx.msk [tilespmem:v55+s22+$0x0], $0xffff;
	_ =	sdelay $0x1  }
0x15e: {  	v56 =	vadd.s32 $0x26, v3  }
0x15f: {  	v57 =	vadd.s32 $0x27, v2;
	_ =	sdelay $0x1  }
0x160: {  	v5 =	vmul.f32 v5, v43;
	_ =	sdelay $0x1  }
0x161: {  	[tilespmem:v56+s18+$0x0] =	vst.idx.msk $0xffff, v5  }
0x162: {  	v5 =	vld.idx.msk [tilespmem:v57+s22+$0x0], $0xffff;
	_ =	sdelay $0x1  }
0x163: {  	v58 =	vadd.s32 $0x27, v3  }
0x164: {  	v59 =	vadd.s32 $0x45, v2  }
0x165: {  	v60 =	vor.u32 $0xD, v4  }
0x166: {  	v5 =	vmul.f32 v5, v43;
	_ =	sdelay $0x1  }
0x167: {  	[tilespmem:v58+s18+$0x0] =	vst.idx.msk $0xffff, v5  }
0x168: {  	v5 =	vld.idx.msk [tilespmem:v59+s22+$0x0], $0xffff  }
0x169: {  	v6 =	vld.idx.msk [tilespmem:v60+s23+$0x0], $0xffff;
	_ =	sdelay $0x4  }
0x16a: {  	v5 =	vadd.f32 v6, v5;
	_ =	sdelay $0x1  }
0x16b: {  	v6 =	vmul.f32 $2.000000030e-01, v5;
	_ =	sdelay $0x1  }
0x16c: {  	v5 =	vmax.f32 v5, v6  }
0x16d: {  	v5 =	vmul.f32 $1.442695020e+00, v5;
	_ =	sdelay $0x1  }
0x16e: {  	(erf) = vpow2.f32 v5;
	_ =	sdelay $0x4  }
0x16f: {  	v61 =	vadd.s32 $0x45, v3  }
0x170: {  	v62 =	vadd.s32 $0x28, v2;
	_ =	sdelay $0x2  }
0x171: {  	v63 =	vpop (erf)  }
0x172: {  	[tilespmem:v61+s18+$0x0] =	vst.idx.msk $0xffff, v63  }
0x173: {  	v5 =	vld.idx.msk [tilespmem:v62+s22+$0x0], $0xffff;
	_ =	sdelay $0x1  }
0x174: {  	v12 =	vadd.s32 $0x28, v3  }
0x175: {  	v13 =	vadd.s32 $0x29, v2;
	_ =	sdelay $0x1  }
0x176: {  	v5 =	vmul.f32 v63, v5;
	_ =	sdelay $0x1  }
0x177: {  	[tilespmem:v12+s18+$0x0] =	vst.idx.msk $0xffff, v5  }
0x178: {  	v5 =	vld.idx.msk [tilespmem:v13+s22+$0x0], $0xffff;
	_ =	sdelay $0x1  }
0x179: {  	v14 =	vadd.s32 $0x29, v3  }
0x17a: {  	v15 =	vadd.s32 $0x2A, v2;
	_ =	sdelay $0x1  }
0x17b: {  	v5 =	vmul.f32 v63, v5;
	_ =	sdelay $0x1  }
0x17c: {  	[tilespmem:v14+s18+$0x0] =	vst.idx.msk $0xffff, v5  }
0x17d: {  	v5 =	vld.idx.msk [tilespmem:v15+s22+$0x0], $0xffff;
	_ =	sdelay $0x1  }
0x17e: {  	v16 =	vadd.s32 $0x2A, v3  }
0x17f: {  	v17 =	vadd.s32 $0x2B, v2;
	_ =	sdelay $0x1  }
0x180: {  	v5 =	vmul.f32 v5, v63;
	_ =	sdelay $0x1  }
0x181: {  	[tilespmem:v16+s18+$0x0] =	vst.idx.msk $0xffff, v5  }
0x182: {  	v5 =	vld.idx.msk [tilespmem:v17+s22+$0x0], $0xffff;
	_ =	sdelay $0x1  }
0x183: {  	v18 =	vadd.s32 $0x2B, v3  }
0x184: {  	v19 =	vadd.s32 $0x2C, v2;
	_ =	sdelay $0x1  }
0x185: {  	v5 =	vmul.f32 v5, v63;
	_ =	sdelay $0x1  }
0x186: {  	[tilespmem:v18+s18+$0x0] =	vst.idx.msk $0xffff, v5  }
0x187: {  	v5 =	vld.idx.msk [tilespmem:v19+s22+$0x0], $0xffff;
	_ =	sdelay $0x1  }
0x188: {  	v20 =	vadd.s32 $0x2C, v3  }
0x189: {  	v21 =	vadd.s32 $0x2D, v2;
	_ =	sdelay $0x1  }
0x18a: {  	v5 =	vmul.f32 v5, v63;
	_ =	sdelay $0x1  }
0x18b: {  	[tilespmem:v20+s18+$0x0] =	vst.idx.msk $0xffff, v5  }
0x18c: {  	v5 =	vld.idx.msk [tilespmem:v21+s22+$0x0], $0xffff;
	_ =	sdelay $0x1  }
0x18d: {  	v22 =	vadd.s32 $0x2D, v3  }
0x18e: {  	v23 =	vadd.s32 $0x2E, v2;
	_ =	sdelay $0x1  }
0x18f: {  	v5 =	vmul.f32 v5, v63;
	_ =	sdelay $0x1  }
0x190: {  	[tilespmem:v22+s18+$0x0] =	vst.idx.msk $0xffff, v5  }
0x191: {  	v5 =	vld.idx.msk [tilespmem:v23+s22+$0x0], $0xffff;
	_ =	sdelay $0x1  }
0x192: {  	v24 =	vadd.s32 $0x2E, v3  }
0x193: {  	v25 =	vadd.s32 $0x2F, v2;
	_ =	sdelay $0x1  }
0x194: {  	v5 =	vmul.f32 v5, v63;
	_ =	sdelay $0x1  }
0x195: {  	[tilespmem:v24+s18+$0x0] =	vst.idx.msk $0xffff, v5  }
0x196: {  	v5 =	vld.idx.msk [tilespmem:v25+s22+$0x0], $0xffff;
	_ =	sdelay $0x1  }
0x197: {  	v26 =	vadd.s32 $0x2F, v3  }
0x198: {  	v27 =	vadd.s32 $0x46, v2  }
0x199: {  	v28 =	vor.u32 $0xE, v4  }
0x19a: {  	v5 =	vmul.f32 v5, v63;
	_ =	sdelay $0x1  }
0x19b: {  	[tilespmem:v26+s18+$0x0] =	vst.idx.msk $0xffff, v5  }
0x19c: {  	v5 =	vld.idx.msk [tilespmem:v27+s22+$0x0], $0xffff  }
0x19d: {  	v6 =	vld.idx.msk [tilespmem:v28+s23+$0x0], $0xffff;
	_ =	sdelay $0x4  }
0x19e: {  	v5 =	vadd.f32 v6, v5;
	_ =	sdelay $0x1  }
0x19f: {  	v6 =	vmul.f32 $2.000000030e-01, v5;
	_ =	sdelay $0x1  }
0x1a0: {  	v5 =	vmax.f32 v5, v6  }
0x1a1: {  	v5 =	vmul.f32 $1.442695020e+00, v5;
	_ =	sdelay $0x1  }
0x1a2: {  	(erf) = vpow2.f32 v5;
	_ =	sdelay $0x4  }
0x1a3: {  	v29 =	vadd.s32 $0x46, v3  }
0x1a4: {  	v30 =	vadd.s32 $0x30, v2;
	_ =	sdelay $0x2  }
0x1a5: {  	v31 =	vpop (erf)  }
0x1a6: {  	[tilespmem:v29+s18+$0x0] =	vst.idx.msk $0xffff, v31  }
0x1a7: {  	v5 =	vld.idx.msk [tilespmem:v30+s22+$0x0], $0xffff;
	_ =	sdelay $0x1  }
0x1a8: {  	v32 =	vadd.s32 $0x30, v3  }
0x1a9: {  	v33 =	vadd.s32 $0x31, v2;
	_ =	sdelay $0x1  }
0x1aa: {  	v5 =	vmul.f32 v31, v5;
	_ =	sdelay $0x1  }
0x1ab: {  	[tilespmem:v32+s18+$0x0] =	vst.idx.msk $0xffff, v5  }
0x1ac: {  	v5 =	vld.idx.msk [tilespmem:v33+s22+$0x0], $0xffff;
	_ =	sdelay $0x1  }
0x1ad: {  	v34 =	vadd.s32 $0x31, v3  }
0x1ae: {  	v35 =	vadd.s32 $0x32, v2;
	_ =	sdelay $0x1  }
0x1af: {  	v5 =	vmul.f32 v31, v5;
	_ =	sdelay $0x1  }
0x1b0: {  	[tilespmem:v34+s18+$0x0] =	vst.idx.msk $0xffff, v5  }
0x1b1: {  	v5 =	vld.idx.msk [tilespmem:v35+s22+$0x0], $0xffff;
	_ =	sdelay $0x1  }
0x1b2: {  	v36 =	vadd.s32 $0x32, v3  }
0x1b3: {  	v37 =	vadd.s32 $0x33, v2;
	_ =	sdelay $0x1  }
0x1b4: {  	v5 =	vmul.f32 v5, v31;
	_ =	sdelay $0x1  }
0x1b5: {  	[tilespmem:v36+s18+$0x0] =	vst.idx.msk $0xffff, v5  }
0x1b6: {  	v5 =	vld.idx.msk [tilespmem:v37+s22+$0x0], $0xffff;
	_ =	sdelay $0x1  }
0x1b7: {  	v38 =	vadd.s32 $0x33, v3  }
0x1b8: {  	v39 =	vadd.s32 $0x34, v2;
	_ =	sdelay $0x1  }
0x1b9: {  	v5 =	vmul.f32 v5, v31;
	_ =	sdelay $0x1  }
0x1ba: {  	[tilespmem:v38+s18+$0x0] =	vst.idx.msk $0xffff, v5  }
0x1bb: {  	v5 =	vld.idx.msk [tilespmem:v39+s22+$0x0], $0xffff;
	_ =	sdelay $0x1  }
0x1bc: {  	v40 =	vadd.s32 $0x34, v3  }
0x1bd: {  	v41 =	vadd.s32 $0x35, v2;
	_ =	sdelay $0x1  }
0x1be: {  	v5 =	vmul.f32 v5, v31;
	_ =	sdelay $0x1  }
0x1bf: {  	[tilespmem:v40+s18+$0x0] =	vst.idx.msk $0xffff, v5  }
0x1c0: {  	v5 =	vld.idx.msk [tilespmem:v41+s22+$0x0], $0xffff;
	_ =	sdelay $0x1  }
0x1c1: {  	v42 =	vadd.s32 $0x35, v3  }
0x1c2: {  	v43 =	vadd.s32 $0x36, v2;
	_ =	sdelay $0x1  }
0x1c3: {  	v5 =	vmul.f32 v5, v31;
	_ =	sdelay $0x1  }
0x1c4: {  	[tilespmem:v42+s18+$0x0] =	vst.idx.msk $0xffff, v5  }
0x1c5: {  	v5 =	vld.idx.msk [tilespmem:v43+s22+$0x0], $0xffff;
	_ =	sdelay $0x1  }
0x1c6: {  	v44 =	vadd.s32 $0x36, v3  }
0x1c7: {  	v45 =	vadd.s32 $0x37, v2;
	_ =	sdelay $0x1  }
0x1c8: {  	v5 =	vmul.f32 v5, v31;
	_ =	sdelay $0x1  }
0x1c9: {  	[tilespmem:v44+s18+$0x0] =	vst.idx.msk $0xffff, v5  }
0x1ca: {  	v5 =	vld.idx.msk [tilespmem:v45+s22+$0x0], $0xffff;
	_ =	sdelay $0x1  }
0x1cb: {  	v46 =	vadd.s32 $0x37, v3  }
0x1cc: {  	v47 =	vadd.s32 $0x47, v2  }
0x1cd: {  	v4 =	vor.u32 $0xF, v4  }
0x1ce: {  	v5 =	vmul.f32 v5, v31;
	_ =	sdelay $0x1  }
0x1cf: {  	[tilespmem:v46+s18+$0x0] =	vst.idx.msk $0xffff, v5  }
0x1d0: {  	v5 =	vld.idx.msk [tilespmem:v47+s22+$0x0], $0xffff  }
0x1d1: {  	v4 =	vld.idx.msk [tilespmem:v4+s23+$0x0], $0xffff;
	_ =	sdelay $0x4  }
0x1d2: {  	v4 =	vadd.f32 v4, v5;
	_ =	sdelay $0x1  }
0x1d3: {  	v5 =	vmul.f32 $2.000000030e-01, v4;
	_ =	sdelay $0x1  }
0x1d4: {  	v4 =	vmax.f32 v4, v5  }
0x1d5: {  	v4 =	vmul.f32 $1.442695020e+00, v4;
	_ =	sdelay $0x1  }
0x1d6: {  	(erf) = vpow2.f32 v4;
	_ =	sdelay $0x4  }
0x1d7: {  	v48 =	vadd.s32 $0x47, v3  }
0x1d8: {  	v49 =	vadd.s32 $0x38, v2;
	_ =	sdelay $0x2  }
0x1d9: {  	v50 =	vpop (erf)  }
0x1da: {  	[tilespmem:v48+s18+$0x0] =	vst.idx.msk $0xffff, v50  }
0x1db: {  	v4 =	vld.idx.msk [tilespmem:v49+s22+$0x0], $0xffff;
	_ =	sdelay $0x1  }
0x1dc: {  	v51 =	vadd.s32 $0x38, v3  }
0x1dd: {  	v52 =	vadd.s32 $0x39, v2;
	_ =	sdelay $0x1  }
0x1de: {  	v4 =	vmul.f32 v50, v4;
	_ =	sdelay $0x1  }
0x1df: {  	[tilespmem:v51+s18+$0x0] =	vst.idx.msk $0xffff, v4  }
0x1e0: {  	v4 =	vld.idx.msk [tilespmem:v52+s22+$0x0], $0xffff;
	_ =	sdelay $0x1  }
0x1e1: {  	v53 =	vadd.s32 $0x39, v3  }
0x1e2: {  	v54 =	vadd.s32 $0x3A, v2;
	_ =	sdelay $0x1  }
0x1e3: {  	v4 =	vmul.f32 v50, v4;
	_ =	sdelay $0x1  }
0x1e4: {  	[tilespmem:v53+s18+$0x0] =	vst.idx.msk $0xffff, v4  }
0x1e5: {  	v4 =	vld.idx.msk [tilespmem:v54+s22+$0x0], $0xffff;
	_ =	sdelay $0x1  }
0x1e6: {  	v55 =	vadd.s32 $0x3A, v3  }
0x1e7: {  	v56 =	vadd.s32 $0x3B, v2;
	_ =	sdelay $0x1  }
0x1e8: {  	v4 =	vmul.f32 v4, v50;
	_ =	sdelay $0x1  }
0x1e9: {  	[tilespmem:v55+s18+$0x0] =	vst.idx.msk $0xffff, v4  }
0x1ea: {  	v4 =	vld.idx.msk [tilespmem:v56+s22+$0x0], $0xffff;
	_ =	sdelay $0x1  }
0x1eb: {  	v57 =	vadd.s32 $0x3B, v3  }
0x1ec: {  	v58 =	vadd.s32 $0x3C, v2;
	_ =	sdelay $0x1  }
0x1ed: {  	v4 =	vmul.f32 v4, v50;
	_ =	sdelay $0x1  }
0x1ee: {  	[tilespmem:v57+s18+$0x0] =	vst.idx.msk $0xffff, v4  }
0x1ef: {  	v4 =	vld.idx.msk [tilespmem:v58+s22+$0x0], $0xffff;
	_ =	sdelay $0x1  }
0x1f0: {  	v59 =	vadd.s32 $0x3C, v3  }
0x1f1: {  	v60 =	vadd.s32 $0x3D, v2;
	_ =	sdelay $0x1  }
0x1f2: {  	v4 =	vmul.f32 v4, v50;
	_ =	sdelay $0x1  }
0x1f3: {  	[tilespmem:v59+s18+$0x0] =	vst.idx.msk $0xffff, v4  }
0x1f4: {  	v4 =	vld.idx.msk [tilespmem:v60+s22+$0x0], $0xffff;
	_ =	sdelay $0x1  }
0x1f5: {  	v61 =	vadd.s32 $0x3D, v3  }
0x1f6: {  	v62 =	vadd.s32 $0x3E, v2;
	_ =	sdelay $0x1  }
0x1f7: {  	v4 =	vmul.f32 v4, v50;
	_ =	sdelay $0x1  }
0x1f8: {  	[tilespmem:v61+s18+$0x0] =	vst.idx.msk $0xffff, v4  }
0x1f9: {  	v4 =	vld.idx.msk [tilespmem:v62+s22+$0x0], $0xffff;
	_ =	sdelay $0x1  }
0x1fa: {  	v63 =	vadd.s32 $0x3E, v3  }
0x1fb: {  	v2 =	vadd.s32 $0x3F, v2;
	_ =	sdelay $0x1  }
0x1fc: {  	v4 =	vmul.f32 v4, v50;
	_ =	sdelay $0x1  }
0x1fd: {  	[tilespmem:v63+s18+$0x0] =	vst.idx.msk $0xffff, v4  }
0x1fe: {  	v2 =	vld.idx.msk [tilespmem:v2+s22+$0x0], $0xffff;
	_ =	sdelay $0x1  }
0x1ff: {  	p2 =	sne.s32 s17, $0x70;
	v3 =	vadd.s32 $0x3F, v3  }
.Ltmp1:
0x200: {  	_ = 	snop;
	(pc) =	sbr.rel @p2 .LBB2_5-.Ltmp1, $3  }
0x201: {  	_ = 	snop  }
0x202: {  	v2 =	vmul.f32 v2, v50;
	_ =	sdelay $0x1  }
0x203: {  	s17 =	sadd.s32 $0x10, s17;
	[tilespmem:v3+s18+$0x0] =	vst.idx.msk $0xffff, v2  }
0x204: {  	s17 =	sand.u32 $0x3FFFFF00, s7  }
0x205: {  	p2 =	seq.s32 s3, $0x27;
	s17 =	sadd.s32 $0x2800, s17  }
0x206: {  	[spmem:s2] =	stream.indirect.scatter.add.f32 [tilespmem:s18], [sflag:$0x4], $0x48, s17, s21, $0xb8;
	[tilespmem:$0x1A810] =	vst v63  }
0x207: {  	s9 =	simm.s32 @!p2 $0x80;
	s10 =	simm.s32 @!p2 $0x5000;
	s17 =	sadd.s32 @!p2 $0x100, s7  }
0x208: {  	[tilespmem:s10], [sflag:$0x2] =	stream.indirect.gather @!p2 [hbm4b:s4+s9], $0x50, s17, s9, $0xb8;
	[tilespmem:$0x1A810] =	vst v63  }
0x209: {  	s7 =	sadd.s32 @!p2 $0x2900, s7;
	s10 =	simm.s32 @!p2 $0xA000  }
0x20a: {  	[tilespmem:s10], [sflag:$0x2] =	stream.indirect.gather @!p2 [hbm4b:s5+s9], $0x10, s7, s9, $0xb8;
	[tilespmem:$0x1A810] =	vst v63  }
0x20b: {  	_ =	swait.ge [sflag:s29], $0x2800  }
0x20c: {  	[sflag:s29] =	ssyncset.done $0x0  }
0x20d: {  	[sflag:s29] =	ssyncadd.s32 $0xFFFFD800  }
0x20e: {  	_ =	swait.ge [sflag:s29], $0x800  }
0x20f: {  	[sflag:s29] =	ssyncset.done $0x0  }
0x210: {  	s7 =	simm.s32 @!p1 $0x5;
	[sflag:s29] =	ssyncadd.s32 $0xFFFFF800  }
0x211: {  	_ =	swait.ge @!p1 [sflag:s7], $0x2400  }
0x212: {  	[sflag:s7] =	ssyncset.done @!p1 $0x0  }
0x213: {  	[sflag:s7] =	ssyncadd.s32 @!p1 $0xFFFFDC00;
	s7 =	simm.s32 $0x0  }
.LBB2_7:
0x214: {  	v3 =	vor.u32 s7, v1  }
0x215: {  	v2 =	vmul.u32 $0x50, v3;
	v4 =	vshll.u32 v3, $0x4  }
0x216: {  	v6 =	vor.u32 $0x8, v4  }
0x217: {  	v5 =	vadd.s32 $0x40, v2;
	_ =	sdelay $0x3  }
0x218: {  	v6 =	vld.idx.msk [tilespmem:v6+s26+$0x0], $0xffff  }
0x219: {  	v5 =	vld.idx.msk [tilespmem:v5+s24+$0x0], $0xffff;
	_ =	sdelay $0x4  }
0x21a: {  	v5 =	vadd.f32 v6, v5;
	_ =	sdelay $0x1  }
0x21b: {  	v6 =	vmul.f32 $2.000000030e-01, v5;
	_ =	sdelay $0x1  }
0x21c: {  	v5 =	vmax.f32 v5, v6  }
0x21d: {  	v5 =	vmul.f32 $1.442695020e+00, v5;
	_ =	sdelay $0x1  }
0x21e: {  	(erf) = vpow2.f32 v5;
	_ =	sdelay $0x2  }
0x21f: {  	v3 =	vmul.u32 $0x48, v3;
	_ =	sdelay $0x1  }
0x220: {  	v17 =	vadd.s32 $0x40, v3;
	_ =	sdelay $0x3  }
0x221: {  	v18 =	vpop (erf)  }
0x222: {  	[tilespmem:v17+s30+$0x0] =	vst.idx.msk $0xffff, v18  }
0x223: {  	v5 =	vld.idx.msk [tilespmem:v2+s24+$0x0], $0xffff;
	_ =	sdelay $0x2  }
0x224: {  	v7 =	vor.u32 $0x1, v2;
	_ =	sdelay $0x1  }
0x225: {  	v5 =	vmul.f32 v18, v5;
	_ =	sdelay $0x1  }
0x226: {  	[tilespmem:v3+s30+$0x0] =	vst.idx.msk $0xffff, v5  }
0x227: {  	v5 =	vld.idx.msk [tilespmem:v7+s24+$0x0], $0xffff;
	_ =	sdelay $0x1  }
0x228: {  	v19 =	vor.u32 $0x1, v3  }
0x229: {  	v8 =	vor.u32 $0x2, v2;
	_ =	sdelay $0x1  }
0x22a: {  	v5 =	vmul.f32 v18, v5;
	_ =	sdelay $0x1  }
0x22b: {  	[tilespmem:v19+s30+$0x0] =	vst.idx.msk $0xffff, v5  }
0x22c: {  	v5 =	vld.idx.msk [tilespmem:v8+s24+$0x0], $0xffff;
	_ =	sdelay $0x1  }
0x22d: {  	v20 =	vor.u32 $0x2, v3  }
0x22e: {  	v21 =	vor.u32 $0x3, v2;
	_ =	sdelay $0x1  }
0x22f: {  	v5 =	vmul.f32 v5, v18;
	_ =	sdelay $0x1  }
0x230: {  	[tilespmem:v20+s30+$0x0] =	vst.idx.msk $0xffff, v5  }
0x231: {  	v5 =	vld.idx.msk [tilespmem:v21+s24+$0x0], $0xffff;
	_ =	sdelay $0x1  }
0x232: {  	v22 =	vor.u32 $0x3, v3  }
0x233: {  	v23 =	vor.u32 $0x4, v2;
	_ =	sdelay $0x1  }
0x234: {  	v5 =	vmul.f32 v5, v18;
	_ =	sdelay $0x1  }
0x235: {  	[tilespmem:v22+s30+$0x0] =	vst.idx.msk $0xffff, v5  }
0x236: {  	v5 =	vld.idx.msk [tilespmem:v23+s24+$0x0], $0xffff;
	_ =	sdelay $0x1  }
0x237: {  	v24 =	vor.u32 $0x4, v3  }
0x238: {  	v25 =	vor.u32 $0x5, v2;
	_ =	sdelay $0x1  }
0x239: {  	v5 =	vmul.f32 v5, v18;
	_ =	sdelay $0x1  }
0x23a: {  	[tilespmem:v24+s30+$0x0] =	vst.idx.msk $0xffff, v5  }
0x23b: {  	v5 =	vld.idx.msk [tilespmem:v25+s24+$0x0], $0xffff;
	_ =	sdelay $0x1  }
0x23c: {  	v26 =	vor.u32 $0x5, v3  }
0x23d: {  	v27 =	vor.u32 $0x6, v2;
	_ =	sdelay $0x1  }
0x23e: {  	v5 =	vmul.f32 v5, v18;
	_ =	sdelay $0x1  }
0x23f: {  	[tilespmem:v26+s30+$0x0] =	vst.idx.msk $0xffff, v5  }
0x240: {  	v5 =	vld.idx.msk [tilespmem:v27+s24+$0x0], $0xffff;
	_ =	sdelay $0x1  }
0x241: {  	v28 =	vor.u32 $0x6, v3  }
0x242: {  	v29 =	vor.u32 $0x7, v2;
	_ =	sdelay $0x1  }
0x243: {  	v5 =	vmul.f32 v5, v18;
	_ =	sdelay $0x1  }
0x244: {  	[tilespmem:v28+s30+$0x0] =	vst.idx.msk $0xffff, v5  }
0x245: {  	v5 =	vld.idx.msk [tilespmem:v29+s24+$0x0], $0xffff;
	_ =	sdelay $0x1  }
0x246: {  	v30 =	vor.u32 $0x7, v3  }
0x247: {  	v31 =	vadd.s32 $0x41, v2  }
0x248: {  	v9 =	vor.u32 $0x9, v4  }
0x249: {  	v5 =	vmul.f32 v5, v18;
	_ =	sdelay $0x1  }
0x24a: {  	[tilespmem:v30+s30+$0x0] =	vst.idx.msk $0xffff, v5  }
0x24b: {  	v5 =	vld.idx.msk [tilespmem:v31+s24+$0x0], $0xffff  }
0x24c: {  	v32 =	vld.idx.msk [tilespmem:v9+s26+$0x0], $0xffff;
	_ =	sdelay $0x4  }
0x24d: {  	v5 =	vadd.f32 v32, v5;
	_ =	sdelay $0x1  }
0x24e: {  	v6 =	vmul.f32 $2.000000030e-01, v5;
	_ =	sdelay $0x1  }
0x24f: {  	v5 =	vmax.f32 v5, v6  }
0x250: {  	v5 =	vmul.f32 $1.442695020e+00, v5;
	_ =	sdelay $0x1  }
0x251: {  	(erf) = vpow2.f32 v5;
	_ =	sdelay $0x4  }
0x252: {  	v33 =	vadd.s32 $0x41, v3  }
0x253: {  	v34 =	vor.u32 $0x8, v2;
	_ =	sdelay $0x2  }
0x254: {  	v35 =	vpop (erf)  }
0x255: {  	[tilespmem:v33+s30+$0x0] =	vst.idx.msk $0xffff, v35  }
0x256: {  	v5 =	vld.idx.msk [tilespmem:v34+s24+$0x0], $0xffff;
	_ =	sdelay $0x1  }
0x257: {  	v36 =	vadd.s32 $0x8, v3  }
0x258: {  	v37 =	vor.u32 $0x9, v2;
	_ =	sdelay $0x1  }
0x259: {  	v5 =	vmul.f32 v35, v5;
	_ =	sdelay $0x1  }
0x25a: {  	[tilespmem:v36+s30+$0x0] =	vst.idx.msk $0xffff, v5  }
0x25b: {  	v5 =	vld.idx.msk [tilespmem:v37+s24+$0x0], $0xffff;
	_ =	sdelay $0x1  }
0x25c: {  	v38 =	vadd.s32 $0x9, v3  }
0x25d: {  	v39 =	vor.u32 $0xA, v2;
	_ =	sdelay $0x1  }
0x25e: {  	v5 =	vmul.f32 v35, v5;
	_ =	sdelay $0x1  }
0x25f: {  	[tilespmem:v38+s30+$0x0] =	vst.idx.msk $0xffff, v5  }
0x260: {  	v5 =	vld.idx.msk [tilespmem:v39+s24+$0x0], $0xffff;
	_ =	sdelay $0x1  }
0x261: {  	v40 =	vadd.s32 $0xA, v3  }
0x262: {  	v41 =	vor.u32 $0xB, v2;
	_ =	sdelay $0x1  }
0x263: {  	v5 =	vmul.f32 v5, v35;
	_ =	sdelay $0x1  }
0x264: {  	[tilespmem:v40+s30+$0x0] =	vst.idx.msk $0xffff, v5  }
0x265: {  	v5 =	vld.idx.msk [tilespmem:v41+s24+$0x0], $0xffff;
	_ =	sdelay $0x1  }
0x266: {  	v42 =	vadd.s32 $0xB, v3  }
0x267: {  	v43 =	vor.u32 $0xC, v2;
	_ =	sdelay $0x1  }
0x268: {  	v5 =	vmul.f32 v5, v35;
	_ =	sdelay $0x1  }
0x269: {  	[tilespmem:v42+s30+$0x0] =	vst.idx.msk $0xffff, v5  }
0x26a: {  	v5 =	vld.idx.msk [tilespmem:v43+s24+$0x0], $0xffff;
	_ =	sdelay $0x1  }
0x26b: {  	v44 =	vadd.s32 $0xC, v3  }
0x26c: {  	v45 =	vor.u32 $0xD, v2;
	_ =	sdelay $0x1  }
0x26d: {  	v5 =	vmul.f32 v5, v35;
	_ =	sdelay $0x1  }
0x26e: {  	[tilespmem:v44+s30+$0x0] =	vst.idx.msk $0xffff, v5  }
0x26f: {  	v5 =	vld.idx.msk [tilespmem:v45+s24+$0x0], $0xffff;
	_ =	sdelay $0x1  }
0x270: {  	v46 =	vadd.s32 $0xD, v3  }
0x271: {  	v47 =	vor.u32 $0xE, v2;
	_ =	sdelay $0x1  }
0x272: {  	v5 =	vmul.f32 v5, v35;
	_ =	sdelay $0x1  }
0x273: {  	[tilespmem:v46+s30+$0x0] =	vst.idx.msk $0xffff, v5  }
0x274: {  	v5 =	vld.idx.msk [tilespmem:v47+s24+$0x0], $0xffff;
	_ =	sdelay $0x1  }
0x275: {  	v48 =	vadd.s32 $0xE, v3  }
0x276: {  	v49 =	vor.u32 $0xF, v2;
	_ =	sdelay $0x1  }
0x277: {  	v5 =	vmul.f32 v5, v35;
	_ =	sdelay $0x1  }
0x278: {  	[tilespmem:v48+s30+$0x0] =	vst.idx.msk $0xffff, v5  }
0x279: {  	v5 =	vld.idx.msk [tilespmem:v49+s24+$0x0], $0xffff;
	_ =	sdelay $0x1  }
0x27a: {  	v50 =	vadd.s32 $0xF, v3  }
0x27b: {  	v51 =	vadd.s32 $0x42, v2  }
0x27c: {  	v52 =	vor.u32 $0xA, v4  }
0x27d: {  	v5 =	vmul.f32 v5, v35;
	_ =	sdelay $0x1  }
0x27e: {  	[tilespmem:v50+s30+$0x0] =	vst.idx.msk $0xffff, v5  }
0x27f: {  	v5 =	vld.idx.msk [tilespmem:v51+s24+$0x0], $0xffff  }
0x280: {  	v6 =	vld.idx.msk [tilespmem:v52+s26+$0x0], $0xffff;
	_ =	sdelay $0x4  }
0x281: {  	v5 =	vadd.f32 v6, v5;
	_ =	sdelay $0x1  }
0x282: {  	v6 =	vmul.f32 $2.000000030e-01, v5;
	_ =	sdelay $0x1  }
0x283: {  	v5 =	vmax.f32 v5, v6  }
0x284: {  	v5 =	vmul.f32 $1.442695020e+00, v5;
	_ =	sdelay $0x1  }
0x285: {  	(erf) = vpow2.f32 v5;
	_ =	sdelay $0x4  }
0x286: {  	v53 =	vadd.s32 $0x42, v3  }
0x287: {  	v54 =	vadd.s32 $0x10, v2;
	_ =	sdelay $0x2  }
0x288: {  	v55 =	vpop (erf)  }
0x289: {  	[tilespmem:v53+s30+$0x0] =	vst.idx.msk $0xffff, v55  }
0x28a: {  	v5 =	vld.idx.msk [tilespmem:v54+s24+$0x0], $0xffff;
	_ =	sdelay $0x1  }
0x28b: {  	v56 =	vadd.s32 $0x10, v3  }
0x28c: {  	v57 =	vadd.s32 $0x11, v2;
	_ =	sdelay $0x1  }
0x28d: {  	v5 =	vmul.f32 v55, v5;
	_ =	sdelay $0x1  }
0x28e: {  	[tilespmem:v56+s30+$0x0] =	vst.idx.msk $0xffff, v5  }
0x28f: {  	v5 =	vld.idx.msk [tilespmem:v57+s24+$0x0], $0xffff;
	_ =	sdelay $0x1  }
0x290: {  	v58 =	vadd.s32 $0x11, v3  }
0x291: {  	v59 =	vadd.s32 $0x12, v2;
	_ =	sdelay $0x1  }
0x292: {  	v5 =	vmul.f32 v55, v5;
	_ =	sdelay $0x1  }
0x293: {  	[tilespmem:v58+s30+$0x0] =	vst.idx.msk $0xffff, v5  }
0x294: {  	v5 =	vld.idx.msk [tilespmem:v59+s24+$0x0], $0xffff;
	_ =	sdelay $0x1  }
0x295: {  	v60 =	vadd.s32 $0x12, v3  }
0x296: {  	v61 =	vadd.s32 $0x13, v2;
	_ =	sdelay $0x1  }
0x297: {  	v5 =	vmul.f32 v5, v55;
	_ =	sdelay $0x1  }
0x298: {  	[tilespmem:v60+s30+$0x0] =	vst.idx.msk $0xffff, v5  }
0x299: {  	v5 =	vld.idx.msk [tilespmem:v61+s24+$0x0], $0xffff;
	_ =	sdelay $0x1  }
0x29a: {  	v62 =	vadd.s32 $0x13, v3  }
0x29b: {  	v63 =	vadd.s32 $0x14, v2;
	_ =	sdelay $0x1  }
0x29c: {  	v5 =	vmul.f32 v5, v55;
	_ =	sdelay $0x1  }
0x29d: {  	[tilespmem:v62+s30+$0x0] =	vst.idx.msk $0xffff, v5  }
0x29e: {  	v5 =	vld.idx.msk [tilespmem:v63+s24+$0x0], $0xffff;
	_ =	sdelay $0x1  }
0x29f: {  	v12 =	vadd.s32 $0x14, v3  }
0x2a0: {  	v13 =	vadd.s32 $0x15, v2;
	_ =	sdelay $0x1  }
0x2a1: {  	v5 =	vmul.f32 v5, v55;
	_ =	sdelay $0x1  }
0x2a2: {  	[tilespmem:v12+s30+$0x0] =	vst.idx.msk $0xffff, v5  }
0x2a3: {  	v5 =	vld.idx.msk [tilespmem:v13+s24+$0x0], $0xffff;
	_ =	sdelay $0x1  }
0x2a4: {  	v14 =	vadd.s32 $0x15, v3  }
0x2a5: {  	v15 =	vadd.s32 $0x16, v2;
	_ =	sdelay $0x1  }
0x2a6: {  	v5 =	vmul.f32 v5, v55;
	_ =	sdelay $0x1  }
0x2a7: {  	[tilespmem:v14+s30+$0x0] =	vst.idx.msk $0xffff, v5  }
0x2a8: {  	v5 =	vld.idx.msk [tilespmem:v15+s24+$0x0], $0xffff;
	_ =	sdelay $0x1  }
0x2a9: {  	v16 =	vadd.s32 $0x16, v3  }
0x2aa: {  	v17 =	vadd.s32 $0x17, v2;
	_ =	sdelay $0x1  }
0x2ab: {  	v5 =	vmul.f32 v5, v55;
	_ =	sdelay $0x1  }
0x2ac: {  	[tilespmem:v16+s30+$0x0] =	vst.idx.msk $0xffff, v5  }
0x2ad: {  	v5 =	vld.idx.msk [tilespmem:v17+s24+$0x0], $0xffff;
	_ =	sdelay $0x1  }
0x2ae: {  	v18 =	vadd.s32 $0x17, v3  }
0x2af: {  	v19 =	vadd.s32 $0x43, v2  }
0x2b0: {  	v20 =	vor.u32 $0xB, v4  }
0x2b1: {  	v5 =	vmul.f32 v5, v55;
	_ =	sdelay $0x1  }
0x2b2: {  	[tilespmem:v18+s30+$0x0] =	vst.idx.msk $0xffff, v5  }
0x2b3: {  	v5 =	vld.idx.msk [tilespmem:v19+s24+$0x0], $0xffff  }
0x2b4: {  	v6 =	vld.idx.msk [tilespmem:v20+s26+$0x0], $0xffff;
	_ =	sdelay $0x4  }
0x2b5: {  	v5 =	vadd.f32 v6, v5;
	_ =	sdelay $0x1  }
0x2b6: {  	v6 =	vmul.f32 $2.000000030e-01, v5;
	_ =	sdelay $0x1  }
0x2b7: {  	v5 =	vmax.f32 v5, v6  }
0x2b8: {  	v5 =	vmul.f32 $1.442695020e+00, v5;
	_ =	sdelay $0x1  }
0x2b9: {  	(erf) = vpow2.f32 v5;
	_ =	sdelay $0x4  }
0x2ba: {  	v21 =	vadd.s32 $0x43, v3  }
0x2bb: {  	v22 =	vadd.s32 $0x18, v2;
	_ =	sdelay $0x2  }
0x2bc: {  	v23 =	vpop (erf)  }
0x2bd: {  	[tilespmem:v21+s30+$0x0] =	vst.idx.msk $0xffff, v23  }
0x2be: {  	v5 =	vld.idx.msk [tilespmem:v22+s24+$0x0], $0xffff;
	_ =	sdelay $0x1  }
0x2bf: {  	v24 =	vadd.s32 $0x18, v3  }
0x2c0: {  	v25 =	vadd.s32 $0x19, v2;
	_ =	sdelay $0x1  }
0x2c1: {  	v5 =	vmul.f32 v23, v5;
	_ =	sdelay $0x1  }
0x2c2: {  	[tilespmem:v24+s30+$0x0] =	vst.idx.msk $0xffff, v5  }
0x2c3: {  	v5 =	vld.idx.msk [tilespmem:v25+s24+$0x0], $0xffff;
	_ =	sdelay $0x1  }
0x2c4: {  	v26 =	vadd.s32 $0x19, v3  }
0x2c5: {  	v27 =	vadd.s32 $0x1A, v2;
	_ =	sdelay $0x1  }
0x2c6: {  	v5 =	vmul.f32 v23, v5;
	_ =	sdelay $0x1  }
0x2c7: {  	[tilespmem:v26+s30+$0x0] =	vst.idx.msk $0xffff, v5  }
0x2c8: {  	v5 =	vld.idx.msk [tilespmem:v27+s24+$0x0], $0xffff;
	_ =	sdelay $0x1  }
0x2c9: {  	v28 =	vadd.s32 $0x1A, v3  }
0x2ca: {  	v29 =	vadd.s32 $0x1B, v2;
	_ =	sdelay $0x1  }
0x2cb: {  	v5 =	vmul.f32 v5, v23;
	_ =	sdelay $0x1  }
0x2cc: {  	[tilespmem:v28+s30+$0x0] =	vst.idx.msk $0xffff, v5  }
0x2cd: {  	v5 =	vld.idx.msk [tilespmem:v29+s24+$0x0], $0xffff;
	_ =	sdelay $0x1  }
0x2ce: {  	v30 =	vadd.s32 $0x1B, v3  }
0x2cf: {  	v31 =	vadd.s32 $0x1C, v2;
	_ =	sdelay $0x1  }
0x2d0: {  	v5 =	vmul.f32 v5, v23;
	_ =	sdelay $0x1  }
0x2d1: {  	[tilespmem:v30+s30+$0x0] =	vst.idx.msk $0xffff, v5  }
0x2d2: {  	v5 =	vld.idx.msk [tilespmem:v31+s24+$0x0], $0xffff;
	_ =	sdelay $0x1  }
0x2d3: {  	v32 =	vadd.s32 $0x1C, v3  }
0x2d4: {  	v33 =	vadd.s32 $0x1D, v2;
	_ =	sdelay $0x1  }
0x2d5: {  	v5 =	vmul.f32 v5, v23;
	_ =	sdelay $0x1  }
0x2d6: {  	[tilespmem:v32+s30+$0x0] =	vst.idx.msk $0xffff, v5  }
0x2d7: {  	v5 =	vld.idx.msk [tilespmem:v33+s24+$0x0], $0xffff;
	_ =	sdelay $0x1  }
0x2d8: {  	v34 =	vadd.s32 $0x1D, v3  }
0x2d9: {  	v35 =	vadd.s32 $0x1E, v2;
	_ =	sdelay $0x1  }
0x2da: {  	v5 =	vmul.f32 v5, v23;
	_ =	sdelay $0x1  }
0x2db: {  	[tilespmem:v34+s30+$0x0] =	vst.idx.msk $0xffff, v5  }
0x2dc: {  	v5 =	vld.idx.msk [tilespmem:v35+s24+$0x0], $0xffff;
	_ =	sdelay $0x1  }
0x2dd: {  	v36 =	vadd.s32 $0x1E, v3  }
0x2de: {  	v37 =	vadd.s32 $0x1F, v2;
	_ =	sdelay $0x1  }
0x2df: {  	v5 =	vmul.f32 v5, v23;
	_ =	sdelay $0x1  }
0x2e0: {  	[tilespmem:v36+s30+$0x0] =	vst.idx.msk $0xffff, v5  }
0x2e1: {  	v5 =	vld.idx.msk [tilespmem:v37+s24+$0x0], $0xffff;
	_ =	sdelay $0x1  }
0x2e2: {  	v38 =	vadd.s32 $0x1F, v3  }
0x2e3: {  	v39 =	vadd.s32 $0x44, v2  }
0x2e4: {  	v40 =	vor.u32 $0xC, v4  }
0x2e5: {  	v5 =	vmul.f32 v5, v23;
	_ =	sdelay $0x1  }
0x2e6: {  	[tilespmem:v38+s30+$0x0] =	vst.idx.msk $0xffff, v5  }
0x2e7: {  	v5 =	vld.idx.msk [tilespmem:v39+s24+$0x0], $0xffff  }
0x2e8: {  	v6 =	vld.idx.msk [tilespmem:v40+s26+$0x0], $0xffff;
	_ =	sdelay $0x4  }
0x2e9: {  	v5 =	vadd.f32 v6, v5;
	_ =	sdelay $0x1  }
0x2ea: {  	v6 =	vmul.f32 $2.000000030e-01, v5;
	_ =	sdelay $0x1  }
0x2eb: {  	v5 =	vmax.f32 v5, v6  }
0x2ec: {  	v5 =	vmul.f32 $1.442695020e+00, v5;
	_ =	sdelay $0x1  }
0x2ed: {  	(erf) = vpow2.f32 v5;
	_ =	sdelay $0x4  }
0x2ee: {  	v41 =	vadd.s32 $0x44, v3  }
0x2ef: {  	v42 =	vadd.s32 $0x20, v2;
	_ =	sdelay $0x2  }
0x2f0: {  	v43 =	vpop (erf)  }
0x2f1: {  	[tilespmem:v41+s30+$0x0] =	vst.idx.msk $0xffff, v43  }
0x2f2: {  	v5 =	vld.idx.msk [tilespmem:v42+s24+$0x0], $0xffff;
	_ =	sdelay $0x1  }
0x2f3: {  	v44 =	vadd.s32 $0x20, v3  }
0x2f4: {  	v45 =	vadd.s32 $0x21, v2;
	_ =	sdelay $0x1  }
0x2f5: {  	v5 =	vmul.f32 v43, v5;
	_ =	sdelay $0x1  }
0x2f6: {  	[tilespmem:v44+s30+$0x0] =	vst.idx.msk $0xffff, v5  }
0x2f7: {  	v5 =	vld.idx.msk [tilespmem:v45+s24+$0x0], $0xffff;
	_ =	sdelay $0x1  }
0x2f8: {  	v46 =	vadd.s32 $0x21, v3  }
0x2f9: {  	v47 =	vadd.s32 $0x22, v2;
	_ =	sdelay $0x1  }
0x2fa: {  	v5 =	vmul.f32 v43, v5;
	_ =	sdelay $0x1  }
0x2fb: {  	[tilespmem:v46+s30+$0x0] =	vst.idx.msk $0xffff, v5  }
0x2fc: {  	v5 =	vld.idx.msk [tilespmem:v47+s24+$0x0], $0xffff;
	_ =	sdelay $0x1  }
0x2fd: {  	v48 =	vadd.s32 $0x22, v3  }
0x2fe: {  	v49 =	vadd.s32 $0x23, v2;
	_ =	sdelay $0x1  }
0x2ff: {  	v5 =	vmul.f32 v5, v43;
	_ =	sdelay $0x1  }
0x300: {  	[tilespmem:v48+s30+$0x0] =	vst.idx.msk $0xffff, v5  }
0x301: {  	v5 =	vld.idx.msk [tilespmem:v49+s24+$0x0], $0xffff;
	_ =	sdelay $0x1  }
0x302: {  	v50 =	vadd.s32 $0x23, v3  }
0x303: {  	v51 =	vadd.s32 $0x24, v2;
	_ =	sdelay $0x1  }
0x304: {  	v5 =	vmul.f32 v5, v43;
	_ =	sdelay $0x1  }
0x305: {  	[tilespmem:v50+s30+$0x0] =	vst.idx.msk $0xffff, v5  }
0x306: {  	v5 =	vld.idx.msk [tilespmem:v51+s24+$0x0], $0xffff;
	_ =	sdelay $0x1  }
0x307: {  	v52 =	vadd.s32 $0x24, v3  }
0x308: {  	v53 =	vadd.s32 $0x25, v2;
	_ =	sdelay $0x1  }
0x309: {  	v5 =	vmul.f32 v5, v43;
	_ =	sdelay $0x1  }
0x30a: {  	[tilespmem:v52+s30+$0x0] =	vst.idx.msk $0xffff, v5  }
0x30b: {  	v5 =	vld.idx.msk [tilespmem:v53+s24+$0x0], $0xffff;
	_ =	sdelay $0x1  }
0x30c: {  	v54 =	vadd.s32 $0x25, v3  }
0x30d: {  	v55 =	vadd.s32 $0x26, v2;
	_ =	sdelay $0x1  }
0x30e: {  	v5 =	vmul.f32 v5, v43;
	_ =	sdelay $0x1  }
0x30f: {  	[tilespmem:v54+s30+$0x0] =	vst.idx.msk $0xffff, v5  }
0x310: {  	v5 =	vld.idx.msk [tilespmem:v55+s24+$0x0], $0xffff;
	_ =	sdelay $0x1  }
0x311: {  	v56 =	vadd.s32 $0x26, v3  }
0x312: {  	v57 =	vadd.s32 $0x27, v2;
	_ =	sdelay $0x1  }
0x313: {  	v5 =	vmul.f32 v5, v43;
	_ =	sdelay $0x1  }
0x314: {  	[tilespmem:v56+s30+$0x0] =	vst.idx.msk $0xffff, v5  }
0x315: {  	v5 =	vld.idx.msk [tilespmem:v57+s24+$0x0], $0xffff;
	_ =	sdelay $0x1  }
0x316: {  	v58 =	vadd.s32 $0x27, v3  }
0x317: {  	v59 =	vadd.s32 $0x45, v2  }
0x318: {  	v60 =	vor.u32 $0xD, v4  }
0x319: {  	v5 =	vmul.f32 v5, v43;
	_ =	sdelay $0x1  }
0x31a: {  	[tilespmem:v58+s30+$0x0] =	vst.idx.msk $0xffff, v5  }
0x31b: {  	v5 =	vld.idx.msk [tilespmem:v59+s24+$0x0], $0xffff  }
0x31c: {  	v6 =	vld.idx.msk [tilespmem:v60+s26+$0x0], $0xffff;
	_ =	sdelay $0x4  }
0x31d: {  	v5 =	vadd.f32 v6, v5;
	_ =	sdelay $0x1  }
0x31e: {  	v6 =	vmul.f32 $2.000000030e-01, v5;
	_ =	sdelay $0x1  }
0x31f: {  	v5 =	vmax.f32 v5, v6  }
0x320: {  	v5 =	vmul.f32 $1.442695020e+00, v5;
	_ =	sdelay $0x1  }
0x321: {  	(erf) = vpow2.f32 v5;
	_ =	sdelay $0x4  }
0x322: {  	v61 =	vadd.s32 $0x45, v3  }
0x323: {  	v62 =	vadd.s32 $0x28, v2;
	_ =	sdelay $0x2  }
0x324: {  	v63 =	vpop (erf)  }
0x325: {  	[tilespmem:v61+s30+$0x0] =	vst.idx.msk $0xffff, v63  }
0x326: {  	v5 =	vld.idx.msk [tilespmem:v62+s24+$0x0], $0xffff;
	_ =	sdelay $0x1  }
0x327: {  	v12 =	vadd.s32 $0x28, v3  }
0x328: {  	v13 =	vadd.s32 $0x29, v2;
	_ =	sdelay $0x1  }
0x329: {  	v5 =	vmul.f32 v63, v5;
	_ =	sdelay $0x1  }
0x32a: {  	[tilespmem:v12+s30+$0x0] =	vst.idx.msk $0xffff, v5  }
0x32b: {  	v5 =	vld.idx.msk [tilespmem:v13+s24+$0x0], $0xffff;
	_ =	sdelay $0x1  }
0x32c: {  	v14 =	vadd.s32 $0x29, v3  }
0x32d: {  	v15 =	vadd.s32 $0x2A, v2;
	_ =	sdelay $0x1  }
0x32e: {  	v5 =	vmul.f32 v63, v5;
	_ =	sdelay $0x1  }
0x32f: {  	[tilespmem:v14+s30+$0x0] =	vst.idx.msk $0xffff, v5  }
0x330: {  	v5 =	vld.idx.msk [tilespmem:v15+s24+$0x0], $0xffff;
	_ =	sdelay $0x1  }
0x331: {  	v16 =	vadd.s32 $0x2A, v3  }
0x332: {  	v17 =	vadd.s32 $0x2B, v2;
	_ =	sdelay $0x1  }
0x333: {  	v5 =	vmul.f32 v5, v63;
	_ =	sdelay $0x1  }
0x334: {  	[tilespmem:v16+s30+$0x0] =	vst.idx.msk $0xffff, v5  }
0x335: {  	v5 =	vld.idx.msk [tilespmem:v17+s24+$0x0], $0xffff;
	_ =	sdelay $0x1  }
0x336: {  	v18 =	vadd.s32 $0x2B, v3  }
0x337: {  	v19 =	vadd.s32 $0x2C, v2;
	_ =	sdelay $0x1  }
0x338: {  	v5 =	vmul.f32 v5, v63;
	_ =	sdelay $0x1  }
0x339: {  	[tilespmem:v18+s30+$0x0] =	vst.idx.msk $0xffff, v5  }
0x33a: {  	v5 =	vld.idx.msk [tilespmem:v19+s24+$0x0], $0xffff;
	_ =	sdelay $0x1  }
0x33b: {  	v20 =	vadd.s32 $0x2C, v3  }
0x33c: {  	v21 =	vadd.s32 $0x2D, v2;
	_ =	sdelay $0x1  }
0x33d: {  	v5 =	vmul.f32 v5, v63;
	_ =	sdelay $0x1  }
0x33e: {  	[tilespmem:v20+s30+$0x0] =	vst.idx.msk $0xffff, v5  }
0x33f: {  	v5 =	vld.idx.msk [tilespmem:v21+s24+$0x0], $0xffff;
	_ =	sdelay $0x1  }
0x340: {  	v22 =	vadd.s32 $0x2D, v3  }
0x341: {  	v23 =	vadd.s32 $0x2E, v2;
	_ =	sdelay $0x1  }
0x342: {  	v5 =	vmul.f32 v5, v63;
	_ =	sdelay $0x1  }
0x343: {  	[tilespmem:v22+s30+$0x0] =	vst.idx.msk $0xffff, v5  }
0x344: {  	v5 =	vld.idx.msk [tilespmem:v23+s24+$0x0], $0xffff;
	_ =	sdelay $0x1  }
0x345: {  	v24 =	vadd.s32 $0x2E, v3  }
0x346: {  	v25 =	vadd.s32 $0x2F, v2;
	_ =	sdelay $0x1  }
0x347: {  	v5 =	vmul.f32 v5, v63;
	_ =	sdelay $0x1  }
0x348: {  	[tilespmem:v24+s30+$0x0] =	vst.idx.msk $0xffff, v5  }
0x349: {  	v5 =	vld.idx.msk [tilespmem:v25+s24+$0x0], $0xffff;
	_ =	sdelay $0x1  }
0x34a: {  	v26 =	vadd.s32 $0x2F, v3  }
0x34b: {  	v27 =	vadd.s32 $0x46, v2  }
0x34c: {  	v28 =	vor.u32 $0xE, v4  }
0x34d: {  	v5 =	vmul.f32 v5, v63;
	_ =	sdelay $0x1  }
0x34e: {  	[tilespmem:v26+s30+$0x0] =	vst.idx.msk $0xffff, v5  }
0x34f: {  	v5 =	vld.idx.msk [tilespmem:v27+s24+$0x0], $0xffff  }
0x350: {  	v6 =	vld.idx.msk [tilespmem:v28+s26+$0x0], $0xffff;
	_ =	sdelay $0x4  }
0x351: {  	v5 =	vadd.f32 v6, v5;
	_ =	sdelay $0x1  }
0x352: {  	v6 =	vmul.f32 $2.000000030e-01, v5;
	_ =	sdelay $0x1  }
0x353: {  	v5 =	vmax.f32 v5, v6  }
0x354: {  	v5 =	vmul.f32 $1.442695020e+00, v5;
	_ =	sdelay $0x1  }
0x355: {  	(erf) = vpow2.f32 v5;
	_ =	sdelay $0x4  }
0x356: {  	v29 =	vadd.s32 $0x46, v3  }
0x357: {  	v30 =	vadd.s32 $0x30, v2;
	_ =	sdelay $0x2  }
0x358: {  	v31 =	vpop (erf)  }
0x359: {  	[tilespmem:v29+s30+$0x0] =	vst.idx.msk $0xffff, v31  }
0x35a: {  	v5 =	vld.idx.msk [tilespmem:v30+s24+$0x0], $0xffff;
	_ =	sdelay $0x1  }
0x35b: {  	v32 =	vadd.s32 $0x30, v3  }
0x35c: {  	v33 =	vadd.s32 $0x31, v2;
	_ =	sdelay $0x1  }
0x35d: {  	v5 =	vmul.f32 v31, v5;
	_ =	sdelay $0x1  }
0x35e: {  	[tilespmem:v32+s30+$0x0] =	vst.idx.msk $0xffff, v5  }
0x35f: {  	v5 =	vld.idx.msk [tilespmem:v33+s24+$0x0], $0xffff;
	_ =	sdelay $0x1  }
0x360: {  	v34 =	vadd.s32 $0x31, v3  }
0x361: {  	v35 =	vadd.s32 $0x32, v2;
	_ =	sdelay $0x1  }
0x362: {  	v5 =	vmul.f32 v31, v5;
	_ =	sdelay $0x1  }
0x363: {  	[tilespmem:v34+s30+$0x0] =	vst.idx.msk $0xffff, v5  }
0x364: {  	v5 =	vld.idx.msk [tilespmem:v35+s24+$0x0], $0xffff;
	_ =	sdelay $0x1  }
0x365: {  	v36 =	vadd.s32 $0x32, v3  }
0x366: {  	v37 =	vadd.s32 $0x33, v2;
	_ =	sdelay $0x1  }
0x367: {  	v5 =	vmul.f32 v5, v31;
	_ =	sdelay $0x1  }
0x368: {  	[tilespmem:v36+s30+$0x0] =	vst.idx.msk $0xffff, v5  }
0x369: {  	v5 =	vld.idx.msk [tilespmem:v37+s24+$0x0], $0xffff;
	_ =	sdelay $0x1  }
0x36a: {  	v38 =	vadd.s32 $0x33, v3  }
0x36b: {  	v39 =	vadd.s32 $0x34, v2;
	_ =	sdelay $0x1  }
0x36c: {  	v5 =	vmul.f32 v5, v31;
	_ =	sdelay $0x1  }
0x36d: {  	[tilespmem:v38+s30+$0x0] =	vst.idx.msk $0xffff, v5  }
0x36e: {  	v5 =	vld.idx.msk [tilespmem:v39+s24+$0x0], $0xffff;
	_ =	sdelay $0x1  }
0x36f: {  	v40 =	vadd.s32 $0x34, v3  }
0x370: {  	v41 =	vadd.s32 $0x35, v2;
	_ =	sdelay $0x1  }
0x371: {  	v5 =	vmul.f32 v5, v31;
	_ =	sdelay $0x1  }
0x372: {  	[tilespmem:v40+s30+$0x0] =	vst.idx.msk $0xffff, v5  }
0x373: {  	v5 =	vld.idx.msk [tilespmem:v41+s24+$0x0], $0xffff;
	_ =	sdelay $0x1  }
0x374: {  	v42 =	vadd.s32 $0x35, v3  }
0x375: {  	v43 =	vadd.s32 $0x36, v2;
	_ =	sdelay $0x1  }
0x376: {  	v5 =	vmul.f32 v5, v31;
	_ =	sdelay $0x1  }
0x377: {  	[tilespmem:v42+s30+$0x0] =	vst.idx.msk $0xffff, v5  }
0x378: {  	v5 =	vld.idx.msk [tilespmem:v43+s24+$0x0], $0xffff;
	_ =	sdelay $0x1  }
0x379: {  	v44 =	vadd.s32 $0x36, v3  }
0x37a: {  	v45 =	vadd.s32 $0x37, v2;
	_ =	sdelay $0x1  }
0x37b: {  	v5 =	vmul.f32 v5, v31;
	_ =	sdelay $0x1  }
0x37c: {  	[tilespmem:v44+s30+$0x0] =	vst.idx.msk $0xffff, v5  }
0x37d: {  	v5 =	vld.idx.msk [tilespmem:v45+s24+$0x0], $0xffff;
	_ =	sdelay $0x1  }
0x37e: {  	v46 =	vadd.s32 $0x37, v3  }
0x37f: {  	v47 =	vadd.s32 $0x47, v2  }
0x380: {  	v4 =	vor.u32 $0xF, v4  }
0x381: {  	v5 =	vmul.f32 v5, v31;
	_ =	sdelay $0x1  }
0x382: {  	[tilespmem:v46+s30+$0x0] =	vst.idx.msk $0xffff, v5  }
0x383: {  	v5 =	vld.idx.msk [tilespmem:v47+s24+$0x0], $0xffff  }
0x384: {  	v4 =	vld.idx.msk [tilespmem:v4+s26+$0x0], $0xffff;
	_ =	sdelay $0x4  }
0x385: {  	v4 =	vadd.f32 v4, v5;
	_ =	sdelay $0x1  }
0x386: {  	v5 =	vmul.f32 $2.000000030e-01, v4;
	_ =	sdelay $0x1  }
0x387: {  	v4 =	vmax.f32 v4, v5  }
0x388: {  	v4 =	vmul.f32 $1.442695020e+00, v4;
	_ =	sdelay $0x1  }
0x389: {  	(erf) = vpow2.f32 v4;
	_ =	sdelay $0x4  }
0x38a: {  	v48 =	vadd.s32 $0x47, v3  }
0x38b: {  	v49 =	vadd.s32 $0x38, v2;
	_ =	sdelay $0x2  }
0x38c: {  	v50 =	vpop (erf)  }
0x38d: {  	[tilespmem:v48+s30+$0x0] =	vst.idx.msk $0xffff, v50  }
0x38e: {  	v4 =	vld.idx.msk [tilespmem:v49+s24+$0x0], $0xffff;
	_ =	sdelay $0x1  }
0x38f: {  	v51 =	vadd.s32 $0x38, v3  }
0x390: {  	v52 =	vadd.s32 $0x39, v2;
	_ =	sdelay $0x1  }
0x391: {  	v4 =	vmul.f32 v50, v4;
	_ =	sdelay $0x1  }
0x392: {  	[tilespmem:v51+s30+$0x0] =	vst.idx.msk $0xffff, v4  }
0x393: {  	v4 =	vld.idx.msk [tilespmem:v52+s24+$0x0], $0xffff;
	_ =	sdelay $0x1  }
0x394: {  	v53 =	vadd.s32 $0x39, v3  }
0x395: {  	v54 =	vadd.s32 $0x3A, v2;
	_ =	sdelay $0x1  }
0x396: {  	v4 =	vmul.f32 v50, v4;
	_ =	sdelay $0x1  }
0x397: {  	[tilespmem:v53+s30+$0x0] =	vst.idx.msk $0xffff, v4  }
0x398: {  	v4 =	vld.idx.msk [tilespmem:v54+s24+$0x0], $0xffff;
	_ =	sdelay $0x1  }
0x399: {  	v55 =	vadd.s32 $0x3A, v3  }
0x39a: {  	v56 =	vadd.s32 $0x3B, v2;
	_ =	sdelay $0x1  }
0x39b: {  	v4 =	vmul.f32 v4, v50;
	_ =	sdelay $0x1  }
0x39c: {  	[tilespmem:v55+s30+$0x0] =	vst.idx.msk $0xffff, v4  }
0x39d: {  	v4 =	vld.idx.msk [tilespmem:v56+s24+$0x0], $0xffff;
	_ =	sdelay $0x1  }
0x39e: {  	v57 =	vadd.s32 $0x3B, v3  }
0x39f: {  	v58 =	vadd.s32 $0x3C, v2;
	_ =	sdelay $0x1  }
0x3a0: {  	v4 =	vmul.f32 v4, v50;
	_ =	sdelay $0x1  }
0x3a1: {  	[tilespmem:v57+s30+$0x0] =	vst.idx.msk $0xffff, v4  }
0x3a2: {  	v4 =	vld.idx.msk [tilespmem:v58+s24+$0x0], $0xffff;
	_ =	sdelay $0x1  }
0x3a3: {  	v59 =	vadd.s32 $0x3C, v3  }
0x3a4: {  	v60 =	vadd.s32 $0x3D, v2;
	_ =	sdelay $0x1  }
0x3a5: {  	v4 =	vmul.f32 v4, v50;
	_ =	sdelay $0x1  }
0x3a6: {  	[tilespmem:v59+s30+$0x0] =	vst.idx.msk $0xffff, v4  }
0x3a7: {  	v4 =	vld.idx.msk [tilespmem:v60+s24+$0x0], $0xffff;
	_ =	sdelay $0x1  }
0x3a8: {  	v61 =	vadd.s32 $0x3D, v3  }
0x3a9: {  	v62 =	vadd.s32 $0x3E, v2;
	_ =	sdelay $0x1  }
0x3aa: {  	v4 =	vmul.f32 v4, v50;
	_ =	sdelay $0x1  }
0x3ab: {  	[tilespmem:v61+s30+$0x0] =	vst.idx.msk $0xffff, v4  }
0x3ac: {  	v4 =	vld.idx.msk [tilespmem:v62+s24+$0x0], $0xffff;
	_ =	sdelay $0x1  }
0x3ad: {  	v63 =	vadd.s32 $0x3E, v3  }
0x3ae: {  	v2 =	vadd.s32 $0x3F, v2;
	_ =	sdelay $0x1  }
0x3af: {  	v4 =	vmul.f32 v4, v50;
	_ =	sdelay $0x1  }
0x3b0: {  	[tilespmem:v63+s30+$0x0] =	vst.idx.msk $0xffff, v4  }
0x3b1: {  	v2 =	vld.idx.msk [tilespmem:v2+s24+$0x0], $0xffff;
	_ =	sdelay $0x1  }
0x3b2: {  	p1 =	sne.s32 s7, $0x70;
	v3 =	vadd.s32 $0x3F, v3  }
.Ltmp2:
0x3b3: {  	_ = 	snop;
	(pc) =	sbr.rel @p1 .LBB2_7-.Ltmp2, $3  }
0x3b4: {  	_ = 	snop  }
0x3b5: {  	v2 =	vmul.f32 v2, v50;
	_ =	sdelay $0x1  }
0x3b6: {  	s7 =	sadd.s32 $0x10, s7;
	[tilespmem:v3+s30+$0x0] =	vst.idx.msk $0xffff, v2  }
0x3b7: {  	s3 =	sadd.s32 $0x1, s3  }
0x3b8: {  	p1 =	sne.s32 s3, $0x28  }
.Ltmp3:
0x3b9: {  	_ = 	snop;
	(pc) =	sbr.rel @p1 .LBB2_4-.Ltmp3, $2  }
0x3ba: {  	_ =	sdelay $0x2  }
0x3bb: {  	[spmem:s2] =	stream.indirect.scatter.add.f32 [tilespmem:s30], [sflag:$0x5], $0x48, s6, s21, $0xb8;
	[tilespmem:$0x1A810] =	vst v63  }
0x3bc: {  	_ =	swait.ge [sflag:s31], $0x2400  }
0x3bd: {  	[sflag:s31] =	ssyncset.done $0x0  }
0x3be: {  	[sflag:s31] =	ssyncadd.s32 $0xFFFFDC00  }
0x3bf: {  	_ =	swait.ge [sflag:s0], $0x2400  }
0x3c0: {  	s3 =	stileid.u32;
	[sflag:s0] =	ssyncset.done $0x0  }
0x3c1: {  	s3 =	sshll.u32 s3, $0x6;
	[sflag:s0] =	ssyncadd.s32 $0xFFFFDC00  }
0x3c2: {  	s6 =	sshrl.u32 s8, $0x3;
	s3 =	sor.u32 $0x1C06, s3;
	[bflag:$0x0] =	sbarrier.arrive $0xFFFF  }
0x3c3: {  	[hbm:s14], [sflag:s3] =	dma.local [spmem:s6], $0x15F0  }
0x3c4: {  	_ =	swait.ge [sflag:s19], $0x15F0  }
0x3c5: {  	s1 =	sadd.s32 $0x1, s1;
	[sflag:s19] =	ssyncset.done $0x0  }
0x3c6: {  	p1 =	sne.s32 s1, s16;
	[sflag:s19] =	ssyncadd.s32 $0xFFFFEA10  }
0x3c7: {  	[hbm:s15], [sflag:s3] =	dma.local @!p0 [spmem:s25], $0x90  }
.Ltmp4:
0x3c8: {  	_ = 	snop;
	(pc) =	sbr.rel @p1 .LBB2_1-.Ltmp4, $4  }
0x3c9: {  	s3 =	simm.s32 @!p0 $0x6  }
0x3ca: {  	_ =	swait.ge @!p0 [sflag:s3], $0x90  }
0x3cb: {  	[sflag:s3] =	ssyncset.done @!p0 $0x0  }
0x3cc: {  	s7 =	simm.s32 $0x2800;
	[sflag:s3] =	ssyncadd.s32 @!p0 $0xFFFFFF70  }
0x3cd: {  	_ =	sfence.sel $0x180000  }
0x3ce: {  	[bflag:$0x0] =	sbarrier.arrive $0xFFFF  }
0x3cf: {  	_ =	strace $0x90000047  }
0x3d0: {  	s0 =	stileid.u32;
	[bflag:$0x2] =	sbarrier.arrive $0xFFFF  }
0x3d1: {  	p0 =	sne.s32 s0, $0x0;
	s0 =	rddreg [dreg:$0x3]  }
0x3d2: {  	s0 =	sadd.s32 @!p0 $0x100000, s0  }
0x3d3: {  	[sflag:s0] =	ssyncadd.tile.s32 @!p0 $0x1;
	_ =	shalt  }
.Lfunc_end2:
_tile_overlayer_lowered:
.L_overlay_start_2:
0x3d4: {  	(tag) =	ssettag $0x2  }
0x3d5: {  	s0 =	rddreg [dreg:$0x0];
	s2 =	stileid.u32  }
0x3d6: {  	s1 =	rddreg [dreg:$0x1];
	p0 =	sne.s32 s2, $0x0  }
0x3d7: {  	s3 =	rddreg [dreg:$0x2];
	[bflag:$0x3] =	sbarrier.arrive $0xFFFF;
	s2 =	simm.s32 @!p0 $0x1C06  }
0x3d8: {  	[timem:s3], [sflag:s2] =	dma.local @!p0 [hbm:s0], s1  }
0x3d9: {  	s0 =	simm.s32 @!p0 $0x6  }
0x3da: {  	_ =	swait.ge @!p0 [sflag:s0], s1  }
0x3db: {  	s1 =	ssub.s32 @!p0 $0x0, s1;
	[sflag:s0] =	ssyncset.done @!p0 $0x0  }
0x3dc: {  	[sflag:s0] =	ssyncadd.s32 @!p0 s1  }
0x3dd: {  	[bflag:$0x3] =	sbarrier.arrive $0xFFFF  }
0x3de: {  	_ =	shalt  }

</sc_bundles>
